<compile_context>
chip_gen: v7x
topology: tpu7x:2x2x1
jax: 0.10.2.dev20260603
libtpu: 0.0.44.dev20260713+nightly
codegen_flags: <defaults>
</compile_context>

<pallas_src>
import functools

import jax
import jax.numpy as jnp
from jax import lax
from jax.experimental import pallas as pl
from jax.experimental.pallas import tpu as pltpu
from jax.experimental.pallas import tpu_sc as plsc

_N = 100000
_F = 128
_B = 1024
_NJ = 20

_NW = 32
_SC_C = 768
_SC_END = 99968
_SC_BASE = _SC_END - _NW * _SC_C
_TAIL = _N - _SC_END
_TC_CHUNK = 9424
_TC_GRID = 8

_NCHK = 192
_NCK = _SC_C // _NCHK
_UNROLL = 4


def _tc_kernel(js_ref, w_ref, et_ref, dtc_ref, p_acc):
    n = pl.program_id(0)
    p_part = lax.dot_general(
        et_ref[...].astype(jnp.bfloat16), w_ref[...].astype(jnp.bfloat16),
        (((0,), (0,)), ((), ())),
        preferred_element_type=jnp.float32)

    @pl.when(n == 0)
    def _init():
        p_acc[...] = p_part

    @pl.when(n != 0)
    def _accum():
        p_acc[...] += p_part

    @pl.when(n == _TC_GRID - 1)
    def _finish():
        js_row = js_ref[...]
        feat = lax.broadcasted_iota(jnp.int32, (_F, _NJ), 0)
        m_col = jnp.sum((js_row == feat).astype(jnp.float32), axis=1,
                        keepdims=True)
        dtc_ref[...] = jnp.dot(p_acc[...], m_col,
                               preferred_element_type=jnp.float32)


def _tc_call(js2, W, Et):
    return pl.pallas_call(
        _tc_kernel,
        grid=(_TC_GRID,),
        in_specs=[
            pl.BlockSpec((1, _NJ), lambda n: (0, 0)),
            pl.BlockSpec((_TC_CHUNK, _F), lambda n: (n, 0)),
            pl.BlockSpec((_TC_CHUNK, _F), lambda n: (n, 0)),
        ],
        out_specs=pl.BlockSpec((_F, 1), lambda n: (0, 0)),
        out_shape=jax.ShapeDtypeStruct((_F, 1), jnp.float32),
        scratch_shapes=[pltpu.VMEM((_F, _F), jnp.float32)],
        compiler_params=pltpu.CompilerParams(
            dimension_semantics=("arbitrary",),
        ),
    )(js2, W, Et)


_SC_MESH = plsc.VectorSubcoreMesh(core_axis_name="c", subcore_axis_name="s")


@functools.partial(
    pl.kernel,
    out_type=jax.ShapeDtypeStruct((_NW, _F), jnp.float32),
    mesh=_SC_MESH,
    scratch_types=[
        pltpu.VMEM((32,), jnp.int32),
        pltpu.VMEM((2, _NCHK, _F), jnp.float32),
        pltpu.VMEM((2, _NCHK, _F), jnp.float32),
        pltpu.VMEM((_F,), jnp.float32),
        pltpu.SemaphoreType.DMA,
        pltpu.SemaphoreType.DMA,
        pltpu.SemaphoreType.DMA,
        pltpu.SemaphoreType.DMA,
    ],
)
def _sc_call(js_hbm, w_hbm, et_hbm, dsc_hbm, js_v, w_buf, e_buf, d_stage,
             sw0, sw1, se0, se1):
    wid = lax.axis_index("s") * 2 + lax.axis_index("c")
    tile_base = _SC_BASE + wid * _SC_C
    lane = lax.iota(jnp.int32, 16)
    zero16 = jnp.zeros((16,), jnp.float32)
    w_sems = (sw0, sw1)
    e_sems = (se0, se1)

    pltpu.sync_copy(js_hbm, js_v.at[pl.ds(0, _NJ)])

    def _permute(v, idx):
        return v.at[idx].get(mode="promise_in_bounds")

    def _allsum(v):
        for sh in (8, 4, 2, 1):
            v = v + _permute(v, lane ^ sh)
        return v

    js0 = js_v[pl.ds(0, 16)]
    js1 = js_v[pl.ds(16, 16)]
    js_splats = []
    for k in range(_NJ):
        src = js0 if k < 16 else js1
        js_splats.append(_permute(src, jnp.full((16,), k % 16, jnp.int32)))
    m_vecs = []
    for cb in range(8):
        cvec = lane + cb * 16
        am = zero16
        for jsk in js_splats:
            am = am + jnp.where(cvec == jsk, 1.0, 0.0)
        m_vecs.append(am)

    def w_copy(ck, slot):
        base = pl.multiple_of(
            jnp.minimum(tile_base + ck * _NCHK, _SC_END - _NCHK), 8)
        return pltpu.make_async_copy(
            w_hbm.at[pl.ds(base, _NCHK), :], w_buf.at[slot], w_sems[slot])

    def e_copy(ck, slot):
        base = pl.multiple_of(
            jnp.minimum(tile_base + ck * _NCHK, _SC_END - _NCHK), 8)
        return pltpu.make_async_copy(
            et_hbm.at[pl.ds(base, _NCHK), :], e_buf.at[slot], e_sems[slot])

    def compute_chunk(slot, d_vecs):
        def nbody(ni, dvs):
            new = list(dvs)
            for u in range(_UNROLL):
                nn = ni * _UNROLL + u
                t = None
                for cb in range(8):
                    wv = w_buf[slot, nn, pl.ds(cb * 16, 16)]
                    p = wv * m_vecs[cb]
                    t = p if t is None else t + p
                s = _allsum(t)
                for rb in range(8):
                    ev = e_buf[slot, nn, pl.ds(rb * 16, 16)]
                    new[rb] = new[rb] + ev * s
            return tuple(new)
        return lax.fori_loop(0, _NCHK // _UNROLL, nbody, d_vecs)

    w_copy(0, 0).start()
    e_copy(0, 0).start()

    def pair_body(cp, d_vecs):
        ck0 = cp * 2
        w_copy(ck0 + 1, 1).start()
        e_copy(ck0 + 1, 1).start()
        w_copy(ck0, 0).wait()
        e_copy(ck0, 0).wait()
        d_vecs = compute_chunk(0, d_vecs)
        w_copy(ck0 + 2, 0).start()
        e_copy(ck0 + 2, 0).start()
        w_copy(ck0 + 1, 1).wait()
        e_copy(ck0 + 1, 1).wait()
        return compute_chunk(1, d_vecs)

    d_init = tuple(zero16 for _ in range(8))
    d_vecs = lax.fori_loop(0, _NCK // 2, pair_body, d_init)

    w_copy(0, 0).wait()
    e_copy(0, 0).wait()

    for rb in range(8):
        d_stage[pl.ds(rb * 16, 16)] = d_vecs[rb]
    pltpu.sync_copy(d_stage, dsc_hbm.at[wid])


def _fin_kernel(i_ref, js_ref, wt_ref, et_ref, dtc_ref, dsc_ref, out_ref):
    js_row = js_ref[...]
    feat = lax.broadcasted_iota(jnp.int32, (_F, _NJ), 0)
    m_col = jnp.sum((js_row == feat).astype(jnp.float32), axis=1,
                    keepdims=True)
    wt_m = jnp.dot(wt_ref[...], m_col,
                   preferred_element_type=jnp.float32)
    d_tail = lax.dot_general(et_ref[...], wt_m, (((0,), (0,)), ((), ())),
                             preferred_element_type=jnp.float32)
    ones = jnp.ones((_NW, 1), jnp.float32)
    dsc_col = lax.dot_general(dsc_ref[...], ones, (((0,), (0,)), ((), ())),
                              preferred_element_type=jnp.float32)
    d = dtc_ref[...] + dsc_col + d_tail
    lane = lax.broadcasted_iota(jnp.int32, (_B, _F), 1)
    onehot = (i_ref[...] == lane).astype(jnp.float32)
    out_ref[...] = jnp.dot(onehot, d, preferred_element_type=jnp.float32)


def _fin_call(i2, js2, W, Et, dtc, dsc):
    tail_blk = _SC_END // _TAIL
    return pl.pallas_call(
        _fin_kernel,
        grid=(1,),
        in_specs=[
            pl.BlockSpec((_B, 1), lambda n: (0, 0)),
            pl.BlockSpec((1, _NJ), lambda n: (0, 0)),
            pl.BlockSpec((_TAIL, _F), lambda n: (tail_blk, 0)),
            pl.BlockSpec((_TAIL, _F), lambda n: (tail_blk, 0)),
            pl.BlockSpec((_F, 1), lambda n: (0, 0)),
            pl.BlockSpec((_NW, _F), lambda n: (0, 0)),
        ],
        out_specs=pl.BlockSpec((_B, 1), lambda n: (0, 0)),
        out_shape=jax.ShapeDtypeStruct((_B, 1), jnp.float32),
    )(i2, js2, W, Et, dtc, dsc)


def kernel(i, js, W, E):
    i2 = i.astype(jnp.int32).reshape(_B, 1)
    js32 = js.astype(jnp.int32)
    js2 = js32.reshape(1, _NJ)
    Et = E.T
    dsc = _sc_call(js32, W, Et)
    dtc = _tc_call(js2, W, Et)
    out = _fin_call(i2, js2, W, Et, dtc, dsc)
    return out.reshape(_B)

# --- scband reference (transcript-rebuilt; emitter-appended) ---
"""Pipeline reference for scband-nmf-57767310131731 (READ-ONLY COPY).

The authoritative reference and input builder live on the scoring server;
editing this copy changes nothing except your own understanding.
"""

import jax, jax.numpy as jnp
import numpy as np

N_ENTITIES = 100000
N_WORDS = 100000
N_FEATURES = 128
BATCH = 1024
N_JS = 20


def setup_inputs(seed: int = 0) -> dict:
    key = jax.random.key(seed)
    k1, k2, k3, k4 = jax.random.split(key, 4)
    # index tensors: i and js index the first dim of E / second dim of W,
    # both of which have size n_features (this is how the original forward uses them)
    i = jax.random.randint(k1, (BATCH,), 0, N_FEATURES, dtype=jnp.int64)
    js = jax.random.randint(k2, (N_JS,), 0, N_FEATURES, dtype=jnp.int64)
    # learned parameters, matching the torch init: normal(std=1).abs_()
    W = jnp.abs(jax.random.normal(k3, (N_WORDS, N_FEATURES), dtype=jnp.float32))
    E = jnp.abs(jax.random.normal(k4, (N_FEATURES, N_ENTITIES), dtype=jnp.float32))
    return {"i": i, "js": js, "W": W, "E": E}


def reference(i, js, W, E):
    # Faithful translation of NMF.forward:
    #   out = 0.0
    #   for j in js:
    #       prediction_j = (self.E[i, :] * self.W[:, j]).sum(1)
    #       out += prediction_j
    # E[i, :] -> [B, n_entities] row gather; W[:, j] -> [n_words] column gather;
    # broadcast works because n_entities == n_words.
    out = jnp.zeros((i.shape[0],), dtype=jnp.float32)

    def body(k, out):
        j = js[k]
        prediction_j = (E[i, :] * W[:, j]).sum(axis=1)
        return out + prediction_j

    out = jax.lax.fori_loop(0, js.shape[0], body, out)
    return out

if __name__ == "__main__":
    import jax
    _d = setup_inputs()
    print(jax.jit(kernel)(*tuple(_d.values())))

</pallas_src>

<mosaic_0001>
#map = affine_map<(d0, d1) -> (0)>
#map1 = affine_map<(d0, d1) -> (0, 0)>
module attributes {stable_mosaic.version = 14 : i64} {
  func.func @_sc_call(%arg0: i32, %arg1: i32, %arg2: memref<20xi32, #tpu.memory_space<hbm>>, %arg3: memref<100000x128xf32, #tpu.memory_space<hbm>>, %arg4: memref<100000x128xf32, #tpu.memory_space<hbm>>, %arg5: memref<32x128xf32, #tpu.memory_space<hbm>>, %arg6: memref<32xi32, #tpu.memory_space<vmem>>, %arg7: memref<2x192x128xf32, #tpu.memory_space<vmem>>, %arg8: memref<2x192x128xf32, #tpu.memory_space<vmem>>, %arg9: memref<128xf32, #tpu.memory_space<vmem>>, %arg10: memref<!tpu.dma_semaphore, #tpu.memory_space<semaphore_mem>>, %arg11: memref<!tpu.dma_semaphore, #tpu.memory_space<semaphore_mem>>, %arg12: memref<!tpu.dma_semaphore, #tpu.memory_space<semaphore_mem>>, %arg13: memref<!tpu.dma_semaphore, #tpu.memory_space<semaphore_mem>>) attributes {dimension_semantics = [#tpu.dimension_semantics<core_parallel>, #tpu.dimension_semantics<subcore_parallel>], iteration_bounds = array<i64: 2, 16>, scalar_prefetch = 0 : i64, scratch_operands = 8 : i64, tpu.core_type = #tpu.core_type<sc_vector_subcore>, window_params = [{transform_indices = #map}, {transform_indices = #map1}, {transform_indices = #map1}, {transform_indices = #map1}]} {
    %mul3A = arith.constant 2 : i32
    %mul3A_0 = arith.muli %arg1, %mul3A : i32
    %add3A = arith.addi %mul3A_0, %arg0 : i32
    %mul3A_1 = arith.constant 768 : i32
    %mul3A_2 = arith.muli %add3A, %mul3A_1 : i32
    %add3A_3 = arith.constant 75392 : i32
    %add3A_4 = arith.addi %add3A_3, %mul3A_2 : i32
    %iota3A = tpu.iota {dimensions = array<i32: 0>} : vector<16xi32>
    %broadcast_in_dim3A = arith.constant 0.000000e+00 : f32
    %broadcast_in_dim3A_5 = vector.broadcast %broadcast_in_dim3A : f32 to vector<16xf32>
    "tpu.region"() ({
      %run_scoped3A = tpu.sem_alloc : memref<!tpu.dma_semaphore, #tpu.memory_space<semaphore_mem>>
      %dma_start3A_1494 = arith.constant 0 : i32
      %dma_start3A_1495 = tpu.memref_slice %arg6[%dma_start3A_1494] : memref<32xi32, #tpu.memory_space<vmem>> -> memref<20xi32, #tpu.memory_space<vmem>>
      %dma_start3A_1496 = arith.constant 0 : i32
      %dma_start3A_1497 = tpu.memref_slice %arg6[%dma_start3A_1496] : memref<32xi32, #tpu.memory_space<vmem>> -> memref<20xi32, #tpu.memory_space<vmem>>
      tpu.enqueue_dma source(%arg2 : memref<20xi32, #tpu.memory_space<hbm>>) target(%dma_start3A_1497 : memref<20xi32, #tpu.memory_space<vmem>>) target_semaphore(%run_scoped3A : memref<!tpu.dma_semaphore, #tpu.memory_space<semaphore_mem>>)
      %dma_wait3A_1498 = arith.constant 0 : i32
      %dma_wait3A_1499 = tpu.memref_slice %arg6[%dma_wait3A_1498] : memref<32xi32, #tpu.memory_space<vmem>> -> memref<20xi32, #tpu.memory_space<vmem>>
      %dma_wait3A_1500 = arith.constant 0 : i32
      %dma_wait3A_1501 = tpu.memref_slice %arg6[%dma_wait3A_1500] : memref<32xi32, #tpu.memory_space<vmem>> -> memref<20xi32, #tpu.memory_space<vmem>>
      tpu.wait_dma2 semaphore(%run_scoped3A : memref<!tpu.dma_semaphore, #tpu.memory_space<semaphore_mem>>) src(%arg2 : memref<20xi32, #tpu.memory_space<hbm>>) dst(%dma_wait3A_1501 : memref<20xi32, #tpu.memory_space<vmem>>)
      tpu.yield
    }) : () -> ()
    %get3A = arith.constant 0 : index
    %get3A_6 = tpu.vector_load %arg6[%get3A] {strides = array<i32>} : memref<32xi32, #tpu.memory_space<vmem>>, vector<16xi32>,
    %get3A_7 = vector.shape_cast %get3A_6 : vector<16xi32> to vector<16xi32>
    %get3A_8 = arith.constant 16 : index
    %get3A_9 = tpu.vector_load %arg6[%get3A_8] {strides = array<i32>} : memref<32xi32, #tpu.memory_space<vmem>>, vector<16xi32>,
    %get3A_10 = vector.shape_cast %get3A_9 : vector<16xi32> to vector<16xi32>
    %broadcast_in_dim3A_11 = arith.constant 0 : i32
    %broadcast_in_dim3A_12 = vector.broadcast %broadcast_in_dim3A_11 : i32 to vector<16xi32>
    %lt3A = arith.constant 0 : i32
    %lt3A_13 = vector.broadcast %lt3A : i32 to vector<16xi32>
    %lt3A_14 = arith.cmpi slt, %broadcast_in_dim3A_12, %lt3A_13 : vector<16xi32>
    %add3A_15 = arith.constant 16 : i32
    %add3A_16 = vector.broadcast %add3A_15 : i32 to vector<16xi32>
    %add3A_17 = arith.addi %broadcast_in_dim3A_12, %add3A_16 : vector<16xi32>
    %select_n3A = arith.select %lt3A_14, %add3A_17, %broadcast_in_dim3A_12 : vector<16xi1>, vector<16xi32>
    %broadcast_in_dim3A_18 = vector.shape_cast %select_n3A : vector<16xi32> to vector<16x1xi32>
    %gather3A = vector.shape_cast %broadcast_in_dim3A_18 : vector<16x1xi32> to vector<16xi32>
    %gather3A_19 = tpu.dynamic_gather %get3A_7[%gather3A] in [0] : vector<16xi32>, vector<16xi32> -> vector<16xi32>
    %broadcast_in_dim3A_20 = arith.constant 1 : i32
    %broadcast_in_dim3A_21 = vector.broadcast %broadcast_in_dim3A_20 : i32 to vector<16xi32>
    %lt3A_22 = arith.constant 0 : i32
    %lt3A_23 = vector.broadcast %lt3A_22 : i32 to vector<16xi32>
    %lt3A_24 = arith.cmpi slt, %broadcast_in_dim3A_21, %lt3A_23 : vector<16xi32>
    %add3A_25 = arith.constant 16 : i32
    %add3A_26 = vector.broadcast %add3A_25 : i32 to vector<16xi32>
    %add3A_27 = arith.addi %broadcast_in_dim3A_21, %add3A_26 : vector<16xi32>
    %select_n3A_28 = arith.select %lt3A_24, %add3A_27, %broadcast_in_dim3A_21 : vector<16xi1>, vector<16xi32>
    %broadcast_in_dim3A_29 = vector.shape_cast %select_n3A_28 : vector<16xi32> to vector<16x1xi32>
    %gather3A_30 = vector.shape_cast %broadcast_in_dim3A_29 : vector<16x1xi32> to vector<16xi32>
    %gather3A_31 = tpu.dynamic_gather %get3A_7[%gather3A_30] in [0] : vector<16xi32>, vector<16xi32> -> vector<16xi32>
    %broadcast_in_dim3A_32 = arith.constant 2 : i32
    %broadcast_in_dim3A_33 = vector.broadcast %broadcast_in_dim3A_32 : i32 to vector<16xi32>
    %lt3A_34 = arith.constant 0 : i32
    %lt3A_35 = vector.broadcast %lt3A_34 : i32 to vector<16xi32>
    %lt3A_36 = arith.cmpi slt, %broadcast_in_dim3A_33, %lt3A_35 : vector<16xi32>
    %add3A_37 = arith.constant 16 : i32
    %add3A_38 = vector.broadcast %add3A_37 : i32 to vector<16xi32>
    %add3A_39 = arith.addi %broadcast_in_dim3A_33, %add3A_38 : vector<16xi32>
    %select_n3A_40 = arith.select %lt3A_36, %add3A_39, %broadcast_in_dim3A_33 : vector<16xi1>, vector<16xi32>
    %broadcast_in_dim3A_41 = vector.shape_cast %select_n3A_40 : vector<16xi32> to vector<16x1xi32>
    %gather3A_42 = vector.shape_cast %broadcast_in_dim3A_41 : vector<16x1xi32> to vector<16xi32>
    %gather3A_43 = tpu.dynamic_gather %get3A_7[%gather3A_42] in [0] : vector<16xi32>, vector<16xi32> -> vector<16xi32>
    %broadcast_in_dim3A_44 = arith.constant 3 : i32
    %broadcast_in_dim3A_45 = vector.broadcast %broadcast_in_dim3A_44 : i32 to vector<16xi32>
    %lt3A_46 = arith.constant 0 : i32
    %lt3A_47 = vector.broadcast %lt3A_46 : i32 to vector<16xi32>
    %lt3A_48 = arith.cmpi slt, %broadcast_in_dim3A_45, %lt3A_47 : vector<16xi32>
    %add3A_49 = arith.constant 16 : i32
    %add3A_50 = vector.broadcast %add3A_49 : i32 to vector<16xi32>
    %add3A_51 = arith.addi %broadcast_in_dim3A_45, %add3A_50 : vector<16xi32>
    %select_n3A_52 = arith.select %lt3A_48, %add3A_51, %broadcast_in_dim3A_45 : vector<16xi1>, vector<16xi32>
    %broadcast_in_dim3A_53 = vector.shape_cast %select_n3A_52 : vector<16xi32> to vector<16x1xi32>
    %gather3A_54 = vector.shape_cast %broadcast_in_dim3A_53 : vector<16x1xi32> to vector<16xi32>
    %gather3A_55 = tpu.dynamic_gather %get3A_7[%gather3A_54] in [0] : vector<16xi32>, vector<16xi32> -> vector<16xi32>
    %broadcast_in_dim3A_56 = arith.constant 4 : i32
    %broadcast_in_dim3A_57 = vector.broadcast %broadcast_in_dim3A_56 : i32 to vector<16xi32>
    %lt3A_58 = arith.constant 0 : i32
    %lt3A_59 = vector.broadcast %lt3A_58 : i32 to vector<16xi32>
    %lt3A_60 = arith.cmpi slt, %broadcast_in_dim3A_57, %lt3A_59 : vector<16xi32>
    %add3A_61 = arith.constant 16 : i32
    %add3A_62 = vector.broadcast %add3A_61 : i32 to vector<16xi32>
    %add3A_63 = arith.addi %broadcast_in_dim3A_57, %add3A_62 : vector<16xi32>
    %select_n3A_64 = arith.select %lt3A_60, %add3A_63, %broadcast_in_dim3A_57 : vector<16xi1>, vector<16xi32>
    %broadcast_in_dim3A_65 = vector.shape_cast %select_n3A_64 : vector<16xi32> to vector<16x1xi32>
    %gather3A_66 = vector.shape_cast %broadcast_in_dim3A_65 : vector<16x1xi32> to vector<16xi32>
    %gather3A_67 = tpu.dynamic_gather %get3A_7[%gather3A_66] in [0] : vector<16xi32>, vector<16xi32> -> vector<16xi32>
    %broadcast_in_dim3A_68 = arith.constant 5 : i32
    %broadcast_in_dim3A_69 = vector.broadcast %broadcast_in_dim3A_68 : i32 to vector<16xi32>
    %lt3A_70 = arith.constant 0 : i32
    %lt3A_71 = vector.broadcast %lt3A_70 : i32 to vector<16xi32>
    %lt3A_72 = arith.cmpi slt, %broadcast_in_dim3A_69, %lt3A_71 : vector<16xi32>
    %add3A_73 = arith.constant 16 : i32
    %add3A_74 = vector.broadcast %add3A_73 : i32 to vector<16xi32>
    %add3A_75 = arith.addi %broadcast_in_dim3A_69, %add3A_74 : vector<16xi32>
    %select_n3A_76 = arith.select %lt3A_72, %add3A_75, %broadcast_in_dim3A_69 : vector<16xi1>, vector<16xi32>
    %broadcast_in_dim3A_77 = vector.shape_cast %select_n3A_76 : vector<16xi32> to vector<16x1xi32>
    %gather3A_78 = vector.shape_cast %broadcast_in_dim3A_77 : vector<16x1xi32> to vector<16xi32>
    %gather3A_79 = tpu.dynamic_gather %get3A_7[%gather3A_78] in [0] : vector<16xi32>, vector<16xi32> -> vector<16xi32>
    %broadcast_in_dim3A_80 = arith.constant 6 : i32
    %broadcast_in_dim3A_81 = vector.broadcast %broadcast_in_dim3A_80 : i32 to vector<16xi32>
    %lt3A_82 = arith.constant 0 : i32
    %lt3A_83 = vector.broadcast %lt3A_82 : i32 to vector<16xi32>
    %lt3A_84 = arith.cmpi slt, %broadcast_in_dim3A_81, %lt3A_83 : vector<16xi32>
    %add3A_85 = arith.constant 16 : i32
    %add3A_86 = vector.broadcast %add3A_85 : i32 to vector<16xi32>
    %add3A_87 = arith.addi %broadcast_in_dim3A_81, %add3A_86 : vector<16xi32>
    %select_n3A_88 = arith.select %lt3A_84, %add3A_87, %broadcast_in_dim3A_81 : vector<16xi1>, vector<16xi32>
    %broadcast_in_dim3A_89 = vector.shape_cast %select_n3A_88 : vector<16xi32> to vector<16x1xi32>
    %gather3A_90 = vector.shape_cast %broadcast_in_dim3A_89 : vector<16x1xi32> to vector<16xi32>
    %gather3A_91 = tpu.dynamic_gather %get3A_7[%gather3A_90] in [0] : vector<16xi32>, vector<16xi32> -> vector<16xi32>
    %broadcast_in_dim3A_92 = arith.constant 7 : i32
    %broadcast_in_dim3A_93 = vector.broadcast %broadcast_in_dim3A_92 : i32 to vector<16xi32>
    %lt3A_94 = arith.constant 0 : i32
    %lt3A_95 = vector.broadcast %lt3A_94 : i32 to vector<16xi32>
    %lt3A_96 = arith.cmpi slt, %broadcast_in_dim3A_93, %lt3A_95 : vector<16xi32>
    %add3A_97 = arith.constant 16 : i32
    %add3A_98 = vector.broadcast %add3A_97 : i32 to vector<16xi32>
    %add3A_99 = arith.addi %broadcast_in_dim3A_93, %add3A_98 : vector<16xi32>
    %select_n3A_100 = arith.select %lt3A_96, %add3A_99, %broadcast_in_dim3A_93 : vector<16xi1>, vector<16xi32>
    %broadcast_in_dim3A_101 = vector.shape_cast %select_n3A_100 : vector<16xi32> to vector<16x1xi32>
    %gather3A_102 = vector.shape_cast %broadcast_in_dim3A_101 : vector<16x1xi32> to vector<16xi32>
    %gather3A_103 = tpu.dynamic_gather %get3A_7[%gather3A_102] in [0] : vector<16xi32>, vector<16xi32> -> vector<16xi32>
    %broadcast_in_dim3A_104 = arith.constant 8 : i32
    %broadcast_in_dim3A_105 = vector.broadcast %broadcast_in_dim3A_104 : i32 to vector<16xi32>
    %lt3A_106 = arith.constant 0 : i32
    %lt3A_107 = vector.broadcast %lt3A_106 : i32 to vector<16xi32>
    %lt3A_108 = arith.cmpi slt, %broadcast_in_dim3A_105, %lt3A_107 : vector<16xi32>
    %add3A_109 = arith.constant 16 : i32
    %add3A_110 = vector.broadcast %add3A_109 : i32 to vector<16xi32>
    %add3A_111 = arith.addi %broadcast_in_dim3A_105, %add3A_110 : vector<16xi32>
    %select_n3A_112 = arith.select %lt3A_108, %add3A_111, %broadcast_in_dim3A_105 : vector<16xi1>, vector<16xi32>
    %broadcast_in_dim3A_113 = vector.shape_cast %select_n3A_112 : vector<16xi32> to vector<16x1xi32>
    %gather3A_114 = vector.shape_cast %broadcast_in_dim3A_113 : vector<16x1xi32> to vector<16xi32>
    %gather3A_115 = tpu.dynamic_gather %get3A_7[%gather3A_114] in [0] : vector<16xi32>, vector<16xi32> -> vector<16xi32>
    %broadcast_in_dim3A_116 = arith.constant 9 : i32
    %broadcast_in_dim3A_117 = vector.broadcast %broadcast_in_dim3A_116 : i32 to vector<16xi32>
    %lt3A_118 = arith.constant 0 : i32
    %lt3A_119 = vector.broadcast %lt3A_118 : i32 to vector<16xi32>
    %lt3A_120 = arith.cmpi slt, %broadcast_in_dim3A_117, %lt3A_119 : vector<16xi32>
    %add3A_121 = arith.constant 16 : i32
    %add3A_122 = vector.broadcast %add3A_121 : i32 to vector<16xi32>
    %add3A_123 = arith.addi %broadcast_in_dim3A_117, %add3A_122 : vector<16xi32>
    %select_n3A_124 = arith.select %lt3A_120, %add3A_123, %broadcast_in_dim3A_117 : vector<16xi1>, vector<16xi32>
    %broadcast_in_dim3A_125 = vector.shape_cast %select_n3A_124 : vector<16xi32> to vector<16x1xi32>
    %gather3A_126 = vector.shape_cast %broadcast_in_dim3A_125 : vector<16x1xi32> to vector<16xi32>
    %gather3A_127 = tpu.dynamic_gather %get3A_7[%gather3A_126] in [0] : vector<16xi32>, vector<16xi32> -> vector<16xi32>
    %broadcast_in_dim3A_128 = arith.constant 10 : i32
    %broadcast_in_dim3A_129 = vector.broadcast %broadcast_in_dim3A_128 : i32 to vector<16xi32>
    %lt3A_130 = arith.constant 0 : i32
    %lt3A_131 = vector.broadcast %lt3A_130 : i32 to vector<16xi32>
    %lt3A_132 = arith.cmpi slt, %broadcast_in_dim3A_129, %lt3A_131 : vector<16xi32>
    %add3A_133 = arith.constant 16 : i32
    %add3A_134 = vector.broadcast %add3A_133 : i32 to vector<16xi32>
    %add3A_135 = arith.addi %broadcast_in_dim3A_129, %add3A_134 : vector<16xi32>
    %select_n3A_136 = arith.select %lt3A_132, %add3A_135, %broadcast_in_dim3A_129 : vector<16xi1>, vector<16xi32>
    %broadcast_in_dim3A_137 = vector.shape_cast %select_n3A_136 : vector<16xi32> to vector<16x1xi32>
    %gather3A_138 = vector.shape_cast %broadcast_in_dim3A_137 : vector<16x1xi32> to vector<16xi32>
    %gather3A_139 = tpu.dynamic_gather %get3A_7[%gather3A_138] in [0] : vector<16xi32>, vector<16xi32> -> vector<16xi32>
    %broadcast_in_dim3A_140 = arith.constant 11 : i32
    %broadcast_in_dim3A_141 = vector.broadcast %broadcast_in_dim3A_140 : i32 to vector<16xi32>
    %lt3A_142 = arith.constant 0 : i32
    %lt3A_143 = vector.broadcast %lt3A_142 : i32 to vector<16xi32>
    %lt3A_144 = arith.cmpi slt, %broadcast_in_dim3A_141, %lt3A_143 : vector<16xi32>
    %add3A_145 = arith.constant 16 : i32
    %add3A_146 = vector.broadcast %add3A_145 : i32 to vector<16xi32>
    %add3A_147 = arith.addi %broadcast_in_dim3A_141, %add3A_146 : vector<16xi32>
    %select_n3A_148 = arith.select %lt3A_144, %add3A_147, %broadcast_in_dim3A_141 : vector<16xi1>, vector<16xi32>
    %broadcast_in_dim3A_149 = vector.shape_cast %select_n3A_148 : vector<16xi32> to vector<16x1xi32>
    %gather3A_150 = vector.shape_cast %broadcast_in_dim3A_149 : vector<16x1xi32> to vector<16xi32>
    %gather3A_151 = tpu.dynamic_gather %get3A_7[%gather3A_150] in [0] : vector<16xi32>, vector<16xi32> -> vector<16xi32>
    %broadcast_in_dim3A_152 = arith.constant 12 : i32
    %broadcast_in_dim3A_153 = vector.broadcast %broadcast_in_dim3A_152 : i32 to vector<16xi32>
    %lt3A_154 = arith.constant 0 : i32
    %lt3A_155 = vector.broadcast %lt3A_154 : i32 to vector<16xi32>
    %lt3A_156 = arith.cmpi slt, %broadcast_in_dim3A_153, %lt3A_155 : vector<16xi32>
    %add3A_157 = arith.constant 16 : i32
    %add3A_158 = vector.broadcast %add3A_157 : i32 to vector<16xi32>
    %add3A_159 = arith.addi %broadcast_in_dim3A_153, %add3A_158 : vector<16xi32>
    %select_n3A_160 = arith.select %lt3A_156, %add3A_159, %broadcast_in_dim3A_153 : vector<16xi1>, vector<16xi32>
    %broadcast_in_dim3A_161 = vector.shape_cast %select_n3A_160 : vector<16xi32> to vector<16x1xi32>
    %gather3A_162 = vector.shape_cast %broadcast_in_dim3A_161 : vector<16x1xi32> to vector<16xi32>
    %gather3A_163 = tpu.dynamic_gather %get3A_7[%gather3A_162] in [0] : vector<16xi32>, vector<16xi32> -> vector<16xi32>
    %broadcast_in_dim3A_164 = arith.constant 13 : i32
    %broadcast_in_dim3A_165 = vector.broadcast %broadcast_in_dim3A_164 : i32 to vector<16xi32>
    %lt3A_166 = arith.constant 0 : i32
    %lt3A_167 = vector.broadcast %lt3A_166 : i32 to vector<16xi32>
    %lt3A_168 = arith.cmpi slt, %broadcast_in_dim3A_165, %lt3A_167 : vector<16xi32>
    %add3A_169 = arith.constant 16 : i32
    %add3A_170 = vector.broadcast %add3A_169 : i32 to vector<16xi32>
    %add3A_171 = arith.addi %broadcast_in_dim3A_165, %add3A_170 : vector<16xi32>
    %select_n3A_172 = arith.select %lt3A_168, %add3A_171, %broadcast_in_dim3A_165 : vector<16xi1>, vector<16xi32>
    %broadcast_in_dim3A_173 = vector.shape_cast %select_n3A_172 : vector<16xi32> to vector<16x1xi32>
    %gather3A_174 = vector.shape_cast %broadcast_in_dim3A_173 : vector<16x1xi32> to vector<16xi32>
    %gather3A_175 = tpu.dynamic_gather %get3A_7[%gather3A_174] in [0] : vector<16xi32>, vector<16xi32> -> vector<16xi32>
    %broadcast_in_dim3A_176 = arith.constant 14 : i32
    %broadcast_in_dim3A_177 = vector.broadcast %broadcast_in_dim3A_176 : i32 to vector<16xi32>
    %lt3A_178 = arith.constant 0 : i32
    %lt3A_179 = vector.broadcast %lt3A_178 : i32 to vector<16xi32>
    %lt3A_180 = arith.cmpi slt, %broadcast_in_dim3A_177, %lt3A_179 : vector<16xi32>
    %add3A_181 = arith.constant 16 : i32
    %add3A_182 = vector.broadcast %add3A_181 : i32 to vector<16xi32>
    %add3A_183 = arith.addi %broadcast_in_dim3A_177, %add3A_182 : vector<16xi32>
    %select_n3A_184 = arith.select %lt3A_180, %add3A_183, %broadcast_in_dim3A_177 : vector<16xi1>, vector<16xi32>
    %broadcast_in_dim3A_185 = vector.shape_cast %select_n3A_184 : vector<16xi32> to vector<16x1xi32>
    %gather3A_186 = vector.shape_cast %broadcast_in_dim3A_185 : vector<16x1xi32> to vector<16xi32>
    %gather3A_187 = tpu.dynamic_gather %get3A_7[%gather3A_186] in [0] : vector<16xi32>, vector<16xi32> -> vector<16xi32>
    %broadcast_in_dim3A_188 = arith.constant 15 : i32
    %broadcast_in_dim3A_189 = vector.broadcast %broadcast_in_dim3A_188 : i32 to vector<16xi32>
    %lt3A_190 = arith.constant 0 : i32
    %lt3A_191 = vector.broadcast %lt3A_190 : i32 to vector<16xi32>
    %lt3A_192 = arith.cmpi slt, %broadcast_in_dim3A_189, %lt3A_191 : vector<16xi32>
    %add3A_193 = arith.constant 16 : i32
    %add3A_194 = vector.broadcast %add3A_193 : i32 to vector<16xi32>
    %add3A_195 = arith.addi %broadcast_in_dim3A_189, %add3A_194 : vector<16xi32>
    %select_n3A_196 = arith.select %lt3A_192, %add3A_195, %broadcast_in_dim3A_189 : vector<16xi1>, vector<16xi32>
    %broadcast_in_dim3A_197 = vector.shape_cast %select_n3A_196 : vector<16xi32> to vector<16x1xi32>
    %gather3A_198 = vector.shape_cast %broadcast_in_dim3A_197 : vector<16x1xi32> to vector<16xi32>
    %gather3A_199 = tpu.dynamic_gather %get3A_7[%gather3A_198] in [0] : vector<16xi32>, vector<16xi32> -> vector<16xi32>
    %broadcast_in_dim3A_200 = arith.constant 0 : i32
    %broadcast_in_dim3A_201 = vector.broadcast %broadcast_in_dim3A_200 : i32 to vector<16xi32>
    %lt3A_202 = arith.constant 0 : i32
    %lt3A_203 = vector.broadcast %lt3A_202 : i32 to vector<16xi32>
    %lt3A_204 = arith.cmpi slt, %broadcast_in_dim3A_201, %lt3A_203 : vector<16xi32>
    %add3A_205 = arith.constant 16 : i32
    %add3A_206 = vector.broadcast %add3A_205 : i32 to vector<16xi32>
    %add3A_207 = arith.addi %broadcast_in_dim3A_201, %add3A_206 : vector<16xi32>
    %select_n3A_208 = arith.select %lt3A_204, %add3A_207, %broadcast_in_dim3A_201 : vector<16xi1>, vector<16xi32>
    %broadcast_in_dim3A_209 = vector.shape_cast %select_n3A_208 : vector<16xi32> to vector<16x1xi32>
    %gather3A_210 = vector.shape_cast %broadcast_in_dim3A_209 : vector<16x1xi32> to vector<16xi32>
    %gather3A_211 = tpu.dynamic_gather %get3A_10[%gather3A_210] in [0] : vector<16xi32>, vector<16xi32> -> vector<16xi32>
    %broadcast_in_dim3A_212 = arith.constant 1 : i32
    %broadcast_in_dim3A_213 = vector.broadcast %broadcast_in_dim3A_212 : i32 to vector<16xi32>
    %lt3A_214 = arith.constant 0 : i32
    %lt3A_215 = vector.broadcast %lt3A_214 : i32 to vector<16xi32>
    %lt3A_216 = arith.cmpi slt, %broadcast_in_dim3A_213, %lt3A_215 : vector<16xi32>
    %add3A_217 = arith.constant 16 : i32
    %add3A_218 = vector.broadcast %add3A_217 : i32 to vector<16xi32>
    %add3A_219 = arith.addi %broadcast_in_dim3A_213, %add3A_218 : vector<16xi32>
    %select_n3A_220 = arith.select %lt3A_216, %add3A_219, %broadcast_in_dim3A_213 : vector<16xi1>, vector<16xi32>
    %broadcast_in_dim3A_221 = vector.shape_cast %select_n3A_220 : vector<16xi32> to vector<16x1xi32>
    %gather3A_222 = vector.shape_cast %broadcast_in_dim3A_221 : vector<16x1xi32> to vector<16xi32>
    %gather3A_223 = tpu.dynamic_gather %get3A_10[%gather3A_222] in [0] : vector<16xi32>, vector<16xi32> -> vector<16xi32>
    %broadcast_in_dim3A_224 = arith.constant 2 : i32
    %broadcast_in_dim3A_225 = vector.broadcast %broadcast_in_dim3A_224 : i32 to vector<16xi32>
    %lt3A_226 = arith.constant 0 : i32
    %lt3A_227 = vector.broadcast %lt3A_226 : i32 to vector<16xi32>
    %lt3A_228 = arith.cmpi slt, %broadcast_in_dim3A_225, %lt3A_227 : vector<16xi32>
    %add3A_229 = arith.constant 16 : i32
    %add3A_230 = vector.broadcast %add3A_229 : i32 to vector<16xi32>
    %add3A_231 = arith.addi %broadcast_in_dim3A_225, %add3A_230 : vector<16xi32>
    %select_n3A_232 = arith.select %lt3A_228, %add3A_231, %broadcast_in_dim3A_225 : vector<16xi1>, vector<16xi32>
    %broadcast_in_dim3A_233 = vector.shape_cast %select_n3A_232 : vector<16xi32> to vector<16x1xi32>
    %gather3A_234 = vector.shape_cast %broadcast_in_dim3A_233 : vector<16x1xi32> to vector<16xi32>
    %gather3A_235 = tpu.dynamic_gather %get3A_10[%gather3A_234] in [0] : vector<16xi32>, vector<16xi32> -> vector<16xi32>
    %broadcast_in_dim3A_236 = arith.constant 3 : i32
    %broadcast_in_dim3A_237 = vector.broadcast %broadcast_in_dim3A_236 : i32 to vector<16xi32>
    %lt3A_238 = arith.constant 0 : i32
    %lt3A_239 = vector.broadcast %lt3A_238 : i32 to vector<16xi32>
    %lt3A_240 = arith.cmpi slt, %broadcast_in_dim3A_237, %lt3A_239 : vector<16xi32>
    %add3A_241 = arith.constant 16 : i32
    %add3A_242 = vector.broadcast %add3A_241 : i32 to vector<16xi32>
    %add3A_243 = arith.addi %broadcast_in_dim3A_237, %add3A_242 : vector<16xi32>
    %select_n3A_244 = arith.select %lt3A_240, %add3A_243, %broadcast_in_dim3A_237 : vector<16xi1>, vector<16xi32>
    %broadcast_in_dim3A_245 = vector.shape_cast %select_n3A_244 : vector<16xi32> to vector<16x1xi32>
    %gather3A_246 = vector.shape_cast %broadcast_in_dim3A_245 : vector<16x1xi32> to vector<16xi32>
    %gather3A_247 = tpu.dynamic_gather %get3A_10[%gather3A_246] in [0] : vector<16xi32>, vector<16xi32> -> vector<16xi32>
    %add3A_248 = arith.constant 0 : i32
    %add3A_249 = vector.broadcast %add3A_248 : i32 to vector<16xi32>
    %add3A_250 = arith.addi %iota3A, %add3A_249 : vector<16xi32>
    %eq3A = arith.cmpi eq, %add3A_250, %gather3A_19 : vector<16xi32>
    %jit3A = arith.constant 1.000000e+00 : f32
    %jit3A_251 = arith.constant 0.000000e+00 : f32
    %broadcast_in_dim3A_252 = vector.broadcast %jit3A : f32 to vector<16xf32>
    %broadcast_in_dim3A_253 = vector.broadcast %jit3A_251 : f32 to vector<16xf32>
    %select_n3A_254 = arith.select %eq3A, %broadcast_in_dim3A_252, %broadcast_in_dim3A_253 : vector<16xi1>, vector<16xf32>
    %add3A_255 = arith.addf %broadcast_in_dim3A_5, %select_n3A_254 : vector<16xf32>
    %eq3A_256 = arith.cmpi eq, %add3A_250, %gather3A_31 : vector<16xi32>
    %jit3A_257 = arith.constant 1.000000e+00 : f32
    %jit3A_258 = arith.constant 0.000000e+00 : f32
    %broadcast_in_dim3A_259 = vector.broadcast %jit3A_257 : f32 to vector<16xf32>
    %broadcast_in_dim3A_260 = vector.broadcast %jit3A_258 : f32 to vector<16xf32>
    %select_n3A_261 = arith.select %eq3A_256, %broadcast_in_dim3A_259, %broadcast_in_dim3A_260 : vector<16xi1>, vector<16xf32>
    %add3A_262 = arith.addf %add3A_255, %select_n3A_261 : vector<16xf32>
    %eq3A_263 = arith.cmpi eq, %add3A_250, %gather3A_43 : vector<16xi32>
    %jit3A_264 = arith.constant 1.000000e+00 : f32
    %jit3A_265 = arith.constant 0.000000e+00 : f32
    %broadcast_in_dim3A_266 = vector.broadcast %jit3A_264 : f32 to vector<16xf32>
    %broadcast_in_dim3A_267 = vector.broadcast %jit3A_265 : f32 to vector<16xf32>
    %select_n3A_268 = arith.select %eq3A_263, %broadcast_in_dim3A_266, %broadcast_in_dim3A_267 : vector<16xi1>, vector<16xf32>
    %add3A_269 = arith.addf %add3A_262, %select_n3A_268 : vector<16xf32>
    %eq3A_270 = arith.cmpi eq, %add3A_250, %gather3A_55 : vector<16xi32>
    %jit3A_271 = arith.constant 1.000000e+00 : f32
    %jit3A_272 = arith.constant 0.000000e+00 : f32
    %broadcast_in_dim3A_273 = vector.broadcast %jit3A_271 : f32 to vector<16xf32>
    %broadcast_in_dim3A_274 = vector.broadcast %jit3A_272 : f32 to vector<16xf32>
    %select_n3A_275 = arith.select %eq3A_270, %broadcast_in_dim3A_273, %broadcast_in_dim3A_274 : vector<16xi1>, vector<16xf32>
    %add3A_276 = arith.addf %add3A_269, %select_n3A_275 : vector<16xf32>
    %eq3A_277 = arith.cmpi eq, %add3A_250, %gather3A_67 : vector<16xi32>
    %jit3A_278 = arith.constant 1.000000e+00 : f32
    %jit3A_279 = arith.constant 0.000000e+00 : f32
    %broadcast_in_dim3A_280 = vector.broadcast %jit3A_278 : f32 to vector<16xf32>
    %broadcast_in_dim3A_281 = vector.broadcast %jit3A_279 : f32 to vector<16xf32>
    %select_n3A_282 = arith.select %eq3A_277, %broadcast_in_dim3A_280, %broadcast_in_dim3A_281 : vector<16xi1>, vector<16xf32>
    %add3A_283 = arith.addf %add3A_276, %select_n3A_282 : vector<16xf32>
    %eq3A_284 = arith.cmpi eq, %add3A_250, %gather3A_79 : vector<16xi32>
    %jit3A_285 = arith.constant 1.000000e+00 : f32
    %jit3A_286 = arith.constant 0.000000e+00 : f32
    %broadcast_in_dim3A_287 = vector.broadcast %jit3A_285 : f32 to vector<16xf32>
    %broadcast_in_dim3A_288 = vector.broadcast %jit3A_286 : f32 to vector<16xf32>
    %select_n3A_289 = arith.select %eq3A_284, %broadcast_in_dim3A_287, %broadcast_in_dim3A_288 : vector<16xi1>, vector<16xf32>
    %add3A_290 = arith.addf %add3A_283, %select_n3A_289 : vector<16xf32>
    %eq3A_291 = arith.cmpi eq, %add3A_250, %gather3A_91 : vector<16xi32>
    %jit3A_292 = arith.constant 1.000000e+00 : f32
    %jit3A_293 = arith.constant 0.000000e+00 : f32
    %broadcast_in_dim3A_294 = vector.broadcast %jit3A_292 : f32 to vector<16xf32>
    %broadcast_in_dim3A_295 = vector.broadcast %jit3A_293 : f32 to vector<16xf32>
    %select_n3A_296 = arith.select %eq3A_291, %broadcast_in_dim3A_294, %broadcast_in_dim3A_295 : vector<16xi1>, vector<16xf32>
    %add3A_297 = arith.addf %add3A_290, %select_n3A_296 : vector<16xf32>
    %eq3A_298 = arith.cmpi eq, %add3A_250, %gather3A_103 : vector<16xi32>
    %jit3A_299 = arith.constant 1.000000e+00 : f32
    %jit3A_300 = arith.constant 0.000000e+00 : f32
    %broadcast_in_dim3A_301 = vector.broadcast %jit3A_299 : f32 to vector<16xf32>
    %broadcast_in_dim3A_302 = vector.broadcast %jit3A_300 : f32 to vector<16xf32>
    %select_n3A_303 = arith.select %eq3A_298, %broadcast_in_dim3A_301, %broadcast_in_dim3A_302 : vector<16xi1>, vector<16xf32>
    %add3A_304 = arith.addf %add3A_297, %select_n3A_303 : vector<16xf32>
    %eq3A_305 = arith.cmpi eq, %add3A_250, %gather3A_115 : vector<16xi32>
    %jit3A_306 = arith.constant 1.000000e+00 : f32
    %jit3A_307 = arith.constant 0.000000e+00 : f32
    %broadcast_in_dim3A_308 = vector.broadcast %jit3A_306 : f32 to vector<16xf32>
    %broadcast_in_dim3A_309 = vector.broadcast %jit3A_307 : f32 to vector<16xf32>
    %select_n3A_310 = arith.select %eq3A_305, %broadcast_in_dim3A_308, %broadcast_in_dim3A_309 : vector<16xi1>, vector<16xf32>
    %add3A_311 = arith.addf %add3A_304, %select_n3A_310 : vector<16xf32>
    %eq3A_312 = arith.cmpi eq, %add3A_250, %gather3A_127 : vector<16xi32>
    %jit3A_313 = arith.constant 1.000000e+00 : f32
    %jit3A_314 = arith.constant 0.000000e+00 : f32
    %broadcast_in_dim3A_315 = vector.broadcast %jit3A_313 : f32 to vector<16xf32>
    %broadcast_in_dim3A_316 = vector.broadcast %jit3A_314 : f32 to vector<16xf32>
    %select_n3A_317 = arith.select %eq3A_312, %broadcast_in_dim3A_315, %broadcast_in_dim3A_316 : vector<16xi1>, vector<16xf32>
    %add3A_318 = arith.addf %add3A_311, %select_n3A_317 : vector<16xf32>
    %eq3A_319 = arith.cmpi eq, %add3A_250, %gather3A_139 : vector<16xi32>
    %jit3A_320 = arith.constant 1.000000e+00 : f32
    %jit3A_321 = arith.constant 0.000000e+00 : f32
    %broadcast_in_dim3A_322 = vector.broadcast %jit3A_320 : f32 to vector<16xf32>
    %broadcast_in_dim3A_323 = vector.broadcast %jit3A_321 : f32 to vector<16xf32>
    %select_n3A_324 = arith.select %eq3A_319, %broadcast_in_dim3A_322, %broadcast_in_dim3A_323 : vector<16xi1>, vector<16xf32>
    %add3A_325 = arith.addf %add3A_318, %select_n3A_324 : vector<16xf32>
    %eq3A_326 = arith.cmpi eq, %add3A_250, %gather3A_151 : vector<16xi32>
    %jit3A_327 = arith.constant 1.000000e+00 : f32
    %jit3A_328 = arith.constant 0.000000e+00 : f32
    %broadcast_in_dim3A_329 = vector.broadcast %jit3A_327 : f32 to vector<16xf32>
    %broadcast_in_dim3A_330 = vector.broadcast %jit3A_328 : f32 to vector<16xf32>
    %select_n3A_331 = arith.select %eq3A_326, %broadcast_in_dim3A_329, %broadcast_in_dim3A_330 : vector<16xi1>, vector<16xf32>
    %add3A_332 = arith.addf %add3A_325, %select_n3A_331 : vector<16xf32>
    %eq3A_333 = arith.cmpi eq, %add3A_250, %gather3A_163 : vector<16xi32>
    %jit3A_334 = arith.constant 1.000000e+00 : f32
    %jit3A_335 = arith.constant 0.000000e+00 : f32
    %broadcast_in_dim3A_336 = vector.broadcast %jit3A_334 : f32 to vector<16xf32>
    %broadcast_in_dim3A_337 = vector.broadcast %jit3A_335 : f32 to vector<16xf32>
    %select_n3A_338 = arith.select %eq3A_333, %broadcast_in_dim3A_336, %broadcast_in_dim3A_337 : vector<16xi1>, vector<16xf32>
    %add3A_339 = arith.addf %add3A_332, %select_n3A_338 : vector<16xf32>
    %eq3A_340 = arith.cmpi eq, %add3A_250, %gather3A_175 : vector<16xi32>
    %jit3A_341 = arith.constant 1.000000e+00 : f32
    %jit3A_342 = arith.constant 0.000000e+00 : f32
    %broadcast_in_dim3A_343 = vector.broadcast %jit3A_341 : f32 to vector<16xf32>
    %broadcast_in_dim3A_344 = vector.broadcast %jit3A_342 : f32 to vector<16xf32>
    %select_n3A_345 = arith.select %eq3A_340, %broadcast_in_dim3A_343, %broadcast_in_dim3A_344 : vector<16xi1>, vector<16xf32>
    %add3A_346 = arith.addf %add3A_339, %select_n3A_345 : vector<16xf32>
    %eq3A_347 = arith.cmpi eq, %add3A_250, %gather3A_187 : vector<16xi32>
    %jit3A_348 = arith.constant 1.000000e+00 : f32
    %jit3A_349 = arith.constant 0.000000e+00 : f32
    %broadcast_in_dim3A_350 = vector.broadcast %jit3A_348 : f32 to vector<16xf32>
    %broadcast_in_dim3A_351 = vector.broadcast %jit3A_349 : f32 to vector<16xf32>
    %select_n3A_352 = arith.select %eq3A_347, %broadcast_in_dim3A_350, %broadcast_in_dim3A_351 : vector<16xi1>, vector<16xf32>
    %add3A_353 = arith.addf %add3A_346, %select_n3A_352 : vector<16xf32>
    %eq3A_354 = arith.cmpi eq, %add3A_250, %gather3A_199 : vector<16xi32>
    %jit3A_355 = arith.constant 1.000000e+00 : f32
    %jit3A_356 = arith.constant 0.000000e+00 : f32
    %broadcast_in_dim3A_357 = vector.broadcast %jit3A_355 : f32 to vector<16xf32>
    %broadcast_in_dim3A_358 = vector.broadcast %jit3A_356 : f32 to vector<16xf32>
    %select_n3A_359 = arith.select %eq3A_354, %broadcast_in_dim3A_357, %broadcast_in_dim3A_358 : vector<16xi1>, vector<16xf32>
    %add3A_360 = arith.addf %add3A_353, %select_n3A_359 : vector<16xf32>
    %eq3A_361 = arith.cmpi eq, %add3A_250, %gather3A_211 : vector<16xi32>
    %jit3A_362 = arith.constant 1.000000e+00 : f32
    %jit3A_363 = arith.constant 0.000000e+00 : f32
    %broadcast_in_dim3A_364 = vector.broadcast %jit3A_362 : f32 to vector<16xf32>
    %broadcast_in_dim3A_365 = vector.broadcast %jit3A_363 : f32 to vector<16xf32>
    %select_n3A_366 = arith.select %eq3A_361, %broadcast_in_dim3A_364, %broadcast_in_dim3A_365 : vector<16xi1>, vector<16xf32>
    %add3A_367 = arith.addf %add3A_360, %select_n3A_366 : vector<16xf32>
    %eq3A_368 = arith.cmpi eq, %add3A_250, %gather3A_223 : vector<16xi32>
    %jit3A_369 = arith.constant 1.000000e+00 : f32
    %jit3A_370 = arith.constant 0.000000e+00 : f32
    %broadcast_in_dim3A_371 = vector.broadcast %jit3A_369 : f32 to vector<16xf32>
    %broadcast_in_dim3A_372 = vector.broadcast %jit3A_370 : f32 to vector<16xf32>
    %select_n3A_373 = arith.select %eq3A_368, %broadcast_in_dim3A_371, %broadcast_in_dim3A_372 : vector<16xi1>, vector<16xf32>
    %add3A_374 = arith.addf %add3A_367, %select_n3A_373 : vector<16xf32>
    %eq3A_375 = arith.cmpi eq, %add3A_250, %gather3A_235 : vector<16xi32>
    %jit3A_376 = arith.constant 1.000000e+00 : f32
    %jit3A_377 = arith.constant 0.000000e+00 : f32
    %broadcast_in_dim3A_378 = vector.broadcast %jit3A_376 : f32 to vector<16xf32>
    %broadcast_in_dim3A_379 = vector.broadcast %jit3A_377 : f32 to vector<16xf32>
    %select_n3A_380 = arith.select %eq3A_375, %broadcast_in_dim3A_378, %broadcast_in_dim3A_379 : vector<16xi1>, vector<16xf32>
    %add3A_381 = arith.addf %add3A_374, %select_n3A_380 : vector<16xf32>
    %eq3A_382 = arith.cmpi eq, %add3A_250, %gather3A_247 : vector<16xi32>
    %jit3A_383 = arith.constant 1.000000e+00 : f32
    %jit3A_384 = arith.constant 0.000000e+00 : f32
    %broadcast_in_dim3A_385 = vector.broadcast %jit3A_383 : f32 to vector<16xf32>
    %broadcast_in_dim3A_386 = vector.broadcast %jit3A_384 : f32 to vector<16xf32>
    %select_n3A_387 = arith.select %eq3A_382, %broadcast_in_dim3A_385, %broadcast_in_dim3A_386 : vector<16xi1>, vector<16xf32>
    %add3A_388 = arith.addf %add3A_381, %select_n3A_387 : vector<16xf32>
    %add3A_389 = arith.constant 16 : i32
    %add3A_390 = vector.broadcast %add3A_389 : i32 to vector<16xi32>
    %add3A_391 = arith.addi %iota3A, %add3A_390 : vector<16xi32>
    %eq3A_392 = arith.cmpi eq, %add3A_391, %gather3A_19 : vector<16xi32>
    %jit3A_393 = arith.constant 1.000000e+00 : f32
    %jit3A_394 = arith.constant 0.000000e+00 : f32
    %broadcast_in_dim3A_395 = vector.broadcast %jit3A_393 : f32 to vector<16xf32>
    %broadcast_in_dim3A_396 = vector.broadcast %jit3A_394 : f32 to vector<16xf32>
    %select_n3A_397 = arith.select %eq3A_392, %broadcast_in_dim3A_395, %broadcast_in_dim3A_396 : vector<16xi1>, vector<16xf32>
    %add3A_398 = arith.addf %broadcast_in_dim3A_5, %select_n3A_397 : vector<16xf32>
    %eq3A_399 = arith.cmpi eq, %add3A_391, %gather3A_31 : vector<16xi32>
    %jit3A_400 = arith.constant 1.000000e+00 : f32
    %jit3A_401 = arith.constant 0.000000e+00 : f32
    %broadcast_in_dim3A_402 = vector.broadcast %jit3A_400 : f32 to vector<16xf32>
    %broadcast_in_dim3A_403 = vector.broadcast %jit3A_401 : f32 to vector<16xf32>
    %select_n3A_404 = arith.select %eq3A_399, %broadcast_in_dim3A_402, %broadcast_in_dim3A_403 : vector<16xi1>, vector<16xf32>
    %add3A_405 = arith.addf %add3A_398, %select_n3A_404 : vector<16xf32>
    %eq3A_406 = arith.cmpi eq, %add3A_391, %gather3A_43 : vector<16xi32>
    %jit3A_407 = arith.constant 1.000000e+00 : f32
    %jit3A_408 = arith.constant 0.000000e+00 : f32
    %broadcast_in_dim3A_409 = vector.broadcast %jit3A_407 : f32 to vector<16xf32>
    %broadcast_in_dim3A_410 = vector.broadcast %jit3A_408 : f32 to vector<16xf32>
    %select_n3A_411 = arith.select %eq3A_406, %broadcast_in_dim3A_409, %broadcast_in_dim3A_410 : vector<16xi1>, vector<16xf32>
    %add3A_412 = arith.addf %add3A_405, %select_n3A_411 : vector<16xf32>
    %eq3A_413 = arith.cmpi eq, %add3A_391, %gather3A_55 : vector<16xi32>
    %jit3A_414 = arith.constant 1.000000e+00 : f32
    %jit3A_415 = arith.constant 0.000000e+00 : f32
    %broadcast_in_dim3A_416 = vector.broadcast %jit3A_414 : f32 to vector<16xf32>
    %broadcast_in_dim3A_417 = vector.broadcast %jit3A_415 : f32 to vector<16xf32>
    %select_n3A_418 = arith.select %eq3A_413, %broadcast_in_dim3A_416, %broadcast_in_dim3A_417 : vector<16xi1>, vector<16xf32>
    %add3A_419 = arith.addf %add3A_412, %select_n3A_418 : vector<16xf32>
    %eq3A_420 = arith.cmpi eq, %add3A_391, %gather3A_67 : vector<16xi32>
    %jit3A_421 = arith.constant 1.000000e+00 : f32
    %jit3A_422 = arith.constant 0.000000e+00 : f32
    %broadcast_in_dim3A_423 = vector.broadcast %jit3A_421 : f32 to vector<16xf32>
    %broadcast_in_dim3A_424 = vector.broadcast %jit3A_422 : f32 to vector<16xf32>
    %select_n3A_425 = arith.select %eq3A_420, %broadcast_in_dim3A_423, %broadcast_in_dim3A_424 : vector<16xi1>, vector<16xf32>
    %add3A_426 = arith.addf %add3A_419, %select_n3A_425 : vector<16xf32>
    %eq3A_427 = arith.cmpi eq, %add3A_391, %gather3A_79 : vector<16xi32>
    %jit3A_428 = arith.constant 1.000000e+00 : f32
    %jit3A_429 = arith.constant 0.000000e+00 : f32
    %broadcast_in_dim3A_430 = vector.broadcast %jit3A_428 : f32 to vector<16xf32>
    %broadcast_in_dim3A_431 = vector.broadcast %jit3A_429 : f32 to vector<16xf32>
    %select_n3A_432 = arith.select %eq3A_427, %broadcast_in_dim3A_430, %broadcast_in_dim3A_431 : vector<16xi1>, vector<16xf32>
    %add3A_433 = arith.addf %add3A_426, %select_n3A_432 : vector<16xf32>
    %eq3A_434 = arith.cmpi eq, %add3A_391, %gather3A_91 : vector<16xi32>
    %jit3A_435 = arith.constant 1.000000e+00 : f32
    %jit3A_436 = arith.constant 0.000000e+00 : f32
    %broadcast_in_dim3A_437 = vector.broadcast %jit3A_435 : f32 to vector<16xf32>
    %broadcast_in_dim3A_438 = vector.broadcast %jit3A_436 : f32 to vector<16xf32>
    %select_n3A_439 = arith.select %eq3A_434, %broadcast_in_dim3A_437, %broadcast_in_dim3A_438 : vector<16xi1>, vector<16xf32>
    %add3A_440 = arith.addf %add3A_433, %select_n3A_439 : vector<16xf32>
    %eq3A_441 = arith.cmpi eq, %add3A_391, %gather3A_103 : vector<16xi32>
    %jit3A_442 = arith.constant 1.000000e+00 : f32
    %jit3A_443 = arith.constant 0.000000e+00 : f32
    %broadcast_in_dim3A_444 = vector.broadcast %jit3A_442 : f32 to vector<16xf32>
    %broadcast_in_dim3A_445 = vector.broadcast %jit3A_443 : f32 to vector<16xf32>
    %select_n3A_446 = arith.select %eq3A_441, %broadcast_in_dim3A_444, %broadcast_in_dim3A_445 : vector<16xi1>, vector<16xf32>
    %add3A_447 = arith.addf %add3A_440, %select_n3A_446 : vector<16xf32>
    %eq3A_448 = arith.cmpi eq, %add3A_391, %gather3A_115 : vector<16xi32>
    %jit3A_449 = arith.constant 1.000000e+00 : f32
    %jit3A_450 = arith.constant 0.000000e+00 : f32
    %broadcast_in_dim3A_451 = vector.broadcast %jit3A_449 : f32 to vector<16xf32>
    %broadcast_in_dim3A_452 = vector.broadcast %jit3A_450 : f32 to vector<16xf32>
    %select_n3A_453 = arith.select %eq3A_448, %broadcast_in_dim3A_451, %broadcast_in_dim3A_452 : vector<16xi1>, vector<16xf32>
    %add3A_454 = arith.addf %add3A_447, %select_n3A_453 : vector<16xf32>
    %eq3A_455 = arith.cmpi eq, %add3A_391, %gather3A_127 : vector<16xi32>
    %jit3A_456 = arith.constant 1.000000e+00 : f32
    %jit3A_457 = arith.constant 0.000000e+00 : f32
    %broadcast_in_dim3A_458 = vector.broadcast %jit3A_456 : f32 to vector<16xf32>
    %broadcast_in_dim3A_459 = vector.broadcast %jit3A_457 : f32 to vector<16xf32>
    %select_n3A_460 = arith.select %eq3A_455, %broadcast_in_dim3A_458, %broadcast_in_dim3A_459 : vector<16xi1>, vector<16xf32>
    %add3A_461 = arith.addf %add3A_454, %select_n3A_460 : vector<16xf32>
    %eq3A_462 = arith.cmpi eq, %add3A_391, %gather3A_139 : vector<16xi32>
    %jit3A_463 = arith.constant 1.000000e+00 : f32
    %jit3A_464 = arith.constant 0.000000e+00 : f32
    %broadcast_in_dim3A_465 = vector.broadcast %jit3A_463 : f32 to vector<16xf32>
    %broadcast_in_dim3A_466 = vector.broadcast %jit3A_464 : f32 to vector<16xf32>
    %select_n3A_467 = arith.select %eq3A_462, %broadcast_in_dim3A_465, %broadcast_in_dim3A_466 : vector<16xi1>, vector<16xf32>
    %add3A_468 = arith.addf %add3A_461, %select_n3A_467 : vector<16xf32>
    %eq3A_469 = arith.cmpi eq, %add3A_391, %gather3A_151 : vector<16xi32>
    %jit3A_470 = arith.constant 1.000000e+00 : f32
    %jit3A_471 = arith.constant 0.000000e+00 : f32
    %broadcast_in_dim3A_472 = vector.broadcast %jit3A_470 : f32 to vector<16xf32>
    %broadcast_in_dim3A_473 = vector.broadcast %jit3A_471 : f32 to vector<16xf32>
    %select_n3A_474 = arith.select %eq3A_469, %broadcast_in_dim3A_472, %broadcast_in_dim3A_473 : vector<16xi1>, vector<16xf32>
    %add3A_475 = arith.addf %add3A_468, %select_n3A_474 : vector<16xf32>
    %eq3A_476 = arith.cmpi eq, %add3A_391, %gather3A_163 : vector<16xi32>
    %jit3A_477 = arith.constant 1.000000e+00 : f32
    %jit3A_478 = arith.constant 0.000000e+00 : f32
    %broadcast_in_dim3A_479 = vector.broadcast %jit3A_477 : f32 to vector<16xf32>
    %broadcast_in_dim3A_480 = vector.broadcast %jit3A_478 : f32 to vector<16xf32>
    %select_n3A_481 = arith.select %eq3A_476, %broadcast_in_dim3A_479, %broadcast_in_dim3A_480 : vector<16xi1>, vector<16xf32>
    %add3A_482 = arith.addf %add3A_475, %select_n3A_481 : vector<16xf32>
    %eq3A_483 = arith.cmpi eq, %add3A_391, %gather3A_175 : vector<16xi32>
    %jit3A_484 = arith.constant 1.000000e+00 : f32
    %jit3A_485 = arith.constant 0.000000e+00 : f32
    %broadcast_in_dim3A_486 = vector.broadcast %jit3A_484 : f32 to vector<16xf32>
    %broadcast_in_dim3A_487 = vector.broadcast %jit3A_485 : f32 to vector<16xf32>
    %select_n3A_488 = arith.select %eq3A_483, %broadcast_in_dim3A_486, %broadcast_in_dim3A_487 : vector<16xi1>, vector<16xf32>
    %add3A_489 = arith.addf %add3A_482, %select_n3A_488 : vector<16xf32>
    %eq3A_490 = arith.cmpi eq, %add3A_391, %gather3A_187 : vector<16xi32>
    %jit3A_491 = arith.constant 1.000000e+00 : f32
    %jit3A_492 = arith.constant 0.000000e+00 : f32
    %broadcast_in_dim3A_493 = vector.broadcast %jit3A_491 : f32 to vector<16xf32>
    %broadcast_in_dim3A_494 = vector.broadcast %jit3A_492 : f32 to vector<16xf32>
    %select_n3A_495 = arith.select %eq3A_490, %broadcast_in_dim3A_493, %broadcast_in_dim3A_494 : vector<16xi1>, vector<16xf32>
    %add3A_496 = arith.addf %add3A_489, %select_n3A_495 : vector<16xf32>
    %eq3A_497 = arith.cmpi eq, %add3A_391, %gather3A_199 : vector<16xi32>
    %jit3A_498 = arith.constant 1.000000e+00 : f32
    %jit3A_499 = arith.constant 0.000000e+00 : f32
    %broadcast_in_dim3A_500 = vector.broadcast %jit3A_498 : f32 to vector<16xf32>
    %broadcast_in_dim3A_501 = vector.broadcast %jit3A_499 : f32 to vector<16xf32>
    %select_n3A_502 = arith.select %eq3A_497, %broadcast_in_dim3A_500, %broadcast_in_dim3A_501 : vector<16xi1>, vector<16xf32>
    %add3A_503 = arith.addf %add3A_496, %select_n3A_502 : vector<16xf32>
    %eq3A_504 = arith.cmpi eq, %add3A_391, %gather3A_211 : vector<16xi32>
    %jit3A_505 = arith.constant 1.000000e+00 : f32
    %jit3A_506 = arith.constant 0.000000e+00 : f32
    %broadcast_in_dim3A_507 = vector.broadcast %jit3A_505 : f32 to vector<16xf32>
    %broadcast_in_dim3A_508 = vector.broadcast %jit3A_506 : f32 to vector<16xf32>
    %select_n3A_509 = arith.select %eq3A_504, %broadcast_in_dim3A_507, %broadcast_in_dim3A_508 : vector<16xi1>, vector<16xf32>
    %add3A_510 = arith.addf %add3A_503, %select_n3A_509 : vector<16xf32>
    %eq3A_511 = arith.cmpi eq, %add3A_391, %gather3A_223 : vector<16xi32>
    %jit3A_512 = arith.constant 1.000000e+00 : f32
    %jit3A_513 = arith.constant 0.000000e+00 : f32
    %broadcast_in_dim3A_514 = vector.broadcast %jit3A_512 : f32 to vector<16xf32>
    %broadcast_in_dim3A_515 = vector.broadcast %jit3A_513 : f32 to vector<16xf32>
    %select_n3A_516 = arith.select %eq3A_511, %broadcast_in_dim3A_514, %broadcast_in_dim3A_515 : vector<16xi1>, vector<16xf32>
    %add3A_517 = arith.addf %add3A_510, %select_n3A_516 : vector<16xf32>
    %eq3A_518 = arith.cmpi eq, %add3A_391, %gather3A_235 : vector<16xi32>
    %jit3A_519 = arith.constant 1.000000e+00 : f32
    %jit3A_520 = arith.constant 0.000000e+00 : f32
    %broadcast_in_dim3A_521 = vector.broadcast %jit3A_519 : f32 to vector<16xf32>
    %broadcast_in_dim3A_522 = vector.broadcast %jit3A_520 : f32 to vector<16xf32>
    %select_n3A_523 = arith.select %eq3A_518, %broadcast_in_dim3A_521, %broadcast_in_dim3A_522 : vector<16xi1>, vector<16xf32>
    %add3A_524 = arith.addf %add3A_517, %select_n3A_523 : vector<16xf32>
    %eq3A_525 = arith.cmpi eq, %add3A_391, %gather3A_247 : vector<16xi32>
    %jit3A_526 = arith.constant 1.000000e+00 : f32
    %jit3A_527 = arith.constant 0.000000e+00 : f32
    %broadcast_in_dim3A_528 = vector.broadcast %jit3A_526 : f32 to vector<16xf32>
    %broadcast_in_dim3A_529 = vector.broadcast %jit3A_527 : f32 to vector<16xf32>
    %select_n3A_530 = arith.select %eq3A_525, %broadcast_in_dim3A_528, %broadcast_in_dim3A_529 : vector<16xi1>, vector<16xf32>
    %add3A_531 = arith.addf %add3A_524, %select_n3A_530 : vector<16xf32>
    %add3A_532 = arith.constant 32 : i32
    %add3A_533 = vector.broadcast %add3A_532 : i32 to vector<16xi32>
    %add3A_534 = arith.addi %iota3A, %add3A_533 : vector<16xi32>
    %eq3A_535 = arith.cmpi eq, %add3A_534, %gather3A_19 : vector<16xi32>
    %jit3A_536 = arith.constant 1.000000e+00 : f32
    %jit3A_537 = arith.constant 0.000000e+00 : f32
    %broadcast_in_dim3A_538 = vector.broadcast %jit3A_536 : f32 to vector<16xf32>
    %broadcast_in_dim3A_539 = vector.broadcast %jit3A_537 : f32 to vector<16xf32>
    %select_n3A_540 = arith.select %eq3A_535, %broadcast_in_dim3A_538, %broadcast_in_dim3A_539 : vector<16xi1>, vector<16xf32>
    %add3A_541 = arith.addf %broadcast_in_dim3A_5, %select_n3A_540 : vector<16xf32>
    %eq3A_542 = arith.cmpi eq, %add3A_534, %gather3A_31 : vector<16xi32>
    %jit3A_543 = arith.constant 1.000000e+00 : f32
    %jit3A_544 = arith.constant 0.000000e+00 : f32
    %broadcast_in_dim3A_545 = vector.broadcast %jit3A_543 : f32 to vector<16xf32>
    %broadcast_in_dim3A_546 = vector.broadcast %jit3A_544 : f32 to vector<16xf32>
    %select_n3A_547 = arith.select %eq3A_542, %broadcast_in_dim3A_545, %broadcast_in_dim3A_546 : vector<16xi1>, vector<16xf32>
    %add3A_548 = arith.addf %add3A_541, %select_n3A_547 : vector<16xf32>
    %eq3A_549 = arith.cmpi eq, %add3A_534, %gather3A_43 : vector<16xi32>
    %jit3A_550 = arith.constant 1.000000e+00 : f32
    %jit3A_551 = arith.constant 0.000000e+00 : f32
    %broadcast_in_dim3A_552 = vector.broadcast %jit3A_550 : f32 to vector<16xf32>
    %broadcast_in_dim3A_553 = vector.broadcast %jit3A_551 : f32 to vector<16xf32>
    %select_n3A_554 = arith.select %eq3A_549, %broadcast_in_dim3A_552, %broadcast_in_dim3A_553 : vector<16xi1>, vector<16xf32>
    %add3A_555 = arith.addf %add3A_548, %select_n3A_554 : vector<16xf32>
    %eq3A_556 = arith.cmpi eq, %add3A_534, %gather3A_55 : vector<16xi32>
    %jit3A_557 = arith.constant 1.000000e+00 : f32
    %jit3A_558 = arith.constant 0.000000e+00 : f32
    %broadcast_in_dim3A_559 = vector.broadcast %jit3A_557 : f32 to vector<16xf32>
    %broadcast_in_dim3A_560 = vector.broadcast %jit3A_558 : f32 to vector<16xf32>
    %select_n3A_561 = arith.select %eq3A_556, %broadcast_in_dim3A_559, %broadcast_in_dim3A_560 : vector<16xi1>, vector<16xf32>
    %add3A_562 = arith.addf %add3A_555, %select_n3A_561 : vector<16xf32>
    %eq3A_563 = arith.cmpi eq, %add3A_534, %gather3A_67 : vector<16xi32>
    %jit3A_564 = arith.constant 1.000000e+00 : f32
    %jit3A_565 = arith.constant 0.000000e+00 : f32
    %broadcast_in_dim3A_566 = vector.broadcast %jit3A_564 : f32 to vector<16xf32>
    %broadcast_in_dim3A_567 = vector.broadcast %jit3A_565 : f32 to vector<16xf32>
    %select_n3A_568 = arith.select %eq3A_563, %broadcast_in_dim3A_566, %broadcast_in_dim3A_567 : vector<16xi1>, vector<16xf32>
    %add3A_569 = arith.addf %add3A_562, %select_n3A_568 : vector<16xf32>
    %eq3A_570 = arith.cmpi eq, %add3A_534, %gather3A_79 : vector<16xi32>
    %jit3A_571 = arith.constant 1.000000e+00 : f32
    %jit3A_572 = arith.constant 0.000000e+00 : f32
    %broadcast_in_dim3A_573 = vector.broadcast %jit3A_571 : f32 to vector<16xf32>
    %broadcast_in_dim3A_574 = vector.broadcast %jit3A_572 : f32 to vector<16xf32>
    %select_n3A_575 = arith.select %eq3A_570, %broadcast_in_dim3A_573, %broadcast_in_dim3A_574 : vector<16xi1>, vector<16xf32>
    %add3A_576 = arith.addf %add3A_569, %select_n3A_575 : vector<16xf32>
    %eq3A_577 = arith.cmpi eq, %add3A_534, %gather3A_91 : vector<16xi32>
    %jit3A_578 = arith.constant 1.000000e+00 : f32
    %jit3A_579 = arith.constant 0.000000e+00 : f32
    %broadcast_in_dim3A_580 = vector.broadcast %jit3A_578 : f32 to vector<16xf32>
    %broadcast_in_dim3A_581 = vector.broadcast %jit3A_579 : f32 to vector<16xf32>
    %select_n3A_582 = arith.select %eq3A_577, %broadcast_in_dim3A_580, %broadcast_in_dim3A_581 : vector<16xi1>, vector<16xf32>
    %add3A_583 = arith.addf %add3A_576, %select_n3A_582 : vector<16xf32>
    %eq3A_584 = arith.cmpi eq, %add3A_534, %gather3A_103 : vector<16xi32>
    %jit3A_585 = arith.constant 1.000000e+00 : f32
    %jit3A_586 = arith.constant 0.000000e+00 : f32
    %broadcast_in_dim3A_587 = vector.broadcast %jit3A_585 : f32 to vector<16xf32>
    %broadcast_in_dim3A_588 = vector.broadcast %jit3A_586 : f32 to vector<16xf32>
    %select_n3A_589 = arith.select %eq3A_584, %broadcast_in_dim3A_587, %broadcast_in_dim3A_588 : vector<16xi1>, vector<16xf32>
    %add3A_590 = arith.addf %add3A_583, %select_n3A_589 : vector<16xf32>
    %eq3A_591 = arith.cmpi eq, %add3A_534, %gather3A_115 : vector<16xi32>
    %jit3A_592 = arith.constant 1.000000e+00 : f32
    %jit3A_593 = arith.constant 0.000000e+00 : f32
    %broadcast_in_dim3A_594 = vector.broadcast %jit3A_592 : f32 to vector<16xf32>
    %broadcast_in_dim3A_595 = vector.broadcast %jit3A_593 : f32 to vector<16xf32>
    %select_n3A_596 = arith.select %eq3A_591, %broadcast_in_dim3A_594, %broadcast_in_dim3A_595 : vector<16xi1>, vector<16xf32>
    %add3A_597 = arith.addf %add3A_590, %select_n3A_596 : vector<16xf32>
    %eq3A_598 = arith.cmpi eq, %add3A_534, %gather3A_127 : vector<16xi32>
    %jit3A_599 = arith.constant 1.000000e+00 : f32
    %jit3A_600 = arith.constant 0.000000e+00 : f32
    %broadcast_in_dim3A_601 = vector.broadcast %jit3A_599 : f32 to vector<16xf32>
    %broadcast_in_dim3A_602 = vector.broadcast %jit3A_600 : f32 to vector<16xf32>
    %select_n3A_603 = arith.select %eq3A_598, %broadcast_in_dim3A_601, %broadcast_in_dim3A_602 : vector<16xi1>, vector<16xf32>
    %add3A_604 = arith.addf %add3A_597, %select_n3A_603 : vector<16xf32>
    %eq3A_605 = arith.cmpi eq, %add3A_534, %gather3A_139 : vector<16xi32>
    %jit3A_606 = arith.constant 1.000000e+00 : f32
    %jit3A_607 = arith.constant 0.000000e+00 : f32
    %broadcast_in_dim3A_608 = vector.broadcast %jit3A_606 : f32 to vector<16xf32>
    %broadcast_in_dim3A_609 = vector.broadcast %jit3A_607 : f32 to vector<16xf32>
    %select_n3A_610 = arith.select %eq3A_605, %broadcast_in_dim3A_608, %broadcast_in_dim3A_609 : vector<16xi1>, vector<16xf32>
    %add3A_611 = arith.addf %add3A_604, %select_n3A_610 : vector<16xf32>
    %eq3A_612 = arith.cmpi eq, %add3A_534, %gather3A_151 : vector<16xi32>
    %jit3A_613 = arith.constant 1.000000e+00 : f32
    %jit3A_614 = arith.constant 0.000000e+00 : f32
    %broadcast_in_dim3A_615 = vector.broadcast %jit3A_613 : f32 to vector<16xf32>
    %broadcast_in_dim3A_616 = vector.broadcast %jit3A_614 : f32 to vector<16xf32>
    %select_n3A_617 = arith.select %eq3A_612, %broadcast_in_dim3A_615, %broadcast_in_dim3A_616 : vector<16xi1>, vector<16xf32>
    %add3A_618 = arith.addf %add3A_611, %select_n3A_617 : vector<16xf32>
    %eq3A_619 = arith.cmpi eq, %add3A_534, %gather3A_163 : vector<16xi32>
    %jit3A_620 = arith.constant 1.000000e+00 : f32
    %jit3A_621 = arith.constant 0.000000e+00 : f32
    %broadcast_in_dim3A_622 = vector.broadcast %jit3A_620 : f32 to vector<16xf32>
    %broadcast_in_dim3A_623 = vector.broadcast %jit3A_621 : f32 to vector<16xf32>
    %select_n3A_624 = arith.select %eq3A_619, %broadcast_in_dim3A_622, %broadcast_in_dim3A_623 : vector<16xi1>, vector<16xf32>
    %add3A_625 = arith.addf %add3A_618, %select_n3A_624 : vector<16xf32>
    %eq3A_626 = arith.cmpi eq, %add3A_534, %gather3A_175 : vector<16xi32>
    %jit3A_627 = arith.constant 1.000000e+00 : f32
    %jit3A_628 = arith.constant 0.000000e+00 : f32
    %broadcast_in_dim3A_629 = vector.broadcast %jit3A_627 : f32 to vector<16xf32>
    %broadcast_in_dim3A_630 = vector.broadcast %jit3A_628 : f32 to vector<16xf32>
    %select_n3A_631 = arith.select %eq3A_626, %broadcast_in_dim3A_629, %broadcast_in_dim3A_630 : vector<16xi1>, vector<16xf32>
    %add3A_632 = arith.addf %add3A_625, %select_n3A_631 : vector<16xf32>
    %eq3A_633 = arith.cmpi eq, %add3A_534, %gather3A_187 : vector<16xi32>
    %jit3A_634 = arith.constant 1.000000e+00 : f32
    %jit3A_635 = arith.constant 0.000000e+00 : f32
    %broadcast_in_dim3A_636 = vector.broadcast %jit3A_634 : f32 to vector<16xf32>
    %broadcast_in_dim3A_637 = vector.broadcast %jit3A_635 : f32 to vector<16xf32>
    %select_n3A_638 = arith.select %eq3A_633, %broadcast_in_dim3A_636, %broadcast_in_dim3A_637 : vector<16xi1>, vector<16xf32>
    %add3A_639 = arith.addf %add3A_632, %select_n3A_638 : vector<16xf32>
    %eq3A_640 = arith.cmpi eq, %add3A_534, %gather3A_199 : vector<16xi32>
    %jit3A_641 = arith.constant 1.000000e+00 : f32
    %jit3A_642 = arith.constant 0.000000e+00 : f32
    %broadcast_in_dim3A_643 = vector.broadcast %jit3A_641 : f32 to vector<16xf32>
    %broadcast_in_dim3A_644 = vector.broadcast %jit3A_642 : f32 to vector<16xf32>
    %select_n3A_645 = arith.select %eq3A_640, %broadcast_in_dim3A_643, %broadcast_in_dim3A_644 : vector<16xi1>, vector<16xf32>
    %add3A_646 = arith.addf %add3A_639, %select_n3A_645 : vector<16xf32>
    %eq3A_647 = arith.cmpi eq, %add3A_534, %gather3A_211 : vector<16xi32>
    %jit3A_648 = arith.constant 1.000000e+00 : f32
    %jit3A_649 = arith.constant 0.000000e+00 : f32
    %broadcast_in_dim3A_650 = vector.broadcast %jit3A_648 : f32 to vector<16xf32>
    %broadcast_in_dim3A_651 = vector.broadcast %jit3A_649 : f32 to vector<16xf32>
    %select_n3A_652 = arith.select %eq3A_647, %broadcast_in_dim3A_650, %broadcast_in_dim3A_651 : vector<16xi1>, vector<16xf32>
    %add3A_653 = arith.addf %add3A_646, %select_n3A_652 : vector<16xf32>
    %eq3A_654 = arith.cmpi eq, %add3A_534, %gather3A_223 : vector<16xi32>
    %jit3A_655 = arith.constant 1.000000e+00 : f32
    %jit3A_656 = arith.constant 0.000000e+00 : f32
    %broadcast_in_dim3A_657 = vector.broadcast %jit3A_655 : f32 to vector<16xf32>
    %broadcast_in_dim3A_658 = vector.broadcast %jit3A_656 : f32 to vector<16xf32>
    %select_n3A_659 = arith.select %eq3A_654, %broadcast_in_dim3A_657, %broadcast_in_dim3A_658 : vector<16xi1>, vector<16xf32>
    %add3A_660 = arith.addf %add3A_653, %select_n3A_659 : vector<16xf32>
    %eq3A_661 = arith.cmpi eq, %add3A_534, %gather3A_235 : vector<16xi32>
    %jit3A_662 = arith.constant 1.000000e+00 : f32
    %jit3A_663 = arith.constant 0.000000e+00 : f32
    %broadcast_in_dim3A_664 = vector.broadcast %jit3A_662 : f32 to vector<16xf32>
    %broadcast_in_dim3A_665 = vector.broadcast %jit3A_663 : f32 to vector<16xf32>
    %select_n3A_666 = arith.select %eq3A_661, %broadcast_in_dim3A_664, %broadcast_in_dim3A_665 : vector<16xi1>, vector<16xf32>
    %add3A_667 = arith.addf %add3A_660, %select_n3A_666 : vector<16xf32>
    %eq3A_668 = arith.cmpi eq, %add3A_534, %gather3A_247 : vector<16xi32>
    %jit3A_669 = arith.constant 1.000000e+00 : f32
    %jit3A_670 = arith.constant 0.000000e+00 : f32
    %broadcast_in_dim3A_671 = vector.broadcast %jit3A_669 : f32 to vector<16xf32>
    %broadcast_in_dim3A_672 = vector.broadcast %jit3A_670 : f32 to vector<16xf32>
    %select_n3A_673 = arith.select %eq3A_668, %broadcast_in_dim3A_671, %broadcast_in_dim3A_672 : vector<16xi1>, vector<16xf32>
    %add3A_674 = arith.addf %add3A_667, %select_n3A_673 : vector<16xf32>
    %add3A_675 = arith.constant 48 : i32
    %add3A_676 = vector.broadcast %add3A_675 : i32 to vector<16xi32>
    %add3A_677 = arith.addi %iota3A, %add3A_676 : vector<16xi32>
    %eq3A_678 = arith.cmpi eq, %add3A_677, %gather3A_19 : vector<16xi32>
    %jit3A_679 = arith.constant 1.000000e+00 : f32
    %jit3A_680 = arith.constant 0.000000e+00 : f32
    %broadcast_in_dim3A_681 = vector.broadcast %jit3A_679 : f32 to vector<16xf32>
    %broadcast_in_dim3A_682 = vector.broadcast %jit3A_680 : f32 to vector<16xf32>
    %select_n3A_683 = arith.select %eq3A_678, %broadcast_in_dim3A_681, %broadcast_in_dim3A_682 : vector<16xi1>, vector<16xf32>
    %add3A_684 = arith.addf %broadcast_in_dim3A_5, %select_n3A_683 : vector<16xf32>
    %eq3A_685 = arith.cmpi eq, %add3A_677, %gather3A_31 : vector<16xi32>
    %jit3A_686 = arith.constant 1.000000e+00 : f32
    %jit3A_687 = arith.constant 0.000000e+00 : f32
    %broadcast_in_dim3A_688 = vector.broadcast %jit3A_686 : f32 to vector<16xf32>
    %broadcast_in_dim3A_689 = vector.broadcast %jit3A_687 : f32 to vector<16xf32>
    %select_n3A_690 = arith.select %eq3A_685, %broadcast_in_dim3A_688, %broadcast_in_dim3A_689 : vector<16xi1>, vector<16xf32>
    %add3A_691 = arith.addf %add3A_684, %select_n3A_690 : vector<16xf32>
    %eq3A_692 = arith.cmpi eq, %add3A_677, %gather3A_43 : vector<16xi32>
    %jit3A_693 = arith.constant 1.000000e+00 : f32
    %jit3A_694 = arith.constant 0.000000e+00 : f32
    %broadcast_in_dim3A_695 = vector.broadcast %jit3A_693 : f32 to vector<16xf32>
    %broadcast_in_dim3A_696 = vector.broadcast %jit3A_694 : f32 to vector<16xf32>
    %select_n3A_697 = arith.select %eq3A_692, %broadcast_in_dim3A_695, %broadcast_in_dim3A_696 : vector<16xi1>, vector<16xf32>
    %add3A_698 = arith.addf %add3A_691, %select_n3A_697 : vector<16xf32>
    %eq3A_699 = arith.cmpi eq, %add3A_677, %gather3A_55 : vector<16xi32>
    %jit3A_700 = arith.constant 1.000000e+00 : f32
    %jit3A_701 = arith.constant 0.000000e+00 : f32
    %broadcast_in_dim3A_702 = vector.broadcast %jit3A_700 : f32 to vector<16xf32>
    %broadcast_in_dim3A_703 = vector.broadcast %jit3A_701 : f32 to vector<16xf32>
    %select_n3A_704 = arith.select %eq3A_699, %broadcast_in_dim3A_702, %broadcast_in_dim3A_703 : vector<16xi1>, vector<16xf32>
    %add3A_705 = arith.addf %add3A_698, %select_n3A_704 : vector<16xf32>
    %eq3A_706 = arith.cmpi eq, %add3A_677, %gather3A_67 : vector<16xi32>
    %jit3A_707 = arith.constant 1.000000e+00 : f32
    %jit3A_708 = arith.constant 0.000000e+00 : f32
    %broadcast_in_dim3A_709 = vector.broadcast %jit3A_707 : f32 to vector<16xf32>
    %broadcast_in_dim3A_710 = vector.broadcast %jit3A_708 : f32 to vector<16xf32>
    %select_n3A_711 = arith.select %eq3A_706, %broadcast_in_dim3A_709, %broadcast_in_dim3A_710 : vector<16xi1>, vector<16xf32>
    %add3A_712 = arith.addf %add3A_705, %select_n3A_711 : vector<16xf32>
    %eq3A_713 = arith.cmpi eq, %add3A_677, %gather3A_79 : vector<16xi32>
    %jit3A_714 = arith.constant 1.000000e+00 : f32
    %jit3A_715 = arith.constant 0.000000e+00 : f32
    %broadcast_in_dim3A_716 = vector.broadcast %jit3A_714 : f32 to vector<16xf32>
    %broadcast_in_dim3A_717 = vector.broadcast %jit3A_715 : f32 to vector<16xf32>
    %select_n3A_718 = arith.select %eq3A_713, %broadcast_in_dim3A_716, %broadcast_in_dim3A_717 : vector<16xi1>, vector<16xf32>
    %add3A_719 = arith.addf %add3A_712, %select_n3A_718 : vector<16xf32>
    %eq3A_720 = arith.cmpi eq, %add3A_677, %gather3A_91 : vector<16xi32>
    %jit3A_721 = arith.constant 1.000000e+00 : f32
    %jit3A_722 = arith.constant 0.000000e+00 : f32
    %broadcast_in_dim3A_723 = vector.broadcast %jit3A_721 : f32 to vector<16xf32>
    %broadcast_in_dim3A_724 = vector.broadcast %jit3A_722 : f32 to vector<16xf32>
    %select_n3A_725 = arith.select %eq3A_720, %broadcast_in_dim3A_723, %broadcast_in_dim3A_724 : vector<16xi1>, vector<16xf32>
    %add3A_726 = arith.addf %add3A_719, %select_n3A_725 : vector<16xf32>
    %eq3A_727 = arith.cmpi eq, %add3A_677, %gather3A_103 : vector<16xi32>
    %jit3A_728 = arith.constant 1.000000e+00 : f32
    %jit3A_729 = arith.constant 0.000000e+00 : f32
    %broadcast_in_dim3A_730 = vector.broadcast %jit3A_728 : f32 to vector<16xf32>
    %broadcast_in_dim3A_731 = vector.broadcast %jit3A_729 : f32 to vector<16xf32>
    %select_n3A_732 = arith.select %eq3A_727, %broadcast_in_dim3A_730, %broadcast_in_dim3A_731 : vector<16xi1>, vector<16xf32>
    %add3A_733 = arith.addf %add3A_726, %select_n3A_732 : vector<16xf32>
    %eq3A_734 = arith.cmpi eq, %add3A_677, %gather3A_115 : vector<16xi32>
    %jit3A_735 = arith.constant 1.000000e+00 : f32
    %jit3A_736 = arith.constant 0.000000e+00 : f32
    %broadcast_in_dim3A_737 = vector.broadcast %jit3A_735 : f32 to vector<16xf32>
    %broadcast_in_dim3A_738 = vector.broadcast %jit3A_736 : f32 to vector<16xf32>
    %select_n3A_739 = arith.select %eq3A_734, %broadcast_in_dim3A_737, %broadcast_in_dim3A_738 : vector<16xi1>, vector<16xf32>
    %add3A_740 = arith.addf %add3A_733, %select_n3A_739 : vector<16xf32>
    %eq3A_741 = arith.cmpi eq, %add3A_677, %gather3A_127 : vector<16xi32>
    %jit3A_742 = arith.constant 1.000000e+00 : f32
    %jit3A_743 = arith.constant 0.000000e+00 : f32
    %broadcast_in_dim3A_744 = vector.broadcast %jit3A_742 : f32 to vector<16xf32>
    %broadcast_in_dim3A_745 = vector.broadcast %jit3A_743 : f32 to vector<16xf32>
    %select_n3A_746 = arith.select %eq3A_741, %broadcast_in_dim3A_744, %broadcast_in_dim3A_745 : vector<16xi1>, vector<16xf32>
    %add3A_747 = arith.addf %add3A_740, %select_n3A_746 : vector<16xf32>
    %eq3A_748 = arith.cmpi eq, %add3A_677, %gather3A_139 : vector<16xi32>
    %jit3A_749 = arith.constant 1.000000e+00 : f32
    %jit3A_750 = arith.constant 0.000000e+00 : f32
    %broadcast_in_dim3A_751 = vector.broadcast %jit3A_749 : f32 to vector<16xf32>
    %broadcast_in_dim3A_752 = vector.broadcast %jit3A_750 : f32 to vector<16xf32>
    %select_n3A_753 = arith.select %eq3A_748, %broadcast_in_dim3A_751, %broadcast_in_dim3A_752 : vector<16xi1>, vector<16xf32>
    %add3A_754 = arith.addf %add3A_747, %select_n3A_753 : vector<16xf32>
    %eq3A_755 = arith.cmpi eq, %add3A_677, %gather3A_151 : vector<16xi32>
    %jit3A_756 = arith.constant 1.000000e+00 : f32
    %jit3A_757 = arith.constant 0.000000e+00 : f32
    %broadcast_in_dim3A_758 = vector.broadcast %jit3A_756 : f32 to vector<16xf32>
    %broadcast_in_dim3A_759 = vector.broadcast %jit3A_757 : f32 to vector<16xf32>
    %select_n3A_760 = arith.select %eq3A_755, %broadcast_in_dim3A_758, %broadcast_in_dim3A_759 : vector<16xi1>, vector<16xf32>
    %add3A_761 = arith.addf %add3A_754, %select_n3A_760 : vector<16xf32>
    %eq3A_762 = arith.cmpi eq, %add3A_677, %gather3A_163 : vector<16xi32>
    %jit3A_763 = arith.constant 1.000000e+00 : f32
    %jit3A_764 = arith.constant 0.000000e+00 : f32
    %broadcast_in_dim3A_765 = vector.broadcast %jit3A_763 : f32 to vector<16xf32>
    %broadcast_in_dim3A_766 = vector.broadcast %jit3A_764 : f32 to vector<16xf32>
    %select_n3A_767 = arith.select %eq3A_762, %broadcast_in_dim3A_765, %broadcast_in_dim3A_766 : vector<16xi1>, vector<16xf32>
    %add3A_768 = arith.addf %add3A_761, %select_n3A_767 : vector<16xf32>
    %eq3A_769 = arith.cmpi eq, %add3A_677, %gather3A_175 : vector<16xi32>
    %jit3A_770 = arith.constant 1.000000e+00 : f32
    %jit3A_771 = arith.constant 0.000000e+00 : f32
    %broadcast_in_dim3A_772 = vector.broadcast %jit3A_770 : f32 to vector<16xf32>
    %broadcast_in_dim3A_773 = vector.broadcast %jit3A_771 : f32 to vector<16xf32>
    %select_n3A_774 = arith.select %eq3A_769, %broadcast_in_dim3A_772, %broadcast_in_dim3A_773 : vector<16xi1>, vector<16xf32>
    %add3A_775 = arith.addf %add3A_768, %select_n3A_774 : vector<16xf32>
    %eq3A_776 = arith.cmpi eq, %add3A_677, %gather3A_187 : vector<16xi32>
    %jit3A_777 = arith.constant 1.000000e+00 : f32
    %jit3A_778 = arith.constant 0.000000e+00 : f32
    %broadcast_in_dim3A_779 = vector.broadcast %jit3A_777 : f32 to vector<16xf32>
    %broadcast_in_dim3A_780 = vector.broadcast %jit3A_778 : f32 to vector<16xf32>
    %select_n3A_781 = arith.select %eq3A_776, %broadcast_in_dim3A_779, %broadcast_in_dim3A_780 : vector<16xi1>, vector<16xf32>
    %add3A_782 = arith.addf %add3A_775, %select_n3A_781 : vector<16xf32>
    %eq3A_783 = arith.cmpi eq, %add3A_677, %gather3A_199 : vector<16xi32>
    %jit3A_784 = arith.constant 1.000000e+00 : f32
    %jit3A_785 = arith.constant 0.000000e+00 : f32
    %broadcast_in_dim3A_786 = vector.broadcast %jit3A_784 : f32 to vector<16xf32>
    %broadcast_in_dim3A_787 = vector.broadcast %jit3A_785 : f32 to vector<16xf32>
    %select_n3A_788 = arith.select %eq3A_783, %broadcast_in_dim3A_786, %broadcast_in_dim3A_787 : vector<16xi1>, vector<16xf32>
    %add3A_789 = arith.addf %add3A_782, %select_n3A_788 : vector<16xf32>
    %eq3A_790 = arith.cmpi eq, %add3A_677, %gather3A_211 : vector<16xi32>
    %jit3A_791 = arith.constant 1.000000e+00 : f32
    %jit3A_792 = arith.constant 0.000000e+00 : f32
    %broadcast_in_dim3A_793 = vector.broadcast %jit3A_791 : f32 to vector<16xf32>
    %broadcast_in_dim3A_794 = vector.broadcast %jit3A_792 : f32 to vector<16xf32>
    %select_n3A_795 = arith.select %eq3A_790, %broadcast_in_dim3A_793, %broadcast_in_dim3A_794 : vector<16xi1>, vector<16xf32>
    %add3A_796 = arith.addf %add3A_789, %select_n3A_795 : vector<16xf32>
    %eq3A_797 = arith.cmpi eq, %add3A_677, %gather3A_223 : vector<16xi32>
    %jit3A_798 = arith.constant 1.000000e+00 : f32
    %jit3A_799 = arith.constant 0.000000e+00 : f32
    %broadcast_in_dim3A_800 = vector.broadcast %jit3A_798 : f32 to vector<16xf32>
    %broadcast_in_dim3A_801 = vector.broadcast %jit3A_799 : f32 to vector<16xf32>
    %select_n3A_802 = arith.select %eq3A_797, %broadcast_in_dim3A_800, %broadcast_in_dim3A_801 : vector<16xi1>, vector<16xf32>
    %add3A_803 = arith.addf %add3A_796, %select_n3A_802 : vector<16xf32>
    %eq3A_804 = arith.cmpi eq, %add3A_677, %gather3A_235 : vector<16xi32>
    %jit3A_805 = arith.constant 1.000000e+00 : f32
    %jit3A_806 = arith.constant 0.000000e+00 : f32
    %broadcast_in_dim3A_807 = vector.broadcast %jit3A_805 : f32 to vector<16xf32>
    %broadcast_in_dim3A_808 = vector.broadcast %jit3A_806 : f32 to vector<16xf32>
    %select_n3A_809 = arith.select %eq3A_804, %broadcast_in_dim3A_807, %broadcast_in_dim3A_808 : vector<16xi1>, vector<16xf32>
    %add3A_810 = arith.addf %add3A_803, %select_n3A_809 : vector<16xf32>
    %eq3A_811 = arith.cmpi eq, %add3A_677, %gather3A_247 : vector<16xi32>
    %jit3A_812 = arith.constant 1.000000e+00 : f32
    %jit3A_813 = arith.constant 0.000000e+00 : f32
    %broadcast_in_dim3A_814 = vector.broadcast %jit3A_812 : f32 to vector<16xf32>
    %broadcast_in_dim3A_815 = vector.broadcast %jit3A_813 : f32 to vector<16xf32>
    %select_n3A_816 = arith.select %eq3A_811, %broadcast_in_dim3A_814, %broadcast_in_dim3A_815 : vector<16xi1>, vector<16xf32>
    %add3A_817 = arith.addf %add3A_810, %select_n3A_816 : vector<16xf32>
    %add3A_818 = arith.constant 64 : i32
    %add3A_819 = vector.broadcast %add3A_818 : i32 to vector<16xi32>
    %add3A_820 = arith.addi %iota3A, %add3A_819 : vector<16xi32>
    %eq3A_821 = arith.cmpi eq, %add3A_820, %gather3A_19 : vector<16xi32>
    %jit3A_822 = arith.constant 1.000000e+00 : f32
    %jit3A_823 = arith.constant 0.000000e+00 : f32
    %broadcast_in_dim3A_824 = vector.broadcast %jit3A_822 : f32 to vector<16xf32>
    %broadcast_in_dim3A_825 = vector.broadcast %jit3A_823 : f32 to vector<16xf32>
    %select_n3A_826 = arith.select %eq3A_821, %broadcast_in_dim3A_824, %broadcast_in_dim3A_825 : vector<16xi1>, vector<16xf32>
    %add3A_827 = arith.addf %broadcast_in_dim3A_5, %select_n3A_826 : vector<16xf32>
    %eq3A_828 = arith.cmpi eq, %add3A_820, %gather3A_31 : vector<16xi32>
    %jit3A_829 = arith.constant 1.000000e+00 : f32
    %jit3A_830 = arith.constant 0.000000e+00 : f32
    %broadcast_in_dim3A_831 = vector.broadcast %jit3A_829 : f32 to vector<16xf32>
    %broadcast_in_dim3A_832 = vector.broadcast %jit3A_830 : f32 to vector<16xf32>
    %select_n3A_833 = arith.select %eq3A_828, %broadcast_in_dim3A_831, %broadcast_in_dim3A_832 : vector<16xi1>, vector<16xf32>
    %add3A_834 = arith.addf %add3A_827, %select_n3A_833 : vector<16xf32>
    %eq3A_835 = arith.cmpi eq, %add3A_820, %gather3A_43 : vector<16xi32>
    %jit3A_836 = arith.constant 1.000000e+00 : f32
    %jit3A_837 = arith.constant 0.000000e+00 : f32
    %broadcast_in_dim3A_838 = vector.broadcast %jit3A_836 : f32 to vector<16xf32>
    %broadcast_in_dim3A_839 = vector.broadcast %jit3A_837 : f32 to vector<16xf32>
    %select_n3A_840 = arith.select %eq3A_835, %broadcast_in_dim3A_838, %broadcast_in_dim3A_839 : vector<16xi1>, vector<16xf32>
    %add3A_841 = arith.addf %add3A_834, %select_n3A_840 : vector<16xf32>
    %eq3A_842 = arith.cmpi eq, %add3A_820, %gather3A_55 : vector<16xi32>
    %jit3A_843 = arith.constant 1.000000e+00 : f32
    %jit3A_844 = arith.constant 0.000000e+00 : f32
    %broadcast_in_dim3A_845 = vector.broadcast %jit3A_843 : f32 to vector<16xf32>
    %broadcast_in_dim3A_846 = vector.broadcast %jit3A_844 : f32 to vector<16xf32>
    %select_n3A_847 = arith.select %eq3A_842, %broadcast_in_dim3A_845, %broadcast_in_dim3A_846 : vector<16xi1>, vector<16xf32>
    %add3A_848 = arith.addf %add3A_841, %select_n3A_847 : vector<16xf32>
    %eq3A_849 = arith.cmpi eq, %add3A_820, %gather3A_67 : vector<16xi32>
    %jit3A_850 = arith.constant 1.000000e+00 : f32
    %jit3A_851 = arith.constant 0.000000e+00 : f32
    %broadcast_in_dim3A_852 = vector.broadcast %jit3A_850 : f32 to vector<16xf32>
    %broadcast_in_dim3A_853 = vector.broadcast %jit3A_851 : f32 to vector<16xf32>
    %select_n3A_854 = arith.select %eq3A_849, %broadcast_in_dim3A_852, %broadcast_in_dim3A_853 : vector<16xi1>, vector<16xf32>
    %add3A_855 = arith.addf %add3A_848, %select_n3A_854 : vector<16xf32>
    %eq3A_856 = arith.cmpi eq, %add3A_820, %gather3A_79 : vector<16xi32>
    %jit3A_857 = arith.constant 1.000000e+00 : f32
    %jit3A_858 = arith.constant 0.000000e+00 : f32
    %broadcast_in_dim3A_859 = vector.broadcast %jit3A_857 : f32 to vector<16xf32>
    %broadcast_in_dim3A_860 = vector.broadcast %jit3A_858 : f32 to vector<16xf32>
    %select_n3A_861 = arith.select %eq3A_856, %broadcast_in_dim3A_859, %broadcast_in_dim3A_860 : vector<16xi1>, vector<16xf32>
    %add3A_862 = arith.addf %add3A_855, %select_n3A_861 : vector<16xf32>
    %eq3A_863 = arith.cmpi eq, %add3A_820, %gather3A_91 : vector<16xi32>
    %jit3A_864 = arith.constant 1.000000e+00 : f32
    %jit3A_865 = arith.constant 0.000000e+00 : f32
    %broadcast_in_dim3A_866 = vector.broadcast %jit3A_864 : f32 to vector<16xf32>
    %broadcast_in_dim3A_867 = vector.broadcast %jit3A_865 : f32 to vector<16xf32>
    %select_n3A_868 = arith.select %eq3A_863, %broadcast_in_dim3A_866, %broadcast_in_dim3A_867 : vector<16xi1>, vector<16xf32>
    %add3A_869 = arith.addf %add3A_862, %select_n3A_868 : vector<16xf32>
    %eq3A_870 = arith.cmpi eq, %add3A_820, %gather3A_103 : vector<16xi32>
    %jit3A_871 = arith.constant 1.000000e+00 : f32
    %jit3A_872 = arith.constant 0.000000e+00 : f32
    %broadcast_in_dim3A_873 = vector.broadcast %jit3A_871 : f32 to vector<16xf32>
    %broadcast_in_dim3A_874 = vector.broadcast %jit3A_872 : f32 to vector<16xf32>
    %select_n3A_875 = arith.select %eq3A_870, %broadcast_in_dim3A_873, %broadcast_in_dim3A_874 : vector<16xi1>, vector<16xf32>
    %add3A_876 = arith.addf %add3A_869, %select_n3A_875 : vector<16xf32>
    %eq3A_877 = arith.cmpi eq, %add3A_820, %gather3A_115 : vector<16xi32>
    %jit3A_878 = arith.constant 1.000000e+00 : f32
    %jit3A_879 = arith.constant 0.000000e+00 : f32
    %broadcast_in_dim3A_880 = vector.broadcast %jit3A_878 : f32 to vector<16xf32>
    %broadcast_in_dim3A_881 = vector.broadcast %jit3A_879 : f32 to vector<16xf32>
    %select_n3A_882 = arith.select %eq3A_877, %broadcast_in_dim3A_880, %broadcast_in_dim3A_881 : vector<16xi1>, vector<16xf32>
    %add3A_883 = arith.addf %add3A_876, %select_n3A_882 : vector<16xf32>
    %eq3A_884 = arith.cmpi eq, %add3A_820, %gather3A_127 : vector<16xi32>
    %jit3A_885 = arith.constant 1.000000e+00 : f32
    %jit3A_886 = arith.constant 0.000000e+00 : f32
    %broadcast_in_dim3A_887 = vector.broadcast %jit3A_885 : f32 to vector<16xf32>
    %broadcast_in_dim3A_888 = vector.broadcast %jit3A_886 : f32 to vector<16xf32>
    %select_n3A_889 = arith.select %eq3A_884, %broadcast_in_dim3A_887, %broadcast_in_dim3A_888 : vector<16xi1>, vector<16xf32>
    %add3A_890 = arith.addf %add3A_883, %select_n3A_889 : vector<16xf32>
    %eq3A_891 = arith.cmpi eq, %add3A_820, %gather3A_139 : vector<16xi32>
    %jit3A_892 = arith.constant 1.000000e+00 : f32
    %jit3A_893 = arith.constant 0.000000e+00 : f32
    %broadcast_in_dim3A_894 = vector.broadcast %jit3A_892 : f32 to vector<16xf32>
    %broadcast_in_dim3A_895 = vector.broadcast %jit3A_893 : f32 to vector<16xf32>
    %select_n3A_896 = arith.select %eq3A_891, %broadcast_in_dim3A_894, %broadcast_in_dim3A_895 : vector<16xi1>, vector<16xf32>
    %add3A_897 = arith.addf %add3A_890, %select_n3A_896 : vector<16xf32>
    %eq3A_898 = arith.cmpi eq, %add3A_820, %gather3A_151 : vector<16xi32>
    %jit3A_899 = arith.constant 1.000000e+00 : f32
    %jit3A_900 = arith.constant 0.000000e+00 : f32
    %broadcast_in_dim3A_901 = vector.broadcast %jit3A_899 : f32 to vector<16xf32>
    %broadcast_in_dim3A_902 = vector.broadcast %jit3A_900 : f32 to vector<16xf32>
    %select_n3A_903 = arith.select %eq3A_898, %broadcast_in_dim3A_901, %broadcast_in_dim3A_902 : vector<16xi1>, vector<16xf32>
    %add3A_904 = arith.addf %add3A_897, %select_n3A_903 : vector<16xf32>
    %eq3A_905 = arith.cmpi eq, %add3A_820, %gather3A_163 : vector<16xi32>
    %jit3A_906 = arith.constant 1.000000e+00 : f32
    %jit3A_907 = arith.constant 0.000000e+00 : f32
    %broadcast_in_dim3A_908 = vector.broadcast %jit3A_906 : f32 to vector<16xf32>
    %broadcast_in_dim3A_909 = vector.broadcast %jit3A_907 : f32 to vector<16xf32>
    %select_n3A_910 = arith.select %eq3A_905, %broadcast_in_dim3A_908, %broadcast_in_dim3A_909 : vector<16xi1>, vector<16xf32>
    %add3A_911 = arith.addf %add3A_904, %select_n3A_910 : vector<16xf32>
    %eq3A_912 = arith.cmpi eq, %add3A_820, %gather3A_175 : vector<16xi32>
    %jit3A_913 = arith.constant 1.000000e+00 : f32
    %jit3A_914 = arith.constant 0.000000e+00 : f32
    %broadcast_in_dim3A_915 = vector.broadcast %jit3A_913 : f32 to vector<16xf32>
    %broadcast_in_dim3A_916 = vector.broadcast %jit3A_914 : f32 to vector<16xf32>
    %select_n3A_917 = arith.select %eq3A_912, %broadcast_in_dim3A_915, %broadcast_in_dim3A_916 : vector<16xi1>, vector<16xf32>
    %add3A_918 = arith.addf %add3A_911, %select_n3A_917 : vector<16xf32>
    %eq3A_919 = arith.cmpi eq, %add3A_820, %gather3A_187 : vector<16xi32>
    %jit3A_920 = arith.constant 1.000000e+00 : f32
    %jit3A_921 = arith.constant 0.000000e+00 : f32
    %broadcast_in_dim3A_922 = vector.broadcast %jit3A_920 : f32 to vector<16xf32>
    %broadcast_in_dim3A_923 = vector.broadcast %jit3A_921 : f32 to vector<16xf32>
    %select_n3A_924 = arith.select %eq3A_919, %broadcast_in_dim3A_922, %broadcast_in_dim3A_923 : vector<16xi1>, vector<16xf32>
    %add3A_925 = arith.addf %add3A_918, %select_n3A_924 : vector<16xf32>
    %eq3A_926 = arith.cmpi eq, %add3A_820, %gather3A_199 : vector<16xi32>
    %jit3A_927 = arith.constant 1.000000e+00 : f32
    %jit3A_928 = arith.constant 0.000000e+00 : f32
    %broadcast_in_dim3A_929 = vector.broadcast %jit3A_927 : f32 to vector<16xf32>
    %broadcast_in_dim3A_930 = vector.broadcast %jit3A_928 : f32 to vector<16xf32>
    %select_n3A_931 = arith.select %eq3A_926, %broadcast_in_dim3A_929, %broadcast_in_dim3A_930 : vector<16xi1>, vector<16xf32>
    %add3A_932 = arith.addf %add3A_925, %select_n3A_931 : vector<16xf32>
    %eq3A_933 = arith.cmpi eq, %add3A_820, %gather3A_211 : vector<16xi32>
    %jit3A_934 = arith.constant 1.000000e+00 : f32
    %jit3A_935 = arith.constant 0.000000e+00 : f32
    %broadcast_in_dim3A_936 = vector.broadcast %jit3A_934 : f32 to vector<16xf32>
    %broadcast_in_dim3A_937 = vector.broadcast %jit3A_935 : f32 to vector<16xf32>
    %select_n3A_938 = arith.select %eq3A_933, %broadcast_in_dim3A_936, %broadcast_in_dim3A_937 : vector<16xi1>, vector<16xf32>
    %add3A_939 = arith.addf %add3A_932, %select_n3A_938 : vector<16xf32>
    %eq3A_940 = arith.cmpi eq, %add3A_820, %gather3A_223 : vector<16xi32>
    %jit3A_941 = arith.constant 1.000000e+00 : f32
    %jit3A_942 = arith.constant 0.000000e+00 : f32
    %broadcast_in_dim3A_943 = vector.broadcast %jit3A_941 : f32 to vector<16xf32>
    %broadcast_in_dim3A_944 = vector.broadcast %jit3A_942 : f32 to vector<16xf32>
    %select_n3A_945 = arith.select %eq3A_940, %broadcast_in_dim3A_943, %broadcast_in_dim3A_944 : vector<16xi1>, vector<16xf32>
    %add3A_946 = arith.addf %add3A_939, %select_n3A_945 : vector<16xf32>
    %eq3A_947 = arith.cmpi eq, %add3A_820, %gather3A_235 : vector<16xi32>
    %jit3A_948 = arith.constant 1.000000e+00 : f32
    %jit3A_949 = arith.constant 0.000000e+00 : f32
    %broadcast_in_dim3A_950 = vector.broadcast %jit3A_948 : f32 to vector<16xf32>
    %broadcast_in_dim3A_951 = vector.broadcast %jit3A_949 : f32 to vector<16xf32>
    %select_n3A_952 = arith.select %eq3A_947, %broadcast_in_dim3A_950, %broadcast_in_dim3A_951 : vector<16xi1>, vector<16xf32>
    %add3A_953 = arith.addf %add3A_946, %select_n3A_952 : vector<16xf32>
    %eq3A_954 = arith.cmpi eq, %add3A_820, %gather3A_247 : vector<16xi32>
    %jit3A_955 = arith.constant 1.000000e+00 : f32
    %jit3A_956 = arith.constant 0.000000e+00 : f32
    %broadcast_in_dim3A_957 = vector.broadcast %jit3A_955 : f32 to vector<16xf32>
    %broadcast_in_dim3A_958 = vector.broadcast %jit3A_956 : f32 to vector<16xf32>
    %select_n3A_959 = arith.select %eq3A_954, %broadcast_in_dim3A_957, %broadcast_in_dim3A_958 : vector<16xi1>, vector<16xf32>
    %add3A_960 = arith.addf %add3A_953, %select_n3A_959 : vector<16xf32>
    %add3A_961 = arith.constant 80 : i32
    %add3A_962 = vector.broadcast %add3A_961 : i32 to vector<16xi32>
    %add3A_963 = arith.addi %iota3A, %add3A_962 : vector<16xi32>
    %eq3A_964 = arith.cmpi eq, %add3A_963, %gather3A_19 : vector<16xi32>
    %jit3A_965 = arith.constant 1.000000e+00 : f32
    %jit3A_966 = arith.constant 0.000000e+00 : f32
    %broadcast_in_dim3A_967 = vector.broadcast %jit3A_965 : f32 to vector<16xf32>
    %broadcast_in_dim3A_968 = vector.broadcast %jit3A_966 : f32 to vector<16xf32>
    %select_n3A_969 = arith.select %eq3A_964, %broadcast_in_dim3A_967, %broadcast_in_dim3A_968 : vector<16xi1>, vector<16xf32>
    %add3A_970 = arith.addf %broadcast_in_dim3A_5, %select_n3A_969 : vector<16xf32>
    %eq3A_971 = arith.cmpi eq, %add3A_963, %gather3A_31 : vector<16xi32>
    %jit3A_972 = arith.constant 1.000000e+00 : f32
    %jit3A_973 = arith.constant 0.000000e+00 : f32
    %broadcast_in_dim3A_974 = vector.broadcast %jit3A_972 : f32 to vector<16xf32>
    %broadcast_in_dim3A_975 = vector.broadcast %jit3A_973 : f32 to vector<16xf32>
    %select_n3A_976 = arith.select %eq3A_971, %broadcast_in_dim3A_974, %broadcast_in_dim3A_975 : vector<16xi1>, vector<16xf32>
    %add3A_977 = arith.addf %add3A_970, %select_n3A_976 : vector<16xf32>
    %eq3A_978 = arith.cmpi eq, %add3A_963, %gather3A_43 : vector<16xi32>
    %jit3A_979 = arith.constant 1.000000e+00 : f32
    %jit3A_980 = arith.constant 0.000000e+00 : f32
    %broadcast_in_dim3A_981 = vector.broadcast %jit3A_979 : f32 to vector<16xf32>
    %broadcast_in_dim3A_982 = vector.broadcast %jit3A_980 : f32 to vector<16xf32>
    %select_n3A_983 = arith.select %eq3A_978, %broadcast_in_dim3A_981, %broadcast_in_dim3A_982 : vector<16xi1>, vector<16xf32>
    %add3A_984 = arith.addf %add3A_977, %select_n3A_983 : vector<16xf32>
    %eq3A_985 = arith.cmpi eq, %add3A_963, %gather3A_55 : vector<16xi32>
    %jit3A_986 = arith.constant 1.000000e+00 : f32
    %jit3A_987 = arith.constant 0.000000e+00 : f32
    %broadcast_in_dim3A_988 = vector.broadcast %jit3A_986 : f32 to vector<16xf32>
    %broadcast_in_dim3A_989 = vector.broadcast %jit3A_987 : f32 to vector<16xf32>
    %select_n3A_990 = arith.select %eq3A_985, %broadcast_in_dim3A_988, %broadcast_in_dim3A_989 : vector<16xi1>, vector<16xf32>
    %add3A_991 = arith.addf %add3A_984, %select_n3A_990 : vector<16xf32>
    %eq3A_992 = arith.cmpi eq, %add3A_963, %gather3A_67 : vector<16xi32>
    %jit3A_993 = arith.constant 1.000000e+00 : f32
    %jit3A_994 = arith.constant 0.000000e+00 : f32
    %broadcast_in_dim3A_995 = vector.broadcast %jit3A_993 : f32 to vector<16xf32>
    %broadcast_in_dim3A_996 = vector.broadcast %jit3A_994 : f32 to vector<16xf32>
    %select_n3A_997 = arith.select %eq3A_992, %broadcast_in_dim3A_995, %broadcast_in_dim3A_996 : vector<16xi1>, vector<16xf32>
    %add3A_998 = arith.addf %add3A_991, %select_n3A_997 : vector<16xf32>
    %eq3A_999 = arith.cmpi eq, %add3A_963, %gather3A_79 : vector<16xi32>
    %jit3A_1000 = arith.constant 1.000000e+00 : f32
    %jit3A_1001 = arith.constant 0.000000e+00 : f32
    %broadcast_in_dim3A_1002 = vector.broadcast %jit3A_1000 : f32 to vector<16xf32>
    %broadcast_in_dim3A_1003 = vector.broadcast %jit3A_1001 : f32 to vector<16xf32>
    %select_n3A_1004 = arith.select %eq3A_999, %broadcast_in_dim3A_1002, %broadcast_in_dim3A_1003 : vector<16xi1>, vector<16xf32>
    %add3A_1005 = arith.addf %add3A_998, %select_n3A_1004 : vector<16xf32>
    %eq3A_1006 = arith.cmpi eq, %add3A_963, %gather3A_91 : vector<16xi32>
    %jit3A_1007 = arith.constant 1.000000e+00 : f32
    %jit3A_1008 = arith.constant 0.000000e+00 : f32
    %broadcast_in_dim3A_1009 = vector.broadcast %jit3A_1007 : f32 to vector<16xf32>
    %broadcast_in_dim3A_1010 = vector.broadcast %jit3A_1008 : f32 to vector<16xf32>
    %select_n3A_1011 = arith.select %eq3A_1006, %broadcast_in_dim3A_1009, %broadcast_in_dim3A_1010 : vector<16xi1>, vector<16xf32>
    %add3A_1012 = arith.addf %add3A_1005, %select_n3A_1011 : vector<16xf32>
    %eq3A_1013 = arith.cmpi eq, %add3A_963, %gather3A_103 : vector<16xi32>
    %jit3A_1014 = arith.constant 1.000000e+00 : f32
    %jit3A_1015 = arith.constant 0.000000e+00 : f32
    %broadcast_in_dim3A_1016 = vector.broadcast %jit3A_1014 : f32 to vector<16xf32>
    %broadcast_in_dim3A_1017 = vector.broadcast %jit3A_1015 : f32 to vector<16xf32>
    %select_n3A_1018 = arith.select %eq3A_1013, %broadcast_in_dim3A_1016, %broadcast_in_dim3A_1017 : vector<16xi1>, vector<16xf32>
    %add3A_1019 = arith.addf %add3A_1012, %select_n3A_1018 : vector<16xf32>
    %eq3A_1020 = arith.cmpi eq, %add3A_963, %gather3A_115 : vector<16xi32>
    %jit3A_1021 = arith.constant 1.000000e+00 : f32
    %jit3A_1022 = arith.constant 0.000000e+00 : f32
    %broadcast_in_dim3A_1023 = vector.broadcast %jit3A_1021 : f32 to vector<16xf32>
    %broadcast_in_dim3A_1024 = vector.broadcast %jit3A_1022 : f32 to vector<16xf32>
    %select_n3A_1025 = arith.select %eq3A_1020, %broadcast_in_dim3A_1023, %broadcast_in_dim3A_1024 : vector<16xi1>, vector<16xf32>
    %add3A_1026 = arith.addf %add3A_1019, %select_n3A_1025 : vector<16xf32>
    %eq3A_1027 = arith.cmpi eq, %add3A_963, %gather3A_127 : vector<16xi32>
    %jit3A_1028 = arith.constant 1.000000e+00 : f32
    %jit3A_1029 = arith.constant 0.000000e+00 : f32
    %broadcast_in_dim3A_1030 = vector.broadcast %jit3A_1028 : f32 to vector<16xf32>
    %broadcast_in_dim3A_1031 = vector.broadcast %jit3A_1029 : f32 to vector<16xf32>
    %select_n3A_1032 = arith.select %eq3A_1027, %broadcast_in_dim3A_1030, %broadcast_in_dim3A_1031 : vector<16xi1>, vector<16xf32>
    %add3A_1033 = arith.addf %add3A_1026, %select_n3A_1032 : vector<16xf32>
    %eq3A_1034 = arith.cmpi eq, %add3A_963, %gather3A_139 : vector<16xi32>
    %jit3A_1035 = arith.constant 1.000000e+00 : f32
    %jit3A_1036 = arith.constant 0.000000e+00 : f32
    %broadcast_in_dim3A_1037 = vector.broadcast %jit3A_1035 : f32 to vector<16xf32>
    %broadcast_in_dim3A_1038 = vector.broadcast %jit3A_1036 : f32 to vector<16xf32>
    %select_n3A_1039 = arith.select %eq3A_1034, %broadcast_in_dim3A_1037, %broadcast_in_dim3A_1038 : vector<16xi1>, vector<16xf32>
    %add3A_1040 = arith.addf %add3A_1033, %select_n3A_1039 : vector<16xf32>
    %eq3A_1041 = arith.cmpi eq, %add3A_963, %gather3A_151 : vector<16xi32>
    %jit3A_1042 = arith.constant 1.000000e+00 : f32
    %jit3A_1043 = arith.constant 0.000000e+00 : f32
    %broadcast_in_dim3A_1044 = vector.broadcast %jit3A_1042 : f32 to vector<16xf32>
    %broadcast_in_dim3A_1045 = vector.broadcast %jit3A_1043 : f32 to vector<16xf32>
    %select_n3A_1046 = arith.select %eq3A_1041, %broadcast_in_dim3A_1044, %broadcast_in_dim3A_1045 : vector<16xi1>, vector<16xf32>
    %add3A_1047 = arith.addf %add3A_1040, %select_n3A_1046 : vector<16xf32>
    %eq3A_1048 = arith.cmpi eq, %add3A_963, %gather3A_163 : vector<16xi32>
    %jit3A_1049 = arith.constant 1.000000e+00 : f32
    %jit3A_1050 = arith.constant 0.000000e+00 : f32
    %broadcast_in_dim3A_1051 = vector.broadcast %jit3A_1049 : f32 to vector<16xf32>
    %broadcast_in_dim3A_1052 = vector.broadcast %jit3A_1050 : f32 to vector<16xf32>
    %select_n3A_1053 = arith.select %eq3A_1048, %broadcast_in_dim3A_1051, %broadcast_in_dim3A_1052 : vector<16xi1>, vector<16xf32>
    %add3A_1054 = arith.addf %add3A_1047, %select_n3A_1053 : vector<16xf32>
    %eq3A_1055 = arith.cmpi eq, %add3A_963, %gather3A_175 : vector<16xi32>
    %jit3A_1056 = arith.constant 1.000000e+00 : f32
    %jit3A_1057 = arith.constant 0.000000e+00 : f32
    %broadcast_in_dim3A_1058 = vector.broadcast %jit3A_1056 : f32 to vector<16xf32>
    %broadcast_in_dim3A_1059 = vector.broadcast %jit3A_1057 : f32 to vector<16xf32>
    %select_n3A_1060 = arith.select %eq3A_1055, %broadcast_in_dim3A_1058, %broadcast_in_dim3A_1059 : vector<16xi1>, vector<16xf32>
    %add3A_1061 = arith.addf %add3A_1054, %select_n3A_1060 : vector<16xf32>
    %eq3A_1062 = arith.cmpi eq, %add3A_963, %gather3A_187 : vector<16xi32>
    %jit3A_1063 = arith.constant 1.000000e+00 : f32
    %jit3A_1064 = arith.constant 0.000000e+00 : f32
    %broadcast_in_dim3A_1065 = vector.broadcast %jit3A_1063 : f32 to vector<16xf32>
    %broadcast_in_dim3A_1066 = vector.broadcast %jit3A_1064 : f32 to vector<16xf32>
    %select_n3A_1067 = arith.select %eq3A_1062, %broadcast_in_dim3A_1065, %broadcast_in_dim3A_1066 : vector<16xi1>, vector<16xf32>
    %add3A_1068 = arith.addf %add3A_1061, %select_n3A_1067 : vector<16xf32>
    %eq3A_1069 = arith.cmpi eq, %add3A_963, %gather3A_199 : vector<16xi32>
    %jit3A_1070 = arith.constant 1.000000e+00 : f32
    %jit3A_1071 = arith.constant 0.000000e+00 : f32
    %broadcast_in_dim3A_1072 = vector.broadcast %jit3A_1070 : f32 to vector<16xf32>
    %broadcast_in_dim3A_1073 = vector.broadcast %jit3A_1071 : f32 to vector<16xf32>
    %select_n3A_1074 = arith.select %eq3A_1069, %broadcast_in_dim3A_1072, %broadcast_in_dim3A_1073 : vector<16xi1>, vector<16xf32>
    %add3A_1075 = arith.addf %add3A_1068, %select_n3A_1074 : vector<16xf32>
    %eq3A_1076 = arith.cmpi eq, %add3A_963, %gather3A_211 : vector<16xi32>
    %jit3A_1077 = arith.constant 1.000000e+00 : f32
    %jit3A_1078 = arith.constant 0.000000e+00 : f32
    %broadcast_in_dim3A_1079 = vector.broadcast %jit3A_1077 : f32 to vector<16xf32>
    %broadcast_in_dim3A_1080 = vector.broadcast %jit3A_1078 : f32 to vector<16xf32>
    %select_n3A_1081 = arith.select %eq3A_1076, %broadcast_in_dim3A_1079, %broadcast_in_dim3A_1080 : vector<16xi1>, vector<16xf32>
    %add3A_1082 = arith.addf %add3A_1075, %select_n3A_1081 : vector<16xf32>
    %eq3A_1083 = arith.cmpi eq, %add3A_963, %gather3A_223 : vector<16xi32>
    %jit3A_1084 = arith.constant 1.000000e+00 : f32
    %jit3A_1085 = arith.constant 0.000000e+00 : f32
    %broadcast_in_dim3A_1086 = vector.broadcast %jit3A_1084 : f32 to vector<16xf32>
    %broadcast_in_dim3A_1087 = vector.broadcast %jit3A_1085 : f32 to vector<16xf32>
    %select_n3A_1088 = arith.select %eq3A_1083, %broadcast_in_dim3A_1086, %broadcast_in_dim3A_1087 : vector<16xi1>, vector<16xf32>
    %add3A_1089 = arith.addf %add3A_1082, %select_n3A_1088 : vector<16xf32>
    %eq3A_1090 = arith.cmpi eq, %add3A_963, %gather3A_235 : vector<16xi32>
    %jit3A_1091 = arith.constant 1.000000e+00 : f32
    %jit3A_1092 = arith.constant 0.000000e+00 : f32
    %broadcast_in_dim3A_1093 = vector.broadcast %jit3A_1091 : f32 to vector<16xf32>
    %broadcast_in_dim3A_1094 = vector.broadcast %jit3A_1092 : f32 to vector<16xf32>
    %select_n3A_1095 = arith.select %eq3A_1090, %broadcast_in_dim3A_1093, %broadcast_in_dim3A_1094 : vector<16xi1>, vector<16xf32>
    %add3A_1096 = arith.addf %add3A_1089, %select_n3A_1095 : vector<16xf32>
    %eq3A_1097 = arith.cmpi eq, %add3A_963, %gather3A_247 : vector<16xi32>
    %jit3A_1098 = arith.constant 1.000000e+00 : f32
    %jit3A_1099 = arith.constant 0.000000e+00 : f32
    %broadcast_in_dim3A_1100 = vector.broadcast %jit3A_1098 : f32 to vector<16xf32>
    %broadcast_in_dim3A_1101 = vector.broadcast %jit3A_1099 : f32 to vector<16xf32>
    %select_n3A_1102 = arith.select %eq3A_1097, %broadcast_in_dim3A_1100, %broadcast_in_dim3A_1101 : vector<16xi1>, vector<16xf32>
    %add3A_1103 = arith.addf %add3A_1096, %select_n3A_1102 : vector<16xf32>
    %add3A_1104 = arith.constant 96 : i32
    %add3A_1105 = vector.broadcast %add3A_1104 : i32 to vector<16xi32>
    %add3A_1106 = arith.addi %iota3A, %add3A_1105 : vector<16xi32>
    %eq3A_1107 = arith.cmpi eq, %add3A_1106, %gather3A_19 : vector<16xi32>
    %jit3A_1108 = arith.constant 1.000000e+00 : f32
    %jit3A_1109 = arith.constant 0.000000e+00 : f32
    %broadcast_in_dim3A_1110 = vector.broadcast %jit3A_1108 : f32 to vector<16xf32>
    %broadcast_in_dim3A_1111 = vector.broadcast %jit3A_1109 : f32 to vector<16xf32>
    %select_n3A_1112 = arith.select %eq3A_1107, %broadcast_in_dim3A_1110, %broadcast_in_dim3A_1111 : vector<16xi1>, vector<16xf32>
    %add3A_1113 = arith.addf %broadcast_in_dim3A_5, %select_n3A_1112 : vector<16xf32>
    %eq3A_1114 = arith.cmpi eq, %add3A_1106, %gather3A_31 : vector<16xi32>
    %jit3A_1115 = arith.constant 1.000000e+00 : f32
    %jit3A_1116 = arith.constant 0.000000e+00 : f32
    %broadcast_in_dim3A_1117 = vector.broadcast %jit3A_1115 : f32 to vector<16xf32>
    %broadcast_in_dim3A_1118 = vector.broadcast %jit3A_1116 : f32 to vector<16xf32>
    %select_n3A_1119 = arith.select %eq3A_1114, %broadcast_in_dim3A_1117, %broadcast_in_dim3A_1118 : vector<16xi1>, vector<16xf32>
    %add3A_1120 = arith.addf %add3A_1113, %select_n3A_1119 : vector<16xf32>
    %eq3A_1121 = arith.cmpi eq, %add3A_1106, %gather3A_43 : vector<16xi32>
    %jit3A_1122 = arith.constant 1.000000e+00 : f32
    %jit3A_1123 = arith.constant 0.000000e+00 : f32
    %broadcast_in_dim3A_1124 = vector.broadcast %jit3A_1122 : f32 to vector<16xf32>
    %broadcast_in_dim3A_1125 = vector.broadcast %jit3A_1123 : f32 to vector<16xf32>
    %select_n3A_1126 = arith.select %eq3A_1121, %broadcast_in_dim3A_1124, %broadcast_in_dim3A_1125 : vector<16xi1>, vector<16xf32>
    %add3A_1127 = arith.addf %add3A_1120, %select_n3A_1126 : vector<16xf32>
    %eq3A_1128 = arith.cmpi eq, %add3A_1106, %gather3A_55 : vector<16xi32>
    %jit3A_1129 = arith.constant 1.000000e+00 : f32
    %jit3A_1130 = arith.constant 0.000000e+00 : f32
    %broadcast_in_dim3A_1131 = vector.broadcast %jit3A_1129 : f32 to vector<16xf32>
    %broadcast_in_dim3A_1132 = vector.broadcast %jit3A_1130 : f32 to vector<16xf32>
    %select_n3A_1133 = arith.select %eq3A_1128, %broadcast_in_dim3A_1131, %broadcast_in_dim3A_1132 : vector<16xi1>, vector<16xf32>
    %add3A_1134 = arith.addf %add3A_1127, %select_n3A_1133 : vector<16xf32>
    %eq3A_1135 = arith.cmpi eq, %add3A_1106, %gather3A_67 : vector<16xi32>
    %jit3A_1136 = arith.constant 1.000000e+00 : f32
    %jit3A_1137 = arith.constant 0.000000e+00 : f32
    %broadcast_in_dim3A_1138 = vector.broadcast %jit3A_1136 : f32 to vector<16xf32>
    %broadcast_in_dim3A_1139 = vector.broadcast %jit3A_1137 : f32 to vector<16xf32>
    %select_n3A_1140 = arith.select %eq3A_1135, %broadcast_in_dim3A_1138, %broadcast_in_dim3A_1139 : vector<16xi1>, vector<16xf32>
    %add3A_1141 = arith.addf %add3A_1134, %select_n3A_1140 : vector<16xf32>
    %eq3A_1142 = arith.cmpi eq, %add3A_1106, %gather3A_79 : vector<16xi32>
    %jit3A_1143 = arith.constant 1.000000e+00 : f32
    %jit3A_1144 = arith.constant 0.000000e+00 : f32
    %broadcast_in_dim3A_1145 = vector.broadcast %jit3A_1143 : f32 to vector<16xf32>
    %broadcast_in_dim3A_1146 = vector.broadcast %jit3A_1144 : f32 to vector<16xf32>
    %select_n3A_1147 = arith.select %eq3A_1142, %broadcast_in_dim3A_1145, %broadcast_in_dim3A_1146 : vector<16xi1>, vector<16xf32>
    %add3A_1148 = arith.addf %add3A_1141, %select_n3A_1147 : vector<16xf32>
    %eq3A_1149 = arith.cmpi eq, %add3A_1106, %gather3A_91 : vector<16xi32>
    %jit3A_1150 = arith.constant 1.000000e+00 : f32
    %jit3A_1151 = arith.constant 0.000000e+00 : f32
    %broadcast_in_dim3A_1152 = vector.broadcast %jit3A_1150 : f32 to vector<16xf32>
    %broadcast_in_dim3A_1153 = vector.broadcast %jit3A_1151 : f32 to vector<16xf32>
    %select_n3A_1154 = arith.select %eq3A_1149, %broadcast_in_dim3A_1152, %broadcast_in_dim3A_1153 : vector<16xi1>, vector<16xf32>
    %add3A_1155 = arith.addf %add3A_1148, %select_n3A_1154 : vector<16xf32>
    %eq3A_1156 = arith.cmpi eq, %add3A_1106, %gather3A_103 : vector<16xi32>
    %jit3A_1157 = arith.constant 1.000000e+00 : f32
    %jit3A_1158 = arith.constant 0.000000e+00 : f32
    %broadcast_in_dim3A_1159 = vector.broadcast %jit3A_1157 : f32 to vector<16xf32>
    %broadcast_in_dim3A_1160 = vector.broadcast %jit3A_1158 : f32 to vector<16xf32>
    %select_n3A_1161 = arith.select %eq3A_1156, %broadcast_in_dim3A_1159, %broadcast_in_dim3A_1160 : vector<16xi1>, vector<16xf32>
    %add3A_1162 = arith.addf %add3A_1155, %select_n3A_1161 : vector<16xf32>
    %eq3A_1163 = arith.cmpi eq, %add3A_1106, %gather3A_115 : vector<16xi32>
    %jit3A_1164 = arith.constant 1.000000e+00 : f32
    %jit3A_1165 = arith.constant 0.000000e+00 : f32
    %broadcast_in_dim3A_1166 = vector.broadcast %jit3A_1164 : f32 to vector<16xf32>
    %broadcast_in_dim3A_1167 = vector.broadcast %jit3A_1165 : f32 to vector<16xf32>
    %select_n3A_1168 = arith.select %eq3A_1163, %broadcast_in_dim3A_1166, %broadcast_in_dim3A_1167 : vector<16xi1>, vector<16xf32>
    %add3A_1169 = arith.addf %add3A_1162, %select_n3A_1168 : vector<16xf32>
    %eq3A_1170 = arith.cmpi eq, %add3A_1106, %gather3A_127 : vector<16xi32>
    %jit3A_1171 = arith.constant 1.000000e+00 : f32
    %jit3A_1172 = arith.constant 0.000000e+00 : f32
    %broadcast_in_dim3A_1173 = vector.broadcast %jit3A_1171 : f32 to vector<16xf32>
    %broadcast_in_dim3A_1174 = vector.broadcast %jit3A_1172 : f32 to vector<16xf32>
    %select_n3A_1175 = arith.select %eq3A_1170, %broadcast_in_dim3A_1173, %broadcast_in_dim3A_1174 : vector<16xi1>, vector<16xf32>
    %add3A_1176 = arith.addf %add3A_1169, %select_n3A_1175 : vector<16xf32>
    %eq3A_1177 = arith.cmpi eq, %add3A_1106, %gather3A_139 : vector<16xi32>
    %jit3A_1178 = arith.constant 1.000000e+00 : f32
    %jit3A_1179 = arith.constant 0.000000e+00 : f32
    %broadcast_in_dim3A_1180 = vector.broadcast %jit3A_1178 : f32 to vector<16xf32>
    %broadcast_in_dim3A_1181 = vector.broadcast %jit3A_1179 : f32 to vector<16xf32>
    %select_n3A_1182 = arith.select %eq3A_1177, %broadcast_in_dim3A_1180, %broadcast_in_dim3A_1181 : vector<16xi1>, vector<16xf32>
    %add3A_1183 = arith.addf %add3A_1176, %select_n3A_1182 : vector<16xf32>
    %eq3A_1184 = arith.cmpi eq, %add3A_1106, %gather3A_151 : vector<16xi32>
    %jit3A_1185 = arith.constant 1.000000e+00 : f32
    %jit3A_1186 = arith.constant 0.000000e+00 : f32
    %broadcast_in_dim3A_1187 = vector.broadcast %jit3A_1185 : f32 to vector<16xf32>
    %broadcast_in_dim3A_1188 = vector.broadcast %jit3A_1186 : f32 to vector<16xf32>
    %select_n3A_1189 = arith.select %eq3A_1184, %broadcast_in_dim3A_1187, %broadcast_in_dim3A_1188 : vector<16xi1>, vector<16xf32>
    %add3A_1190 = arith.addf %add3A_1183, %select_n3A_1189 : vector<16xf32>
    %eq3A_1191 = arith.cmpi eq, %add3A_1106, %gather3A_163 : vector<16xi32>
    %jit3A_1192 = arith.constant 1.000000e+00 : f32
    %jit3A_1193 = arith.constant 0.000000e+00 : f32
    %broadcast_in_dim3A_1194 = vector.broadcast %jit3A_1192 : f32 to vector<16xf32>
    %broadcast_in_dim3A_1195 = vector.broadcast %jit3A_1193 : f32 to vector<16xf32>
    %select_n3A_1196 = arith.select %eq3A_1191, %broadcast_in_dim3A_1194, %broadcast_in_dim3A_1195 : vector<16xi1>, vector<16xf32>
    %add3A_1197 = arith.addf %add3A_1190, %select_n3A_1196 : vector<16xf32>
    %eq3A_1198 = arith.cmpi eq, %add3A_1106, %gather3A_175 : vector<16xi32>
    %jit3A_1199 = arith.constant 1.000000e+00 : f32
    %jit3A_1200 = arith.constant 0.000000e+00 : f32
    %broadcast_in_dim3A_1201 = vector.broadcast %jit3A_1199 : f32 to vector<16xf32>
    %broadcast_in_dim3A_1202 = vector.broadcast %jit3A_1200 : f32 to vector<16xf32>
    %select_n3A_1203 = arith.select %eq3A_1198, %broadcast_in_dim3A_1201, %broadcast_in_dim3A_1202 : vector<16xi1>, vector<16xf32>
    %add3A_1204 = arith.addf %add3A_1197, %select_n3A_1203 : vector<16xf32>
    %eq3A_1205 = arith.cmpi eq, %add3A_1106, %gather3A_187 : vector<16xi32>
    %jit3A_1206 = arith.constant 1.000000e+00 : f32
    %jit3A_1207 = arith.constant 0.000000e+00 : f32
    %broadcast_in_dim3A_1208 = vector.broadcast %jit3A_1206 : f32 to vector<16xf32>
    %broadcast_in_dim3A_1209 = vector.broadcast %jit3A_1207 : f32 to vector<16xf32>
    %select_n3A_1210 = arith.select %eq3A_1205, %broadcast_in_dim3A_1208, %broadcast_in_dim3A_1209 : vector<16xi1>, vector<16xf32>
    %add3A_1211 = arith.addf %add3A_1204, %select_n3A_1210 : vector<16xf32>
    %eq3A_1212 = arith.cmpi eq, %add3A_1106, %gather3A_199 : vector<16xi32>
    %jit3A_1213 = arith.constant 1.000000e+00 : f32
    %jit3A_1214 = arith.constant 0.000000e+00 : f32
    %broadcast_in_dim3A_1215 = vector.broadcast %jit3A_1213 : f32 to vector<16xf32>
    %broadcast_in_dim3A_1216 = vector.broadcast %jit3A_1214 : f32 to vector<16xf32>
    %select_n3A_1217 = arith.select %eq3A_1212, %broadcast_in_dim3A_1215, %broadcast_in_dim3A_1216 : vector<16xi1>, vector<16xf32>
    %add3A_1218 = arith.addf %add3A_1211, %select_n3A_1217 : vector<16xf32>
    %eq3A_1219 = arith.cmpi eq, %add3A_1106, %gather3A_211 : vector<16xi32>
    %jit3A_1220 = arith.constant 1.000000e+00 : f32
    %jit3A_1221 = arith.constant 0.000000e+00 : f32
    %broadcast_in_dim3A_1222 = vector.broadcast %jit3A_1220 : f32 to vector<16xf32>
    %broadcast_in_dim3A_1223 = vector.broadcast %jit3A_1221 : f32 to vector<16xf32>
    %select_n3A_1224 = arith.select %eq3A_1219, %broadcast_in_dim3A_1222, %broadcast_in_dim3A_1223 : vector<16xi1>, vector<16xf32>
    %add3A_1225 = arith.addf %add3A_1218, %select_n3A_1224 : vector<16xf32>
    %eq3A_1226 = arith.cmpi eq, %add3A_1106, %gather3A_223 : vector<16xi32>
    %jit3A_1227 = arith.constant 1.000000e+00 : f32
    %jit3A_1228 = arith.constant 0.000000e+00 : f32
    %broadcast_in_dim3A_1229 = vector.broadcast %jit3A_1227 : f32 to vector<16xf32>
    %broadcast_in_dim3A_1230 = vector.broadcast %jit3A_1228 : f32 to vector<16xf32>
    %select_n3A_1231 = arith.select %eq3A_1226, %broadcast_in_dim3A_1229, %broadcast_in_dim3A_1230 : vector<16xi1>, vector<16xf32>
    %add3A_1232 = arith.addf %add3A_1225, %select_n3A_1231 : vector<16xf32>
    %eq3A_1233 = arith.cmpi eq, %add3A_1106, %gather3A_235 : vector<16xi32>
    %jit3A_1234 = arith.constant 1.000000e+00 : f32
    %jit3A_1235 = arith.constant 0.000000e+00 : f32
    %broadcast_in_dim3A_1236 = vector.broadcast %jit3A_1234 : f32 to vector<16xf32>
    %broadcast_in_dim3A_1237 = vector.broadcast %jit3A_1235 : f32 to vector<16xf32>
    %select_n3A_1238 = arith.select %eq3A_1233, %broadcast_in_dim3A_1236, %broadcast_in_dim3A_1237 : vector<16xi1>, vector<16xf32>
    %add3A_1239 = arith.addf %add3A_1232, %select_n3A_1238 : vector<16xf32>
    %eq3A_1240 = arith.cmpi eq, %add3A_1106, %gather3A_247 : vector<16xi32>
    %jit3A_1241 = arith.constant 1.000000e+00 : f32
    %jit3A_1242 = arith.constant 0.000000e+00 : f32
    %broadcast_in_dim3A_1243 = vector.broadcast %jit3A_1241 : f32 to vector<16xf32>
    %broadcast_in_dim3A_1244 = vector.broadcast %jit3A_1242 : f32 to vector<16xf32>
    %select_n3A_1245 = arith.select %eq3A_1240, %broadcast_in_dim3A_1243, %broadcast_in_dim3A_1244 : vector<16xi1>, vector<16xf32>
    %add3A_1246 = arith.addf %add3A_1239, %select_n3A_1245 : vector<16xf32>
    %add3A_1247 = arith.constant 112 : i32
    %add3A_1248 = vector.broadcast %add3A_1247 : i32 to vector<16xi32>
    %add3A_1249 = arith.addi %iota3A, %add3A_1248 : vector<16xi32>
    %eq3A_1250 = arith.cmpi eq, %add3A_1249, %gather3A_19 : vector<16xi32>
    %jit3A_1251 = arith.constant 1.000000e+00 : f32
    %jit3A_1252 = arith.constant 0.000000e+00 : f32
    %broadcast_in_dim3A_1253 = vector.broadcast %jit3A_1251 : f32 to vector<16xf32>
    %broadcast_in_dim3A_1254 = vector.broadcast %jit3A_1252 : f32 to vector<16xf32>
    %select_n3A_1255 = arith.select %eq3A_1250, %broadcast_in_dim3A_1253, %broadcast_in_dim3A_1254 : vector<16xi1>, vector<16xf32>
    %add3A_1256 = arith.addf %broadcast_in_dim3A_5, %select_n3A_1255 : vector<16xf32>
    %eq3A_1257 = arith.cmpi eq, %add3A_1249, %gather3A_31 : vector<16xi32>
    %jit3A_1258 = arith.constant 1.000000e+00 : f32
    %jit3A_1259 = arith.constant 0.000000e+00 : f32
    %broadcast_in_dim3A_1260 = vector.broadcast %jit3A_1258 : f32 to vector<16xf32>
    %broadcast_in_dim3A_1261 = vector.broadcast %jit3A_1259 : f32 to vector<16xf32>
    %select_n3A_1262 = arith.select %eq3A_1257, %broadcast_in_dim3A_1260, %broadcast_in_dim3A_1261 : vector<16xi1>, vector<16xf32>
    %add3A_1263 = arith.addf %add3A_1256, %select_n3A_1262 : vector<16xf32>
    %eq3A_1264 = arith.cmpi eq, %add3A_1249, %gather3A_43 : vector<16xi32>
    %jit3A_1265 = arith.constant 1.000000e+00 : f32
    %jit3A_1266 = arith.constant 0.000000e+00 : f32
    %broadcast_in_dim3A_1267 = vector.broadcast %jit3A_1265 : f32 to vector<16xf32>
    %broadcast_in_dim3A_1268 = vector.broadcast %jit3A_1266 : f32 to vector<16xf32>
    %select_n3A_1269 = arith.select %eq3A_1264, %broadcast_in_dim3A_1267, %broadcast_in_dim3A_1268 : vector<16xi1>, vector<16xf32>
    %add3A_1270 = arith.addf %add3A_1263, %select_n3A_1269 : vector<16xf32>
    %eq3A_1271 = arith.cmpi eq, %add3A_1249, %gather3A_55 : vector<16xi32>
    %jit3A_1272 = arith.constant 1.000000e+00 : f32
    %jit3A_1273 = arith.constant 0.000000e+00 : f32
    %broadcast_in_dim3A_1274 = vector.broadcast %jit3A_1272 : f32 to vector<16xf32>
    %broadcast_in_dim3A_1275 = vector.broadcast %jit3A_1273 : f32 to vector<16xf32>
    %select_n3A_1276 = arith.select %eq3A_1271, %broadcast_in_dim3A_1274, %broadcast_in_dim3A_1275 : vector<16xi1>, vector<16xf32>
    %add3A_1277 = arith.addf %add3A_1270, %select_n3A_1276 : vector<16xf32>
    %eq3A_1278 = arith.cmpi eq, %add3A_1249, %gather3A_67 : vector<16xi32>
    %jit3A_1279 = arith.constant 1.000000e+00 : f32
    %jit3A_1280 = arith.constant 0.000000e+00 : f32
    %broadcast_in_dim3A_1281 = vector.broadcast %jit3A_1279 : f32 to vector<16xf32>
    %broadcast_in_dim3A_1282 = vector.broadcast %jit3A_1280 : f32 to vector<16xf32>
    %select_n3A_1283 = arith.select %eq3A_1278, %broadcast_in_dim3A_1281, %broadcast_in_dim3A_1282 : vector<16xi1>, vector<16xf32>
    %add3A_1284 = arith.addf %add3A_1277, %select_n3A_1283 : vector<16xf32>
    %eq3A_1285 = arith.cmpi eq, %add3A_1249, %gather3A_79 : vector<16xi32>
    %jit3A_1286 = arith.constant 1.000000e+00 : f32
    %jit3A_1287 = arith.constant 0.000000e+00 : f32
    %broadcast_in_dim3A_1288 = vector.broadcast %jit3A_1286 : f32 to vector<16xf32>
    %broadcast_in_dim3A_1289 = vector.broadcast %jit3A_1287 : f32 to vector<16xf32>
    %select_n3A_1290 = arith.select %eq3A_1285, %broadcast_in_dim3A_1288, %broadcast_in_dim3A_1289 : vector<16xi1>, vector<16xf32>
    %add3A_1291 = arith.addf %add3A_1284, %select_n3A_1290 : vector<16xf32>
    %eq3A_1292 = arith.cmpi eq, %add3A_1249, %gather3A_91 : vector<16xi32>
    %jit3A_1293 = arith.constant 1.000000e+00 : f32
    %jit3A_1294 = arith.constant 0.000000e+00 : f32
    %broadcast_in_dim3A_1295 = vector.broadcast %jit3A_1293 : f32 to vector<16xf32>
    %broadcast_in_dim3A_1296 = vector.broadcast %jit3A_1294 : f32 to vector<16xf32>
    %select_n3A_1297 = arith.select %eq3A_1292, %broadcast_in_dim3A_1295, %broadcast_in_dim3A_1296 : vector<16xi1>, vector<16xf32>
    %add3A_1298 = arith.addf %add3A_1291, %select_n3A_1297 : vector<16xf32>
    %eq3A_1299 = arith.cmpi eq, %add3A_1249, %gather3A_103 : vector<16xi32>
    %jit3A_1300 = arith.constant 1.000000e+00 : f32
    %jit3A_1301 = arith.constant 0.000000e+00 : f32
    %broadcast_in_dim3A_1302 = vector.broadcast %jit3A_1300 : f32 to vector<16xf32>
    %broadcast_in_dim3A_1303 = vector.broadcast %jit3A_1301 : f32 to vector<16xf32>
    %select_n3A_1304 = arith.select %eq3A_1299, %broadcast_in_dim3A_1302, %broadcast_in_dim3A_1303 : vector<16xi1>, vector<16xf32>
    %add3A_1305 = arith.addf %add3A_1298, %select_n3A_1304 : vector<16xf32>
    %eq3A_1306 = arith.cmpi eq, %add3A_1249, %gather3A_115 : vector<16xi32>
    %jit3A_1307 = arith.constant 1.000000e+00 : f32
    %jit3A_1308 = arith.constant 0.000000e+00 : f32
    %broadcast_in_dim3A_1309 = vector.broadcast %jit3A_1307 : f32 to vector<16xf32>
    %broadcast_in_dim3A_1310 = vector.broadcast %jit3A_1308 : f32 to vector<16xf32>
    %select_n3A_1311 = arith.select %eq3A_1306, %broadcast_in_dim3A_1309, %broadcast_in_dim3A_1310 : vector<16xi1>, vector<16xf32>
    %add3A_1312 = arith.addf %add3A_1305, %select_n3A_1311 : vector<16xf32>
    %eq3A_1313 = arith.cmpi eq, %add3A_1249, %gather3A_127 : vector<16xi32>
    %jit3A_1314 = arith.constant 1.000000e+00 : f32
    %jit3A_1315 = arith.constant 0.000000e+00 : f32
    %broadcast_in_dim3A_1316 = vector.broadcast %jit3A_1314 : f32 to vector<16xf32>
    %broadcast_in_dim3A_1317 = vector.broadcast %jit3A_1315 : f32 to vector<16xf32>
    %select_n3A_1318 = arith.select %eq3A_1313, %broadcast_in_dim3A_1316, %broadcast_in_dim3A_1317 : vector<16xi1>, vector<16xf32>
    %add3A_1319 = arith.addf %add3A_1312, %select_n3A_1318 : vector<16xf32>
    %eq3A_1320 = arith.cmpi eq, %add3A_1249, %gather3A_139 : vector<16xi32>
    %jit3A_1321 = arith.constant 1.000000e+00 : f32
    %jit3A_1322 = arith.constant 0.000000e+00 : f32
    %broadcast_in_dim3A_1323 = vector.broadcast %jit3A_1321 : f32 to vector<16xf32>
    %broadcast_in_dim3A_1324 = vector.broadcast %jit3A_1322 : f32 to vector<16xf32>
    %select_n3A_1325 = arith.select %eq3A_1320, %broadcast_in_dim3A_1323, %broadcast_in_dim3A_1324 : vector<16xi1>, vector<16xf32>
    %add3A_1326 = arith.addf %add3A_1319, %select_n3A_1325 : vector<16xf32>
    %eq3A_1327 = arith.cmpi eq, %add3A_1249, %gather3A_151 : vector<16xi32>
    %jit3A_1328 = arith.constant 1.000000e+00 : f32
    %jit3A_1329 = arith.constant 0.000000e+00 : f32
    %broadcast_in_dim3A_1330 = vector.broadcast %jit3A_1328 : f32 to vector<16xf32>
    %broadcast_in_dim3A_1331 = vector.broadcast %jit3A_1329 : f32 to vector<16xf32>
    %select_n3A_1332 = arith.select %eq3A_1327, %broadcast_in_dim3A_1330, %broadcast_in_dim3A_1331 : vector<16xi1>, vector<16xf32>
    %add3A_1333 = arith.addf %add3A_1326, %select_n3A_1332 : vector<16xf32>
    %eq3A_1334 = arith.cmpi eq, %add3A_1249, %gather3A_163 : vector<16xi32>
    %jit3A_1335 = arith.constant 1.000000e+00 : f32
    %jit3A_1336 = arith.constant 0.000000e+00 : f32
    %broadcast_in_dim3A_1337 = vector.broadcast %jit3A_1335 : f32 to vector<16xf32>
    %broadcast_in_dim3A_1338 = vector.broadcast %jit3A_1336 : f32 to vector<16xf32>
    %select_n3A_1339 = arith.select %eq3A_1334, %broadcast_in_dim3A_1337, %broadcast_in_dim3A_1338 : vector<16xi1>, vector<16xf32>
    %add3A_1340 = arith.addf %add3A_1333, %select_n3A_1339 : vector<16xf32>
    %eq3A_1341 = arith.cmpi eq, %add3A_1249, %gather3A_175 : vector<16xi32>
    %jit3A_1342 = arith.constant 1.000000e+00 : f32
    %jit3A_1343 = arith.constant 0.000000e+00 : f32
    %broadcast_in_dim3A_1344 = vector.broadcast %jit3A_1342 : f32 to vector<16xf32>
    %broadcast_in_dim3A_1345 = vector.broadcast %jit3A_1343 : f32 to vector<16xf32>
    %select_n3A_1346 = arith.select %eq3A_1341, %broadcast_in_dim3A_1344, %broadcast_in_dim3A_1345 : vector<16xi1>, vector<16xf32>
    %add3A_1347 = arith.addf %add3A_1340, %select_n3A_1346 : vector<16xf32>
    %eq3A_1348 = arith.cmpi eq, %add3A_1249, %gather3A_187 : vector<16xi32>
    %jit3A_1349 = arith.constant 1.000000e+00 : f32
    %jit3A_1350 = arith.constant 0.000000e+00 : f32
    %broadcast_in_dim3A_1351 = vector.broadcast %jit3A_1349 : f32 to vector<16xf32>
    %broadcast_in_dim3A_1352 = vector.broadcast %jit3A_1350 : f32 to vector<16xf32>
    %select_n3A_1353 = arith.select %eq3A_1348, %broadcast_in_dim3A_1351, %broadcast_in_dim3A_1352 : vector<16xi1>, vector<16xf32>
    %add3A_1354 = arith.addf %add3A_1347, %select_n3A_1353 : vector<16xf32>
    %eq3A_1355 = arith.cmpi eq, %add3A_1249, %gather3A_199 : vector<16xi32>
    %jit3A_1356 = arith.constant 1.000000e+00 : f32
    %jit3A_1357 = arith.constant 0.000000e+00 : f32
    %broadcast_in_dim3A_1358 = vector.broadcast %jit3A_1356 : f32 to vector<16xf32>
    %broadcast_in_dim3A_1359 = vector.broadcast %jit3A_1357 : f32 to vector<16xf32>
    %select_n3A_1360 = arith.select %eq3A_1355, %broadcast_in_dim3A_1358, %broadcast_in_dim3A_1359 : vector<16xi1>, vector<16xf32>
    %add3A_1361 = arith.addf %add3A_1354, %select_n3A_1360 : vector<16xf32>
    %eq3A_1362 = arith.cmpi eq, %add3A_1249, %gather3A_211 : vector<16xi32>
    %jit3A_1363 = arith.constant 1.000000e+00 : f32
    %jit3A_1364 = arith.constant 0.000000e+00 : f32
    %broadcast_in_dim3A_1365 = vector.broadcast %jit3A_1363 : f32 to vector<16xf32>
    %broadcast_in_dim3A_1366 = vector.broadcast %jit3A_1364 : f32 to vector<16xf32>
    %select_n3A_1367 = arith.select %eq3A_1362, %broadcast_in_dim3A_1365, %broadcast_in_dim3A_1366 : vector<16xi1>, vector<16xf32>
    %add3A_1368 = arith.addf %add3A_1361, %select_n3A_1367 : vector<16xf32>
    %eq3A_1369 = arith.cmpi eq, %add3A_1249, %gather3A_223 : vector<16xi32>
    %jit3A_1370 = arith.constant 1.000000e+00 : f32
    %jit3A_1371 = arith.constant 0.000000e+00 : f32
    %broadcast_in_dim3A_1372 = vector.broadcast %jit3A_1370 : f32 to vector<16xf32>
    %broadcast_in_dim3A_1373 = vector.broadcast %jit3A_1371 : f32 to vector<16xf32>
    %select_n3A_1374 = arith.select %eq3A_1369, %broadcast_in_dim3A_1372, %broadcast_in_dim3A_1373 : vector<16xi1>, vector<16xf32>
    %add3A_1375 = arith.addf %add3A_1368, %select_n3A_1374 : vector<16xf32>
    %eq3A_1376 = arith.cmpi eq, %add3A_1249, %gather3A_235 : vector<16xi32>
    %jit3A_1377 = arith.constant 1.000000e+00 : f32
    %jit3A_1378 = arith.constant 0.000000e+00 : f32
    %broadcast_in_dim3A_1379 = vector.broadcast %jit3A_1377 : f32 to vector<16xf32>
    %broadcast_in_dim3A_1380 = vector.broadcast %jit3A_1378 : f32 to vector<16xf32>
    %select_n3A_1381 = arith.select %eq3A_1376, %broadcast_in_dim3A_1379, %broadcast_in_dim3A_1380 : vector<16xi1>, vector<16xf32>
    %add3A_1382 = arith.addf %add3A_1375, %select_n3A_1381 : vector<16xf32>
    %eq3A_1383 = arith.cmpi eq, %add3A_1249, %gather3A_247 : vector<16xi32>
    %jit3A_1384 = arith.constant 1.000000e+00 : f32
    %jit3A_1385 = arith.constant 0.000000e+00 : f32
    %broadcast_in_dim3A_1386 = vector.broadcast %jit3A_1384 : f32 to vector<16xf32>
    %broadcast_in_dim3A_1387 = vector.broadcast %jit3A_1385 : f32 to vector<16xf32>
    %select_n3A_1388 = arith.select %eq3A_1383, %broadcast_in_dim3A_1386, %broadcast_in_dim3A_1387 : vector<16xi1>, vector<16xf32>
    %add3A_1389 = arith.addf %add3A_1382, %select_n3A_1388 : vector<16xf32>
    %add3A_1390 = arith.constant 0 : i32
    %add3A_1391 = arith.addi %add3A_4, %add3A_1390 : i32
    %min3A = arith.constant 99776 : i32
    %min3A_1392 = arith.minsi %add3A_1391, %min3A : i32
    %multiple_of3A = tpu.assume_multiple %min3A_1392, 8 : i32
    %dma_start3A = arith.constant 0 : i32
    %dma_start3A_1393 = arith.constant 0 : i32
    %dma_start3A_1394 = arith.constant 0 : i32
    %dma_start3A_1395 = tpu.memref_slice %arg7[%dma_start3A, %dma_start3A_1393, %dma_start3A_1394] : memref<2x192x128xf32, #tpu.memory_space<vmem>> -> memref<1x192x128xf32, #tpu.memory_space<vmem>>
    %dma_start3A_1396 = tpu.memref_squeeze %dma_start3A_1395 : memref<1x192x128xf32, #tpu.memory_space<vmem>> -> memref<192x128xf32, #tpu.memory_space<vmem>>
    %dma_start3A_1397 = arith.constant 0 : i32
    %dma_start3A_1398 = tpu.memref_slice %arg3[%multiple_of3A, %dma_start3A_1397] : memref<100000x128xf32, #tpu.memory_space<hbm>> -> memref<192x128xf32, #tpu.memory_space<hbm>>
    %dma_start3A_1399 = arith.constant 0 : i32
    %dma_start3A_1400 = arith.constant 0 : i32
    %dma_start3A_1401 = tpu.memref_slice %arg7[%dma_start3A, %dma_start3A_1399, %dma_start3A_1400] : memref<2x192x128xf32, #tpu.memory_space<vmem>> -> memref<1x192x128xf32, #tpu.memory_space<vmem>>
    %dma_start3A_1402 = tpu.memref_squeeze %dma_start3A_1401 : memref<1x192x128xf32, #tpu.memory_space<vmem>> -> memref<192x128xf32, #tpu.memory_space<vmem>>
    %dma_start3A_1403 = arith.constant 0 : i32
    %dma_start3A_1404 = tpu.memref_slice %arg3[%multiple_of3A, %dma_start3A_1403] : memref<100000x128xf32, #tpu.memory_space<hbm>> -> memref<192x128xf32, #tpu.memory_space<hbm>>
    tpu.enqueue_dma source(%dma_start3A_1404 : memref<192x128xf32, #tpu.memory_space<hbm>>) target(%dma_start3A_1402 : memref<192x128xf32, #tpu.memory_space<vmem>>) target_semaphore(%arg10 : memref<!tpu.dma_semaphore, #tpu.memory_space<semaphore_mem>>)
    %add3A_1405 = arith.constant 0 : i32
    %add3A_1406 = arith.addi %add3A_4, %add3A_1405 : i32
    %min3A_1407 = arith.constant 99776 : i32
    %min3A_1408 = arith.minsi %add3A_1406, %min3A_1407 : i32
    %multiple_of3A_1409 = tpu.assume_multiple %min3A_1408, 8 : i32
    %dma_start3A_1410 = arith.constant 0 : i32
    %dma_start3A_1411 = arith.constant 0 : i32
    %dma_start3A_1412 = arith.constant 0 : i32
    %dma_start3A_1413 = tpu.memref_slice %arg8[%dma_start3A_1410, %dma_start3A_1411, %dma_start3A_1412] : memref<2x192x128xf32, #tpu.memory_space<vmem>> -> memref<1x192x128xf32, #tpu.memory_space<vmem>>
    %dma_start3A_1414 = tpu.memref_squeeze %dma_start3A_1413 : memref<1x192x128xf32, #tpu.memory_space<vmem>> -> memref<192x128xf32, #tpu.memory_space<vmem>>
    %dma_start3A_1415 = arith.constant 0 : i32
    %dma_start3A_1416 = tpu.memref_slice %arg4[%multiple_of3A_1409, %dma_start3A_1415] : memref<100000x128xf32, #tpu.memory_space<hbm>> -> memref<192x128xf32, #tpu.memory_space<hbm>>
    %dma_start3A_1417 = arith.constant 0 : i32
    %dma_start3A_1418 = arith.constant 0 : i32
    %dma_start3A_1419 = tpu.memref_slice %arg8[%dma_start3A_1410, %dma_start3A_1417, %dma_start3A_1418] : memref<2x192x128xf32, #tpu.memory_space<vmem>> -> memref<1x192x128xf32, #tpu.memory_space<vmem>>
    %dma_start3A_1420 = tpu.memref_squeeze %dma_start3A_1419 : memref<1x192x128xf32, #tpu.memory_space<vmem>> -> memref<192x128xf32, #tpu.memory_space<vmem>>
    %dma_start3A_1421 = arith.constant 0 : i32
    %dma_start3A_1422 = tpu.memref_slice %arg4[%multiple_of3A_1409, %dma_start3A_1421] : memref<100000x128xf32, #tpu.memory_space<hbm>> -> memref<192x128xf32, #tpu.memory_space<hbm>>
    tpu.enqueue_dma source(%dma_start3A_1422 : memref<192x128xf32, #tpu.memory_space<hbm>>) target(%dma_start3A_1420 : memref<192x128xf32, #tpu.memory_space<vmem>>) target_semaphore(%arg12 : memref<!tpu.dma_semaphore, #tpu.memory_space<semaphore_mem>>)
    %scan3A = arith.constant 0 : i32
    %scan3A_1423 = arith.constant 2 : i32
    %scan3A_1424 = arith.addi %scan3A, %scan3A_1423 : i32
    %scan3A_1425 = arith.constant 1 : i32
    %scan3A_1426:8 = scf.for %scan3A_1494 = %scan3A to %scan3A_1424 step %scan3A_1425 iter_args(%scan3A_1495 = %broadcast_in_dim3A_5, %scan3A_1496 = %broadcast_in_dim3A_5, %scan3A_1497 = %broadcast_in_dim3A_5, %scan3A_1498 = %broadcast_in_dim3A_5, %scan3A_1499 = %broadcast_in_dim3A_5, %scan3A_1500 = %broadcast_in_dim3A_5, %scan3A_1501 = %broadcast_in_dim3A_5, %scan3A_1502 = %broadcast_in_dim3A_5) -> (vector<16xf32>, vector<16xf32>, vector<16xf32>, vector<16xf32>, vector<16xf32>, vector<16xf32>, vector<16xf32>, vector<16xf32>)  : i32 {
      %mul3A_1503 = arith.constant 2 : i32
      %mul3A_1504 = arith.muli %scan3A_1494, %mul3A_1503 : i32
      %add3A_1505 = arith.constant 1 : i32
      %add3A_1506 = arith.addi %mul3A_1504, %add3A_1505 : i32
      %mul3A_1507 = arith.constant 192 : i32
      %mul3A_1508 = arith.muli %add3A_1506, %mul3A_1507 : i32
      %add3A_1509 = arith.addi %add3A_4, %mul3A_1508 : i32
      %min3A_1510 = arith.constant 99776 : i32
      %min3A_1511 = arith.minsi %add3A_1509, %min3A_1510 : i32
      %multiple_of3A_1512 = tpu.assume_multiple %min3A_1511, 8 : i32
      %dma_start3A_1513 = arith.constant 1 : i32
      %dma_start3A_1514 = arith.constant 0 : i32
      %dma_start3A_1515 = arith.constant 0 : i32
      %dma_start3A_1516 = tpu.memref_slice %arg7[%dma_start3A_1513, %dma_start3A_1514, %dma_start3A_1515] : memref<2x192x128xf32, #tpu.memory_space<vmem>> -> memref<1x192x128xf32, #tpu.memory_space<vmem>>
      %dma_start3A_1517 = tpu.memref_squeeze %dma_start3A_1516 : memref<1x192x128xf32, #tpu.memory_space<vmem>> -> memref<192x128xf32, #tpu.memory_space<vmem>>
      %dma_start3A_1518 = arith.constant 0 : i32
      %dma_start3A_1519 = tpu.memref_slice %arg3[%multiple_of3A_1512, %dma_start3A_1518] : memref<100000x128xf32, #tpu.memory_space<hbm>> -> memref<192x128xf32, #tpu.memory_space<hbm>>
      %dma_start3A_1520 = arith.constant 0 : i32
      %dma_start3A_1521 = arith.constant 0 : i32
      %dma_start3A_1522 = tpu.memref_slice %arg7[%dma_start3A_1513, %dma_start3A_1520, %dma_start3A_1521] : memref<2x192x128xf32, #tpu.memory_space<vmem>> -> memref<1x192x128xf32, #tpu.memory_space<vmem>>
      %dma_start3A_1523 = tpu.memref_squeeze %dma_start3A_1522 : memref<1x192x128xf32, #tpu.memory_space<vmem>> -> memref<192x128xf32, #tpu.memory_space<vmem>>
      %dma_start3A_1524 = arith.constant 0 : i32
      %dma_start3A_1525 = tpu.memref_slice %arg3[%multiple_of3A_1512, %dma_start3A_1524] : memref<100000x128xf32, #tpu.memory_space<hbm>> -> memref<192x128xf32, #tpu.memory_space<hbm>>
      tpu.enqueue_dma source(%dma_start3A_1525 : memref<192x128xf32, #tpu.memory_space<hbm>>) target(%dma_start3A_1523 : memref<192x128xf32, #tpu.memory_space<vmem>>) target_semaphore(%arg11 : memref<!tpu.dma_semaphore, #tpu.memory_space<semaphore_mem>>)
      %add3A_1526 = arith.constant 1 : i32
      %add3A_1527 = arith.addi %mul3A_1504, %add3A_1526 : i32
      %mul3A_1528 = arith.constant 192 : i32
      %mul3A_1529 = arith.muli %add3A_1527, %mul3A_1528 : i32
      %add3A_1530 = arith.addi %add3A_4, %mul3A_1529 : i32
      %min3A_1531 = arith.constant 99776 : i32
      %min3A_1532 = arith.minsi %add3A_1530, %min3A_1531 : i32
      %multiple_of3A_1533 = tpu.assume_multiple %min3A_1532, 8 : i32
      %dma_start3A_1534 = arith.constant 1 : i32
      %dma_start3A_1535 = arith.constant 0 : i32
      %dma_start3A_1536 = arith.constant 0 : i32
      %dma_start3A_1537 = tpu.memref_slice %arg8[%dma_start3A_1534, %dma_start3A_1535, %dma_start3A_1536] : memref<2x192x128xf32, #tpu.memory_space<vmem>> -> memref<1x192x128xf32, #tpu.memory_space<vmem>>
      %dma_start3A_1538 = tpu.memref_squeeze %dma_start3A_1537 : memref<1x192x128xf32, #tpu.memory_space<vmem>> -> memref<192x128xf32, #tpu.memory_space<vmem>>
      %dma_start3A_1539 = arith.constant 0 : i32
      %dma_start3A_1540 = tpu.memref_slice %arg4[%multiple_of3A_1533, %dma_start3A_1539] : memref<100000x128xf32, #tpu.memory_space<hbm>> -> memref<192x128xf32, #tpu.memory_space<hbm>>
      %dma_start3A_1541 = arith.constant 0 : i32
      %dma_start3A_1542 = arith.constant 0 : i32
      %dma_start3A_1543 = tpu.memref_slice %arg8[%dma_start3A_1534, %dma_start3A_1541, %dma_start3A_1542] : memref<2x192x128xf32, #tpu.memory_space<vmem>> -> memref<1x192x128xf32, #tpu.memory_space<vmem>>
      %dma_start3A_1544 = tpu.memref_squeeze %dma_start3A_1543 : memref<1x192x128xf32, #tpu.memory_space<vmem>> -> memref<192x128xf32, #tpu.memory_space<vmem>>
      %dma_start3A_1545 = arith.constant 0 : i32
      %dma_start3A_1546 = tpu.memref_slice %arg4[%multiple_of3A_1533, %dma_start3A_1545] : memref<100000x128xf32, #tpu.memory_space<hbm>> -> memref<192x128xf32, #tpu.memory_space<hbm>>
      tpu.enqueue_dma source(%dma_start3A_1546 : memref<192x128xf32, #tpu.memory_space<hbm>>) target(%dma_start3A_1544 : memref<192x128xf32, #tpu.memory_space<vmem>>) target_semaphore(%arg13 : memref<!tpu.dma_semaphore, #tpu.memory_space<semaphore_mem>>)
      %mul3A_1547 = arith.constant 192 : i32
      %mul3A_1548 = arith.muli %mul3A_1504, %mul3A_1547 : i32
      %add3A_1549 = arith.addi %add3A_4, %mul3A_1548 : i32
      %min3A_1550 = arith.constant 99776 : i32
      %min3A_1551 = arith.minsi %add3A_1549, %min3A_1550 : i32
      %multiple_of3A_1552 = tpu.assume_multiple %min3A_1551, 8 : i32
      %dma_wait3A_1553 = arith.constant 0 : i32
      %dma_wait3A_1554 = arith.constant 0 : i32
      %dma_wait3A_1555 = arith.constant 0 : i32
      %dma_wait3A_1556 = tpu.memref_slice %arg7[%dma_wait3A_1553, %dma_wait3A_1554, %dma_wait3A_1555] : memref<2x192x128xf32, #tpu.memory_space<vmem>> -> memref<1x192x128xf32, #tpu.memory_space<vmem>>
      %dma_wait3A_1557 = tpu.memref_squeeze %dma_wait3A_1556 : memref<1x192x128xf32, #tpu.memory_space<vmem>> -> memref<192x128xf32, #tpu.memory_space<vmem>>
      %dma_wait3A_1558 = arith.constant 0 : i32
      %dma_wait3A_1559 = tpu.memref_slice %arg3[%multiple_of3A_1552, %dma_wait3A_1558] : memref<100000x128xf32, #tpu.memory_space<hbm>> -> memref<192x128xf32, #tpu.memory_space<hbm>>
      %dma_wait3A_1560 = arith.constant 0 : i32
      %dma_wait3A_1561 = arith.constant 0 : i32
      %dma_wait3A_1562 = tpu.memref_slice %arg7[%dma_wait3A_1553, %dma_wait3A_1560, %dma_wait3A_1561] : memref<2x192x128xf32, #tpu.memory_space<vmem>> -> memref<1x192x128xf32, #tpu.memory_space<vmem>>
      %dma_wait3A_1563 = tpu.memref_squeeze %dma_wait3A_1562 : memref<1x192x128xf32, #tpu.memory_space<vmem>> -> memref<192x128xf32, #tpu.memory_space<vmem>>
      %dma_wait3A_1564 = arith.constant 0 : i32
      %dma_wait3A_1565 = tpu.memref_slice %arg3[%multiple_of3A_1552, %dma_wait3A_1564] : memref<100000x128xf32, #tpu.memory_space<hbm>> -> memref<192x128xf32, #tpu.memory_space<hbm>>
      tpu.wait_dma2 semaphore(%arg10 : memref<!tpu.dma_semaphore, #tpu.memory_space<semaphore_mem>>) src(%dma_wait3A_1565 : memref<192x128xf32, #tpu.memory_space<hbm>>) dst(%dma_wait3A_1563 : memref<192x128xf32, #tpu.memory_space<vmem>>)
      %mul3A_1566 = arith.constant 192 : i32
      %mul3A_1567 = arith.muli %mul3A_1504, %mul3A_1566 : i32
      %add3A_1568 = arith.addi %add3A_4, %mul3A_1567 : i32
      %min3A_1569 = arith.constant 99776 : i32
      %min3A_1570 = arith.minsi %add3A_1568, %min3A_1569 : i32
      %multiple_of3A_1571 = tpu.assume_multiple %min3A_1570, 8 : i32
      %dma_wait3A_1572 = arith.constant 0 : i32
      %dma_wait3A_1573 = arith.constant 0 : i32
      %dma_wait3A_1574 = arith.constant 0 : i32
      %dma_wait3A_1575 = tpu.memref_slice %arg8[%dma_wait3A_1572, %dma_wait3A_1573, %dma_wait3A_1574] : memref<2x192x128xf32, #tpu.memory_space<vmem>> -> memref<1x192x128xf32, #tpu.memory_space<vmem>>
      %dma_wait3A_1576 = tpu.memref_squeeze %dma_wait3A_1575 : memref<1x192x128xf32, #tpu.memory_space<vmem>> -> memref<192x128xf32, #tpu.memory_space<vmem>>
      %dma_wait3A_1577 = arith.constant 0 : i32
      %dma_wait3A_1578 = tpu.memref_slice %arg4[%multiple_of3A_1571, %dma_wait3A_1577] : memref<100000x128xf32, #tpu.memory_space<hbm>> -> memref<192x128xf32, #tpu.memory_space<hbm>>
      %dma_wait3A_1579 = arith.constant 0 : i32
      %dma_wait3A_1580 = arith.constant 0 : i32
      %dma_wait3A_1581 = tpu.memref_slice %arg8[%dma_wait3A_1572, %dma_wait3A_1579, %dma_wait3A_1580] : memref<2x192x128xf32, #tpu.memory_space<vmem>> -> memref<1x192x128xf32, #tpu.memory_space<vmem>>
      %dma_wait3A_1582 = tpu.memref_squeeze %dma_wait3A_1581 : memref<1x192x128xf32, #tpu.memory_space<vmem>> -> memref<192x128xf32, #tpu.memory_space<vmem>>
      %dma_wait3A_1583 = arith.constant 0 : i32
      %dma_wait3A_1584 = tpu.memref_slice %arg4[%multiple_of3A_1571, %dma_wait3A_1583] : memref<100000x128xf32, #tpu.memory_space<hbm>> -> memref<192x128xf32, #tpu.memory_space<hbm>>
      tpu.wait_dma2 semaphore(%arg12 : memref<!tpu.dma_semaphore, #tpu.memory_space<semaphore_mem>>) src(%dma_wait3A_1584 : memref<192x128xf32, #tpu.memory_space<hbm>>) dst(%dma_wait3A_1582 : memref<192x128xf32, #tpu.memory_space<vmem>>)
      %scan3A_1585 = arith.constant 0 : i32
      %scan3A_1586 = arith.constant 48 : i32
      %scan3A_1587 = arith.addi %scan3A_1585, %scan3A_1586 : i32
      %scan3A_1588 = arith.constant 1 : i32
      %scan3A_1589:8 = scf.for %scan3A_1681 = %scan3A_1585 to %scan3A_1587 step %scan3A_1588 iter_args(%scan3A_1682 = %scan3A_1495, %scan3A_1683 = %scan3A_1496, %scan3A_1684 = %scan3A_1497, %scan3A_1685 = %scan3A_1498, %scan3A_1686 = %scan3A_1499, %scan3A_1687 = %scan3A_1500, %scan3A_1688 = %scan3A_1501, %scan3A_1689 = %scan3A_1502) -> (vector<16xf32>, vector<16xf32>, vector<16xf32>, vector<16xf32>, vector<16xf32>, vector<16xf32>, vector<16xf32>, vector<16xf32>)  : i32 {
        %mul3A_1690 = arith.constant 4 : i32
        %mul3A_1691 = arith.muli %scan3A_1681, %mul3A_1690 : i32
        %add3A_1692 = arith.constant 0 : i32
        %add3A_1693 = arith.addi %mul3A_1691, %add3A_1692 : i32
        %get3A_1694 = arith.constant 0 : i32
        %get3A_1695 = arith.index_cast %get3A_1694 : i32 to index
        %get3A_1696 = arith.index_cast %add3A_1693 : i32 to index
        %get3A_1697 = arith.constant 0 : index
        %get3A_1698 = tpu.vector_load %arg7[%get3A_1695, %get3A_1696, %get3A_1697] {strides = array<i32>} : memref<2x192x128xf32, #tpu.memory_space<vmem>>, vector<1x1x16xf32>,
        %get3A_1699 = vector.shape_cast %get3A_1698 : vector<1x1x16xf32> to vector<16xf32>
        %mul3A_1700 = arith.mulf %get3A_1699, %add3A_388 : vector<16xf32>
        %get3A_1701 = arith.constant 0 : i32
        %get3A_1702 = arith.index_cast %get3A_1701 : i32 to index
        %get3A_1703 = arith.index_cast %add3A_1693 : i32 to index
        %get3A_1704 = arith.constant 16 : index
        %get3A_1705 = tpu.vector_load %arg7[%get3A_1702, %get3A_1703, %get3A_1704] {strides = array<i32>} : memref<2x192x128xf32, #tpu.memory_space<vmem>>, vector<1x1x16xf32>,
        %get3A_1706 = vector.shape_cast %get3A_1705 : vector<1x1x16xf32> to vector<16xf32>
        %mul3A_1707 = arith.mulf %get3A_1706, %add3A_531 : vector<16xf32>
        %add3A_1708 = arith.addf %mul3A_1700, %mul3A_1707 : vector<16xf32>
        %get3A_1709 = arith.constant 0 : i32
        %get3A_1710 = arith.index_cast %get3A_1709 : i32 to index
        %get3A_1711 = arith.index_cast %add3A_1693 : i32 to index
        %get3A_1712 = arith.constant 32 : index
        %get3A_1713 = tpu.vector_load %arg7[%get3A_1710, %get3A_1711, %get3A_1712] {strides = array<i32>} : memref<2x192x128xf32, #tpu.memory_space<vmem>>, vector<1x1x16xf32>,
        %get3A_1714 = vector.shape_cast %get3A_1713 : vector<1x1x16xf32> to vector<16xf32>
        %mul3A_1715 = arith.mulf %get3A_1714, %add3A_674 : vector<16xf32>
        %add3A_1716 = arith.addf %add3A_1708, %mul3A_1715 : vector<16xf32>
        %get3A_1717 = arith.constant 0 : i32
        %get3A_1718 = arith.index_cast %get3A_1717 : i32 to index
        %get3A_1719 = arith.index_cast %add3A_1693 : i32 to index
        %get3A_1720 = arith.constant 48 : index
        %get3A_1721 = tpu.vector_load %arg7[%get3A_1718, %get3A_1719, %get3A_1720] {strides = array<i32>} : memref<2x192x128xf32, #tpu.memory_space<vmem>>, vector<1x1x16xf32>,
        %get3A_1722 = vector.shape_cast %get3A_1721 : vector<1x1x16xf32> to vector<16xf32>
        %mul3A_1723 = arith.mulf %get3A_1722, %add3A_817 : vector<16xf32>
        %add3A_1724 = arith.addf %add3A_1716, %mul3A_1723 : vector<16xf32>
        %get3A_1725 = arith.constant 0 : i32
        %get3A_1726 = arith.index_cast %get3A_1725 : i32 to index
        %get3A_1727 = arith.index_cast %add3A_1693 : i32 to index
        %get3A_1728 = arith.constant 64 : index
        %get3A_1729 = tpu.vector_load %arg7[%get3A_1726, %get3A_1727, %get3A_1728] {strides = array<i32>} : memref<2x192x128xf32, #tpu.memory_space<vmem>>, vector<1x1x16xf32>,
        %get3A_1730 = vector.shape_cast %get3A_1729 : vector<1x1x16xf32> to vector<16xf32>
        %mul3A_1731 = arith.mulf %get3A_1730, %add3A_960 : vector<16xf32>
        %add3A_1732 = arith.addf %add3A_1724, %mul3A_1731 : vector<16xf32>
        %get3A_1733 = arith.constant 0 : i32
        %get3A_1734 = arith.index_cast %get3A_1733 : i32 to index
        %get3A_1735 = arith.index_cast %add3A_1693 : i32 to index
        %get3A_1736 = arith.constant 80 : index
        %get3A_1737 = tpu.vector_load %arg7[%get3A_1734, %get3A_1735, %get3A_1736] {strides = array<i32>} : memref<2x192x128xf32, #tpu.memory_space<vmem>>, vector<1x1x16xf32>,
        %get3A_1738 = vector.shape_cast %get3A_1737 : vector<1x1x16xf32> to vector<16xf32>
        %mul3A_1739 = arith.mulf %get3A_1738, %add3A_1103 : vector<16xf32>
        %add3A_1740 = arith.addf %add3A_1732, %mul3A_1739 : vector<16xf32>
        %get3A_1741 = arith.constant 0 : i32
        %get3A_1742 = arith.index_cast %get3A_1741 : i32 to index
        %get3A_1743 = arith.index_cast %add3A_1693 : i32 to index
        %get3A_1744 = arith.constant 96 : index
        %get3A_1745 = tpu.vector_load %arg7[%get3A_1742, %get3A_1743, %get3A_1744] {strides = array<i32>} : memref<2x192x128xf32, #tpu.memory_space<vmem>>, vector<1x1x16xf32>,
        %get3A_1746 = vector.shape_cast %get3A_1745 : vector<1x1x16xf32> to vector<16xf32>
        %mul3A_1747 = arith.mulf %get3A_1746, %add3A_1246 : vector<16xf32>
        %add3A_1748 = arith.addf %add3A_1740, %mul3A_1747 : vector<16xf32>
        %get3A_1749 = arith.constant 0 : i32
        %get3A_1750 = arith.index_cast %get3A_1749 : i32 to index
        %get3A_1751 = arith.index_cast %add3A_1693 : i32 to index
        %get3A_1752 = arith.constant 112 : index
        %get3A_1753 = tpu.vector_load %arg7[%get3A_1750, %get3A_1751, %get3A_1752] {strides = array<i32>} : memref<2x192x128xf32, #tpu.memory_space<vmem>>, vector<1x1x16xf32>,
        %get3A_1754 = vector.shape_cast %get3A_1753 : vector<1x1x16xf32> to vector<16xf32>
        %mul3A_1755 = arith.mulf %get3A_1754, %add3A_1389 : vector<16xf32>
        %add3A_1756 = arith.addf %add3A_1748, %mul3A_1755 : vector<16xf32>
        %xor3A = arith.constant 8 : i32
        %xor3A_1757 = vector.broadcast %xor3A : i32 to vector<16xi32>
        %xor3A_1758 = arith.xori %iota3A, %xor3A_1757 : vector<16xi32>
        %lt3A_1759 = arith.constant 0 : i32
        %lt3A_1760 = vector.broadcast %lt3A_1759 : i32 to vector<16xi32>
        %lt3A_1761 = arith.cmpi slt, %xor3A_1758, %lt3A_1760 : vector<16xi32>
        %add3A_1762 = arith.constant 16 : i32
        %add3A_1763 = vector.broadcast %add3A_1762 : i32 to vector<16xi32>
        %add3A_1764 = arith.addi %xor3A_1758, %add3A_1763 : vector<16xi32>
        %select_n3A_1765 = arith.select %lt3A_1761, %add3A_1764, %xor3A_1758 : vector<16xi1>, vector<16xi32>
        %broadcast_in_dim3A_1766 = vector.shape_cast %select_n3A_1765 : vector<16xi32> to vector<16x1xi32>
        %gather3A_1767 = vector.shape_cast %broadcast_in_dim3A_1766 : vector<16x1xi32> to vector<16xi32>
        %gather3A_1768 = tpu.dynamic_gather %add3A_1756[%gather3A_1767] in [0] : vector<16xf32>, vector<16xi32> -> vector<16xf32>
        %add3A_1769 = arith.addf %add3A_1756, %gather3A_1768 : vector<16xf32>
        %xor3A_1770 = arith.constant 4 : i32
        %xor3A_1771 = vector.broadcast %xor3A_1770 : i32 to vector<16xi32>
        %xor3A_1772 = arith.xori %iota3A, %xor3A_1771 : vector<16xi32>
        %lt3A_1773 = arith.constant 0 : i32
        %lt3A_1774 = vector.broadcast %lt3A_1773 : i32 to vector<16xi32>
        %lt3A_1775 = arith.cmpi slt, %xor3A_1772, %lt3A_1774 : vector<16xi32>
        %add3A_1776 = arith.constant 16 : i32
        %add3A_1777 = vector.broadcast %add3A_1776 : i32 to vector<16xi32>
        %add3A_1778 = arith.addi %xor3A_1772, %add3A_1777 : vector<16xi32>
        %select_n3A_1779 = arith.select %lt3A_1775, %add3A_1778, %xor3A_1772 : vector<16xi1>, vector<16xi32>
        %broadcast_in_dim3A_1780 = vector.shape_cast %select_n3A_1779 : vector<16xi32> to vector<16x1xi32>
        %gather3A_1781 = vector.shape_cast %broadcast_in_dim3A_1780 : vector<16x1xi32> to vector<16xi32>
        %gather3A_1782 = tpu.dynamic_gather %add3A_1769[%gather3A_1781] in [0] : vector<16xf32>, vector<16xi32> -> vector<16xf32>
        %add3A_1783 = arith.addf %add3A_1769, %gather3A_1782 : vector<16xf32>
        %xor3A_1784 = arith.constant 2 : i32
        %xor3A_1785 = vector.broadcast %xor3A_1784 : i32 to vector<16xi32>
        %xor3A_1786 = arith.xori %iota3A, %xor3A_1785 : vector<16xi32>
        %lt3A_1787 = arith.constant 0 : i32
        %lt3A_1788 = vector.broadcast %lt3A_1787 : i32 to vector<16xi32>
        %lt3A_1789 = arith.cmpi slt, %xor3A_1786, %lt3A_1788 : vector<16xi32>
        %add3A_1790 = arith.constant 16 : i32
        %add3A_1791 = vector.broadcast %add3A_1790 : i32 to vector<16xi32>
        %add3A_1792 = arith.addi %xor3A_1786, %add3A_1791 : vector<16xi32>
        %select_n3A_1793 = arith.select %lt3A_1789, %add3A_1792, %xor3A_1786 : vector<16xi1>, vector<16xi32>
        %broadcast_in_dim3A_1794 = vector.shape_cast %select_n3A_1793 : vector<16xi32> to vector<16x1xi32>
        %gather3A_1795 = vector.shape_cast %broadcast_in_dim3A_1794 : vector<16x1xi32> to vector<16xi32>
        %gather3A_1796 = tpu.dynamic_gather %add3A_1783[%gather3A_1795] in [0] : vector<16xf32>, vector<16xi32> -> vector<16xf32>
        %add3A_1797 = arith.addf %add3A_1783, %gather3A_1796 : vector<16xf32>
        %xor3A_1798 = arith.constant 1 : i32
        %xor3A_1799 = vector.broadcast %xor3A_1798 : i32 to vector<16xi32>
        %xor3A_1800 = arith.xori %iota3A, %xor3A_1799 : vector<16xi32>
        %lt3A_1801 = arith.constant 0 : i32
        %lt3A_1802 = vector.broadcast %lt3A_1801 : i32 to vector<16xi32>
        %lt3A_1803 = arith.cmpi slt, %xor3A_1800, %lt3A_1802 : vector<16xi32>
        %add3A_1804 = arith.constant 16 : i32
        %add3A_1805 = vector.broadcast %add3A_1804 : i32 to vector<16xi32>
        %add3A_1806 = arith.addi %xor3A_1800, %add3A_1805 : vector<16xi32>
        %select_n3A_1807 = arith.select %lt3A_1803, %add3A_1806, %xor3A_1800 : vector<16xi1>, vector<16xi32>
        %broadcast_in_dim3A_1808 = vector.shape_cast %select_n3A_1807 : vector<16xi32> to vector<16x1xi32>
        %gather3A_1809 = vector.shape_cast %broadcast_in_dim3A_1808 : vector<16x1xi32> to vector<16xi32>
        %gather3A_1810 = tpu.dynamic_gather %add3A_1797[%gather3A_1809] in [0] : vector<16xf32>, vector<16xi32> -> vector<16xf32>
        %add3A_1811 = arith.addf %add3A_1797, %gather3A_1810 : vector<16xf32>
        %get3A_1812 = arith.constant 0 : i32
        %get3A_1813 = arith.index_cast %get3A_1812 : i32 to index
        %get3A_1814 = arith.index_cast %add3A_1693 : i32 to index
        %get3A_1815 = arith.constant 0 : index
        %get3A_1816 = tpu.vector_load %arg8[%get3A_1813, %get3A_1814, %get3A_1815] {strides = array<i32>} : memref<2x192x128xf32, #tpu.memory_space<vmem>>, vector<1x1x16xf32>,
        %get3A_1817 = vector.shape_cast %get3A_1816 : vector<1x1x16xf32> to vector<16xf32>
        %mul3A_1818 = arith.mulf %get3A_1817, %add3A_1811 : vector<16xf32>
        %add3A_1819 = arith.addf %scan3A_1682, %mul3A_1818 : vector<16xf32>
        %get3A_1820 = arith.constant 0 : i32
        %get3A_1821 = arith.index_cast %get3A_1820 : i32 to index
        %get3A_1822 = arith.index_cast %add3A_1693 : i32 to index
        %get3A_1823 = arith.constant 16 : index
        %get3A_1824 = tpu.vector_load %arg8[%get3A_1821, %get3A_1822, %get3A_1823] {strides = array<i32>} : memref<2x192x128xf32, #tpu.memory_space<vmem>>, vector<1x1x16xf32>,
        %get3A_1825 = vector.shape_cast %get3A_1824 : vector<1x1x16xf32> to vector<16xf32>
        %mul3A_1826 = arith.mulf %get3A_1825, %add3A_1811 : vector<16xf32>
        %add3A_1827 = arith.addf %scan3A_1683, %mul3A_1826 : vector<16xf32>
        %get3A_1828 = arith.constant 0 : i32
        %get3A_1829 = arith.index_cast %get3A_1828 : i32 to index
        %get3A_1830 = arith.index_cast %add3A_1693 : i32 to index
        %get3A_1831 = arith.constant 32 : index
        %get3A_1832 = tpu.vector_load %arg8[%get3A_1829, %get3A_1830, %get3A_1831] {strides = array<i32>} : memref<2x192x128xf32, #tpu.memory_space<vmem>>, vector<1x1x16xf32>,
        %get3A_1833 = vector.shape_cast %get3A_1832 : vector<1x1x16xf32> to vector<16xf32>
        %mul3A_1834 = arith.mulf %get3A_1833, %add3A_1811 : vector<16xf32>
        %add3A_1835 = arith.addf %scan3A_1684, %mul3A_1834 : vector<16xf32>
        %get3A_1836 = arith.constant 0 : i32
        %get3A_1837 = arith.index_cast %get3A_1836 : i32 to index
        %get3A_1838 = arith.index_cast %add3A_1693 : i32 to index
        %get3A_1839 = arith.constant 48 : index
        %get3A_1840 = tpu.vector_load %arg8[%get3A_1837, %get3A_1838, %get3A_1839] {strides = array<i32>} : memref<2x192x128xf32, #tpu.memory_space<vmem>>, vector<1x1x16xf32>,
        %get3A_1841 = vector.shape_cast %get3A_1840 : vector<1x1x16xf32> to vector<16xf32>
        %mul3A_1842 = arith.mulf %get3A_1841, %add3A_1811 : vector<16xf32>
        %add3A_1843 = arith.addf %scan3A_1685, %mul3A_1842 : vector<16xf32>
        %get3A_1844 = arith.constant 0 : i32
        %get3A_1845 = arith.index_cast %get3A_1844 : i32 to index
        %get3A_1846 = arith.index_cast %add3A_1693 : i32 to index
        %get3A_1847 = arith.constant 64 : index
        %get3A_1848 = tpu.vector_load %arg8[%get3A_1845, %get3A_1846, %get3A_1847] {strides = array<i32>} : memref<2x192x128xf32, #tpu.memory_space<vmem>>, vector<1x1x16xf32>,
        %get3A_1849 = vector.shape_cast %get3A_1848 : vector<1x1x16xf32> to vector<16xf32>
        %mul3A_1850 = arith.mulf %get3A_1849, %add3A_1811 : vector<16xf32>
        %add3A_1851 = arith.addf %scan3A_1686, %mul3A_1850 : vector<16xf32>
        %get3A_1852 = arith.constant 0 : i32
        %get3A_1853 = arith.index_cast %get3A_1852 : i32 to index
        %get3A_1854 = arith.index_cast %add3A_1693 : i32 to index
        %get3A_1855 = arith.constant 80 : index
        %get3A_1856 = tpu.vector_load %arg8[%get3A_1853, %get3A_1854, %get3A_1855] {strides = array<i32>} : memref<2x192x128xf32, #tpu.memory_space<vmem>>, vector<1x1x16xf32>,
        %get3A_1857 = vector.shape_cast %get3A_1856 : vector<1x1x16xf32> to vector<16xf32>
        %mul3A_1858 = arith.mulf %get3A_1857, %add3A_1811 : vector<16xf32>
        %add3A_1859 = arith.addf %scan3A_1687, %mul3A_1858 : vector<16xf32>
        %get3A_1860 = arith.constant 0 : i32
        %get3A_1861 = arith.index_cast %get3A_1860 : i32 to index
        %get3A_1862 = arith.index_cast %add3A_1693 : i32 to index
        %get3A_1863 = arith.constant 96 : index
        %get3A_1864 = tpu.vector_load %arg8[%get3A_1861, %get3A_1862, %get3A_1863] {strides = array<i32>} : memref<2x192x128xf32, #tpu.memory_space<vmem>>, vector<1x1x16xf32>,
        %get3A_1865 = vector.shape_cast %get3A_1864 : vector<1x1x16xf32> to vector<16xf32>
        %mul3A_1866 = arith.mulf %get3A_1865, %add3A_1811 : vector<16xf32>
        %add3A_1867 = arith.addf %scan3A_1688, %mul3A_1866 : vector<16xf32>
        %get3A_1868 = arith.constant 0 : i32
        %get3A_1869 = arith.index_cast %get3A_1868 : i32 to index
        %get3A_1870 = arith.index_cast %add3A_1693 : i32 to index
        %get3A_1871 = arith.constant 112 : index
        %get3A_1872 = tpu.vector_load %arg8[%get3A_1869, %get3A_1870, %get3A_1871] {strides = array<i32>} : memref<2x192x128xf32, #tpu.memory_space<vmem>>, vector<1x1x16xf32>,
        %get3A_1873 = vector.shape_cast %get3A_1872 : vector<1x1x16xf32> to vector<16xf32>
        %mul3A_1874 = arith.mulf %get3A_1873, %add3A_1811 : vector<16xf32>
        %add3A_1875 = arith.addf %scan3A_1689, %mul3A_1874 : vector<16xf32>
        %mul3A_1876 = arith.constant 4 : i32
        %mul3A_1877 = arith.muli %scan3A_1681, %mul3A_1876 : i32
        %add3A_1878 = arith.constant 1 : i32
        %add3A_1879 = arith.addi %mul3A_1877, %add3A_1878 : i32
        %get3A_1880 = arith.constant 0 : i32
        %get3A_1881 = arith.index_cast %get3A_1880 : i32 to index
        %get3A_1882 = arith.index_cast %add3A_1879 : i32 to index
        %get3A_1883 = arith.constant 0 : index
        %get3A_1884 = tpu.vector_load %arg7[%get3A_1881, %get3A_1882, %get3A_1883] {strides = array<i32>} : memref<2x192x128xf32, #tpu.memory_space<vmem>>, vector<1x1x16xf32>,
        %get3A_1885 = vector.shape_cast %get3A_1884 : vector<1x1x16xf32> to vector<16xf32>
        %mul3A_1886 = arith.mulf %get3A_1885, %add3A_388 : vector<16xf32>
        %get3A_1887 = arith.constant 0 : i32
        %get3A_1888 = arith.index_cast %get3A_1887 : i32 to index
        %get3A_1889 = arith.index_cast %add3A_1879 : i32 to index
        %get3A_1890 = arith.constant 16 : index
        %get3A_1891 = tpu.vector_load %arg7[%get3A_1888, %get3A_1889, %get3A_1890] {strides = array<i32>} : memref<2x192x128xf32, #tpu.memory_space<vmem>>, vector<1x1x16xf32>,
        %get3A_1892 = vector.shape_cast %get3A_1891 : vector<1x1x16xf32> to vector<16xf32>
        %mul3A_1893 = arith.mulf %get3A_1892, %add3A_531 : vector<16xf32>
        %add3A_1894 = arith.addf %mul3A_1886, %mul3A_1893 : vector<16xf32>
        %get3A_1895 = arith.constant 0 : i32
        %get3A_1896 = arith.index_cast %get3A_1895 : i32 to index
        %get3A_1897 = arith.index_cast %add3A_1879 : i32 to index
        %get3A_1898 = arith.constant 32 : index
        %get3A_1899 = tpu.vector_load %arg7[%get3A_1896, %get3A_1897, %get3A_1898] {strides = array<i32>} : memref<2x192x128xf32, #tpu.memory_space<vmem>>, vector<1x1x16xf32>,
        %get3A_1900 = vector.shape_cast %get3A_1899 : vector<1x1x16xf32> to vector<16xf32>
        %mul3A_1901 = arith.mulf %get3A_1900, %add3A_674 : vector<16xf32>
        %add3A_1902 = arith.addf %add3A_1894, %mul3A_1901 : vector<16xf32>
        %get3A_1903 = arith.constant 0 : i32
        %get3A_1904 = arith.index_cast %get3A_1903 : i32 to index
        %get3A_1905 = arith.index_cast %add3A_1879 : i32 to index
        %get3A_1906 = arith.constant 48 : index
        %get3A_1907 = tpu.vector_load %arg7[%get3A_1904, %get3A_1905, %get3A_1906] {strides = array<i32>} : memref<2x192x128xf32, #tpu.memory_space<vmem>>, vector<1x1x16xf32>,
        %get3A_1908 = vector.shape_cast %get3A_1907 : vector<1x1x16xf32> to vector<16xf32>
        %mul3A_1909 = arith.mulf %get3A_1908, %add3A_817 : vector<16xf32>
        %add3A_1910 = arith.addf %add3A_1902, %mul3A_1909 : vector<16xf32>
        %get3A_1911 = arith.constant 0 : i32
        %get3A_1912 = arith.index_cast %get3A_1911 : i32 to index
        %get3A_1913 = arith.index_cast %add3A_1879 : i32 to index
        %get3A_1914 = arith.constant 64 : index
        %get3A_1915 = tpu.vector_load %arg7[%get3A_1912, %get3A_1913, %get3A_1914] {strides = array<i32>} : memref<2x192x128xf32, #tpu.memory_space<vmem>>, vector<1x1x16xf32>,
        %get3A_1916 = vector.shape_cast %get3A_1915 : vector<1x1x16xf32> to vector<16xf32>
        %mul3A_1917 = arith.mulf %get3A_1916, %add3A_960 : vector<16xf32>
        %add3A_1918 = arith.addf %add3A_1910, %mul3A_1917 : vector<16xf32>
        %get3A_1919 = arith.constant 0 : i32
        %get3A_1920 = arith.index_cast %get3A_1919 : i32 to index
        %get3A_1921 = arith.index_cast %add3A_1879 : i32 to index
        %get3A_1922 = arith.constant 80 : index
        %get3A_1923 = tpu.vector_load %arg7[%get3A_1920, %get3A_1921, %get3A_1922] {strides = array<i32>} : memref<2x192x128xf32, #tpu.memory_space<vmem>>, vector<1x1x16xf32>,
        %get3A_1924 = vector.shape_cast %get3A_1923 : vector<1x1x16xf32> to vector<16xf32>
        %mul3A_1925 = arith.mulf %get3A_1924, %add3A_1103 : vector<16xf32>
        %add3A_1926 = arith.addf %add3A_1918, %mul3A_1925 : vector<16xf32>
        %get3A_1927 = arith.constant 0 : i32
        %get3A_1928 = arith.index_cast %get3A_1927 : i32 to index
        %get3A_1929 = arith.index_cast %add3A_1879 : i32 to index
        %get3A_1930 = arith.constant 96 : index
        %get3A_1931 = tpu.vector_load %arg7[%get3A_1928, %get3A_1929, %get3A_1930] {strides = array<i32>} : memref<2x192x128xf32, #tpu.memory_space<vmem>>, vector<1x1x16xf32>,
        %get3A_1932 = vector.shape_cast %get3A_1931 : vector<1x1x16xf32> to vector<16xf32>
        %mul3A_1933 = arith.mulf %get3A_1932, %add3A_1246 : vector<16xf32>
        %add3A_1934 = arith.addf %add3A_1926, %mul3A_1933 : vector<16xf32>
        %get3A_1935 = arith.constant 0 : i32
        %get3A_1936 = arith.index_cast %get3A_1935 : i32 to index
        %get3A_1937 = arith.index_cast %add3A_1879 : i32 to index
        %get3A_1938 = arith.constant 112 : index
        %get3A_1939 = tpu.vector_load %arg7[%get3A_1936, %get3A_1937, %get3A_1938] {strides = array<i32>} : memref<2x192x128xf32, #tpu.memory_space<vmem>>, vector<1x1x16xf32>,
        %get3A_1940 = vector.shape_cast %get3A_1939 : vector<1x1x16xf32> to vector<16xf32>
        %mul3A_1941 = arith.mulf %get3A_1940, %add3A_1389 : vector<16xf32>
        %add3A_1942 = arith.addf %add3A_1934, %mul3A_1941 : vector<16xf32>
        %xor3A_1943 = arith.constant 8 : i32
        %xor3A_1944 = vector.broadcast %xor3A_1943 : i32 to vector<16xi32>
        %xor3A_1945 = arith.xori %iota3A, %xor3A_1944 : vector<16xi32>
        %lt3A_1946 = arith.constant 0 : i32
        %lt3A_1947 = vector.broadcast %lt3A_1946 : i32 to vector<16xi32>
        %lt3A_1948 = arith.cmpi slt, %xor3A_1945, %lt3A_1947 : vector<16xi32>
        %add3A_1949 = arith.constant 16 : i32
        %add3A_1950 = vector.broadcast %add3A_1949 : i32 to vector<16xi32>
        %add3A_1951 = arith.addi %xor3A_1945, %add3A_1950 : vector<16xi32>
        %select_n3A_1952 = arith.select %lt3A_1948, %add3A_1951, %xor3A_1945 : vector<16xi1>, vector<16xi32>
        %broadcast_in_dim3A_1953 = vector.shape_cast %select_n3A_1952 : vector<16xi32> to vector<16x1xi32>
        %gather3A_1954 = vector.shape_cast %broadcast_in_dim3A_1953 : vector<16x1xi32> to vector<16xi32>
        %gather3A_1955 = tpu.dynamic_gather %add3A_1942[%gather3A_1954] in [0] : vector<16xf32>, vector<16xi32> -> vector<16xf32>
        %add3A_1956 = arith.addf %add3A_1942, %gather3A_1955 : vector<16xf32>
        %xor3A_1957 = arith.constant 4 : i32
        %xor3A_1958 = vector.broadcast %xor3A_1957 : i32 to vector<16xi32>
        %xor3A_1959 = arith.xori %iota3A, %xor3A_1958 : vector<16xi32>
        %lt3A_1960 = arith.constant 0 : i32
        %lt3A_1961 = vector.broadcast %lt3A_1960 : i32 to vector<16xi32>
        %lt3A_1962 = arith.cmpi slt, %xor3A_1959, %lt3A_1961 : vector<16xi32>
        %add3A_1963 = arith.constant 16 : i32
        %add3A_1964 = vector.broadcast %add3A_1963 : i32 to vector<16xi32>
        %add3A_1965 = arith.addi %xor3A_1959, %add3A_1964 : vector<16xi32>
        %select_n3A_1966 = arith.select %lt3A_1962, %add3A_1965, %xor3A_1959 : vector<16xi1>, vector<16xi32>
        %broadcast_in_dim3A_1967 = vector.shape_cast %select_n3A_1966 : vector<16xi32> to vector<16x1xi32>
        %gather3A_1968 = vector.shape_cast %broadcast_in_dim3A_1967 : vector<16x1xi32> to vector<16xi32>
        %gather3A_1969 = tpu.dynamic_gather %add3A_1956[%gather3A_1968] in [0] : vector<16xf32>, vector<16xi32> -> vector<16xf32>
        %add3A_1970 = arith.addf %add3A_1956, %gather3A_1969 : vector<16xf32>
        %xor3A_1971 = arith.constant 2 : i32
        %xor3A_1972 = vector.broadcast %xor3A_1971 : i32 to vector<16xi32>
        %xor3A_1973 = arith.xori %iota3A, %xor3A_1972 : vector<16xi32>
        %lt3A_1974 = arith.constant 0 : i32
        %lt3A_1975 = vector.broadcast %lt3A_1974 : i32 to vector<16xi32>
        %lt3A_1976 = arith.cmpi slt, %xor3A_1973, %lt3A_1975 : vector<16xi32>
        %add3A_1977 = arith.constant 16 : i32
        %add3A_1978 = vector.broadcast %add3A_1977 : i32 to vector<16xi32>
        %add3A_1979 = arith.addi %xor3A_1973, %add3A_1978 : vector<16xi32>
        %select_n3A_1980 = arith.select %lt3A_1976, %add3A_1979, %xor3A_1973 : vector<16xi1>, vector<16xi32>
        %broadcast_in_dim3A_1981 = vector.shape_cast %select_n3A_1980 : vector<16xi32> to vector<16x1xi32>
        %gather3A_1982 = vector.shape_cast %broadcast_in_dim3A_1981 : vector<16x1xi32> to vector<16xi32>
        %gather3A_1983 = tpu.dynamic_gather %add3A_1970[%gather3A_1982] in [0] : vector<16xf32>, vector<16xi32> -> vector<16xf32>
        %add3A_1984 = arith.addf %add3A_1970, %gather3A_1983 : vector<16xf32>
        %xor3A_1985 = arith.constant 1 : i32
        %xor3A_1986 = vector.broadcast %xor3A_1985 : i32 to vector<16xi32>
        %xor3A_1987 = arith.xori %iota3A, %xor3A_1986 : vector<16xi32>
        %lt3A_1988 = arith.constant 0 : i32
        %lt3A_1989 = vector.broadcast %lt3A_1988 : i32 to vector<16xi32>
        %lt3A_1990 = arith.cmpi slt, %xor3A_1987, %lt3A_1989 : vector<16xi32>
        %add3A_1991 = arith.constant 16 : i32
        %add3A_1992 = vector.broadcast %add3A_1991 : i32 to vector<16xi32>
        %add3A_1993 = arith.addi %xor3A_1987, %add3A_1992 : vector<16xi32>
        %select_n3A_1994 = arith.select %lt3A_1990, %add3A_1993, %xor3A_1987 : vector<16xi1>, vector<16xi32>
        %broadcast_in_dim3A_1995 = vector.shape_cast %select_n3A_1994 : vector<16xi32> to vector<16x1xi32>
        %gather3A_1996 = vector.shape_cast %broadcast_in_dim3A_1995 : vector<16x1xi32> to vector<16xi32>
        %gather3A_1997 = tpu.dynamic_gather %add3A_1984[%gather3A_1996] in [0] : vector<16xf32>, vector<16xi32> -> vector<16xf32>
        %add3A_1998 = arith.addf %add3A_1984, %gather3A_1997 : vector<16xf32>
        %get3A_1999 = arith.constant 0 : i32
        %get3A_2000 = arith.index_cast %get3A_1999 : i32 to index
        %get3A_2001 = arith.index_cast %add3A_1879 : i32 to index
        %get3A_2002 = arith.constant 0 : index
        %get3A_2003 = tpu.vector_load %arg8[%get3A_2000, %get3A_2001, %get3A_2002] {strides = array<i32>} : memref<2x192x128xf32, #tpu.memory_space<vmem>>, vector<1x1x16xf32>,
        %get3A_2004 = vector.shape_cast %get3A_2003 : vector<1x1x16xf32> to vector<16xf32>
        %mul3A_2005 = arith.mulf %get3A_2004, %add3A_1998 : vector<16xf32>
        %add3A_2006 = arith.addf %add3A_1819, %mul3A_2005 : vector<16xf32>
        %get3A_2007 = arith.constant 0 : i32
        %get3A_2008 = arith.index_cast %get3A_2007 : i32 to index
        %get3A_2009 = arith.index_cast %add3A_1879 : i32 to index
        %get3A_2010 = arith.constant 16 : index
        %get3A_2011 = tpu.vector_load %arg8[%get3A_2008, %get3A_2009, %get3A_2010] {strides = array<i32>} : memref<2x192x128xf32, #tpu.memory_space<vmem>>, vector<1x1x16xf32>,
        %get3A_2012 = vector.shape_cast %get3A_2011 : vector<1x1x16xf32> to vector<16xf32>
        %mul3A_2013 = arith.mulf %get3A_2012, %add3A_1998 : vector<16xf32>
        %add3A_2014 = arith.addf %add3A_1827, %mul3A_2013 : vector<16xf32>
        %get3A_2015 = arith.constant 0 : i32
        %get3A_2016 = arith.index_cast %get3A_2015 : i32 to index
        %get3A_2017 = arith.index_cast %add3A_1879 : i32 to index
        %get3A_2018 = arith.constant 32 : index
        %get3A_2019 = tpu.vector_load %arg8[%get3A_2016, %get3A_2017, %get3A_2018] {strides = array<i32>} : memref<2x192x128xf32, #tpu.memory_space<vmem>>, vector<1x1x16xf32>,
        %get3A_2020 = vector.shape_cast %get3A_2019 : vector<1x1x16xf32> to vector<16xf32>
        %mul3A_2021 = arith.mulf %get3A_2020, %add3A_1998 : vector<16xf32>
        %add3A_2022 = arith.addf %add3A_1835, %mul3A_2021 : vector<16xf32>
        %get3A_2023 = arith.constant 0 : i32
        %get3A_2024 = arith.index_cast %get3A_2023 : i32 to index
        %get3A_2025 = arith.index_cast %add3A_1879 : i32 to index
        %get3A_2026 = arith.constant 48 : index
        %get3A_2027 = tpu.vector_load %arg8[%get3A_2024, %get3A_2025, %get3A_2026] {strides = array<i32>} : memref<2x192x128xf32, #tpu.memory_space<vmem>>, vector<1x1x16xf32>,
        %get3A_2028 = vector.shape_cast %get3A_2027 : vector<1x1x16xf32> to vector<16xf32>
        %mul3A_2029 = arith.mulf %get3A_2028, %add3A_1998 : vector<16xf32>
        %add3A_2030 = arith.addf %add3A_1843, %mul3A_2029 : vector<16xf32>
        %get3A_2031 = arith.constant 0 : i32
        %get3A_2032 = arith.index_cast %get3A_2031 : i32 to index
        %get3A_2033 = arith.index_cast %add3A_1879 : i32 to index
        %get3A_2034 = arith.constant 64 : index
        %get3A_2035 = tpu.vector_load %arg8[%get3A_2032, %get3A_2033, %get3A_2034] {strides = array<i32>} : memref<2x192x128xf32, #tpu.memory_space<vmem>>, vector<1x1x16xf32>,
        %get3A_2036 = vector.shape_cast %get3A_2035 : vector<1x1x16xf32> to vector<16xf32>
        %mul3A_2037 = arith.mulf %get3A_2036, %add3A_1998 : vector<16xf32>
        %add3A_2038 = arith.addf %add3A_1851, %mul3A_2037 : vector<16xf32>
        %get3A_2039 = arith.constant 0 : i32
        %get3A_2040 = arith.index_cast %get3A_2039 : i32 to index
        %get3A_2041 = arith.index_cast %add3A_1879 : i32 to index
        %get3A_2042 = arith.constant 80 : index
        %get3A_2043 = tpu.vector_load %arg8[%get3A_2040, %get3A_2041, %get3A_2042] {strides = array<i32>} : memref<2x192x128xf32, #tpu.memory_space<vmem>>, vector<1x1x16xf32>,
        %get3A_2044 = vector.shape_cast %get3A_2043 : vector<1x1x16xf32> to vector<16xf32>
        %mul3A_2045 = arith.mulf %get3A_2044, %add3A_1998 : vector<16xf32>
        %add3A_2046 = arith.addf %add3A_1859, %mul3A_2045 : vector<16xf32>
        %get3A_2047 = arith.constant 0 : i32
        %get3A_2048 = arith.index_cast %get3A_2047 : i32 to index
        %get3A_2049 = arith.index_cast %add3A_1879 : i32 to index
        %get3A_2050 = arith.constant 96 : index
        %get3A_2051 = tpu.vector_load %arg8[%get3A_2048, %get3A_2049, %get3A_2050] {strides = array<i32>} : memref<2x192x128xf32, #tpu.memory_space<vmem>>, vector<1x1x16xf32>,
        %get3A_2052 = vector.shape_cast %get3A_2051 : vector<1x1x16xf32> to vector<16xf32>
        %mul3A_2053 = arith.mulf %get3A_2052, %add3A_1998 : vector<16xf32>
        %add3A_2054 = arith.addf %add3A_1867, %mul3A_2053 : vector<16xf32>
        %get3A_2055 = arith.constant 0 : i32
        %get3A_2056 = arith.index_cast %get3A_2055 : i32 to index
        %get3A_2057 = arith.index_cast %add3A_1879 : i32 to index
        %get3A_2058 = arith.constant 112 : index
        %get3A_2059 = tpu.vector_load %arg8[%get3A_2056, %get3A_2057, %get3A_2058] {strides = array<i32>} : memref<2x192x128xf32, #tpu.memory_space<vmem>>, vector<1x1x16xf32>,
        %get3A_2060 = vector.shape_cast %get3A_2059 : vector<1x1x16xf32> to vector<16xf32>
        %mul3A_2061 = arith.mulf %get3A_2060, %add3A_1998 : vector<16xf32>
        %add3A_2062 = arith.addf %add3A_1875, %mul3A_2061 : vector<16xf32>
        %mul3A_2063 = arith.constant 4 : i32
        %mul3A_2064 = arith.muli %scan3A_1681, %mul3A_2063 : i32
        %add3A_2065 = arith.constant 2 : i32
        %add3A_2066 = arith.addi %mul3A_2064, %add3A_2065 : i32
        %get3A_2067 = arith.constant 0 : i32
        %get3A_2068 = arith.index_cast %get3A_2067 : i32 to index
        %get3A_2069 = arith.index_cast %add3A_2066 : i32 to index
        %get3A_2070 = arith.constant 0 : index
        %get3A_2071 = tpu.vector_load %arg7[%get3A_2068, %get3A_2069, %get3A_2070] {strides = array<i32>} : memref<2x192x128xf32, #tpu.memory_space<vmem>>, vector<1x1x16xf32>,
        %get3A_2072 = vector.shape_cast %get3A_2071 : vector<1x1x16xf32> to vector<16xf32>
        %mul3A_2073 = arith.mulf %get3A_2072, %add3A_388 : vector<16xf32>
        %get3A_2074 = arith.constant 0 : i32
        %get3A_2075 = arith.index_cast %get3A_2074 : i32 to index
        %get3A_2076 = arith.index_cast %add3A_2066 : i32 to index
        %get3A_2077 = arith.constant 16 : index
        %get3A_2078 = tpu.vector_load %arg7[%get3A_2075, %get3A_2076, %get3A_2077] {strides = array<i32>} : memref<2x192x128xf32, #tpu.memory_space<vmem>>, vector<1x1x16xf32>,
        %get3A_2079 = vector.shape_cast %get3A_2078 : vector<1x1x16xf32> to vector<16xf32>
        %mul3A_2080 = arith.mulf %get3A_2079, %add3A_531 : vector<16xf32>
        %add3A_2081 = arith.addf %mul3A_2073, %mul3A_2080 : vector<16xf32>
        %get3A_2082 = arith.constant 0 : i32
        %get3A_2083 = arith.index_cast %get3A_2082 : i32 to index
        %get3A_2084 = arith.index_cast %add3A_2066 : i32 to index
        %get3A_2085 = arith.constant 32 : index
        %get3A_2086 = tpu.vector_load %arg7[%get3A_2083, %get3A_2084, %get3A_2085] {strides = array<i32>} : memref<2x192x128xf32, #tpu.memory_space<vmem>>, vector<1x1x16xf32>,
        %get3A_2087 = vector.shape_cast %get3A_2086 : vector<1x1x16xf32> to vector<16xf32>
        %mul3A_2088 = arith.mulf %get3A_2087, %add3A_674 : vector<16xf32>
        %add3A_2089 = arith.addf %add3A_2081, %mul3A_2088 : vector<16xf32>
        %get3A_2090 = arith.constant 0 : i32
        %get3A_2091 = arith.index_cast %get3A_2090 : i32 to index
        %get3A_2092 = arith.index_cast %add3A_2066 : i32 to index
        %get3A_2093 = arith.constant 48 : index
        %get3A_2094 = tpu.vector_load %arg7[%get3A_2091, %get3A_2092, %get3A_2093] {strides = array<i32>} : memref<2x192x128xf32, #tpu.memory_space<vmem>>, vector<1x1x16xf32>,
        %get3A_2095 = vector.shape_cast %get3A_2094 : vector<1x1x16xf32> to vector<16xf32>
        %mul3A_2096 = arith.mulf %get3A_2095, %add3A_817 : vector<16xf32>
        %add3A_2097 = arith.addf %add3A_2089, %mul3A_2096 : vector<16xf32>
        %get3A_2098 = arith.constant 0 : i32
        %get3A_2099 = arith.index_cast %get3A_2098 : i32 to index
        %get3A_2100 = arith.index_cast %add3A_2066 : i32 to index
        %get3A_2101 = arith.constant 64 : index
        %get3A_2102 = tpu.vector_load %arg7[%get3A_2099, %get3A_2100, %get3A_2101] {strides = array<i32>} : memref<2x192x128xf32, #tpu.memory_space<vmem>>, vector<1x1x16xf32>,
        %get3A_2103 = vector.shape_cast %get3A_2102 : vector<1x1x16xf32> to vector<16xf32>
        %mul3A_2104 = arith.mulf %get3A_2103, %add3A_960 : vector<16xf32>
        %add3A_2105 = arith.addf %add3A_2097, %mul3A_2104 : vector<16xf32>
        %get3A_2106 = arith.constant 0 : i32
        %get3A_2107 = arith.index_cast %get3A_2106 : i32 to index
        %get3A_2108 = arith.index_cast %add3A_2066 : i32 to index
        %get3A_2109 = arith.constant 80 : index
        %get3A_2110 = tpu.vector_load %arg7[%get3A_2107, %get3A_2108, %get3A_2109] {strides = array<i32>} : memref<2x192x128xf32, #tpu.memory_space<vmem>>, vector<1x1x16xf32>,
        %get3A_2111 = vector.shape_cast %get3A_2110 : vector<1x1x16xf32> to vector<16xf32>
        %mul3A_2112 = arith.mulf %get3A_2111, %add3A_1103 : vector<16xf32>
        %add3A_2113 = arith.addf %add3A_2105, %mul3A_2112 : vector<16xf32>
        %get3A_2114 = arith.constant 0 : i32
        %get3A_2115 = arith.index_cast %get3A_2114 : i32 to index
        %get3A_2116 = arith.index_cast %add3A_2066 : i32 to index
        %get3A_2117 = arith.constant 96 : index
        %get3A_2118 = tpu.vector_load %arg7[%get3A_2115, %get3A_2116, %get3A_2117] {strides = array<i32>} : memref<2x192x128xf32, #tpu.memory_space<vmem>>, vector<1x1x16xf32>,
        %get3A_2119 = vector.shape_cast %get3A_2118 : vector<1x1x16xf32> to vector<16xf32>
        %mul3A_2120 = arith.mulf %get3A_2119, %add3A_1246 : vector<16xf32>
        %add3A_2121 = arith.addf %add3A_2113, %mul3A_2120 : vector<16xf32>
        %get3A_2122 = arith.constant 0 : i32
        %get3A_2123 = arith.index_cast %get3A_2122 : i32 to index
        %get3A_2124 = arith.index_cast %add3A_2066 : i32 to index
        %get3A_2125 = arith.constant 112 : index
        %get3A_2126 = tpu.vector_load %arg7[%get3A_2123, %get3A_2124, %get3A_2125] {strides = array<i32>} : memref<2x192x128xf32, #tpu.memory_space<vmem>>, vector<1x1x16xf32>,
        %get3A_2127 = vector.shape_cast %get3A_2126 : vector<1x1x16xf32> to vector<16xf32>
        %mul3A_2128 = arith.mulf %get3A_2127, %add3A_1389 : vector<16xf32>
        %add3A_2129 = arith.addf %add3A_2121, %mul3A_2128 : vector<16xf32>
        %xor3A_2130 = arith.constant 8 : i32
        %xor3A_2131 = vector.broadcast %xor3A_2130 : i32 to vector<16xi32>
        %xor3A_2132 = arith.xori %iota3A, %xor3A_2131 : vector<16xi32>
        %lt3A_2133 = arith.constant 0 : i32
        %lt3A_2134 = vector.broadcast %lt3A_2133 : i32 to vector<16xi32>
        %lt3A_2135 = arith.cmpi slt, %xor3A_2132, %lt3A_2134 : vector<16xi32>
        %add3A_2136 = arith.constant 16 : i32
        %add3A_2137 = vector.broadcast %add3A_2136 : i32 to vector<16xi32>
        %add3A_2138 = arith.addi %xor3A_2132, %add3A_2137 : vector<16xi32>
        %select_n3A_2139 = arith.select %lt3A_2135, %add3A_2138, %xor3A_2132 : vector<16xi1>, vector<16xi32>
        %broadcast_in_dim3A_2140 = vector.shape_cast %select_n3A_2139 : vector<16xi32> to vector<16x1xi32>
        %gather3A_2141 = vector.shape_cast %broadcast_in_dim3A_2140 : vector<16x1xi32> to vector<16xi32>
        %gather3A_2142 = tpu.dynamic_gather %add3A_2129[%gather3A_2141] in [0] : vector<16xf32>, vector<16xi32> -> vector<16xf32>
        %add3A_2143 = arith.addf %add3A_2129, %gather3A_2142 : vector<16xf32>
        %xor3A_2144 = arith.constant 4 : i32
        %xor3A_2145 = vector.broadcast %xor3A_2144 : i32 to vector<16xi32>
        %xor3A_2146 = arith.xori %iota3A, %xor3A_2145 : vector<16xi32>
        %lt3A_2147 = arith.constant 0 : i32
        %lt3A_2148 = vector.broadcast %lt3A_2147 : i32 to vector<16xi32>
        %lt3A_2149 = arith.cmpi slt, %xor3A_2146, %lt3A_2148 : vector<16xi32>
        %add3A_2150 = arith.constant 16 : i32
        %add3A_2151 = vector.broadcast %add3A_2150 : i32 to vector<16xi32>
        %add3A_2152 = arith.addi %xor3A_2146, %add3A_2151 : vector<16xi32>
        %select_n3A_2153 = arith.select %lt3A_2149, %add3A_2152, %xor3A_2146 : vector<16xi1>, vector<16xi32>
        %broadcast_in_dim3A_2154 = vector.shape_cast %select_n3A_2153 : vector<16xi32> to vector<16x1xi32>
        %gather3A_2155 = vector.shape_cast %broadcast_in_dim3A_2154 : vector<16x1xi32> to vector<16xi32>
        %gather3A_2156 = tpu.dynamic_gather %add3A_2143[%gather3A_2155] in [0] : vector<16xf32>, vector<16xi32> -> vector<16xf32>
        %add3A_2157 = arith.addf %add3A_2143, %gather3A_2156 : vector<16xf32>
        %xor3A_2158 = arith.constant 2 : i32
        %xor3A_2159 = vector.broadcast %xor3A_2158 : i32 to vector<16xi32>
        %xor3A_2160 = arith.xori %iota3A, %xor3A_2159 : vector<16xi32>
        %lt3A_2161 = arith.constant 0 : i32
        %lt3A_2162 = vector.broadcast %lt3A_2161 : i32 to vector<16xi32>
        %lt3A_2163 = arith.cmpi slt, %xor3A_2160, %lt3A_2162 : vector<16xi32>
        %add3A_2164 = arith.constant 16 : i32
        %add3A_2165 = vector.broadcast %add3A_2164 : i32 to vector<16xi32>
        %add3A_2166 = arith.addi %xor3A_2160, %add3A_2165 : vector<16xi32>
        %select_n3A_2167 = arith.select %lt3A_2163, %add3A_2166, %xor3A_2160 : vector<16xi1>, vector<16xi32>
        %broadcast_in_dim3A_2168 = vector.shape_cast %select_n3A_2167 : vector<16xi32> to vector<16x1xi32>
        %gather3A_2169 = vector.shape_cast %broadcast_in_dim3A_2168 : vector<16x1xi32> to vector<16xi32>
        %gather3A_2170 = tpu.dynamic_gather %add3A_2157[%gather3A_2169] in [0] : vector<16xf32>, vector<16xi32> -> vector<16xf32>
        %add3A_2171 = arith.addf %add3A_2157, %gather3A_2170 : vector<16xf32>
        %xor3A_2172 = arith.constant 1 : i32
        %xor3A_2173 = vector.broadcast %xor3A_2172 : i32 to vector<16xi32>
        %xor3A_2174 = arith.xori %iota3A, %xor3A_2173 : vector<16xi32>
        %lt3A_2175 = arith.constant 0 : i32
        %lt3A_2176 = vector.broadcast %lt3A_2175 : i32 to vector<16xi32>
        %lt3A_2177 = arith.cmpi slt, %xor3A_2174, %lt3A_2176 : vector<16xi32>
        %add3A_2178 = arith.constant 16 : i32
        %add3A_2179 = vector.broadcast %add3A_2178 : i32 to vector<16xi32>
        %add3A_2180 = arith.addi %xor3A_2174, %add3A_2179 : vector<16xi32>
        %select_n3A_2181 = arith.select %lt3A_2177, %add3A_2180, %xor3A_2174 : vector<16xi1>, vector<16xi32>
        %broadcast_in_dim3A_2182 = vector.shape_cast %select_n3A_2181 : vector<16xi32> to vector<16x1xi32>
        %gather3A_2183 = vector.shape_cast %broadcast_in_dim3A_2182 : vector<16x1xi32> to vector<16xi32>
        %gather3A_2184 = tpu.dynamic_gather %add3A_2171[%gather3A_2183] in [0] : vector<16xf32>, vector<16xi32> -> vector<16xf32>
        %add3A_2185 = arith.addf %add3A_2171, %gather3A_2184 : vector<16xf32>
        %get3A_2186 = arith.constant 0 : i32
        %get3A_2187 = arith.index_cast %get3A_2186 : i32 to index
        %get3A_2188 = arith.index_cast %add3A_2066 : i32 to index
        %get3A_2189 = arith.constant 0 : index
        %get3A_2190 = tpu.vector_load %arg8[%get3A_2187, %get3A_2188, %get3A_2189] {strides = array<i32>} : memref<2x192x128xf32, #tpu.memory_space<vmem>>, vector<1x1x16xf32>,
        %get3A_2191 = vector.shape_cast %get3A_2190 : vector<1x1x16xf32> to vector<16xf32>
        %mul3A_2192 = arith.mulf %get3A_2191, %add3A_2185 : vector<16xf32>
        %add3A_2193 = arith.addf %add3A_2006, %mul3A_2192 : vector<16xf32>
        %get3A_2194 = arith.constant 0 : i32
        %get3A_2195 = arith.index_cast %get3A_2194 : i32 to index
        %get3A_2196 = arith.index_cast %add3A_2066 : i32 to index
        %get3A_2197 = arith.constant 16 : index
        %get3A_2198 = tpu.vector_load %arg8[%get3A_2195, %get3A_2196, %get3A_2197] {strides = array<i32>} : memref<2x192x128xf32, #tpu.memory_space<vmem>>, vector<1x1x16xf32>,
        %get3A_2199 = vector.shape_cast %get3A_2198 : vector<1x1x16xf32> to vector<16xf32>
        %mul3A_2200 = arith.mulf %get3A_2199, %add3A_2185 : vector<16xf32>
        %add3A_2201 = arith.addf %add3A_2014, %mul3A_2200 : vector<16xf32>
        %get3A_2202 = arith.constant 0 : i32
        %get3A_2203 = arith.index_cast %get3A_2202 : i32 to index
        %get3A_2204 = arith.index_cast %add3A_2066 : i32 to index
        %get3A_2205 = arith.constant 32 : index
        %get3A_2206 = tpu.vector_load %arg8[%get3A_2203, %get3A_2204, %get3A_2205] {strides = array<i32>} : memref<2x192x128xf32, #tpu.memory_space<vmem>>, vector<1x1x16xf32>,
        %get3A_2207 = vector.shape_cast %get3A_2206 : vector<1x1x16xf32> to vector<16xf32>
        %mul3A_2208 = arith.mulf %get3A_2207, %add3A_2185 : vector<16xf32>
        %add3A_2209 = arith.addf %add3A_2022, %mul3A_2208 : vector<16xf32>
        %get3A_2210 = arith.constant 0 : i32
        %get3A_2211 = arith.index_cast %get3A_2210 : i32 to index
        %get3A_2212 = arith.index_cast %add3A_2066 : i32 to index
        %get3A_2213 = arith.constant 48 : index
        %get3A_2214 = tpu.vector_load %arg8[%get3A_2211, %get3A_2212, %get3A_2213] {strides = array<i32>} : memref<2x192x128xf32, #tpu.memory_space<vmem>>, vector<1x1x16xf32>,
        %get3A_2215 = vector.shape_cast %get3A_2214 : vector<1x1x16xf32> to vector<16xf32>
        %mul3A_2216 = arith.mulf %get3A_2215, %add3A_2185 : vector<16xf32>
        %add3A_2217 = arith.addf %add3A_2030, %mul3A_2216 : vector<16xf32>
        %get3A_2218 = arith.constant 0 : i32
        %get3A_2219 = arith.index_cast %get3A_2218 : i32 to index
        %get3A_2220 = arith.index_cast %add3A_2066 : i32 to index
        %get3A_2221 = arith.constant 64 : index
        %get3A_2222 = tpu.vector_load %arg8[%get3A_2219, %get3A_2220, %get3A_2221] {strides = array<i32>} : memref<2x192x128xf32, #tpu.memory_space<vmem>>, vector<1x1x16xf32>,
        %get3A_2223 = vector.shape_cast %get3A_2222 : vector<1x1x16xf32> to vector<16xf32>
        %mul3A_2224 = arith.mulf %get3A_2223, %add3A_2185 : vector<16xf32>
        %add3A_2225 = arith.addf %add3A_2038, %mul3A_2224 : vector<16xf32>
        %get3A_2226 = arith.constant 0 : i32
        %get3A_2227 = arith.index_cast %get3A_2226 : i32 to index
        %get3A_2228 = arith.index_cast %add3A_2066 : i32 to index
        %get3A_2229 = arith.constant 80 : index
        %get3A_2230 = tpu.vector_load %arg8[%get3A_2227, %get3A_2228, %get3A_2229] {strides = array<i32>} : memref<2x192x128xf32, #tpu.memory_space<vmem>>, vector<1x1x16xf32>,
        %get3A_2231 = vector.shape_cast %get3A_2230 : vector<1x1x16xf32> to vector<16xf32>
        %mul3A_2232 = arith.mulf %get3A_2231, %add3A_2185 : vector<16xf32>
        %add3A_2233 = arith.addf %add3A_2046, %mul3A_2232 : vector<16xf32>
        %get3A_2234 = arith.constant 0 : i32
        %get3A_2235 = arith.index_cast %get3A_2234 : i32 to index
        %get3A_2236 = arith.index_cast %add3A_2066 : i32 to index
        %get3A_2237 = arith.constant 96 : index
        %get3A_2238 = tpu.vector_load %arg8[%get3A_2235, %get3A_2236, %get3A_2237] {strides = array<i32>} : memref<2x192x128xf32, #tpu.memory_space<vmem>>, vector<1x1x16xf32>,
        %get3A_2239 = vector.shape_cast %get3A_2238 : vector<1x1x16xf32> to vector<16xf32>
        %mul3A_2240 = arith.mulf %get3A_2239, %add3A_2185 : vector<16xf32>
        %add3A_2241 = arith.addf %add3A_2054, %mul3A_2240 : vector<16xf32>
        %get3A_2242 = arith.constant 0 : i32
        %get3A_2243 = arith.index_cast %get3A_2242 : i32 to index
        %get3A_2244 = arith.index_cast %add3A_2066 : i32 to index
        %get3A_2245 = arith.constant 112 : index
        %get3A_2246 = tpu.vector_load %arg8[%get3A_2243, %get3A_2244, %get3A_2245] {strides = array<i32>} : memref<2x192x128xf32, #tpu.memory_space<vmem>>, vector<1x1x16xf32>,
        %get3A_2247 = vector.shape_cast %get3A_2246 : vector<1x1x16xf32> to vector<16xf32>
        %mul3A_2248 = arith.mulf %get3A_2247, %add3A_2185 : vector<16xf32>
        %add3A_2249 = arith.addf %add3A_2062, %mul3A_2248 : vector<16xf32>
        %mul3A_2250 = arith.constant 4 : i32
        %mul3A_2251 = arith.muli %scan3A_1681, %mul3A_2250 : i32
        %add3A_2252 = arith.constant 3 : i32
        %add3A_2253 = arith.addi %mul3A_2251, %add3A_2252 : i32
        %get3A_2254 = arith.constant 0 : i32
        %get3A_2255 = arith.index_cast %get3A_2254 : i32 to index
        %get3A_2256 = arith.index_cast %add3A_2253 : i32 to index
        %get3A_2257 = arith.constant 0 : index
        %get3A_2258 = tpu.vector_load %arg7[%get3A_2255, %get3A_2256, %get3A_2257] {strides = array<i32>} : memref<2x192x128xf32, #tpu.memory_space<vmem>>, vector<1x1x16xf32>,
        %get3A_2259 = vector.shape_cast %get3A_2258 : vector<1x1x16xf32> to vector<16xf32>
        %mul3A_2260 = arith.mulf %get3A_2259, %add3A_388 : vector<16xf32>
        %get3A_2261 = arith.constant 0 : i32
        %get3A_2262 = arith.index_cast %get3A_2261 : i32 to index
        %get3A_2263 = arith.index_cast %add3A_2253 : i32 to index
        %get3A_2264 = arith.constant 16 : index
        %get3A_2265 = tpu.vector_load %arg7[%get3A_2262, %get3A_2263, %get3A_2264] {strides = array<i32>} : memref<2x192x128xf32, #tpu.memory_space<vmem>>, vector<1x1x16xf32>,
        %get3A_2266 = vector.shape_cast %get3A_2265 : vector<1x1x16xf32> to vector<16xf32>
        %mul3A_2267 = arith.mulf %get3A_2266, %add3A_531 : vector<16xf32>
        %add3A_2268 = arith.addf %mul3A_2260, %mul3A_2267 : vector<16xf32>
        %get3A_2269 = arith.constant 0 : i32
        %get3A_2270 = arith.index_cast %get3A_2269 : i32 to index
        %get3A_2271 = arith.index_cast %add3A_2253 : i32 to index
        %get3A_2272 = arith.constant 32 : index
        %get3A_2273 = tpu.vector_load %arg7[%get3A_2270, %get3A_2271, %get3A_2272] {strides = array<i32>} : memref<2x192x128xf32, #tpu.memory_space<vmem>>, vector<1x1x16xf32>,
        %get3A_2274 = vector.shape_cast %get3A_2273 : vector<1x1x16xf32> to vector<16xf32>
        %mul3A_2275 = arith.mulf %get3A_2274, %add3A_674 : vector<16xf32>
        %add3A_2276 = arith.addf %add3A_2268, %mul3A_2275 : vector<16xf32>
        %get3A_2277 = arith.constant 0 : i32
        %get3A_2278 = arith.index_cast %get3A_2277 : i32 to index
        %get3A_2279 = arith.index_cast %add3A_2253 : i32 to index
        %get3A_2280 = arith.constant 48 : index
        %get3A_2281 = tpu.vector_load %arg7[%get3A_2278, %get3A_2279, %get3A_2280] {strides = array<i32>} : memref<2x192x128xf32, #tpu.memory_space<vmem>>, vector<1x1x16xf32>,
        %get3A_2282 = vector.shape_cast %get3A_2281 : vector<1x1x16xf32> to vector<16xf32>
        %mul3A_2283 = arith.mulf %get3A_2282, %add3A_817 : vector<16xf32>
        %add3A_2284 = arith.addf %add3A_2276, %mul3A_2283 : vector<16xf32>
        %get3A_2285 = arith.constant 0 : i32
        %get3A_2286 = arith.index_cast %get3A_2285 : i32 to index
        %get3A_2287 = arith.index_cast %add3A_2253 : i32 to index
        %get3A_2288 = arith.constant 64 : index
        %get3A_2289 = tpu.vector_load %arg7[%get3A_2286, %get3A_2287, %get3A_2288] {strides = array<i32>} : memref<2x192x128xf32, #tpu.memory_space<vmem>>, vector<1x1x16xf32>,
        %get3A_2290 = vector.shape_cast %get3A_2289 : vector<1x1x16xf32> to vector<16xf32>
        %mul3A_2291 = arith.mulf %get3A_2290, %add3A_960 : vector<16xf32>
        %add3A_2292 = arith.addf %add3A_2284, %mul3A_2291 : vector<16xf32>
        %get3A_2293 = arith.constant 0 : i32
        %get3A_2294 = arith.index_cast %get3A_2293 : i32 to index
        %get3A_2295 = arith.index_cast %add3A_2253 : i32 to index
        %get3A_2296 = arith.constant 80 : index
        %get3A_2297 = tpu.vector_load %arg7[%get3A_2294, %get3A_2295, %get3A_2296] {strides = array<i32>} : memref<2x192x128xf32, #tpu.memory_space<vmem>>, vector<1x1x16xf32>,
        %get3A_2298 = vector.shape_cast %get3A_2297 : vector<1x1x16xf32> to vector<16xf32>
        %mul3A_2299 = arith.mulf %get3A_2298, %add3A_1103 : vector<16xf32>
        %add3A_2300 = arith.addf %add3A_2292, %mul3A_2299 : vector<16xf32>
        %get3A_2301 = arith.constant 0 : i32
        %get3A_2302 = arith.index_cast %get3A_2301 : i32 to index
        %get3A_2303 = arith.index_cast %add3A_2253 : i32 to index
        %get3A_2304 = arith.constant 96 : index
        %get3A_2305 = tpu.vector_load %arg7[%get3A_2302, %get3A_2303, %get3A_2304] {strides = array<i32>} : memref<2x192x128xf32, #tpu.memory_space<vmem>>, vector<1x1x16xf32>,
        %get3A_2306 = vector.shape_cast %get3A_2305 : vector<1x1x16xf32> to vector<16xf32>
        %mul3A_2307 = arith.mulf %get3A_2306, %add3A_1246 : vector<16xf32>
        %add3A_2308 = arith.addf %add3A_2300, %mul3A_2307 : vector<16xf32>
        %get3A_2309 = arith.constant 0 : i32
        %get3A_2310 = arith.index_cast %get3A_2309 : i32 to index
        %get3A_2311 = arith.index_cast %add3A_2253 : i32 to index
        %get3A_2312 = arith.constant 112 : index
        %get3A_2313 = tpu.vector_load %arg7[%get3A_2310, %get3A_2311, %get3A_2312] {strides = array<i32>} : memref<2x192x128xf32, #tpu.memory_space<vmem>>, vector<1x1x16xf32>,
        %get3A_2314 = vector.shape_cast %get3A_2313 : vector<1x1x16xf32> to vector<16xf32>
        %mul3A_2315 = arith.mulf %get3A_2314, %add3A_1389 : vector<16xf32>
        %add3A_2316 = arith.addf %add3A_2308, %mul3A_2315 : vector<16xf32>
        %xor3A_2317 = arith.constant 8 : i32
        %xor3A_2318 = vector.broadcast %xor3A_2317 : i32 to vector<16xi32>
        %xor3A_2319 = arith.xori %iota3A, %xor3A_2318 : vector<16xi32>
        %lt3A_2320 = arith.constant 0 : i32
        %lt3A_2321 = vector.broadcast %lt3A_2320 : i32 to vector<16xi32>
        %lt3A_2322 = arith.cmpi slt, %xor3A_2319, %lt3A_2321 : vector<16xi32>
        %add3A_2323 = arith.constant 16 : i32
        %add3A_2324 = vector.broadcast %add3A_2323 : i32 to vector<16xi32>
        %add3A_2325 = arith.addi %xor3A_2319, %add3A_2324 : vector<16xi32>
        %select_n3A_2326 = arith.select %lt3A_2322, %add3A_2325, %xor3A_2319 : vector<16xi1>, vector<16xi32>
        %broadcast_in_dim3A_2327 = vector.shape_cast %select_n3A_2326 : vector<16xi32> to vector<16x1xi32>
        %gather3A_2328 = vector.shape_cast %broadcast_in_dim3A_2327 : vector<16x1xi32> to vector<16xi32>
        %gather3A_2329 = tpu.dynamic_gather %add3A_2316[%gather3A_2328] in [0] : vector<16xf32>, vector<16xi32> -> vector<16xf32>
        %add3A_2330 = arith.addf %add3A_2316, %gather3A_2329 : vector<16xf32>
        %xor3A_2331 = arith.constant 4 : i32
        %xor3A_2332 = vector.broadcast %xor3A_2331 : i32 to vector<16xi32>
        %xor3A_2333 = arith.xori %iota3A, %xor3A_2332 : vector<16xi32>
        %lt3A_2334 = arith.constant 0 : i32
        %lt3A_2335 = vector.broadcast %lt3A_2334 : i32 to vector<16xi32>
        %lt3A_2336 = arith.cmpi slt, %xor3A_2333, %lt3A_2335 : vector<16xi32>
        %add3A_2337 = arith.constant 16 : i32
        %add3A_2338 = vector.broadcast %add3A_2337 : i32 to vector<16xi32>
        %add3A_2339 = arith.addi %xor3A_2333, %add3A_2338 : vector<16xi32>
        %select_n3A_2340 = arith.select %lt3A_2336, %add3A_2339, %xor3A_2333 : vector<16xi1>, vector<16xi32>
        %broadcast_in_dim3A_2341 = vector.shape_cast %select_n3A_2340 : vector<16xi32> to vector<16x1xi32>
        %gather3A_2342 = vector.shape_cast %broadcast_in_dim3A_2341 : vector<16x1xi32> to vector<16xi32>
        %gather3A_2343 = tpu.dynamic_gather %add3A_2330[%gather3A_2342] in [0] : vector<16xf32>, vector<16xi32> -> vector<16xf32>
        %add3A_2344 = arith.addf %add3A_2330, %gather3A_2343 : vector<16xf32>
        %xor3A_2345 = arith.constant 2 : i32
        %xor3A_2346 = vector.broadcast %xor3A_2345 : i32 to vector<16xi32>
        %xor3A_2347 = arith.xori %iota3A, %xor3A_2346 : vector<16xi32>
        %lt3A_2348 = arith.constant 0 : i32
        %lt3A_2349 = vector.broadcast %lt3A_2348 : i32 to vector<16xi32>
        %lt3A_2350 = arith.cmpi slt, %xor3A_2347, %lt3A_2349 : vector<16xi32>
        %add3A_2351 = arith.constant 16 : i32
        %add3A_2352 = vector.broadcast %add3A_2351 : i32 to vector<16xi32>
        %add3A_2353 = arith.addi %xor3A_2347, %add3A_2352 : vector<16xi32>
        %select_n3A_2354 = arith.select %lt3A_2350, %add3A_2353, %xor3A_2347 : vector<16xi1>, vector<16xi32>
        %broadcast_in_dim3A_2355 = vector.shape_cast %select_n3A_2354 : vector<16xi32> to vector<16x1xi32>
        %gather3A_2356 = vector.shape_cast %broadcast_in_dim3A_2355 : vector<16x1xi32> to vector<16xi32>
        %gather3A_2357 = tpu.dynamic_gather %add3A_2344[%gather3A_2356] in [0] : vector<16xf32>, vector<16xi32> -> vector<16xf32>
        %add3A_2358 = arith.addf %add3A_2344, %gather3A_2357 : vector<16xf32>
        %xor3A_2359 = arith.constant 1 : i32
        %xor3A_2360 = vector.broadcast %xor3A_2359 : i32 to vector<16xi32>
        %xor3A_2361 = arith.xori %iota3A, %xor3A_2360 : vector<16xi32>
        %lt3A_2362 = arith.constant 0 : i32
        %lt3A_2363 = vector.broadcast %lt3A_2362 : i32 to vector<16xi32>
        %lt3A_2364 = arith.cmpi slt, %xor3A_2361, %lt3A_2363 : vector<16xi32>
        %add3A_2365 = arith.constant 16 : i32
        %add3A_2366 = vector.broadcast %add3A_2365 : i32 to vector<16xi32>
        %add3A_2367 = arith.addi %xor3A_2361, %add3A_2366 : vector<16xi32>
        %select_n3A_2368 = arith.select %lt3A_2364, %add3A_2367, %xor3A_2361 : vector<16xi1>, vector<16xi32>
        %broadcast_in_dim3A_2369 = vector.shape_cast %select_n3A_2368 : vector<16xi32> to vector<16x1xi32>
        %gather3A_2370 = vector.shape_cast %broadcast_in_dim3A_2369 : vector<16x1xi32> to vector<16xi32>
        %gather3A_2371 = tpu.dynamic_gather %add3A_2358[%gather3A_2370] in [0] : vector<16xf32>, vector<16xi32> -> vector<16xf32>
        %add3A_2372 = arith.addf %add3A_2358, %gather3A_2371 : vector<16xf32>
        %get3A_2373 = arith.constant 0 : i32
        %get3A_2374 = arith.index_cast %get3A_2373 : i32 to index
        %get3A_2375 = arith.index_cast %add3A_2253 : i32 to index
        %get3A_2376 = arith.constant 0 : index
        %get3A_2377 = tpu.vector_load %arg8[%get3A_2374, %get3A_2375, %get3A_2376] {strides = array<i32>} : memref<2x192x128xf32, #tpu.memory_space<vmem>>, vector<1x1x16xf32>,
        %get3A_2378 = vector.shape_cast %get3A_2377 : vector<1x1x16xf32> to vector<16xf32>
        %mul3A_2379 = arith.mulf %get3A_2378, %add3A_2372 : vector<16xf32>
        %add3A_2380 = arith.addf %add3A_2193, %mul3A_2379 : vector<16xf32>
        %get3A_2381 = arith.constant 0 : i32
        %get3A_2382 = arith.index_cast %get3A_2381 : i32 to index
        %get3A_2383 = arith.index_cast %add3A_2253 : i32 to index
        %get3A_2384 = arith.constant 16 : index
        %get3A_2385 = tpu.vector_load %arg8[%get3A_2382, %get3A_2383, %get3A_2384] {strides = array<i32>} : memref<2x192x128xf32, #tpu.memory_space<vmem>>, vector<1x1x16xf32>,
        %get3A_2386 = vector.shape_cast %get3A_2385 : vector<1x1x16xf32> to vector<16xf32>
        %mul3A_2387 = arith.mulf %get3A_2386, %add3A_2372 : vector<16xf32>
        %add3A_2388 = arith.addf %add3A_2201, %mul3A_2387 : vector<16xf32>
        %get3A_2389 = arith.constant 0 : i32
        %get3A_2390 = arith.index_cast %get3A_2389 : i32 to index
        %get3A_2391 = arith.index_cast %add3A_2253 : i32 to index
        %get3A_2392 = arith.constant 32 : index
        %get3A_2393 = tpu.vector_load %arg8[%get3A_2390, %get3A_2391, %get3A_2392] {strides = array<i32>} : memref<2x192x128xf32, #tpu.memory_space<vmem>>, vector<1x1x16xf32>,
        %get3A_2394 = vector.shape_cast %get3A_2393 : vector<1x1x16xf32> to vector<16xf32>
        %mul3A_2395 = arith.mulf %get3A_2394, %add3A_2372 : vector<16xf32>
        %add3A_2396 = arith.addf %add3A_2209, %mul3A_2395 : vector<16xf32>
        %get3A_2397 = arith.constant 0 : i32
        %get3A_2398 = arith.index_cast %get3A_2397 : i32 to index
        %get3A_2399 = arith.index_cast %add3A_2253 : i32 to index
        %get3A_2400 = arith.constant 48 : index
        %get3A_2401 = tpu.vector_load %arg8[%get3A_2398, %get3A_2399, %get3A_2400] {strides = array<i32>} : memref<2x192x128xf32, #tpu.memory_space<vmem>>, vector<1x1x16xf32>,
        %get3A_2402 = vector.shape_cast %get3A_2401 : vector<1x1x16xf32> to vector<16xf32>
        %mul3A_2403 = arith.mulf %get3A_2402, %add3A_2372 : vector<16xf32>
        %add3A_2404 = arith.addf %add3A_2217, %mul3A_2403 : vector<16xf32>
        %get3A_2405 = arith.constant 0 : i32
        %get3A_2406 = arith.index_cast %get3A_2405 : i32 to index
        %get3A_2407 = arith.index_cast %add3A_2253 : i32 to index
        %get3A_2408 = arith.constant 64 : index
        %get3A_2409 = tpu.vector_load %arg8[%get3A_2406, %get3A_2407, %get3A_2408] {strides = array<i32>} : memref<2x192x128xf32, #tpu.memory_space<vmem>>, vector<1x1x16xf32>,
        %get3A_2410 = vector.shape_cast %get3A_2409 : vector<1x1x16xf32> to vector<16xf32>
        %mul3A_2411 = arith.mulf %get3A_2410, %add3A_2372 : vector<16xf32>
        %add3A_2412 = arith.addf %add3A_2225, %mul3A_2411 : vector<16xf32>
        %get3A_2413 = arith.constant 0 : i32
        %get3A_2414 = arith.index_cast %get3A_2413 : i32 to index
        %get3A_2415 = arith.index_cast %add3A_2253 : i32 to index
        %get3A_2416 = arith.constant 80 : index
        %get3A_2417 = tpu.vector_load %arg8[%get3A_2414, %get3A_2415, %get3A_2416] {strides = array<i32>} : memref<2x192x128xf32, #tpu.memory_space<vmem>>, vector<1x1x16xf32>,
        %get3A_2418 = vector.shape_cast %get3A_2417 : vector<1x1x16xf32> to vector<16xf32>
        %mul3A_2419 = arith.mulf %get3A_2418, %add3A_2372 : vector<16xf32>
        %add3A_2420 = arith.addf %add3A_2233, %mul3A_2419 : vector<16xf32>
        %get3A_2421 = arith.constant 0 : i32
        %get3A_2422 = arith.index_cast %get3A_2421 : i32 to index
        %get3A_2423 = arith.index_cast %add3A_2253 : i32 to index
        %get3A_2424 = arith.constant 96 : index
        %get3A_2425 = tpu.vector_load %arg8[%get3A_2422, %get3A_2423, %get3A_2424] {strides = array<i32>} : memref<2x192x128xf32, #tpu.memory_space<vmem>>, vector<1x1x16xf32>,
        %get3A_2426 = vector.shape_cast %get3A_2425 : vector<1x1x16xf32> to vector<16xf32>
        %mul3A_2427 = arith.mulf %get3A_2426, %add3A_2372 : vector<16xf32>
        %add3A_2428 = arith.addf %add3A_2241, %mul3A_2427 : vector<16xf32>
        %get3A_2429 = arith.constant 0 : i32
        %get3A_2430 = arith.index_cast %get3A_2429 : i32 to index
        %get3A_2431 = arith.index_cast %add3A_2253 : i32 to index
        %get3A_2432 = arith.constant 112 : index
        %get3A_2433 = tpu.vector_load %arg8[%get3A_2430, %get3A_2431, %get3A_2432] {strides = array<i32>} : memref<2x192x128xf32, #tpu.memory_space<vmem>>, vector<1x1x16xf32>,
        %get3A_2434 = vector.shape_cast %get3A_2433 : vector<1x1x16xf32> to vector<16xf32>
        %mul3A_2435 = arith.mulf %get3A_2434, %add3A_2372 : vector<16xf32>
        %add3A_2436 = arith.addf %add3A_2249, %mul3A_2435 : vector<16xf32>
        scf.yield %add3A_2380, %add3A_2388, %add3A_2396, %add3A_2404, %add3A_2412, %add3A_2420, %add3A_2428, %add3A_2436 : vector<16xf32>, vector<16xf32>, vector<16xf32>, vector<16xf32>, vector<16xf32>, vector<16xf32>, vector<16xf32>, vector<16xf32>
      }
      %scan3A_1590 = arith.constant 48 : i32
      %add3A_1591 = arith.constant 2 : i32
      %add3A_1592 = arith.addi %mul3A_1504, %add3A_1591 : i32
      %mul3A_1593 = arith.constant 192 : i32
      %mul3A_1594 = arith.muli %add3A_1592, %mul3A_1593 : i32
      %add3A_1595 = arith.addi %add3A_4, %mul3A_1594 : i32
      %min3A_1596 = arith.constant 99776 : i32
      %min3A_1597 = arith.minsi %add3A_1595, %min3A_1596 : i32
      %multiple_of3A_1598 = tpu.assume_multiple %min3A_1597, 8 : i32
      %dma_start3A_1599 = arith.constant 0 : i32
      %dma_start3A_1600 = arith.constant 0 : i32
      %dma_start3A_1601 = arith.constant 0 : i32
      %dma_start3A_1602 = tpu.memref_slice %arg7[%dma_start3A_1599, %dma_start3A_1600, %dma_start3A_1601] : memref<2x192x128xf32, #tpu.memory_space<vmem>> -> memref<1x192x128xf32, #tpu.memory_space<vmem>>
      %dma_start3A_1603 = tpu.memref_squeeze %dma_start3A_1602 : memref<1x192x128xf32, #tpu.memory_space<vmem>> -> memref<192x128xf32, #tpu.memory_space<vmem>>
      %dma_start3A_1604 = arith.constant 0 : i32
      %dma_start3A_1605 = tpu.memref_slice %arg3[%multiple_of3A_1598, %dma_start3A_1604] : memref<100000x128xf32, #tpu.memory_space<hbm>> -> memref<192x128xf32, #tpu.memory_space<hbm>>
      %dma_start3A_1606 = arith.constant 0 : i32
      %dma_start3A_1607 = arith.constant 0 : i32
      %dma_start3A_1608 = tpu.memref_slice %arg7[%dma_start3A_1599, %dma_start3A_1606, %dma_start3A_1607] : memref<2x192x128xf32, #tpu.memory_space<vmem>> -> memref<1x192x128xf32, #tpu.memory_space<vmem>>
      %dma_start3A_1609 = tpu.memref_squeeze %dma_start3A_1608 : memref<1x192x128xf32, #tpu.memory_space<vmem>> -> memref<192x128xf32, #tpu.memory_space<vmem>>
      %dma_start3A_1610 = arith.constant 0 : i32
      %dma_start3A_1611 = tpu.memref_slice %arg3[%multiple_of3A_1598, %dma_start3A_1610] : memref<100000x128xf32, #tpu.memory_space<hbm>> -> memref<192x128xf32, #tpu.memory_space<hbm>>
      tpu.enqueue_dma source(%dma_start3A_1611 : memref<192x128xf32, #tpu.memory_space<hbm>>) target(%dma_start3A_1609 : memref<192x128xf32, #tpu.memory_space<vmem>>) target_semaphore(%arg10 : memref<!tpu.dma_semaphore, #tpu.memory_space<semaphore_mem>>)
      %add3A_1612 = arith.constant 2 : i32
      %add3A_1613 = arith.addi %mul3A_1504, %add3A_1612 : i32
      %mul3A_1614 = arith.constant 192 : i32
      %mul3A_1615 = arith.muli %add3A_1613, %mul3A_1614 : i32
      %add3A_1616 = arith.addi %add3A_4, %mul3A_1615 : i32
      %min3A_1617 = arith.constant 99776 : i32
      %min3A_1618 = arith.minsi %add3A_1616, %min3A_1617 : i32
      %multiple_of3A_1619 = tpu.assume_multiple %min3A_1618, 8 : i32
      %dma_start3A_1620 = arith.constant 0 : i32
      %dma_start3A_1621 = arith.constant 0 : i32
      %dma_start3A_1622 = arith.constant 0 : i32
      %dma_start3A_1623 = tpu.memref_slice %arg8[%dma_start3A_1620, %dma_start3A_1621, %dma_start3A_1622] : memref<2x192x128xf32, #tpu.memory_space<vmem>> -> memref<1x192x128xf32, #tpu.memory_space<vmem>>
      %dma_start3A_1624 = tpu.memref_squeeze %dma_start3A_1623 : memref<1x192x128xf32, #tpu.memory_space<vmem>> -> memref<192x128xf32, #tpu.memory_space<vmem>>
      %dma_start3A_1625 = arith.constant 0 : i32
      %dma_start3A_1626 = tpu.memref_slice %arg4[%multiple_of3A_1619, %dma_start3A_1625] : memref<100000x128xf32, #tpu.memory_space<hbm>> -> memref<192x128xf32, #tpu.memory_space<hbm>>
      %dma_start3A_1627 = arith.constant 0 : i32
      %dma_start3A_1628 = arith.constant 0 : i32
      %dma_start3A_1629 = tpu.memref_slice %arg8[%dma_start3A_1620, %dma_start3A_1627, %dma_start3A_1628] : memref<2x192x128xf32, #tpu.memory_space<vmem>> -> memref<1x192x128xf32, #tpu.memory_space<vmem>>
      %dma_start3A_1630 = tpu.memref_squeeze %dma_start3A_1629 : memref<1x192x128xf32, #tpu.memory_space<vmem>> -> memref<192x128xf32, #tpu.memory_space<vmem>>
      %dma_start3A_1631 = arith.constant 0 : i32
      %dma_start3A_1632 = tpu.memref_slice %arg4[%multiple_of3A_1619, %dma_start3A_1631] : memref<100000x128xf32, #tpu.memory_space<hbm>> -> memref<192x128xf32, #tpu.memory_space<hbm>>
      tpu.enqueue_dma source(%dma_start3A_1632 : memref<192x128xf32, #tpu.memory_space<hbm>>) target(%dma_start3A_1630 : memref<192x128xf32, #tpu.memory_space<vmem>>) target_semaphore(%arg12 : memref<!tpu.dma_semaphore, #tpu.memory_space<semaphore_mem>>)
      %add3A_1633 = arith.constant 1 : i32
      %add3A_1634 = arith.addi %mul3A_1504, %add3A_1633 : i32
      %mul3A_1635 = arith.constant 192 : i32
      %mul3A_1636 = arith.muli %add3A_1634, %mul3A_1635 : i32
      %add3A_1637 = arith.addi %add3A_4, %mul3A_1636 : i32
      %min3A_1638 = arith.constant 99776 : i32
      %min3A_1639 = arith.minsi %add3A_1637, %min3A_1638 : i32
      %multiple_of3A_1640 = tpu.assume_multiple %min3A_1639, 8 : i32
      %dma_wait3A_1641 = arith.constant 1 : i32
      %dma_wait3A_1642 = arith.constant 0 : i32
      %dma_wait3A_1643 = arith.constant 0 : i32
      %dma_wait3A_1644 = tpu.memref_slice %arg7[%dma_wait3A_1641, %dma_wait3A_1642, %dma_wait3A_1643] : memref<2x192x128xf32, #tpu.memory_space<vmem>> -> memref<1x192x128xf32, #tpu.memory_space<vmem>>
      %dma_wait3A_1645 = tpu.memref_squeeze %dma_wait3A_1644 : memref<1x192x128xf32, #tpu.memory_space<vmem>> -> memref<192x128xf32, #tpu.memory_space<vmem>>
      %dma_wait3A_1646 = arith.constant 0 : i32
      %dma_wait3A_1647 = tpu.memref_slice %arg3[%multiple_of3A_1640, %dma_wait3A_1646] : memref<100000x128xf32, #tpu.memory_space<hbm>> -> memref<192x128xf32, #tpu.memory_space<hbm>>
      %dma_wait3A_1648 = arith.constant 0 : i32
      %dma_wait3A_1649 = arith.constant 0 : i32
      %dma_wait3A_1650 = tpu.memref_slice %arg7[%dma_wait3A_1641, %dma_wait3A_1648, %dma_wait3A_1649] : memref<2x192x128xf32, #tpu.memory_space<vmem>> -> memref<1x192x128xf32, #tpu.memory_space<vmem>>
      %dma_wait3A_1651 = tpu.memref_squeeze %dma_wait3A_1650 : memref<1x192x128xf32, #tpu.memory_space<vmem>> -> memref<192x128xf32, #tpu.memory_space<vmem>>
      %dma_wait3A_1652 = arith.constant 0 : i32
      %dma_wait3A_1653 = tpu.memref_slice %arg3[%multiple_of3A_1640, %dma_wait3A_1652] : memref<100000x128xf32, #tpu.memory_space<hbm>> -> memref<192x128xf32, #tpu.memory_space<hbm>>
      tpu.wait_dma2 semaphore(%arg11 : memref<!tpu.dma_semaphore, #tpu.memory_space<semaphore_mem>>) src(%dma_wait3A_1653 : memref<192x128xf32, #tpu.memory_space<hbm>>) dst(%dma_wait3A_1651 : memref<192x128xf32, #tpu.memory_space<vmem>>)
      %add3A_1654 = arith.constant 1 : i32
      %add3A_1655 = arith.addi %mul3A_1504, %add3A_1654 : i32
      %mul3A_1656 = arith.constant 192 : i32
      %mul3A_1657 = arith.muli %add3A_1655, %mul3A_1656 : i32
      %add3A_1658 = arith.addi %add3A_4, %mul3A_1657 : i32
      %min3A_1659 = arith.constant 99776 : i32
      %min3A_1660 = arith.minsi %add3A_1658, %min3A_1659 : i32
      %multiple_of3A_1661 = tpu.assume_multiple %min3A_1660, 8 : i32
      %dma_wait3A_1662 = arith.constant 1 : i32
      %dma_wait3A_1663 = arith.constant 0 : i32
      %dma_wait3A_1664 = arith.constant 0 : i32
      %dma_wait3A_1665 = tpu.memref_slice %arg8[%dma_wait3A_1662, %dma_wait3A_1663, %dma_wait3A_1664] : memref<2x192x128xf32, #tpu.memory_space<vmem>> -> memref<1x192x128xf32, #tpu.memory_space<vmem>>
      %dma_wait3A_1666 = tpu.memref_squeeze %dma_wait3A_1665 : memref<1x192x128xf32, #tpu.memory_space<vmem>> -> memref<192x128xf32, #tpu.memory_space<vmem>>
      %dma_wait3A_1667 = arith.constant 0 : i32
      %dma_wait3A_1668 = tpu.memref_slice %arg4[%multiple_of3A_1661, %dma_wait3A_1667] : memref<100000x128xf32, #tpu.memory_space<hbm>> -> memref<192x128xf32, #tpu.memory_space<hbm>>
      %dma_wait3A_1669 = arith.constant 0 : i32
      %dma_wait3A_1670 = arith.constant 0 : i32
      %dma_wait3A_1671 = tpu.memref_slice %arg8[%dma_wait3A_1662, %dma_wait3A_1669, %dma_wait3A_1670] : memref<2x192x128xf32, #tpu.memory_space<vmem>> -> memref<1x192x128xf32, #tpu.memory_space<vmem>>
      %dma_wait3A_1672 = tpu.memref_squeeze %dma_wait3A_1671 : memref<1x192x128xf32, #tpu.memory_space<vmem>> -> memref<192x128xf32, #tpu.memory_space<vmem>>
      %dma_wait3A_1673 = arith.constant 0 : i32
      %dma_wait3A_1674 = tpu.memref_slice %arg4[%multiple_of3A_1661, %dma_wait3A_1673] : memref<100000x128xf32, #tpu.memory_space<hbm>> -> memref<192x128xf32, #tpu.memory_space<hbm>>
      tpu.wait_dma2 semaphore(%arg13 : memref<!tpu.dma_semaphore, #tpu.memory_space<semaphore_mem>>) src(%dma_wait3A_1674 : memref<192x128xf32, #tpu.memory_space<hbm>>) dst(%dma_wait3A_1672 : memref<192x128xf32, #tpu.memory_space<vmem>>)
      %scan3A_1675 = arith.constant 0 : i32
      %scan3A_1676 = arith.constant 48 : i32
      %scan3A_1677 = arith.addi %scan3A_1675, %scan3A_1676 : i32
      %scan3A_1678 = arith.constant 1 : i32
      %scan3A_1679:8 = scf.for %scan3A_1681 = %scan3A_1675 to %scan3A_1677 step %scan3A_1678 iter_args(%scan3A_1682 = %scan3A_1589#0, %scan3A_1683 = %scan3A_1589#1, %scan3A_1684 = %scan3A_1589#2, %scan3A_1685 = %scan3A_1589#3, %scan3A_1686 = %scan3A_1589#4, %scan3A_1687 = %scan3A_1589#5, %scan3A_1688 = %scan3A_1589#6, %scan3A_1689 = %scan3A_1589#7) -> (vector<16xf32>, vector<16xf32>, vector<16xf32>, vector<16xf32>, vector<16xf32>, vector<16xf32>, vector<16xf32>, vector<16xf32>)  : i32 {
        %mul3A_1690 = arith.constant 4 : i32
        %mul3A_1691 = arith.muli %scan3A_1681, %mul3A_1690 : i32
        %add3A_1692 = arith.constant 0 : i32
        %add3A_1693 = arith.addi %mul3A_1691, %add3A_1692 : i32
        %get3A_1694 = arith.constant 1 : i32
        %get3A_1695 = arith.index_cast %get3A_1694 : i32 to index
        %get3A_1696 = arith.index_cast %add3A_1693 : i32 to index
        %get3A_1697 = arith.constant 0 : index
        %get3A_1698 = tpu.vector_load %arg7[%get3A_1695, %get3A_1696, %get3A_1697] {strides = array<i32>} : memref<2x192x128xf32, #tpu.memory_space<vmem>>, vector<1x1x16xf32>,
        %get3A_1699 = vector.shape_cast %get3A_1698 : vector<1x1x16xf32> to vector<16xf32>
        %mul3A_1700 = arith.mulf %get3A_1699, %add3A_388 : vector<16xf32>
        %get3A_1701 = arith.constant 1 : i32
        %get3A_1702 = arith.index_cast %get3A_1701 : i32 to index
        %get3A_1703 = arith.index_cast %add3A_1693 : i32 to index
        %get3A_1704 = arith.constant 16 : index
        %get3A_1705 = tpu.vector_load %arg7[%get3A_1702, %get3A_1703, %get3A_1704] {strides = array<i32>} : memref<2x192x128xf32, #tpu.memory_space<vmem>>, vector<1x1x16xf32>,
        %get3A_1706 = vector.shape_cast %get3A_1705 : vector<1x1x16xf32> to vector<16xf32>
        %mul3A_1707 = arith.mulf %get3A_1706, %add3A_531 : vector<16xf32>
        %add3A_1708 = arith.addf %mul3A_1700, %mul3A_1707 : vector<16xf32>
        %get3A_1709 = arith.constant 1 : i32
        %get3A_1710 = arith.index_cast %get3A_1709 : i32 to index
        %get3A_1711 = arith.index_cast %add3A_1693 : i32 to index
        %get3A_1712 = arith.constant 32 : index
        %get3A_1713 = tpu.vector_load %arg7[%get3A_1710, %get3A_1711, %get3A_1712] {strides = array<i32>} : memref<2x192x128xf32, #tpu.memory_space<vmem>>, vector<1x1x16xf32>,
        %get3A_1714 = vector.shape_cast %get3A_1713 : vector<1x1x16xf32> to vector<16xf32>
        %mul3A_1715 = arith.mulf %get3A_1714, %add3A_674 : vector<16xf32>
        %add3A_1716 = arith.addf %add3A_1708, %mul3A_1715 : vector<16xf32>
        %get3A_1717 = arith.constant 1 : i32
        %get3A_1718 = arith.index_cast %get3A_1717 : i32 to index
        %get3A_1719 = arith.index_cast %add3A_1693 : i32 to index
        %get3A_1720 = arith.constant 48 : index
        %get3A_1721 = tpu.vector_load %arg7[%get3A_1718, %get3A_1719, %get3A_1720] {strides = array<i32>} : memref<2x192x128xf32, #tpu.memory_space<vmem>>, vector<1x1x16xf32>,
        %get3A_1722 = vector.shape_cast %get3A_1721 : vector<1x1x16xf32> to vector<16xf32>
        %mul3A_1723 = arith.mulf %get3A_1722, %add3A_817 : vector<16xf32>
        %add3A_1724 = arith.addf %add3A_1716, %mul3A_1723 : vector<16xf32>
        %get3A_1725 = arith.constant 1 : i32
        %get3A_1726 = arith.index_cast %get3A_1725 : i32 to index
        %get3A_1727 = arith.index_cast %add3A_1693 : i32 to index
        %get3A_1728 = arith.constant 64 : index
        %get3A_1729 = tpu.vector_load %arg7[%get3A_1726, %get3A_1727, %get3A_1728] {strides = array<i32>} : memref<2x192x128xf32, #tpu.memory_space<vmem>>, vector<1x1x16xf32>,
        %get3A_1730 = vector.shape_cast %get3A_1729 : vector<1x1x16xf32> to vector<16xf32>
        %mul3A_1731 = arith.mulf %get3A_1730, %add3A_960 : vector<16xf32>
        %add3A_1732 = arith.addf %add3A_1724, %mul3A_1731 : vector<16xf32>
        %get3A_1733 = arith.constant 1 : i32
        %get3A_1734 = arith.index_cast %get3A_1733 : i32 to index
        %get3A_1735 = arith.index_cast %add3A_1693 : i32 to index
        %get3A_1736 = arith.constant 80 : index
        %get3A_1737 = tpu.vector_load %arg7[%get3A_1734, %get3A_1735, %get3A_1736] {strides = array<i32>} : memref<2x192x128xf32, #tpu.memory_space<vmem>>, vector<1x1x16xf32>,
        %get3A_1738 = vector.shape_cast %get3A_1737 : vector<1x1x16xf32> to vector<16xf32>
        %mul3A_1739 = arith.mulf %get3A_1738, %add3A_1103 : vector<16xf32>
        %add3A_1740 = arith.addf %add3A_1732, %mul3A_1739 : vector<16xf32>
        %get3A_1741 = arith.constant 1 : i32
        %get3A_1742 = arith.index_cast %get3A_1741 : i32 to index
        %get3A_1743 = arith.index_cast %add3A_1693 : i32 to index
        %get3A_1744 = arith.constant 96 : index
        %get3A_1745 = tpu.vector_load %arg7[%get3A_1742, %get3A_1743, %get3A_1744] {strides = array<i32>} : memref<2x192x128xf32, #tpu.memory_space<vmem>>, vector<1x1x16xf32>,
        %get3A_1746 = vector.shape_cast %get3A_1745 : vector<1x1x16xf32> to vector<16xf32>
        %mul3A_1747 = arith.mulf %get3A_1746, %add3A_1246 : vector<16xf32>
        %add3A_1748 = arith.addf %add3A_1740, %mul3A_1747 : vector<16xf32>
        %get3A_1749 = arith.constant 1 : i32
        %get3A_1750 = arith.index_cast %get3A_1749 : i32 to index
        %get3A_1751 = arith.index_cast %add3A_1693 : i32 to index
        %get3A_1752 = arith.constant 112 : index
        %get3A_1753 = tpu.vector_load %arg7[%get3A_1750, %get3A_1751, %get3A_1752] {strides = array<i32>} : memref<2x192x128xf32, #tpu.memory_space<vmem>>, vector<1x1x16xf32>,
        %get3A_1754 = vector.shape_cast %get3A_1753 : vector<1x1x16xf32> to vector<16xf32>
        %mul3A_1755 = arith.mulf %get3A_1754, %add3A_1389 : vector<16xf32>
        %add3A_1756 = arith.addf %add3A_1748, %mul3A_1755 : vector<16xf32>
        %xor3A = arith.constant 8 : i32
        %xor3A_1757 = vector.broadcast %xor3A : i32 to vector<16xi32>
        %xor3A_1758 = arith.xori %iota3A, %xor3A_1757 : vector<16xi32>
        %lt3A_1759 = arith.constant 0 : i32
        %lt3A_1760 = vector.broadcast %lt3A_1759 : i32 to vector<16xi32>
        %lt3A_1761 = arith.cmpi slt, %xor3A_1758, %lt3A_1760 : vector<16xi32>
        %add3A_1762 = arith.constant 16 : i32
        %add3A_1763 = vector.broadcast %add3A_1762 : i32 to vector<16xi32>
        %add3A_1764 = arith.addi %xor3A_1758, %add3A_1763 : vector<16xi32>
        %select_n3A_1765 = arith.select %lt3A_1761, %add3A_1764, %xor3A_1758 : vector<16xi1>, vector<16xi32>
        %broadcast_in_dim3A_1766 = vector.shape_cast %select_n3A_1765 : vector<16xi32> to vector<16x1xi32>
        %gather3A_1767 = vector.shape_cast %broadcast_in_dim3A_1766 : vector<16x1xi32> to vector<16xi32>
        %gather3A_1768 = tpu.dynamic_gather %add3A_1756[%gather3A_1767] in [0] : vector<16xf32>, vector<16xi32> -> vector<16xf32>
        %add3A_1769 = arith.addf %add3A_1756, %gather3A_1768 : vector<16xf32>
        %xor3A_1770 = arith.constant 4 : i32
        %xor3A_1771 = vector.broadcast %xor3A_1770 : i32 to vector<16xi32>
        %xor3A_1772 = arith.xori %iota3A, %xor3A_1771 : vector<16xi32>
        %lt3A_1773 = arith.constant 0 : i32
        %lt3A_1774 = vector.broadcast %lt3A_1773 : i32 to vector<16xi32>
        %lt3A_1775 = arith.cmpi slt, %xor3A_1772, %lt3A_1774 : vector<16xi32>
        %add3A_1776 = arith.constant 16 : i32
        %add3A_1777 = vector.broadcast %add3A_1776 : i32 to vector<16xi32>
        %add3A_1778 = arith.addi %xor3A_1772, %add3A_1777 : vector<16xi32>
        %select_n3A_1779 = arith.select %lt3A_1775, %add3A_1778, %xor3A_1772 : vector<16xi1>, vector<16xi32>
        %broadcast_in_dim3A_1780 = vector.shape_cast %select_n3A_1779 : vector<16xi32> to vector<16x1xi32>
        %gather3A_1781 = vector.shape_cast %broadcast_in_dim3A_1780 : vector<16x1xi32> to vector<16xi32>
        %gather3A_1782 = tpu.dynamic_gather %add3A_1769[%gather3A_1781] in [0] : vector<16xf32>, vector<16xi32> -> vector<16xf32>
        %add3A_1783 = arith.addf %add3A_1769, %gather3A_1782 : vector<16xf32>
        %xor3A_1784 = arith.constant 2 : i32
        %xor3A_1785 = vector.broadcast %xor3A_1784 : i32 to vector<16xi32>
        %xor3A_1786 = arith.xori %iota3A, %xor3A_1785 : vector<16xi32>
        %lt3A_1787 = arith.constant 0 : i32
        %lt3A_1788 = vector.broadcast %lt3A_1787 : i32 to vector<16xi32>
        %lt3A_1789 = arith.cmpi slt, %xor3A_1786, %lt3A_1788 : vector<16xi32>
        %add3A_1790 = arith.constant 16 : i32
        %add3A_1791 = vector.broadcast %add3A_1790 : i32 to vector<16xi32>
        %add3A_1792 = arith.addi %xor3A_1786, %add3A_1791 : vector<16xi32>
        %select_n3A_1793 = arith.select %lt3A_1789, %add3A_1792, %xor3A_1786 : vector<16xi1>, vector<16xi32>
        %broadcast_in_dim3A_1794 = vector.shape_cast %select_n3A_1793 : vector<16xi32> to vector<16x1xi32>
        %gather3A_1795 = vector.shape_cast %broadcast_in_dim3A_1794 : vector<16x1xi32> to vector<16xi32>
        %gather3A_1796 = tpu.dynamic_gather %add3A_1783[%gather3A_1795] in [0] : vector<16xf32>, vector<16xi32> -> vector<16xf32>
        %add3A_1797 = arith.addf %add3A_1783, %gather3A_1796 : vector<16xf32>
        %xor3A_1798 = arith.constant 1 : i32
        %xor3A_1799 = vector.broadcast %xor3A_1798 : i32 to vector<16xi32>
        %xor3A_1800 = arith.xori %iota3A, %xor3A_1799 : vector<16xi32>
        %lt3A_1801 = arith.constant 0 : i32
        %lt3A_1802 = vector.broadcast %lt3A_1801 : i32 to vector<16xi32>
        %lt3A_1803 = arith.cmpi slt, %xor3A_1800, %lt3A_1802 : vector<16xi32>
        %add3A_1804 = arith.constant 16 : i32
        %add3A_1805 = vector.broadcast %add3A_1804 : i32 to vector<16xi32>
        %add3A_1806 = arith.addi %xor3A_1800, %add3A_1805 : vector<16xi32>
        %select_n3A_1807 = arith.select %lt3A_1803, %add3A_1806, %xor3A_1800 : vector<16xi1>, vector<16xi32>
        %broadcast_in_dim3A_1808 = vector.shape_cast %select_n3A_1807 : vector<16xi32> to vector<16x1xi32>
        %gather3A_1809 = vector.shape_cast %broadcast_in_dim3A_1808 : vector<16x1xi32> to vector<16xi32>
        %gather3A_1810 = tpu.dynamic_gather %add3A_1797[%gather3A_1809] in [0] : vector<16xf32>, vector<16xi32> -> vector<16xf32>
        %add3A_1811 = arith.addf %add3A_1797, %gather3A_1810 : vector<16xf32>
        %get3A_1812 = arith.constant 1 : i32
        %get3A_1813 = arith.index_cast %get3A_1812 : i32 to index
        %get3A_1814 = arith.index_cast %add3A_1693 : i32 to index
        %get3A_1815 = arith.constant 0 : index
        %get3A_1816 = tpu.vector_load %arg8[%get3A_1813, %get3A_1814, %get3A_1815] {strides = array<i32>} : memref<2x192x128xf32, #tpu.memory_space<vmem>>, vector<1x1x16xf32>,
        %get3A_1817 = vector.shape_cast %get3A_1816 : vector<1x1x16xf32> to vector<16xf32>
        %mul3A_1818 = arith.mulf %get3A_1817, %add3A_1811 : vector<16xf32>
        %add3A_1819 = arith.addf %scan3A_1682, %mul3A_1818 : vector<16xf32>
        %get3A_1820 = arith.constant 1 : i32
        %get3A_1821 = arith.index_cast %get3A_1820 : i32 to index
        %get3A_1822 = arith.index_cast %add3A_1693 : i32 to index
        %get3A_1823 = arith.constant 16 : index
        %get3A_1824 = tpu.vector_load %arg8[%get3A_1821, %get3A_1822, %get3A_1823] {strides = array<i32>} : memref<2x192x128xf32, #tpu.memory_space<vmem>>, vector<1x1x16xf32>,
        %get3A_1825 = vector.shape_cast %get3A_1824 : vector<1x1x16xf32> to vector<16xf32>
        %mul3A_1826 = arith.mulf %get3A_1825, %add3A_1811 : vector<16xf32>
        %add3A_1827 = arith.addf %scan3A_1683, %mul3A_1826 : vector<16xf32>
        %get3A_1828 = arith.constant 1 : i32
        %get3A_1829 = arith.index_cast %get3A_1828 : i32 to index
        %get3A_1830 = arith.index_cast %add3A_1693 : i32 to index
        %get3A_1831 = arith.constant 32 : index
        %get3A_1832 = tpu.vector_load %arg8[%get3A_1829, %get3A_1830, %get3A_1831] {strides = array<i32>} : memref<2x192x128xf32, #tpu.memory_space<vmem>>, vector<1x1x16xf32>,
        %get3A_1833 = vector.shape_cast %get3A_1832 : vector<1x1x16xf32> to vector<16xf32>
        %mul3A_1834 = arith.mulf %get3A_1833, %add3A_1811 : vector<16xf32>
        %add3A_1835 = arith.addf %scan3A_1684, %mul3A_1834 : vector<16xf32>
        %get3A_1836 = arith.constant 1 : i32
        %get3A_1837 = arith.index_cast %get3A_1836 : i32 to index
        %get3A_1838 = arith.index_cast %add3A_1693 : i32 to index
        %get3A_1839 = arith.constant 48 : index
        %get3A_1840 = tpu.vector_load %arg8[%get3A_1837, %get3A_1838, %get3A_1839] {strides = array<i32>} : memref<2x192x128xf32, #tpu.memory_space<vmem>>, vector<1x1x16xf32>,
        %get3A_1841 = vector.shape_cast %get3A_1840 : vector<1x1x16xf32> to vector<16xf32>
        %mul3A_1842 = arith.mulf %get3A_1841, %add3A_1811 : vector<16xf32>
        %add3A_1843 = arith.addf %scan3A_1685, %mul3A_1842 : vector<16xf32>
        %get3A_1844 = arith.constant 1 : i32
        %get3A_1845 = arith.index_cast %get3A_1844 : i32 to index
        %get3A_1846 = arith.index_cast %add3A_1693 : i32 to index
        %get3A_1847 = arith.constant 64 : index
        %get3A_1848 = tpu.vector_load %arg8[%get3A_1845, %get3A_1846, %get3A_1847] {strides = array<i32>} : memref<2x192x128xf32, #tpu.memory_space<vmem>>, vector<1x1x16xf32>,
        %get3A_1849 = vector.shape_cast %get3A_1848 : vector<1x1x16xf32> to vector<16xf32>
        %mul3A_1850 = arith.mulf %get3A_1849, %add3A_1811 : vector<16xf32>
        %add3A_1851 = arith.addf %scan3A_1686, %mul3A_1850 : vector<16xf32>
        %get3A_1852 = arith.constant 1 : i32
        %get3A_1853 = arith.index_cast %get3A_1852 : i32 to index
        %get3A_1854 = arith.index_cast %add3A_1693 : i32 to index
        %get3A_1855 = arith.constant 80 : index
        %get3A_1856 = tpu.vector_load %arg8[%get3A_1853, %get3A_1854, %get3A_1855] {strides = array<i32>} : memref<2x192x128xf32, #tpu.memory_space<vmem>>, vector<1x1x16xf32>,
        %get3A_1857 = vector.shape_cast %get3A_1856 : vector<1x1x16xf32> to vector<16xf32>
        %mul3A_1858 = arith.mulf %get3A_1857, %add3A_1811 : vector<16xf32>
        %add3A_1859 = arith.addf %scan3A_1687, %mul3A_1858 : vector<16xf32>
        %get3A_1860 = arith.constant 1 : i32
        %get3A_1861 = arith.index_cast %get3A_1860 : i32 to index
        %get3A_1862 = arith.index_cast %add3A_1693 : i32 to index
        %get3A_1863 = arith.constant 96 : index
        %get3A_1864 = tpu.vector_load %arg8[%get3A_1861, %get3A_1862, %get3A_1863] {strides = array<i32>} : memref<2x192x128xf32, #tpu.memory_space<vmem>>, vector<1x1x16xf32>,
        %get3A_1865 = vector.shape_cast %get3A_1864 : vector<1x1x16xf32> to vector<16xf32>
        %mul3A_1866 = arith.mulf %get3A_1865, %add3A_1811 : vector<16xf32>
        %add3A_1867 = arith.addf %scan3A_1688, %mul3A_1866 : vector<16xf32>
        %get3A_1868 = arith.constant 1 : i32
        %get3A_1869 = arith.index_cast %get3A_1868 : i32 to index
        %get3A_1870 = arith.index_cast %add3A_1693 : i32 to index
        %get3A_1871 = arith.constant 112 : index
        %get3A_1872 = tpu.vector_load %arg8[%get3A_1869, %get3A_1870, %get3A_1871] {strides = array<i32>} : memref<2x192x128xf32, #tpu.memory_space<vmem>>, vector<1x1x16xf32>,
        %get3A_1873 = vector.shape_cast %get3A_1872 : vector<1x1x16xf32> to vector<16xf32>
        %mul3A_1874 = arith.mulf %get3A_1873, %add3A_1811 : vector<16xf32>
        %add3A_1875 = arith.addf %scan3A_1689, %mul3A_1874 : vector<16xf32>
        %mul3A_1876 = arith.constant 4 : i32
        %mul3A_1877 = arith.muli %scan3A_1681, %mul3A_1876 : i32
        %add3A_1878 = arith.constant 1 : i32
        %add3A_1879 = arith.addi %mul3A_1877, %add3A_1878 : i32
        %get3A_1880 = arith.constant 1 : i32
        %get3A_1881 = arith.index_cast %get3A_1880 : i32 to index
        %get3A_1882 = arith.index_cast %add3A_1879 : i32 to index
        %get3A_1883 = arith.constant 0 : index
        %get3A_1884 = tpu.vector_load %arg7[%get3A_1881, %get3A_1882, %get3A_1883] {strides = array<i32>} : memref<2x192x128xf32, #tpu.memory_space<vmem>>, vector<1x1x16xf32>,
        %get3A_1885 = vector.shape_cast %get3A_1884 : vector<1x1x16xf32> to vector<16xf32>
        %mul3A_1886 = arith.mulf %get3A_1885, %add3A_388 : vector<16xf32>
        %get3A_1887 = arith.constant 1 : i32
        %get3A_1888 = arith.index_cast %get3A_1887 : i32 to index
        %get3A_1889 = arith.index_cast %add3A_1879 : i32 to index
        %get3A_1890 = arith.constant 16 : index
        %get3A_1891 = tpu.vector_load %arg7[%get3A_1888, %get3A_1889, %get3A_1890] {strides = array<i32>} : memref<2x192x128xf32, #tpu.memory_space<vmem>>, vector<1x1x16xf32>,
        %get3A_1892 = vector.shape_cast %get3A_1891 : vector<1x1x16xf32> to vector<16xf32>
        %mul3A_1893 = arith.mulf %get3A_1892, %add3A_531 : vector<16xf32>
        %add3A_1894 = arith.addf %mul3A_1886, %mul3A_1893 : vector<16xf32>
        %get3A_1895 = arith.constant 1 : i32
        %get3A_1896 = arith.index_cast %get3A_1895 : i32 to index
        %get3A_1897 = arith.index_cast %add3A_1879 : i32 to index
        %get3A_1898 = arith.constant 32 : index
        %get3A_1899 = tpu.vector_load %arg7[%get3A_1896, %get3A_1897, %get3A_1898] {strides = array<i32>} : memref<2x192x128xf32, #tpu.memory_space<vmem>>, vector<1x1x16xf32>,
        %get3A_1900 = vector.shape_cast %get3A_1899 : vector<1x1x16xf32> to vector<16xf32>
        %mul3A_1901 = arith.mulf %get3A_1900, %add3A_674 : vector<16xf32>
        %add3A_1902 = arith.addf %add3A_1894, %mul3A_1901 : vector<16xf32>
        %get3A_1903 = arith.constant 1 : i32
        %get3A_1904 = arith.index_cast %get3A_1903 : i32 to index
        %get3A_1905 = arith.index_cast %add3A_1879 : i32 to index
        %get3A_1906 = arith.constant 48 : index
        %get3A_1907 = tpu.vector_load %arg7[%get3A_1904, %get3A_1905, %get3A_1906] {strides = array<i32>} : memref<2x192x128xf32, #tpu.memory_space<vmem>>, vector<1x1x16xf32>,
        %get3A_1908 = vector.shape_cast %get3A_1907 : vector<1x1x16xf32> to vector<16xf32>
        %mul3A_1909 = arith.mulf %get3A_1908, %add3A_817 : vector<16xf32>
        %add3A_1910 = arith.addf %add3A_1902, %mul3A_1909 : vector<16xf32>
        %get3A_1911 = arith.constant 1 : i32
        %get3A_1912 = arith.index_cast %get3A_1911 : i32 to index
        %get3A_1913 = arith.index_cast %add3A_1879 : i32 to index
        %get3A_1914 = arith.constant 64 : index
        %get3A_1915 = tpu.vector_load %arg7[%get3A_1912, %get3A_1913, %get3A_1914] {strides = array<i32>} : memref<2x192x128xf32, #tpu.memory_space<vmem>>, vector<1x1x16xf32>,
        %get3A_1916 = vector.shape_cast %get3A_1915 : vector<1x1x16xf32> to vector<16xf32>
        %mul3A_1917 = arith.mulf %get3A_1916, %add3A_960 : vector<16xf32>
        %add3A_1918 = arith.addf %add3A_1910, %mul3A_1917 : vector<16xf32>
        %get3A_1919 = arith.constant 1 : i32
        %get3A_1920 = arith.index_cast %get3A_1919 : i32 to index
        %get3A_1921 = arith.index_cast %add3A_1879 : i32 to index
        %get3A_1922 = arith.constant 80 : index
        %get3A_1923 = tpu.vector_load %arg7[%get3A_1920, %get3A_1921, %get3A_1922] {strides = array<i32>} : memref<2x192x128xf32, #tpu.memory_space<vmem>>, vector<1x1x16xf32>,
        %get3A_1924 = vector.shape_cast %get3A_1923 : vector<1x1x16xf32> to vector<16xf32>
        %mul3A_1925 = arith.mulf %get3A_1924, %add3A_1103 : vector<16xf32>
        %add3A_1926 = arith.addf %add3A_1918, %mul3A_1925 : vector<16xf32>
        %get3A_1927 = arith.constant 1 : i32
        %get3A_1928 = arith.index_cast %get3A_1927 : i32 to index
        %get3A_1929 = arith.index_cast %add3A_1879 : i32 to index
        %get3A_1930 = arith.constant 96 : index
        %get3A_1931 = tpu.vector_load %arg7[%get3A_1928, %get3A_1929, %get3A_1930] {strides = array<i32>} : memref<2x192x128xf32, #tpu.memory_space<vmem>>, vector<1x1x16xf32>,
        %get3A_1932 = vector.shape_cast %get3A_1931 : vector<1x1x16xf32> to vector<16xf32>
        %mul3A_1933 = arith.mulf %get3A_1932, %add3A_1246 : vector<16xf32>
        %add3A_1934 = arith.addf %add3A_1926, %mul3A_1933 : vector<16xf32>
        %get3A_1935 = arith.constant 1 : i32
        %get3A_1936 = arith.index_cast %get3A_1935 : i32 to index
        %get3A_1937 = arith.index_cast %add3A_1879 : i32 to index
        %get3A_1938 = arith.constant 112 : index
        %get3A_1939 = tpu.vector_load %arg7[%get3A_1936, %get3A_1937, %get3A_1938] {strides = array<i32>} : memref<2x192x128xf32, #tpu.memory_space<vmem>>, vector<1x1x16xf32>,
        %get3A_1940 = vector.shape_cast %get3A_1939 : vector<1x1x16xf32> to vector<16xf32>
        %mul3A_1941 = arith.mulf %get3A_1940, %add3A_1389 : vector<16xf32>
        %add3A_1942 = arith.addf %add3A_1934, %mul3A_1941 : vector<16xf32>
        %xor3A_1943 = arith.constant 8 : i32
        %xor3A_1944 = vector.broadcast %xor3A_1943 : i32 to vector<16xi32>
        %xor3A_1945 = arith.xori %iota3A, %xor3A_1944 : vector<16xi32>
        %lt3A_1946 = arith.constant 0 : i32
        %lt3A_1947 = vector.broadcast %lt3A_1946 : i32 to vector<16xi32>
        %lt3A_1948 = arith.cmpi slt, %xor3A_1945, %lt3A_1947 : vector<16xi32>
        %add3A_1949 = arith.constant 16 : i32
        %add3A_1950 = vector.broadcast %add3A_1949 : i32 to vector<16xi32>
        %add3A_1951 = arith.addi %xor3A_1945, %add3A_1950 : vector<16xi32>
        %select_n3A_1952 = arith.select %lt3A_1948, %add3A_1951, %xor3A_1945 : vector<16xi1>, vector<16xi32>
        %broadcast_in_dim3A_1953 = vector.shape_cast %select_n3A_1952 : vector<16xi32> to vector<16x1xi32>
        %gather3A_1954 = vector.shape_cast %broadcast_in_dim3A_1953 : vector<16x1xi32> to vector<16xi32>
        %gather3A_1955 = tpu.dynamic_gather %add3A_1942[%gather3A_1954] in [0] : vector<16xf32>, vector<16xi32> -> vector<16xf32>
        %add3A_1956 = arith.addf %add3A_1942, %gather3A_1955 : vector<16xf32>
        %xor3A_1957 = arith.constant 4 : i32
        %xor3A_1958 = vector.broadcast %xor3A_1957 : i32 to vector<16xi32>
        %xor3A_1959 = arith.xori %iota3A, %xor3A_1958 : vector<16xi32>
        %lt3A_1960 = arith.constant 0 : i32
        %lt3A_1961 = vector.broadcast %lt3A_1960 : i32 to vector<16xi32>
        %lt3A_1962 = arith.cmpi slt, %xor3A_1959, %lt3A_1961 : vector<16xi32>
        %add3A_1963 = arith.constant 16 : i32
        %add3A_1964 = vector.broadcast %add3A_1963 : i32 to vector<16xi32>
        %add3A_1965 = arith.addi %xor3A_1959, %add3A_1964 : vector<16xi32>
        %select_n3A_1966 = arith.select %lt3A_1962, %add3A_1965, %xor3A_1959 : vector<16xi1>, vector<16xi32>
        %broadcast_in_dim3A_1967 = vector.shape_cast %select_n3A_1966 : vector<16xi32> to vector<16x1xi32>
        %gather3A_1968 = vector.shape_cast %broadcast_in_dim3A_1967 : vector<16x1xi32> to vector<16xi32>
        %gather3A_1969 = tpu.dynamic_gather %add3A_1956[%gather3A_1968] in [0] : vector<16xf32>, vector<16xi32> -> vector<16xf32>
        %add3A_1970 = arith.addf %add3A_1956, %gather3A_1969 : vector<16xf32>
        %xor3A_1971 = arith.constant 2 : i32
        %xor3A_1972 = vector.broadcast %xor3A_1971 : i32 to vector<16xi32>
        %xor3A_1973 = arith.xori %iota3A, %xor3A_1972 : vector<16xi32>
        %lt3A_1974 = arith.constant 0 : i32
        %lt3A_1975 = vector.broadcast %lt3A_1974 : i32 to vector<16xi32>
        %lt3A_1976 = arith.cmpi slt, %xor3A_1973, %lt3A_1975 : vector<16xi32>
        %add3A_1977 = arith.constant 16 : i32
        %add3A_1978 = vector.broadcast %add3A_1977 : i32 to vector<16xi32>
        %add3A_1979 = arith.addi %xor3A_1973, %add3A_1978 : vector<16xi32>
        %select_n3A_1980 = arith.select %lt3A_1976, %add3A_1979, %xor3A_1973 : vector<16xi1>, vector<16xi32>
        %broadcast_in_dim3A_1981 = vector.shape_cast %select_n3A_1980 : vector<16xi32> to vector<16x1xi32>
        %gather3A_1982 = vector.shape_cast %broadcast_in_dim3A_1981 : vector<16x1xi32> to vector<16xi32>
        %gather3A_1983 = tpu.dynamic_gather %add3A_1970[%gather3A_1982] in [0] : vector<16xf32>, vector<16xi32> -> vector<16xf32>
        %add3A_1984 = arith.addf %add3A_1970, %gather3A_1983 : vector<16xf32>
        %xor3A_1985 = arith.constant 1 : i32
        %xor3A_1986 = vector.broadcast %xor3A_1985 : i32 to vector<16xi32>
        %xor3A_1987 = arith.xori %iota3A, %xor3A_1986 : vector<16xi32>
        %lt3A_1988 = arith.constant 0 : i32
        %lt3A_1989 = vector.broadcast %lt3A_1988 : i32 to vector<16xi32>
        %lt3A_1990 = arith.cmpi slt, %xor3A_1987, %lt3A_1989 : vector<16xi32>
        %add3A_1991 = arith.constant 16 : i32
        %add3A_1992 = vector.broadcast %add3A_1991 : i32 to vector<16xi32>
        %add3A_1993 = arith.addi %xor3A_1987, %add3A_1992 : vector<16xi32>
        %select_n3A_1994 = arith.select %lt3A_1990, %add3A_1993, %xor3A_1987 : vector<16xi1>, vector<16xi32>
        %broadcast_in_dim3A_1995 = vector.shape_cast %select_n3A_1994 : vector<16xi32> to vector<16x1xi32>
        %gather3A_1996 = vector.shape_cast %broadcast_in_dim3A_1995 : vector<16x1xi32> to vector<16xi32>
        %gather3A_1997 = tpu.dynamic_gather %add3A_1984[%gather3A_1996] in [0] : vector<16xf32>, vector<16xi32> -> vector<16xf32>
        %add3A_1998 = arith.addf %add3A_1984, %gather3A_1997 : vector<16xf32>
        %get3A_1999 = arith.constant 1 : i32
        %get3A_2000 = arith.index_cast %get3A_1999 : i32 to index
        %get3A_2001 = arith.index_cast %add3A_1879 : i32 to index
        %get3A_2002 = arith.constant 0 : index
        %get3A_2003 = tpu.vector_load %arg8[%get3A_2000, %get3A_2001, %get3A_2002] {strides = array<i32>} : memref<2x192x128xf32, #tpu.memory_space<vmem>>, vector<1x1x16xf32>,
        %get3A_2004 = vector.shape_cast %get3A_2003 : vector<1x1x16xf32> to vector<16xf32>
        %mul3A_2005 = arith.mulf %get3A_2004, %add3A_1998 : vector<16xf32>
        %add3A_2006 = arith.addf %add3A_1819, %mul3A_2005 : vector<16xf32>
        %get3A_2007 = arith.constant 1 : i32
        %get3A_2008 = arith.index_cast %get3A_2007 : i32 to index
        %get3A_2009 = arith.index_cast %add3A_1879 : i32 to index
        %get3A_2010 = arith.constant 16 : index
        %get3A_2011 = tpu.vector_load %arg8[%get3A_2008, %get3A_2009, %get3A_2010] {strides = array<i32>} : memref<2x192x128xf32, #tpu.memory_space<vmem>>, vector<1x1x16xf32>,
        %get3A_2012 = vector.shape_cast %get3A_2011 : vector<1x1x16xf32> to vector<16xf32>
        %mul3A_2013 = arith.mulf %get3A_2012, %add3A_1998 : vector<16xf32>
        %add3A_2014 = arith.addf %add3A_1827, %mul3A_2013 : vector<16xf32>
        %get3A_2015 = arith.constant 1 : i32
        %get3A_2016 = arith.index_cast %get3A_2015 : i32 to index
        %get3A_2017 = arith.index_cast %add3A_1879 : i32 to index
        %get3A_2018 = arith.constant 32 : index
        %get3A_2019 = tpu.vector_load %arg8[%get3A_2016, %get3A_2017, %get3A_2018] {strides = array<i32>} : memref<2x192x128xf32, #tpu.memory_space<vmem>>, vector<1x1x16xf32>,
        %get3A_2020 = vector.shape_cast %get3A_2019 : vector<1x1x16xf32> to vector<16xf32>
        %mul3A_2021 = arith.mulf %get3A_2020, %add3A_1998 : vector<16xf32>
        %add3A_2022 = arith.addf %add3A_1835, %mul3A_2021 : vector<16xf32>
        %get3A_2023 = arith.constant 1 : i32
        %get3A_2024 = arith.index_cast %get3A_2023 : i32 to index
        %get3A_2025 = arith.index_cast %add3A_1879 : i32 to index
        %get3A_2026 = arith.constant 48 : index
        %get3A_2027 = tpu.vector_load %arg8[%get3A_2024, %get3A_2025, %get3A_2026] {strides = array<i32>} : memref<2x192x128xf32, #tpu.memory_space<vmem>>, vector<1x1x16xf32>,
        %get3A_2028 = vector.shape_cast %get3A_2027 : vector<1x1x16xf32> to vector<16xf32>
        %mul3A_2029 = arith.mulf %get3A_2028, %add3A_1998 : vector<16xf32>
        %add3A_2030 = arith.addf %add3A_1843, %mul3A_2029 : vector<16xf32>
        %get3A_2031 = arith.constant 1 : i32
        %get3A_2032 = arith.index_cast %get3A_2031 : i32 to index
        %get3A_2033 = arith.index_cast %add3A_1879 : i32 to index
        %get3A_2034 = arith.constant 64 : index
        %get3A_2035 = tpu.vector_load %arg8[%get3A_2032, %get3A_2033, %get3A_2034] {strides = array<i32>} : memref<2x192x128xf32, #tpu.memory_space<vmem>>, vector<1x1x16xf32>,
        %get3A_2036 = vector.shape_cast %get3A_2035 : vector<1x1x16xf32> to vector<16xf32>
        %mul3A_2037 = arith.mulf %get3A_2036, %add3A_1998 : vector<16xf32>
        %add3A_2038 = arith.addf %add3A_1851, %mul3A_2037 : vector<16xf32>
        %get3A_2039 = arith.constant 1 : i32
        %get3A_2040 = arith.index_cast %get3A_2039 : i32 to index
        %get3A_2041 = arith.index_cast %add3A_1879 : i32 to index
        %get3A_2042 = arith.constant 80 : index
        %get3A_2043 = tpu.vector_load %arg8[%get3A_2040, %get3A_2041, %get3A_2042] {strides = array<i32>} : memref<2x192x128xf32, #tpu.memory_space<vmem>>, vector<1x1x16xf32>,
        %get3A_2044 = vector.shape_cast %get3A_2043 : vector<1x1x16xf32> to vector<16xf32>
        %mul3A_2045 = arith.mulf %get3A_2044, %add3A_1998 : vector<16xf32>
        %add3A_2046 = arith.addf %add3A_1859, %mul3A_2045 : vector<16xf32>
        %get3A_2047 = arith.constant 1 : i32
        %get3A_2048 = arith.index_cast %get3A_2047 : i32 to index
        %get3A_2049 = arith.index_cast %add3A_1879 : i32 to index
        %get3A_2050 = arith.constant 96 : index
        %get3A_2051 = tpu.vector_load %arg8[%get3A_2048, %get3A_2049, %get3A_2050] {strides = array<i32>} : memref<2x192x128xf32, #tpu.memory_space<vmem>>, vector<1x1x16xf32>,
        %get3A_2052 = vector.shape_cast %get3A_2051 : vector<1x1x16xf32> to vector<16xf32>
        %mul3A_2053 = arith.mulf %get3A_2052, %add3A_1998 : vector<16xf32>
        %add3A_2054 = arith.addf %add3A_1867, %mul3A_2053 : vector<16xf32>
        %get3A_2055 = arith.constant 1 : i32
        %get3A_2056 = arith.index_cast %get3A_2055 : i32 to index
        %get3A_2057 = arith.index_cast %add3A_1879 : i32 to index
        %get3A_2058 = arith.constant 112 : index
        %get3A_2059 = tpu.vector_load %arg8[%get3A_2056, %get3A_2057, %get3A_2058] {strides = array<i32>} : memref<2x192x128xf32, #tpu.memory_space<vmem>>, vector<1x1x16xf32>,
        %get3A_2060 = vector.shape_cast %get3A_2059 : vector<1x1x16xf32> to vector<16xf32>
        %mul3A_2061 = arith.mulf %get3A_2060, %add3A_1998 : vector<16xf32>
        %add3A_2062 = arith.addf %add3A_1875, %mul3A_2061 : vector<16xf32>
        %mul3A_2063 = arith.constant 4 : i32
        %mul3A_2064 = arith.muli %scan3A_1681, %mul3A_2063 : i32
        %add3A_2065 = arith.constant 2 : i32
        %add3A_2066 = arith.addi %mul3A_2064, %add3A_2065 : i32
        %get3A_2067 = arith.constant 1 : i32
        %get3A_2068 = arith.index_cast %get3A_2067 : i32 to index
        %get3A_2069 = arith.index_cast %add3A_2066 : i32 to index
        %get3A_2070 = arith.constant 0 : index
        %get3A_2071 = tpu.vector_load %arg7[%get3A_2068, %get3A_2069, %get3A_2070] {strides = array<i32>} : memref<2x192x128xf32, #tpu.memory_space<vmem>>, vector<1x1x16xf32>,
        %get3A_2072 = vector.shape_cast %get3A_2071 : vector<1x1x16xf32> to vector<16xf32>
        %mul3A_2073 = arith.mulf %get3A_2072, %add3A_388 : vector<16xf32>
        %get3A_2074 = arith.constant 1 : i32
        %get3A_2075 = arith.index_cast %get3A_2074 : i32 to index
        %get3A_2076 = arith.index_cast %add3A_2066 : i32 to index
        %get3A_2077 = arith.constant 16 : index
        %get3A_2078 = tpu.vector_load %arg7[%get3A_2075, %get3A_2076, %get3A_2077] {strides = array<i32>} : memref<2x192x128xf32, #tpu.memory_space<vmem>>, vector<1x1x16xf32>,
        %get3A_2079 = vector.shape_cast %get3A_2078 : vector<1x1x16xf32> to vector<16xf32>
        %mul3A_2080 = arith.mulf %get3A_2079, %add3A_531 : vector<16xf32>
        %add3A_2081 = arith.addf %mul3A_2073, %mul3A_2080 : vector<16xf32>
        %get3A_2082 = arith.constant 1 : i32
        %get3A_2083 = arith.index_cast %get3A_2082 : i32 to index
        %get3A_2084 = arith.index_cast %add3A_2066 : i32 to index
        %get3A_2085 = arith.constant 32 : index
        %get3A_2086 = tpu.vector_load %arg7[%get3A_2083, %get3A_2084, %get3A_2085] {strides = array<i32>} : memref<2x192x128xf32, #tpu.memory_space<vmem>>, vector<1x1x16xf32>,
        %get3A_2087 = vector.shape_cast %get3A_2086 : vector<1x1x16xf32> to vector<16xf32>
        %mul3A_2088 = arith.mulf %get3A_2087, %add3A_674 : vector<16xf32>
        %add3A_2089 = arith.addf %add3A_2081, %mul3A_2088 : vector<16xf32>
        %get3A_2090 = arith.constant 1 : i32
        %get3A_2091 = arith.index_cast %get3A_2090 : i32 to index
        %get3A_2092 = arith.index_cast %add3A_2066 : i32 to index
        %get3A_2093 = arith.constant 48 : index
        %get3A_2094 = tpu.vector_load %arg7[%get3A_2091, %get3A_2092, %get3A_2093] {strides = array<i32>} : memref<2x192x128xf32, #tpu.memory_space<vmem>>, vector<1x1x16xf32>,
        %get3A_2095 = vector.shape_cast %get3A_2094 : vector<1x1x16xf32> to vector<16xf32>
        %mul3A_2096 = arith.mulf %get3A_2095, %add3A_817 : vector<16xf32>
        %add3A_2097 = arith.addf %add3A_2089, %mul3A_2096 : vector<16xf32>
        %get3A_2098 = arith.constant 1 : i32
        %get3A_2099 = arith.index_cast %get3A_2098 : i32 to index
        %get3A_2100 = arith.index_cast %add3A_2066 : i32 to index
        %get3A_2101 = arith.constant 64 : index
        %get3A_2102 = tpu.vector_load %arg7[%get3A_2099, %get3A_2100, %get3A_2101] {strides = array<i32>} : memref<2x192x128xf32, #tpu.memory_space<vmem>>, vector<1x1x16xf32>,
        %get3A_2103 = vector.shape_cast %get3A_2102 : vector<1x1x16xf32> to vector<16xf32>
        %mul3A_2104 = arith.mulf %get3A_2103, %add3A_960 : vector<16xf32>
        %add3A_2105 = arith.addf %add3A_2097, %mul3A_2104 : vector<16xf32>
        %get3A_2106 = arith.constant 1 : i32
        %get3A_2107 = arith.index_cast %get3A_2106 : i32 to index
        %get3A_2108 = arith.index_cast %add3A_2066 : i32 to index
        %get3A_2109 = arith.constant 80 : index
        %get3A_2110 = tpu.vector_load %arg7[%get3A_2107, %get3A_2108, %get3A_2109] {strides = array<i32>} : memref<2x192x128xf32, #tpu.memory_space<vmem>>, vector<1x1x16xf32>,
        %get3A_2111 = vector.shape_cast %get3A_2110 : vector<1x1x16xf32> to vector<16xf32>
        %mul3A_2112 = arith.mulf %get3A_2111, %add3A_1103 : vector<16xf32>
        %add3A_2113 = arith.addf %add3A_2105, %mul3A_2112 : vector<16xf32>
        %get3A_2114 = arith.constant 1 : i32
        %get3A_2115 = arith.index_cast %get3A_2114 : i32 to index
        %get3A_2116 = arith.index_cast %add3A_2066 : i32 to index
        %get3A_2117 = arith.constant 96 : index
        %get3A_2118 = tpu.vector_load %arg7[%get3A_2115, %get3A_2116, %get3A_2117] {strides = array<i32>} : memref<2x192x128xf32, #tpu.memory_space<vmem>>, vector<1x1x16xf32>,
        %get3A_2119 = vector.shape_cast %get3A_2118 : vector<1x1x16xf32> to vector<16xf32>
        %mul3A_2120 = arith.mulf %get3A_2119, %add3A_1246 : vector<16xf32>
        %add3A_2121 = arith.addf %add3A_2113, %mul3A_2120 : vector<16xf32>
        %get3A_2122 = arith.constant 1 : i32
        %get3A_2123 = arith.index_cast %get3A_2122 : i32 to index
        %get3A_2124 = arith.index_cast %add3A_2066 : i32 to index
        %get3A_2125 = arith.constant 112 : index
        %get3A_2126 = tpu.vector_load %arg7[%get3A_2123, %get3A_2124, %get3A_2125] {strides = array<i32>} : memref<2x192x128xf32, #tpu.memory_space<vmem>>, vector<1x1x16xf32>,
        %get3A_2127 = vector.shape_cast %get3A_2126 : vector<1x1x16xf32> to vector<16xf32>
        %mul3A_2128 = arith.mulf %get3A_2127, %add3A_1389 : vector<16xf32>
        %add3A_2129 = arith.addf %add3A_2121, %mul3A_2128 : vector<16xf32>
        %xor3A_2130 = arith.constant 8 : i32
        %xor3A_2131 = vector.broadcast %xor3A_2130 : i32 to vector<16xi32>
        %xor3A_2132 = arith.xori %iota3A, %xor3A_2131 : vector<16xi32>
        %lt3A_2133 = arith.constant 0 : i32
        %lt3A_2134 = vector.broadcast %lt3A_2133 : i32 to vector<16xi32>
        %lt3A_2135 = arith.cmpi slt, %xor3A_2132, %lt3A_2134 : vector<16xi32>
        %add3A_2136 = arith.constant 16 : i32
        %add3A_2137 = vector.broadcast %add3A_2136 : i32 to vector<16xi32>
        %add3A_2138 = arith.addi %xor3A_2132, %add3A_2137 : vector<16xi32>
        %select_n3A_2139 = arith.select %lt3A_2135, %add3A_2138, %xor3A_2132 : vector<16xi1>, vector<16xi32>
        %broadcast_in_dim3A_2140 = vector.shape_cast %select_n3A_2139 : vector<16xi32> to vector<16x1xi32>
        %gather3A_2141 = vector.shape_cast %broadcast_in_dim3A_2140 : vector<16x1xi32> to vector<16xi32>
        %gather3A_2142 = tpu.dynamic_gather %add3A_2129[%gather3A_2141] in [0] : vector<16xf32>, vector<16xi32> -> vector<16xf32>
        %add3A_2143 = arith.addf %add3A_2129, %gather3A_2142 : vector<16xf32>
        %xor3A_2144 = arith.constant 4 : i32
        %xor3A_2145 = vector.broadcast %xor3A_2144 : i32 to vector<16xi32>
        %xor3A_2146 = arith.xori %iota3A, %xor3A_2145 : vector<16xi32>
        %lt3A_2147 = arith.constant 0 : i32
        %lt3A_2148 = vector.broadcast %lt3A_2147 : i32 to vector<16xi32>
        %lt3A_2149 = arith.cmpi slt, %xor3A_2146, %lt3A_2148 : vector<16xi32>
        %add3A_2150 = arith.constant 16 : i32
        %add3A_2151 = vector.broadcast %add3A_2150 : i32 to vector<16xi32>
        %add3A_2152 = arith.addi %xor3A_2146, %add3A_2151 : vector<16xi32>
        %select_n3A_2153 = arith.select %lt3A_2149, %add3A_2152, %xor3A_2146 : vector<16xi1>, vector<16xi32>
        %broadcast_in_dim3A_2154 = vector.shape_cast %select_n3A_2153 : vector<16xi32> to vector<16x1xi32>
        %gather3A_2155 = vector.shape_cast %broadcast_in_dim3A_2154 : vector<16x1xi32> to vector<16xi32>
        %gather3A_2156 = tpu.dynamic_gather %add3A_2143[%gather3A_2155] in [0] : vector<16xf32>, vector<16xi32> -> vector<16xf32>
        %add3A_2157 = arith.addf %add3A_2143, %gather3A_2156 : vector<16xf32>
        %xor3A_2158 = arith.constant 2 : i32
        %xor3A_2159 = vector.broadcast %xor3A_2158 : i32 to vector<16xi32>
        %xor3A_2160 = arith.xori %iota3A, %xor3A_2159 : vector<16xi32>
        %lt3A_2161 = arith.constant 0 : i32
        %lt3A_2162 = vector.broadcast %lt3A_2161 : i32 to vector<16xi32>
        %lt3A_2163 = arith.cmpi slt, %xor3A_2160, %lt3A_2162 : vector<16xi32>
        %add3A_2164 = arith.constant 16 : i32
        %add3A_2165 = vector.broadcast %add3A_2164 : i32 to vector<16xi32>
        %add3A_2166 = arith.addi %xor3A_2160, %add3A_2165 : vector<16xi32>
        %select_n3A_2167 = arith.select %lt3A_2163, %add3A_2166, %xor3A_2160 : vector<16xi1>, vector<16xi32>
        %broadcast_in_dim3A_2168 = vector.shape_cast %select_n3A_2167 : vector<16xi32> to vector<16x1xi32>
        %gather3A_2169 = vector.shape_cast %broadcast_in_dim3A_2168 : vector<16x1xi32> to vector<16xi32>
        %gather3A_2170 = tpu.dynamic_gather %add3A_2157[%gather3A_2169] in [0] : vector<16xf32>, vector<16xi32> -> vector<16xf32>
        %add3A_2171 = arith.addf %add3A_2157, %gather3A_2170 : vector<16xf32>
        %xor3A_2172 = arith.constant 1 : i32
        %xor3A_2173 = vector.broadcast %xor3A_2172 : i32 to vector<16xi32>
        %xor3A_2174 = arith.xori %iota3A, %xor3A_2173 : vector<16xi32>
        %lt3A_2175 = arith.constant 0 : i32
        %lt3A_2176 = vector.broadcast %lt3A_2175 : i32 to vector<16xi32>
        %lt3A_2177 = arith.cmpi slt, %xor3A_2174, %lt3A_2176 : vector<16xi32>
        %add3A_2178 = arith.constant 16 : i32
        %add3A_2179 = vector.broadcast %add3A_2178 : i32 to vector<16xi32>
        %add3A_2180 = arith.addi %xor3A_2174, %add3A_2179 : vector<16xi32>
        %select_n3A_2181 = arith.select %lt3A_2177, %add3A_2180, %xor3A_2174 : vector<16xi1>, vector<16xi32>
        %broadcast_in_dim3A_2182 = vector.shape_cast %select_n3A_2181 : vector<16xi32> to vector<16x1xi32>
        %gather3A_2183 = vector.shape_cast %broadcast_in_dim3A_2182 : vector<16x1xi32> to vector<16xi32>
        %gather3A_2184 = tpu.dynamic_gather %add3A_2171[%gather3A_2183] in [0] : vector<16xf32>, vector<16xi32> -> vector<16xf32>
        %add3A_2185 = arith.addf %add3A_2171, %gather3A_2184 : vector<16xf32>
        %get3A_2186 = arith.constant 1 : i32
        %get3A_2187 = arith.index_cast %get3A_2186 : i32 to index
        %get3A_2188 = arith.index_cast %add3A_2066 : i32 to index
        %get3A_2189 = arith.constant 0 : index
        %get3A_2190 = tpu.vector_load %arg8[%get3A_2187, %get3A_2188, %get3A_2189] {strides = array<i32>} : memref<2x192x128xf32, #tpu.memory_space<vmem>>, vector<1x1x16xf32>,
        %get3A_2191 = vector.shape_cast %get3A_2190 : vector<1x1x16xf32> to vector<16xf32>
        %mul3A_2192 = arith.mulf %get3A_2191, %add3A_2185 : vector<16xf32>
        %add3A_2193 = arith.addf %add3A_2006, %mul3A_2192 : vector<16xf32>
        %get3A_2194 = arith.constant 1 : i32
        %get3A_2195 = arith.index_cast %get3A_2194 : i32 to index
        %get3A_2196 = arith.index_cast %add3A_2066 : i32 to index
        %get3A_2197 = arith.constant 16 : index
        %get3A_2198 = tpu.vector_load %arg8[%get3A_2195, %get3A_2196, %get3A_2197] {strides = array<i32>} : memref<2x192x128xf32, #tpu.memory_space<vmem>>, vector<1x1x16xf32>,
        %get3A_2199 = vector.shape_cast %get3A_2198 : vector<1x1x16xf32> to vector<16xf32>
        %mul3A_2200 = arith.mulf %get3A_2199, %add3A_2185 : vector<16xf32>
        %add3A_2201 = arith.addf %add3A_2014, %mul3A_2200 : vector<16xf32>
        %get3A_2202 = arith.constant 1 : i32
        %get3A_2203 = arith.index_cast %get3A_2202 : i32 to index
        %get3A_2204 = arith.index_cast %add3A_2066 : i32 to index
        %get3A_2205 = arith.constant 32 : index
        %get3A_2206 = tpu.vector_load %arg8[%get3A_2203, %get3A_2204, %get3A_2205] {strides = array<i32>} : memref<2x192x128xf32, #tpu.memory_space<vmem>>, vector<1x1x16xf32>,
        %get3A_2207 = vector.shape_cast %get3A_2206 : vector<1x1x16xf32> to vector<16xf32>
        %mul3A_2208 = arith.mulf %get3A_2207, %add3A_2185 : vector<16xf32>
        %add3A_2209 = arith.addf %add3A_2022, %mul3A_2208 : vector<16xf32>
        %get3A_2210 = arith.constant 1 : i32
        %get3A_2211 = arith.index_cast %get3A_2210 : i32 to index
        %get3A_2212 = arith.index_cast %add3A_2066 : i32 to index
        %get3A_2213 = arith.constant 48 : index
        %get3A_2214 = tpu.vector_load %arg8[%get3A_2211, %get3A_2212, %get3A_2213] {strides = array<i32>} : memref<2x192x128xf32, #tpu.memory_space<vmem>>, vector<1x1x16xf32>,
        %get3A_2215 = vector.shape_cast %get3A_2214 : vector<1x1x16xf32> to vector<16xf32>
        %mul3A_2216 = arith.mulf %get3A_2215, %add3A_2185 : vector<16xf32>
        %add3A_2217 = arith.addf %add3A_2030, %mul3A_2216 : vector<16xf32>
        %get3A_2218 = arith.constant 1 : i32
        %get3A_2219 = arith.index_cast %get3A_2218 : i32 to index
        %get3A_2220 = arith.index_cast %add3A_2066 : i32 to index
        %get3A_2221 = arith.constant 64 : index
        %get3A_2222 = tpu.vector_load %arg8[%get3A_2219, %get3A_2220, %get3A_2221] {strides = array<i32>} : memref<2x192x128xf32, #tpu.memory_space<vmem>>, vector<1x1x16xf32>,
        %get3A_2223 = vector.shape_cast %get3A_2222 : vector<1x1x16xf32> to vector<16xf32>
        %mul3A_2224 = arith.mulf %get3A_2223, %add3A_2185 : vector<16xf32>
        %add3A_2225 = arith.addf %add3A_2038, %mul3A_2224 : vector<16xf32>
        %get3A_2226 = arith.constant 1 : i32
        %get3A_2227 = arith.index_cast %get3A_2226 : i32 to index
        %get3A_2228 = arith.index_cast %add3A_2066 : i32 to index
        %get3A_2229 = arith.constant 80 : index
        %get3A_2230 = tpu.vector_load %arg8[%get3A_2227, %get3A_2228, %get3A_2229] {strides = array<i32>} : memref<2x192x128xf32, #tpu.memory_space<vmem>>, vector<1x1x16xf32>,
        %get3A_2231 = vector.shape_cast %get3A_2230 : vector<1x1x16xf32> to vector<16xf32>
        %mul3A_2232 = arith.mulf %get3A_2231, %add3A_2185 : vector<16xf32>
        %add3A_2233 = arith.addf %add3A_2046, %mul3A_2232 : vector<16xf32>
        %get3A_2234 = arith.constant 1 : i32
        %get3A_2235 = arith.index_cast %get3A_2234 : i32 to index
        %get3A_2236 = arith.index_cast %add3A_2066 : i32 to index
        %get3A_2237 = arith.constant 96 : index
        %get3A_2238 = tpu.vector_load %arg8[%get3A_2235, %get3A_2236, %get3A_2237] {strides = array<i32>} : memref<2x192x128xf32, #tpu.memory_space<vmem>>, vector<1x1x16xf32>,
        %get3A_2239 = vector.shape_cast %get3A_2238 : vector<1x1x16xf32> to vector<16xf32>
        %mul3A_2240 = arith.mulf %get3A_2239, %add3A_2185 : vector<16xf32>
        %add3A_2241 = arith.addf %add3A_2054, %mul3A_2240 : vector<16xf32>
        %get3A_2242 = arith.constant 1 : i32
        %get3A_2243 = arith.index_cast %get3A_2242 : i32 to index
        %get3A_2244 = arith.index_cast %add3A_2066 : i32 to index
        %get3A_2245 = arith.constant 112 : index
        %get3A_2246 = tpu.vector_load %arg8[%get3A_2243, %get3A_2244, %get3A_2245] {strides = array<i32>} : memref<2x192x128xf32, #tpu.memory_space<vmem>>, vector<1x1x16xf32>,
        %get3A_2247 = vector.shape_cast %get3A_2246 : vector<1x1x16xf32> to vector<16xf32>
        %mul3A_2248 = arith.mulf %get3A_2247, %add3A_2185 : vector<16xf32>
        %add3A_2249 = arith.addf %add3A_2062, %mul3A_2248 : vector<16xf32>
        %mul3A_2250 = arith.constant 4 : i32
        %mul3A_2251 = arith.muli %scan3A_1681, %mul3A_2250 : i32
        %add3A_2252 = arith.constant 3 : i32
        %add3A_2253 = arith.addi %mul3A_2251, %add3A_2252 : i32
        %get3A_2254 = arith.constant 1 : i32
        %get3A_2255 = arith.index_cast %get3A_2254 : i32 to index
        %get3A_2256 = arith.index_cast %add3A_2253 : i32 to index
        %get3A_2257 = arith.constant 0 : index
        %get3A_2258 = tpu.vector_load %arg7[%get3A_2255, %get3A_2256, %get3A_2257] {strides = array<i32>} : memref<2x192x128xf32, #tpu.memory_space<vmem>>, vector<1x1x16xf32>,
        %get3A_2259 = vector.shape_cast %get3A_2258 : vector<1x1x16xf32> to vector<16xf32>
        %mul3A_2260 = arith.mulf %get3A_2259, %add3A_388 : vector<16xf32>
        %get3A_2261 = arith.constant 1 : i32
        %get3A_2262 = arith.index_cast %get3A_2261 : i32 to index
        %get3A_2263 = arith.index_cast %add3A_2253 : i32 to index
        %get3A_2264 = arith.constant 16 : index
        %get3A_2265 = tpu.vector_load %arg7[%get3A_2262, %get3A_2263, %get3A_2264] {strides = array<i32>} : memref<2x192x128xf32, #tpu.memory_space<vmem>>, vector<1x1x16xf32>,
        %get3A_2266 = vector.shape_cast %get3A_2265 : vector<1x1x16xf32> to vector<16xf32>
        %mul3A_2267 = arith.mulf %get3A_2266, %add3A_531 : vector<16xf32>
        %add3A_2268 = arith.addf %mul3A_2260, %mul3A_2267 : vector<16xf32>
        %get3A_2269 = arith.constant 1 : i32
        %get3A_2270 = arith.index_cast %get3A_2269 : i32 to index
        %get3A_2271 = arith.index_cast %add3A_2253 : i32 to index
        %get3A_2272 = arith.constant 32 : index
        %get3A_2273 = tpu.vector_load %arg7[%get3A_2270, %get3A_2271, %get3A_2272] {strides = array<i32>} : memref<2x192x128xf32, #tpu.memory_space<vmem>>, vector<1x1x16xf32>,
        %get3A_2274 = vector.shape_cast %get3A_2273 : vector<1x1x16xf32> to vector<16xf32>
        %mul3A_2275 = arith.mulf %get3A_2274, %add3A_674 : vector<16xf32>
        %add3A_2276 = arith.addf %add3A_2268, %mul3A_2275 : vector<16xf32>
        %get3A_2277 = arith.constant 1 : i32
        %get3A_2278 = arith.index_cast %get3A_2277 : i32 to index
        %get3A_2279 = arith.index_cast %add3A_2253 : i32 to index
        %get3A_2280 = arith.constant 48 : index
        %get3A_2281 = tpu.vector_load %arg7[%get3A_2278, %get3A_2279, %get3A_2280] {strides = array<i32>} : memref<2x192x128xf32, #tpu.memory_space<vmem>>, vector<1x1x16xf32>,
        %get3A_2282 = vector.shape_cast %get3A_2281 : vector<1x1x16xf32> to vector<16xf32>
        %mul3A_2283 = arith.mulf %get3A_2282, %add3A_817 : vector<16xf32>
        %add3A_2284 = arith.addf %add3A_2276, %mul3A_2283 : vector<16xf32>
        %get3A_2285 = arith.constant 1 : i32
        %get3A_2286 = arith.index_cast %get3A_2285 : i32 to index
        %get3A_2287 = arith.index_cast %add3A_2253 : i32 to index
        %get3A_2288 = arith.constant 64 : index
        %get3A_2289 = tpu.vector_load %arg7[%get3A_2286, %get3A_2287, %get3A_2288] {strides = array<i32>} : memref<2x192x128xf32, #tpu.memory_space<vmem>>, vector<1x1x16xf32>,
        %get3A_2290 = vector.shape_cast %get3A_2289 : vector<1x1x16xf32> to vector<16xf32>
        %mul3A_2291 = arith.mulf %get3A_2290, %add3A_960 : vector<16xf32>
        %add3A_2292 = arith.addf %add3A_2284, %mul3A_2291 : vector<16xf32>
        %get3A_2293 = arith.constant 1 : i32
        %get3A_2294 = arith.index_cast %get3A_2293 : i32 to index
        %get3A_2295 = arith.index_cast %add3A_2253 : i32 to index
        %get3A_2296 = arith.constant 80 : index
        %get3A_2297 = tpu.vector_load %arg7[%get3A_2294, %get3A_2295, %get3A_2296] {strides = array<i32>} : memref<2x192x128xf32, #tpu.memory_space<vmem>>, vector<1x1x16xf32>,
        %get3A_2298 = vector.shape_cast %get3A_2297 : vector<1x1x16xf32> to vector<16xf32>
        %mul3A_2299 = arith.mulf %get3A_2298, %add3A_1103 : vector<16xf32>
        %add3A_2300 = arith.addf %add3A_2292, %mul3A_2299 : vector<16xf32>
        %get3A_2301 = arith.constant 1 : i32
        %get3A_2302 = arith.index_cast %get3A_2301 : i32 to index
        %get3A_2303 = arith.index_cast %add3A_2253 : i32 to index
        %get3A_2304 = arith.constant 96 : index
        %get3A_2305 = tpu.vector_load %arg7[%get3A_2302, %get3A_2303, %get3A_2304] {strides = array<i32>} : memref<2x192x128xf32, #tpu.memory_space<vmem>>, vector<1x1x16xf32>,
        %get3A_2306 = vector.shape_cast %get3A_2305 : vector<1x1x16xf32> to vector<16xf32>
        %mul3A_2307 = arith.mulf %get3A_2306, %add3A_1246 : vector<16xf32>
        %add3A_2308 = arith.addf %add3A_2300, %mul3A_2307 : vector<16xf32>
        %get3A_2309 = arith.constant 1 : i32
        %get3A_2310 = arith.index_cast %get3A_2309 : i32 to index
        %get3A_2311 = arith.index_cast %add3A_2253 : i32 to index
        %get3A_2312 = arith.constant 112 : index
        %get3A_2313 = tpu.vector_load %arg7[%get3A_2310, %get3A_2311, %get3A_2312] {strides = array<i32>} : memref<2x192x128xf32, #tpu.memory_space<vmem>>, vector<1x1x16xf32>,
        %get3A_2314 = vector.shape_cast %get3A_2313 : vector<1x1x16xf32> to vector<16xf32>
        %mul3A_2315 = arith.mulf %get3A_2314, %add3A_1389 : vector<16xf32>
        %add3A_2316 = arith.addf %add3A_2308, %mul3A_2315 : vector<16xf32>
        %xor3A_2317 = arith.constant 8 : i32
        %xor3A_2318 = vector.broadcast %xor3A_2317 : i32 to vector<16xi32>
        %xor3A_2319 = arith.xori %iota3A, %xor3A_2318 : vector<16xi32>
        %lt3A_2320 = arith.constant 0 : i32
        %lt3A_2321 = vector.broadcast %lt3A_2320 : i32 to vector<16xi32>
        %lt3A_2322 = arith.cmpi slt, %xor3A_2319, %lt3A_2321 : vector<16xi32>
        %add3A_2323 = arith.constant 16 : i32
        %add3A_2324 = vector.broadcast %add3A_2323 : i32 to vector<16xi32>
        %add3A_2325 = arith.addi %xor3A_2319, %add3A_2324 : vector<16xi32>
        %select_n3A_2326 = arith.select %lt3A_2322, %add3A_2325, %xor3A_2319 : vector<16xi1>, vector<16xi32>
        %broadcast_in_dim3A_2327 = vector.shape_cast %select_n3A_2326 : vector<16xi32> to vector<16x1xi32>
        %gather3A_2328 = vector.shape_cast %broadcast_in_dim3A_2327 : vector<16x1xi32> to vector<16xi32>
        %gather3A_2329 = tpu.dynamic_gather %add3A_2316[%gather3A_2328] in [0] : vector<16xf32>, vector<16xi32> -> vector<16xf32>
        %add3A_2330 = arith.addf %add3A_2316, %gather3A_2329 : vector<16xf32>
        %xor3A_2331 = arith.constant 4 : i32
        %xor3A_2332 = vector.broadcast %xor3A_2331 : i32 to vector<16xi32>
        %xor3A_2333 = arith.xori %iota3A, %xor3A_2332 : vector<16xi32>
        %lt3A_2334 = arith.constant 0 : i32
        %lt3A_2335 = vector.broadcast %lt3A_2334 : i32 to vector<16xi32>
        %lt3A_2336 = arith.cmpi slt, %xor3A_2333, %lt3A_2335 : vector<16xi32>
        %add3A_2337 = arith.constant 16 : i32
        %add3A_2338 = vector.broadcast %add3A_2337 : i32 to vector<16xi32>
        %add3A_2339 = arith.addi %xor3A_2333, %add3A_2338 : vector<16xi32>
        %select_n3A_2340 = arith.select %lt3A_2336, %add3A_2339, %xor3A_2333 : vector<16xi1>, vector<16xi32>
        %broadcast_in_dim3A_2341 = vector.shape_cast %select_n3A_2340 : vector<16xi32> to vector<16x1xi32>
        %gather3A_2342 = vector.shape_cast %broadcast_in_dim3A_2341 : vector<16x1xi32> to vector<16xi32>
        %gather3A_2343 = tpu.dynamic_gather %add3A_2330[%gather3A_2342] in [0] : vector<16xf32>, vector<16xi32> -> vector<16xf32>
        %add3A_2344 = arith.addf %add3A_2330, %gather3A_2343 : vector<16xf32>
        %xor3A_2345 = arith.constant 2 : i32
        %xor3A_2346 = vector.broadcast %xor3A_2345 : i32 to vector<16xi32>
        %xor3A_2347 = arith.xori %iota3A, %xor3A_2346 : vector<16xi32>
        %lt3A_2348 = arith.constant 0 : i32
        %lt3A_2349 = vector.broadcast %lt3A_2348 : i32 to vector<16xi32>
        %lt3A_2350 = arith.cmpi slt, %xor3A_2347, %lt3A_2349 : vector<16xi32>
        %add3A_2351 = arith.constant 16 : i32
        %add3A_2352 = vector.broadcast %add3A_2351 : i32 to vector<16xi32>
        %add3A_2353 = arith.addi %xor3A_2347, %add3A_2352 : vector<16xi32>
        %select_n3A_2354 = arith.select %lt3A_2350, %add3A_2353, %xor3A_2347 : vector<16xi1>, vector<16xi32>
        %broadcast_in_dim3A_2355 = vector.shape_cast %select_n3A_2354 : vector<16xi32> to vector<16x1xi32>
        %gather3A_2356 = vector.shape_cast %broadcast_in_dim3A_2355 : vector<16x1xi32> to vector<16xi32>
        %gather3A_2357 = tpu.dynamic_gather %add3A_2344[%gather3A_2356] in [0] : vector<16xf32>, vector<16xi32> -> vector<16xf32>
        %add3A_2358 = arith.addf %add3A_2344, %gather3A_2357 : vector<16xf32>
        %xor3A_2359 = arith.constant 1 : i32
        %xor3A_2360 = vector.broadcast %xor3A_2359 : i32 to vector<16xi32>
        %xor3A_2361 = arith.xori %iota3A, %xor3A_2360 : vector<16xi32>
        %lt3A_2362 = arith.constant 0 : i32
        %lt3A_2363 = vector.broadcast %lt3A_2362 : i32 to vector<16xi32>
        %lt3A_2364 = arith.cmpi slt, %xor3A_2361, %lt3A_2363 : vector<16xi32>
        %add3A_2365 = arith.constant 16 : i32
        %add3A_2366 = vector.broadcast %add3A_2365 : i32 to vector<16xi32>
        %add3A_2367 = arith.addi %xor3A_2361, %add3A_2366 : vector<16xi32>
        %select_n3A_2368 = arith.select %lt3A_2364, %add3A_2367, %xor3A_2361 : vector<16xi1>, vector<16xi32>
        %broadcast_in_dim3A_2369 = vector.shape_cast %select_n3A_2368 : vector<16xi32> to vector<16x1xi32>
        %gather3A_2370 = vector.shape_cast %broadcast_in_dim3A_2369 : vector<16x1xi32> to vector<16xi32>
        %gather3A_2371 = tpu.dynamic_gather %add3A_2358[%gather3A_2370] in [0] : vector<16xf32>, vector<16xi32> -> vector<16xf32>
        %add3A_2372 = arith.addf %add3A_2358, %gather3A_2371 : vector<16xf32>
        %get3A_2373 = arith.constant 1 : i32
        %get3A_2374 = arith.index_cast %get3A_2373 : i32 to index
        %get3A_2375 = arith.index_cast %add3A_2253 : i32 to index
        %get3A_2376 = arith.constant 0 : index
        %get3A_2377 = tpu.vector_load %arg8[%get3A_2374, %get3A_2375, %get3A_2376] {strides = array<i32>} : memref<2x192x128xf32, #tpu.memory_space<vmem>>, vector<1x1x16xf32>,
        %get3A_2378 = vector.shape_cast %get3A_2377 : vector<1x1x16xf32> to vector<16xf32>
        %mul3A_2379 = arith.mulf %get3A_2378, %add3A_2372 : vector<16xf32>
        %add3A_2380 = arith.addf %add3A_2193, %mul3A_2379 : vector<16xf32>
        %get3A_2381 = arith.constant 1 : i32
        %get3A_2382 = arith.index_cast %get3A_2381 : i32 to index
        %get3A_2383 = arith.index_cast %add3A_2253 : i32 to index
        %get3A_2384 = arith.constant 16 : index
        %get3A_2385 = tpu.vector_load %arg8[%get3A_2382, %get3A_2383, %get3A_2384] {strides = array<i32>} : memref<2x192x128xf32, #tpu.memory_space<vmem>>, vector<1x1x16xf32>,
        %get3A_2386 = vector.shape_cast %get3A_2385 : vector<1x1x16xf32> to vector<16xf32>
        %mul3A_2387 = arith.mulf %get3A_2386, %add3A_2372 : vector<16xf32>
        %add3A_2388 = arith.addf %add3A_2201, %mul3A_2387 : vector<16xf32>
        %get3A_2389 = arith.constant 1 : i32
        %get3A_2390 = arith.index_cast %get3A_2389 : i32 to index
        %get3A_2391 = arith.index_cast %add3A_2253 : i32 to index
        %get3A_2392 = arith.constant 32 : index
        %get3A_2393 = tpu.vector_load %arg8[%get3A_2390, %get3A_2391, %get3A_2392] {strides = array<i32>} : memref<2x192x128xf32, #tpu.memory_space<vmem>>, vector<1x1x16xf32>,
        %get3A_2394 = vector.shape_cast %get3A_2393 : vector<1x1x16xf32> to vector<16xf32>
        %mul3A_2395 = arith.mulf %get3A_2394, %add3A_2372 : vector<16xf32>
        %add3A_2396 = arith.addf %add3A_2209, %mul3A_2395 : vector<16xf32>
        %get3A_2397 = arith.constant 1 : i32
        %get3A_2398 = arith.index_cast %get3A_2397 : i32 to index
        %get3A_2399 = arith.index_cast %add3A_2253 : i32 to index
        %get3A_2400 = arith.constant 48 : index
        %get3A_2401 = tpu.vector_load %arg8[%get3A_2398, %get3A_2399, %get3A_2400] {strides = array<i32>} : memref<2x192x128xf32, #tpu.memory_space<vmem>>, vector<1x1x16xf32>,
        %get3A_2402 = vector.shape_cast %get3A_2401 : vector<1x1x16xf32> to vector<16xf32>
        %mul3A_2403 = arith.mulf %get3A_2402, %add3A_2372 : vector<16xf32>
        %add3A_2404 = arith.addf %add3A_2217, %mul3A_2403 : vector<16xf32>
        %get3A_2405 = arith.constant 1 : i32
        %get3A_2406 = arith.index_cast %get3A_2405 : i32 to index
        %get3A_2407 = arith.index_cast %add3A_2253 : i32 to index
        %get3A_2408 = arith.constant 64 : index
        %get3A_2409 = tpu.vector_load %arg8[%get3A_2406, %get3A_2407, %get3A_2408] {strides = array<i32>} : memref<2x192x128xf32, #tpu.memory_space<vmem>>, vector<1x1x16xf32>,
        %get3A_2410 = vector.shape_cast %get3A_2409 : vector<1x1x16xf32> to vector<16xf32>
        %mul3A_2411 = arith.mulf %get3A_2410, %add3A_2372 : vector<16xf32>
        %add3A_2412 = arith.addf %add3A_2225, %mul3A_2411 : vector<16xf32>
        %get3A_2413 = arith.constant 1 : i32
        %get3A_2414 = arith.index_cast %get3A_2413 : i32 to index
        %get3A_2415 = arith.index_cast %add3A_2253 : i32 to index
        %get3A_2416 = arith.constant 80 : index
        %get3A_2417 = tpu.vector_load %arg8[%get3A_2414, %get3A_2415, %get3A_2416] {strides = array<i32>} : memref<2x192x128xf32, #tpu.memory_space<vmem>>, vector<1x1x16xf32>,
        %get3A_2418 = vector.shape_cast %get3A_2417 : vector<1x1x16xf32> to vector<16xf32>
        %mul3A_2419 = arith.mulf %get3A_2418, %add3A_2372 : vector<16xf32>
        %add3A_2420 = arith.addf %add3A_2233, %mul3A_2419 : vector<16xf32>
        %get3A_2421 = arith.constant 1 : i32
        %get3A_2422 = arith.index_cast %get3A_2421 : i32 to index
        %get3A_2423 = arith.index_cast %add3A_2253 : i32 to index
        %get3A_2424 = arith.constant 96 : index
        %get3A_2425 = tpu.vector_load %arg8[%get3A_2422, %get3A_2423, %get3A_2424] {strides = array<i32>} : memref<2x192x128xf32, #tpu.memory_space<vmem>>, vector<1x1x16xf32>,
        %get3A_2426 = vector.shape_cast %get3A_2425 : vector<1x1x16xf32> to vector<16xf32>
        %mul3A_2427 = arith.mulf %get3A_2426, %add3A_2372 : vector<16xf32>
        %add3A_2428 = arith.addf %add3A_2241, %mul3A_2427 : vector<16xf32>
        %get3A_2429 = arith.constant 1 : i32
        %get3A_2430 = arith.index_cast %get3A_2429 : i32 to index
        %get3A_2431 = arith.index_cast %add3A_2253 : i32 to index
        %get3A_2432 = arith.constant 112 : index
        %get3A_2433 = tpu.vector_load %arg8[%get3A_2430, %get3A_2431, %get3A_2432] {strides = array<i32>} : memref<2x192x128xf32, #tpu.memory_space<vmem>>, vector<1x1x16xf32>,
        %get3A_2434 = vector.shape_cast %get3A_2433 : vector<1x1x16xf32> to vector<16xf32>
        %mul3A_2435 = arith.mulf %get3A_2434, %add3A_2372 : vector<16xf32>
        %add3A_2436 = arith.addf %add3A_2249, %mul3A_2435 : vector<16xf32>
        scf.yield %add3A_2380, %add3A_2388, %add3A_2396, %add3A_2404, %add3A_2412, %add3A_2420, %add3A_2428, %add3A_2436 : vector<16xf32>, vector<16xf32>, vector<16xf32>, vector<16xf32>, vector<16xf32>, vector<16xf32>, vector<16xf32>, vector<16xf32>
      }
      %scan3A_1680 = arith.constant 48 : i32
      scf.yield %scan3A_1679#0, %scan3A_1679#1, %scan3A_1679#2, %scan3A_1679#3, %scan3A_1679#4, %scan3A_1679#5, %scan3A_1679#6, %scan3A_1679#7 : vector<16xf32>, vector<16xf32>, vector<16xf32>, vector<16xf32>, vector<16xf32>, vector<16xf32>, vector<16xf32>, vector<16xf32>
    }
    %scan3A_1427 = arith.constant 2 : i32
    %add3A_1428 = arith.constant 0 : i32
    %add3A_1429 = arith.addi %add3A_4, %add3A_1428 : i32
    %min3A_1430 = arith.constant 99776 : i32
    %min3A_1431 = arith.minsi %add3A_1429, %min3A_1430 : i32
    %multiple_of3A_1432 = tpu.assume_multiple %min3A_1431, 8 : i32
    %dma_wait3A = arith.constant 0 : i32
    %dma_wait3A_1433 = arith.constant 0 : i32
    %dma_wait3A_1434 = arith.constant 0 : i32
    %dma_wait3A_1435 = tpu.memref_slice %arg7[%dma_wait3A, %dma_wait3A_1433, %dma_wait3A_1434] : memref<2x192x128xf32, #tpu.memory_space<vmem>> -> memref<1x192x128xf32, #tpu.memory_space<vmem>>
    %dma_wait3A_1436 = tpu.memref_squeeze %dma_wait3A_1435 : memref<1x192x128xf32, #tpu.memory_space<vmem>> -> memref<192x128xf32, #tpu.memory_space<vmem>>
    %dma_wait3A_1437 = arith.constant 0 : i32
    %dma_wait3A_1438 = tpu.memref_slice %arg3[%multiple_of3A_1432, %dma_wait3A_1437] : memref<100000x128xf32, #tpu.memory_space<hbm>> -> memref<192x128xf32, #tpu.memory_space<hbm>>
    %dma_wait3A_1439 = arith.constant 0 : i32
    %dma_wait3A_1440 = arith.constant 0 : i32
    %dma_wait3A_1441 = tpu.memref_slice %arg7[%dma_wait3A, %dma_wait3A_1439, %dma_wait3A_1440] : memref<2x192x128xf32, #tpu.memory_space<vmem>> -> memref<1x192x128xf32, #tpu.memory_space<vmem>>
    %dma_wait3A_1442 = tpu.memref_squeeze %dma_wait3A_1441 : memref<1x192x128xf32, #tpu.memory_space<vmem>> -> memref<192x128xf32, #tpu.memory_space<vmem>>
    %dma_wait3A_1443 = arith.constant 0 : i32
    %dma_wait3A_1444 = tpu.memref_slice %arg3[%multiple_of3A_1432, %dma_wait3A_1443] : memref<100000x128xf32, #tpu.memory_space<hbm>> -> memref<192x128xf32, #tpu.memory_space<hbm>>
    tpu.wait_dma2 semaphore(%arg10 : memref<!tpu.dma_semaphore, #tpu.memory_space<semaphore_mem>>) src(%dma_wait3A_1444 : memref<192x128xf32, #tpu.memory_space<hbm>>) dst(%dma_wait3A_1442 : memref<192x128xf32, #tpu.memory_space<vmem>>)
    %add3A_1445 = arith.constant 0 : i32
    %add3A_1446 = arith.addi %add3A_4, %add3A_1445 : i32
    %min3A_1447 = arith.constant 99776 : i32
    %min3A_1448 = arith.minsi %add3A_1446, %min3A_1447 : i32
    %multiple_of3A_1449 = tpu.assume_multiple %min3A_1448, 8 : i32
    %dma_wait3A_1450 = arith.constant 0 : i32
    %dma_wait3A_1451 = arith.constant 0 : i32
    %dma_wait3A_1452 = arith.constant 0 : i32
    %dma_wait3A_1453 = tpu.memref_slice %arg8[%dma_wait3A_1450, %dma_wait3A_1451, %dma_wait3A_1452] : memref<2x192x128xf32, #tpu.memory_space<vmem>> -> memref<1x192x128xf32, #tpu.memory_space<vmem>>
    %dma_wait3A_1454 = tpu.memref_squeeze %dma_wait3A_1453 : memref<1x192x128xf32, #tpu.memory_space<vmem>> -> memref<192x128xf32, #tpu.memory_space<vmem>>
    %dma_wait3A_1455 = arith.constant 0 : i32
    %dma_wait3A_1456 = tpu.memref_slice %arg4[%multiple_of3A_1449, %dma_wait3A_1455] : memref<100000x128xf32, #tpu.memory_space<hbm>> -> memref<192x128xf32, #tpu.memory_space<hbm>>
    %dma_wait3A_1457 = arith.constant 0 : i32
    %dma_wait3A_1458 = arith.constant 0 : i32
    %dma_wait3A_1459 = tpu.memref_slice %arg8[%dma_wait3A_1450, %dma_wait3A_1457, %dma_wait3A_1458] : memref<2x192x128xf32, #tpu.memory_space<vmem>> -> memref<1x192x128xf32, #tpu.memory_space<vmem>>
    %dma_wait3A_1460 = tpu.memref_squeeze %dma_wait3A_1459 : memref<1x192x128xf32, #tpu.memory_space<vmem>> -> memref<192x128xf32, #tpu.memory_space<vmem>>
    %dma_wait3A_1461 = arith.constant 0 : i32
    %dma_wait3A_1462 = tpu.memref_slice %arg4[%multiple_of3A_1449, %dma_wait3A_1461] : memref<100000x128xf32, #tpu.memory_space<hbm>> -> memref<192x128xf32, #tpu.memory_space<hbm>>
    tpu.wait_dma2 semaphore(%arg12 : memref<!tpu.dma_semaphore, #tpu.memory_space<semaphore_mem>>) src(%dma_wait3A_1462 : memref<192x128xf32, #tpu.memory_space<hbm>>) dst(%dma_wait3A_1460 : memref<192x128xf32, #tpu.memory_space<vmem>>)
    %swap3A = arith.constant 0 : index
    %swap3A_1463 = tpu.vector_load %arg9[%swap3A] {strides = array<i32>} : memref<128xf32, #tpu.memory_space<vmem>>, vector<16xf32>,
    %swap3A_1464 = vector.shape_cast %swap3A_1463 : vector<16xf32> to vector<16xf32>
    %swap3A_1465 = vector.shape_cast %scan3A_1426#0 : vector<16xf32> to vector<16xf32>
    tpu.vector_store %arg9[%swap3A], %swap3A_1465 {strides = array<i32>} : memref<128xf32, #tpu.memory_space<vmem>>, vector<16xf32>,
    %swap3A_1466 = arith.constant 16 : index
    %swap3A_1467 = tpu.vector_load %arg9[%swap3A_1466] {strides = array<i32>} : memref<128xf32, #tpu.memory_space<vmem>>, vector<16xf32>,
    %swap3A_1468 = vector.shape_cast %swap3A_1467 : vector<16xf32> to vector<16xf32>
    %swap3A_1469 = vector.shape_cast %scan3A_1426#1 : vector<16xf32> to vector<16xf32>
    tpu.vector_store %arg9[%swap3A_1466], %swap3A_1469 {strides = array<i32>} : memref<128xf32, #tpu.memory_space<vmem>>, vector<16xf32>,
    %swap3A_1470 = arith.constant 32 : index
    %swap3A_1471 = tpu.vector_load %arg9[%swap3A_1470] {strides = array<i32>} : memref<128xf32, #tpu.memory_space<vmem>>, vector<16xf32>,
    %swap3A_1472 = vector.shape_cast %swap3A_1471 : vector<16xf32> to vector<16xf32>
    %swap3A_1473 = vector.shape_cast %scan3A_1426#2 : vector<16xf32> to vector<16xf32>
    tpu.vector_store %arg9[%swap3A_1470], %swap3A_1473 {strides = array<i32>} : memref<128xf32, #tpu.memory_space<vmem>>, vector<16xf32>,
    %swap3A_1474 = arith.constant 48 : index
    %swap3A_1475 = tpu.vector_load %arg9[%swap3A_1474] {strides = array<i32>} : memref<128xf32, #tpu.memory_space<vmem>>, vector<16xf32>,
    %swap3A_1476 = vector.shape_cast %swap3A_1475 : vector<16xf32> to vector<16xf32>
    %swap3A_1477 = vector.shape_cast %scan3A_1426#3 : vector<16xf32> to vector<16xf32>
    tpu.vector_store %arg9[%swap3A_1474], %swap3A_1477 {strides = array<i32>} : memref<128xf32, #tpu.memory_space<vmem>>, vector<16xf32>,
    %swap3A_1478 = arith.constant 64 : index
    %swap3A_1479 = tpu.vector_load %arg9[%swap3A_1478] {strides = array<i32>} : memref<128xf32, #tpu.memory_space<vmem>>, vector<16xf32>,
    %swap3A_1480 = vector.shape_cast %swap3A_1479 : vector<16xf32> to vector<16xf32>
    %swap3A_1481 = vector.shape_cast %scan3A_1426#4 : vector<16xf32> to vector<16xf32>
    tpu.vector_store %arg9[%swap3A_1478], %swap3A_1481 {strides = array<i32>} : memref<128xf32, #tpu.memory_space<vmem>>, vector<16xf32>,
    %swap3A_1482 = arith.constant 80 : index
    %swap3A_1483 = tpu.vector_load %arg9[%swap3A_1482] {strides = array<i32>} : memref<128xf32, #tpu.memory_space<vmem>>, vector<16xf32>,
    %swap3A_1484 = vector.shape_cast %swap3A_1483 : vector<16xf32> to vector<16xf32>
    %swap3A_1485 = vector.shape_cast %scan3A_1426#5 : vector<16xf32> to vector<16xf32>
    tpu.vector_store %arg9[%swap3A_1482], %swap3A_1485 {strides = array<i32>} : memref<128xf32, #tpu.memory_space<vmem>>, vector<16xf32>,
    %swap3A_1486 = arith.constant 96 : index
    %swap3A_1487 = tpu.vector_load %arg9[%swap3A_1486] {strides = array<i32>} : memref<128xf32, #tpu.memory_space<vmem>>, vector<16xf32>,
    %swap3A_1488 = vector.shape_cast %swap3A_1487 : vector<16xf32> to vector<16xf32>
    %swap3A_1489 = vector.shape_cast %scan3A_1426#6 : vector<16xf32> to vector<16xf32>
    tpu.vector_store %arg9[%swap3A_1486], %swap3A_1489 {strides = array<i32>} : memref<128xf32, #tpu.memory_space<vmem>>, vector<16xf32>,
    %swap3A_1490 = arith.constant 112 : index
    %swap3A_1491 = tpu.vector_load %arg9[%swap3A_1490] {strides = array<i32>} : memref<128xf32, #tpu.memory_space<vmem>>, vector<16xf32>,
    %swap3A_1492 = vector.shape_cast %swap3A_1491 : vector<16xf32> to vector<16xf32>
    %swap3A_1493 = vector.shape_cast %scan3A_1426#7 : vector<16xf32> to vector<16xf32>
    tpu.vector_store %arg9[%swap3A_1490], %swap3A_1493 {strides = array<i32>} : memref<128xf32, #tpu.memory_space<vmem>>, vector<16xf32>,
    "tpu.region"() ({
      %run_scoped3A = tpu.sem_alloc : memref<!tpu.dma_semaphore, #tpu.memory_space<semaphore_mem>>
      %dma_start3A_1494 = arith.constant 0 : i32
      %dma_start3A_1495 = tpu.memref_slice %arg5[%add3A, %dma_start3A_1494] : memref<32x128xf32, #tpu.memory_space<hbm>> -> memref<1x128xf32, #tpu.memory_space<hbm>>
      %dma_start3A_1496 = tpu.memref_squeeze %dma_start3A_1495 : memref<1x128xf32, #tpu.memory_space<hbm>> -> memref<128xf32, #tpu.memory_space<hbm>>
      %dma_start3A_1497 = arith.constant 0 : i32
      %dma_start3A_1498 = tpu.memref_slice %arg5[%add3A, %dma_start3A_1497] : memref<32x128xf32, #tpu.memory_space<hbm>> -> memref<1x128xf32, #tpu.memory_space<hbm>>
      %dma_start3A_1499 = tpu.memref_squeeze %dma_start3A_1498 : memref<1x128xf32, #tpu.memory_space<hbm>> -> memref<128xf32, #tpu.memory_space<hbm>>
      tpu.enqueue_dma source(%arg9 : memref<128xf32, #tpu.memory_space<vmem>>) target(%dma_start3A_1499 : memref<128xf32, #tpu.memory_space<hbm>>) target_semaphore(%run_scoped3A : memref<!tpu.dma_semaphore, #tpu.memory_space<semaphore_mem>>)
      %dma_wait3A_1500 = arith.constant 0 : i32
      %dma_wait3A_1501 = tpu.memref_slice %arg5[%add3A, %dma_wait3A_1500] : memref<32x128xf32, #tpu.memory_space<hbm>> -> memref<1x128xf32, #tpu.memory_space<hbm>>
      %dma_wait3A_1502 = tpu.memref_squeeze %dma_wait3A_1501 : memref<1x128xf32, #tpu.memory_space<hbm>> -> memref<128xf32, #tpu.memory_space<hbm>>
      %dma_wait3A_1503 = arith.constant 0 : i32
      %dma_wait3A_1504 = tpu.memref_slice %arg5[%add3A, %dma_wait3A_1503] : memref<32x128xf32, #tpu.memory_space<hbm>> -> memref<1x128xf32, #tpu.memory_space<hbm>>
      %dma_wait3A_1505 = tpu.memref_squeeze %dma_wait3A_1504 : memref<1x128xf32, #tpu.memory_space<hbm>> -> memref<128xf32, #tpu.memory_space<hbm>>
      tpu.wait_dma2 semaphore(%run_scoped3A : memref<!tpu.dma_semaphore, #tpu.memory_space<semaphore_mem>>) src(%arg9 : memref<128xf32, #tpu.memory_space<vmem>>) dst(%dma_wait3A_1505 : memref<128xf32, #tpu.memory_space<hbm>>)
      tpu.yield
    }) : () -> ()
    return
  }
}

module attributes {stable_mosaic.version = 14 : i64} {
  func.func @_tc_kernel(%arg0: i32, %arg1: memref<1x20xi32, #tpu.memory_space<vmem>>, %arg2: memref<9424x128xf32, #tpu.memory_space<vmem>>, %arg3: memref<9424x128xf32, #tpu.memory_space<vmem>>, %arg4: memref<128x1xf32, #tpu.memory_space<vmem>>, %arg5: memref<128x128xf32, #tpu.memory_space<vmem>>) attributes {dimension_semantics = [#tpu.dimension_semantics<arbitrary>], iteration_bounds = array<i64: 8>, scalar_prefetch = 0 : i64, scratch_operands = 1 : i64, tpu.core_type = #tpu.core_type<tc>, window_params = [{pipeline_mode = #tpu.pipeline_mode<synchronous>, transform_indices = @transform_0, window_bounds = array<i64: 1, 20>}, {transform_indices = @transform_1, window_bounds = array<i64: 9424, 128>}, {transform_indices = @transform_2, window_bounds = array<i64: 9424, 128>}, {pipeline_mode = #tpu.pipeline_mode<synchronous>, transform_indices = @transform_3, window_bounds = array<i64: 128, 1>}]} {
    %get3A = arith.constant 0 : index
    %get3A_0 = arith.constant 0 : index
    %get3A_1 = vector.load %arg3[%get3A, %get3A_0] : memref<9424x128xf32, #tpu.memory_space<vmem>>, vector<9424x128xf32>
    %convert_element_type3A = arith.truncf %get3A_1 : vector<9424x128xf32> to vector<9424x128xbf16>
    %get3A_2 = arith.constant 0 : index
    %get3A_3 = arith.constant 0 : index
    %get3A_4 = vector.load %arg2[%get3A_2, %get3A_3] : memref<9424x128xf32, #tpu.memory_space<vmem>>, vector<9424x128xf32>
    %convert_element_type3A_5 = arith.truncf %get3A_4 : vector<9424x128xf32> to vector<9424x128xbf16>
    %dot_general3A = arith.constant dense<0.000000e+00> : vector<128x128xf32>
    %dot_general3A_6 = tpu.matmul %convert_element_type3A, %convert_element_type3A_5, %dot_general3A {dimension_numbers = #tpu.dot_dimension_numbers<[0], [0], [1], [1], [0, 1, 1, 1], [], []>, transpose_lhs_hint = false} : vector<9424x128xbf16>, vector<9424x128xbf16>, vector<128x128xf32> -> vector<128x128xf32>
    %eq3A = arith.constant 0 : i32
    %eq3A_7 = arith.cmpi eq, %arg0, %eq3A : i32
    %convert_element_type3A_8 = arith.extui %eq3A_7 : i1 to i32
    %cond3A = arith.constant 0 : i32
    %cond3A_9 = arith.cmpi ne, %convert_element_type3A_8, %cond3A : i32
    scf.if %cond3A_9 {
      %swap3A = arith.constant 0 : index
      %swap3A_19 = arith.constant 0 : index
      %swap3A_20 = vector.load %arg5[%swap3A, %swap3A_19] : memref<128x128xf32, #tpu.memory_space<vmem>>, vector<128x128xf32>
      tpu.vector_store %arg5[%swap3A, %swap3A_19], %dot_general3A_6 {strides = array<i32>} : memref<128x128xf32, #tpu.memory_space<vmem>>, vector<128x128xf32>,
    } else {
    }
    %ne3A = arith.constant 0 : i32
    %ne3A_10 = arith.cmpi ne, %arg0, %ne3A : i32
    %convert_element_type3A_11 = arith.extui %ne3A_10 : i1 to i32
    %cond3A_12 = arith.constant 0 : i32
    %cond3A_13 = arith.cmpi ne, %convert_element_type3A_11, %cond3A_12 : i32
    scf.if %cond3A_13 {
      %get3A_19 = arith.constant 0 : index
      %get3A_20 = arith.constant 0 : index
      %get3A_21 = vector.load %arg5[%get3A_19, %get3A_20] : memref<128x128xf32, #tpu.memory_space<vmem>>, vector<128x128xf32>
      %add3A = arith.addf %get3A_21, %dot_general3A_6 : vector<128x128xf32>
      %swap3A = arith.constant 0 : index
      %swap3A_22 = arith.constant 0 : index
      %swap3A_23 = vector.load %arg5[%swap3A, %swap3A_22] : memref<128x128xf32, #tpu.memory_space<vmem>>, vector<128x128xf32>
      tpu.vector_store %arg5[%swap3A, %swap3A_22], %add3A {strides = array<i32>} : memref<128x128xf32, #tpu.memory_space<vmem>>, vector<128x128xf32>,
    } else {
    }
    %eq3A_14 = arith.constant 7 : i32
    %eq3A_15 = arith.cmpi eq, %arg0, %eq3A_14 : i32
    %convert_element_type3A_16 = arith.extui %eq3A_15 : i1 to i32
    %cond3A_17 = arith.constant 0 : i32
    %cond3A_18 = arith.cmpi ne, %convert_element_type3A_16, %cond3A_17 : i32
    scf.if %cond3A_18 {
      %get3A_19 = arith.constant 0 : index
      %get3A_20 = arith.constant 0 : index
      %get3A_21 = vector.load %arg1[%get3A_19, %get3A_20] : memref<1x20xi32, #tpu.memory_space<vmem>>, vector<1x20xi32>
      %iota3A = tpu.iota {dimensions = array<i32: 0>} : vector<128x20xi32>
      %eq3A_22 = vector.broadcast %get3A_21 : vector<1x20xi32> to vector<128x20xi32>
      %eq3A_23 = arith.cmpi eq, %eq3A_22, %iota3A : vector<128x20xi32>
      %convert_element_type3A_24 = arith.extui %eq3A_23 : vector<128x20xi1> to vector<128x20xi32>
      %convert_element_type3A_25 = arith.sitofp %convert_element_type3A_24 : vector<128x20xi32> to vector<128x20xf32>
      %reduce_sum3A = arith.constant dense<0.000000e+00> : vector<128xf32>
      %reduce_sum3A_26 = vector.multi_reduction <add>, %convert_element_type3A_25, %reduce_sum3A [1] : vector<128x20xf32> to vector<128xf32>
      %broadcast_in_dim3A = vector.shape_cast %reduce_sum3A_26 : vector<128xf32> to vector<128x1xf32>
      %get3A_27 = arith.constant 0 : index
      %get3A_28 = arith.constant 0 : index
      %get3A_29 = vector.load %arg5[%get3A_27, %get3A_28] : memref<128x128xf32, #tpu.memory_space<vmem>>, vector<128x128xf32>
      %dot_general3A_30 = arith.constant dense<0.000000e+00> : vector<128x1xf32>
      %dot_general3A_31 = tpu.matmul %get3A_29, %broadcast_in_dim3A, %dot_general3A_30 {dimension_numbers = #tpu.dot_dimension_numbers<[1], [0], [0], [1], [0, 0, 1, 1], [], []>, transpose_lhs_hint = false} : vector<128x128xf32>, vector<128x1xf32>, vector<128x1xf32> -> vector<128x1xf32>
      %swap3A = arith.constant 0 : index
      %swap3A_32 = arith.constant 0 : index
      %swap3A_33 = vector.load %arg4[%swap3A, %swap3A_32] : memref<128x1xf32, #tpu.memory_space<vmem>>, vector<128x1xf32>
      tpu.vector_store %arg4[%swap3A, %swap3A_32], %dot_general3A_31 {strides = array<i32>} : memref<128x1xf32, #tpu.memory_space<vmem>>, vector<128x1xf32>,
    } else {
    }
    return
  }
  func.func @transform_0(%arg0: i32) -> (i32, i32) {
    %c0_i32 = arith.constant 0 : i32
    %c0_i32_0 = arith.constant 0 : i32
    %c0_i32_1 = arith.constant 0 : i32
    return %c0_i32, %c0_i32_0 : i32, i32
  }
  func.func @transform_1(%arg0: i32) -> (i32, i32) {
    %c0_i32 = arith.constant 0 : i32
    %c0_i32_0 = arith.constant 0 : i32
    return %arg0, %c0_i32 : i32, i32
  }
  func.func @transform_2(%arg0: i32) -> (i32, i32) {
    %c0_i32 = arith.constant 0 : i32
    %c0_i32_0 = arith.constant 0 : i32
    return %arg0, %c0_i32 : i32, i32
  }
  func.func @transform_3(%arg0: i32) -> (i32, i32) {
    %c0_i32 = arith.constant 0 : i32
    %c0_i32_0 = arith.constant 0 : i32
    %c0_i32_1 = arith.constant 0 : i32
    return %c0_i32, %c0_i32_0 : i32, i32
  }
}

module attributes {stable_mosaic.version = 14 : i64} {
  func.func @_fin_kernel(%arg0: i32, %arg1: memref<1024x1xi32, #tpu.memory_space<vmem>>, %arg2: memref<1x20xi32, #tpu.memory_space<vmem>>, %arg3: memref<32x128xf32, #tpu.memory_space<vmem>>, %arg4: memref<32x128xf32, #tpu.memory_space<vmem>>, %arg5: memref<128x1xf32, #tpu.memory_space<vmem>>, %arg6: memref<32x128xf32, #tpu.memory_space<vmem>>, %arg7: memref<1024x1xf32, #tpu.memory_space<vmem>>) attributes {dimension_semantics = [#tpu.dimension_semantics<arbitrary>], iteration_bounds = array<i64: 1>, scalar_prefetch = 0 : i64, scratch_operands = 0 : i64, tpu.core_type = #tpu.core_type<tc>, window_params = [{pipeline_mode = #tpu.pipeline_mode<synchronous>, transform_indices = @transform_0, window_bounds = array<i64: 1024, 1>}, {pipeline_mode = #tpu.pipeline_mode<synchronous>, transform_indices = @transform_1, window_bounds = array<i64: 1, 20>}, {transform_indices = @transform_2, window_bounds = array<i64: 32, 128>}, {transform_indices = @transform_3, window_bounds = array<i64: 32, 128>}, {pipeline_mode = #tpu.pipeline_mode<synchronous>, transform_indices = @transform_4, window_bounds = array<i64: 128, 1>}, {pipeline_mode = #tpu.pipeline_mode<synchronous>, transform_indices = @transform_5, window_bounds = array<i64: 32, 128>}, {pipeline_mode = #tpu.pipeline_mode<synchronous>, transform_indices = @transform_6, window_bounds = array<i64: 1024, 1>}]} {
    %get3A = arith.constant 0 : index
    %get3A_0 = arith.constant 0 : index
    %get3A_1 = vector.load %arg2[%get3A, %get3A_0] : memref<1x20xi32, #tpu.memory_space<vmem>>, vector<1x20xi32>
    %iota3A = tpu.iota {dimensions = array<i32: 0>} : vector<128x20xi32>
    %eq3A = vector.broadcast %get3A_1 : vector<1x20xi32> to vector<128x20xi32>
    %eq3A_2 = arith.cmpi eq, %eq3A, %iota3A : vector<128x20xi32>
    %convert_element_type3A = arith.extui %eq3A_2 : vector<128x20xi1> to vector<128x20xi32>
    %convert_element_type3A_3 = arith.sitofp %convert_element_type3A : vector<128x20xi32> to vector<128x20xf32>
    %reduce_sum3A = arith.constant dense<0.000000e+00> : vector<128xf32>
    %reduce_sum3A_4 = vector.multi_reduction <add>, %convert_element_type3A_3, %reduce_sum3A [1] : vector<128x20xf32> to vector<128xf32>
    %broadcast_in_dim3A = vector.shape_cast %reduce_sum3A_4 : vector<128xf32> to vector<128x1xf32>
    %get3A_5 = arith.constant 0 : index
    %get3A_6 = arith.constant 0 : index
    %get3A_7 = vector.load %arg3[%get3A_5, %get3A_6] : memref<32x128xf32, #tpu.memory_space<vmem>>, vector<32x128xf32>
    %dot_general3A = arith.constant dense<0.000000e+00> : vector<32x1xf32>
    %dot_general3A_8 = tpu.matmul %get3A_7, %broadcast_in_dim3A, %dot_general3A {dimension_numbers = #tpu.dot_dimension_numbers<[1], [0], [0], [1], [0, 0, 1, 1], [], []>, transpose_lhs_hint = false} : vector<32x128xf32>, vector<128x1xf32>, vector<32x1xf32> -> vector<32x1xf32>
    %get3A_9 = arith.constant 0 : index
    %get3A_10 = arith.constant 0 : index
    %get3A_11 = vector.load %arg4[%get3A_9, %get3A_10] : memref<32x128xf32, #tpu.memory_space<vmem>>, vector<32x128xf32>
    %dot_general3A_12 = arith.constant dense<0.000000e+00> : vector<128x1xf32>
    %dot_general3A_13 = tpu.matmul %get3A_11, %dot_general3A_8, %dot_general3A_12 {dimension_numbers = #tpu.dot_dimension_numbers<[0], [0], [1], [1], [0, 1, 1, 1], [], []>, transpose_lhs_hint = false} : vector<32x128xf32>, vector<32x1xf32>, vector<128x1xf32> -> vector<128x1xf32>
    %broadcast_in_dim3A_14 = arith.constant 1.000000e+00 : f32
    %broadcast_in_dim3A_15 = vector.broadcast %broadcast_in_dim3A_14 : f32 to vector<32x1xf32>
    %get3A_16 = arith.constant 0 : index
    %get3A_17 = arith.constant 0 : index
    %get3A_18 = vector.load %arg6[%get3A_16, %get3A_17] : memref<32x128xf32, #tpu.memory_space<vmem>>, vector<32x128xf32>
    %dot_general3A_19 = arith.constant dense<0.000000e+00> : vector<128x1xf32>
    %dot_general3A_20 = tpu.matmul %get3A_18, %broadcast_in_dim3A_15, %dot_general3A_19 {dimension_numbers = #tpu.dot_dimension_numbers<[0], [0], [1], [1], [0, 1, 1, 1], [], []>, transpose_lhs_hint = false} : vector<32x128xf32>, vector<32x1xf32>, vector<128x1xf32> -> vector<128x1xf32>
    %get3A_21 = arith.constant 0 : index
    %get3A_22 = arith.constant 0 : index
    %get3A_23 = vector.load %arg5[%get3A_21, %get3A_22] : memref<128x1xf32, #tpu.memory_space<vmem>>, vector<128x1xf32>
    %add3A = arith.addf %get3A_23, %dot_general3A_20 : vector<128x1xf32>
    %add3A_24 = arith.addf %add3A, %dot_general3A_13 : vector<128x1xf32>
    %iota3A_25 = tpu.iota {dimensions = array<i32: 1>} : vector<1024x128xi32>
    %get3A_26 = arith.constant 0 : index
    %get3A_27 = arith.constant 0 : index
    %get3A_28 = vector.load %arg1[%get3A_26, %get3A_27] : memref<1024x1xi32, #tpu.memory_space<vmem>>, vector<1024x1xi32>
    %eq3A_29 = vector.broadcast %get3A_28 : vector<1024x1xi32> to vector<1024x128xi32>
    %eq3A_30 = arith.cmpi eq, %eq3A_29, %iota3A_25 : vector<1024x128xi32>
    %convert_element_type3A_31 = arith.extui %eq3A_30 : vector<1024x128xi1> to vector<1024x128xi32>
    %convert_element_type3A_32 = arith.sitofp %convert_element_type3A_31 : vector<1024x128xi32> to vector<1024x128xf32>
    %dot_general3A_33 = arith.constant dense<0.000000e+00> : vector<1024x1xf32>
    %dot_general3A_34 = tpu.matmul %convert_element_type3A_32, %add3A_24, %dot_general3A_33 {dimension_numbers = #tpu.dot_dimension_numbers<[1], [0], [0], [1], [0, 0, 1, 1], [], []>, transpose_lhs_hint = false} : vector<1024x128xf32>, vector<128x1xf32>, vector<1024x1xf32> -> vector<1024x1xf32>
    %swap3A = arith.constant 0 : index
    %swap3A_35 = arith.constant 0 : index
    %swap3A_36 = vector.load %arg7[%swap3A, %swap3A_35] : memref<1024x1xf32, #tpu.memory_space<vmem>>, vector<1024x1xf32>
    tpu.vector_store %arg7[%swap3A, %swap3A_35], %dot_general3A_34 {strides = array<i32>} : memref<1024x1xf32, #tpu.memory_space<vmem>>, vector<1024x1xf32>,
    return
  }
  func.func @transform_0(%arg0: i32) -> (i32, i32) {
    %c0_i32 = arith.constant 0 : i32
    %c0_i32_0 = arith.constant 0 : i32
    %c0_i32_1 = arith.constant 0 : i32
    return %c0_i32, %c0_i32_0 : i32, i32
  }
  func.func @transform_1(%arg0: i32) -> (i32, i32) {
    %c0_i32 = arith.constant 0 : i32
    %c0_i32_0 = arith.constant 0 : i32
    %c0_i32_1 = arith.constant 0 : i32
    return %c0_i32, %c0_i32_0 : i32, i32
  }
  func.func @transform_2(%arg0: i32) -> (i32, i32) {
    %c3124_i32 = arith.constant 3124 : i32
    %c0_i32 = arith.constant 0 : i32
    %c0_i32_0 = arith.constant 0 : i32
    return %c3124_i32, %c0_i32 : i32, i32
  }
  func.func @transform_3(%arg0: i32) -> (i32, i32) {
    %c3124_i32 = arith.constant 3124 : i32
    %c0_i32 = arith.constant 0 : i32
    %c0_i32_0 = arith.constant 0 : i32
    return %c3124_i32, %c0_i32 : i32, i32
  }
  func.func @transform_4(%arg0: i32) -> (i32, i32) {
    %c0_i32 = arith.constant 0 : i32
    %c0_i32_0 = arith.constant 0 : i32
    %c0_i32_1 = arith.constant 0 : i32
    return %c0_i32, %c0_i32_0 : i32, i32
  }
  func.func @transform_5(%arg0: i32) -> (i32, i32) {
    %c0_i32 = arith.constant 0 : i32
    %c0_i32_0 = arith.constant 0 : i32
    %c0_i32_1 = arith.constant 0 : i32
    return %c0_i32, %c0_i32_0 : i32, i32
  }
  func.func @transform_6(%arg0: i32) -> (i32, i32) {
    %c0_i32 = arith.constant 0 : i32
    %c0_i32_0 = arith.constant 0 : i32
    %c0_i32_1 = arith.constant 0 : i32
    return %c0_i32, %c0_i32_0 : i32, i32
  }
}

</mosaic_0001>

<sc_bundles>
// kernel: kernel.5.cloned.1.call-start
scs
__scs_entry_jumppad:
0x0: {  	(pc) =	sbr.rel $0x88, $3  }
0x1: {  	(tag) =	ssettag $0x0;
	lr =	simm.s32 $0x1  }
0x2: {  	[smem:$0x3F9D] =	sst lr;
	_ =	strace $0xD0000000  }
0x3: {  	_ = 	snop  }
0x4: {  	_ = 	snop  }
0x5: {  	_ = 	snop  }
0x6: {  	_ = 	snop  }
0x7: {  	_ = 	snop  }
__scs_overlays_trampoline_lowered:
0x8: {  	[smem:$0x3FAC] =	sst s0  }
0x9: {  	[smem:$0x3FAD] =	sst s1  }
0xa: {  	[smem:$0x3FAE] =	sst s2  }
0xb: {  	[smem:$0x3FAF] =	sst s3  }
0xc: {  	[smem:$0x3FB0] =	sst s4  }
0xd: {  	[smem:$0x3FB1] =	sst s5  }
0xe: {  	[smem:$0x3FB2] =	sst s6  }
0xf: {  	[smem:$0x3FB3] =	sst s7  }
0x10: {  	[smem:$0x3FB4] =	sst s8  }
0x11: {  	[smem:$0x3FB5] =	sst s9;
	s0 =	simm.s32 @!p0 $0x0  }
0x12: {  	s1 =	sld [smem:$0x3F9B];
	s0 =	simm.s32 @p0 $0x1  }
0x13: {  	[smem:$0x3FB6] =	sst s0;
	s0 =	simm.s32 @!p1 $0x0  }
0x14: {  	s2 =	sld [smem:$0x3F9A];
	s0 =	simm.s32 @p1 $0x1  }
0x15: {  	[smem:$0x3FB7] =	sst s0;
	s0 =	simm.s32 @!p2 $0x0  }
0x16: {  	s3 =	sld [smem:$0x3FDB];
	s0 =	simm.s32 @p2 $0x1  }
0x17: {  	s4 =	simm.s32 $0x1BF5;
	[smem:$0x3FB9] =	sst s0  }
0x18: {  	s0 =	sld [smem:$0x3F9C];
	_ =	swait.ge [sflag:s4], $0x0  }
0x19: {  	s7 =	sld [smem:$0x3F9D]  }
0x1a: {  	s8 =	sadd.s32 $0xFFFFE003, lr  }
0x1b: {  	s9 =	sadd.s32 $0xFFFFFEF7, lr;
	s5 =	simm.s32 $0xFFFFFFFF;
	p2 =	slt.u32 s8, $0xFFFFF086  }
0x1c: {  	p1 =	slt.u32 s9, $0xF7A;
	s5 =	simm.s32 @!p2 $0x0  }
0x1d: {  	s5 =	simm.s32 @p1 $0x1;
	p0 =	seq.s32 s7, s2  }
0x1e: {  	s7 =	smul.u32 @!p0 $0xF7A, s2;
	p2 =	seq.s32 @!p0 s5, $0x0  }
0x1f: {  	s9 =	smul.u32 $0xF7A, s1;
	s8 =	simm.s32 @!p0 $0x1BF5;
	p2 =	por !p2, p0  }
0x20: {  	[sflag:s8] =	ssyncset.s32 @!p0 $0xFFFFF086;
	s6 =	sadd.s32 @!p0 s3, s7;
	s7 =	simm.s32 @!p0 $0x108  }
0x21: {  	s3 =	sadd.s32 s3, s9;
	s6 =	sadd.s32 @!p0 $0x88, s6;
	s7 =	simm.s32 @p2 $0x1082  }
0x22: {  	[simem:s7], [sflag:s8] =	dma.local @!p0 [hbm:s6], $0xF7A  }
0x23: {  	s9 =	sor.u32 $0xD0000000, s2;
	s6 =	simm.s32 $0x108;
	_ =	swait.ge @!p0 [sflag:s8], $0x0  }
0x24: {  	s3 =	sadd.s32 $0x88, s3;
	s6 =	simm.s32 @!p1 $0x1082;
	[sflag:s4] =	ssyncset.s32 $0xFFFFF086  }
0x25: {  	[simem:s6], [sflag:s4] =	dma.local [hbm:s3], $0xF7A  }
0x26: {  	[smem:$0x3F9D] =	sst s1;
	(tag) =	ssettag s2;
	_ =	strace s9  }
0x27: {  	s1 =	sld [smem:$0x3FAD]  }
0x28: {  	s2 =	sld [smem:$0x3FAE]  }
0x29: {  	s4 =	sld [smem:$0x3FB0]  }
0x2a: {  	p0 =	seq.s32 s5, $0x0;
	s5 =	sld [smem:$0x3FB1]  }
0x2b: {  	s6 =	sld [smem:$0x3FB2]  }
0x2c: {  	s7 =	sld [smem:$0x3FB3]  }
0x2d: {  	s3 =	simm.s32 $0x108;
	s8 =	sld [smem:$0x3FB4]  }
0x2e: {  	s3 =	simm.s32 @!p0 $0x1082;
	s9 =	sld [smem:$0x3FB5]  }
0x2f: {  	lr =	sadd.s32 s0, s3;
	s0 =	sld [smem:$0x3FAC]  }
0x30: {  	s3 =	sld [smem:$0x3FAF]  }
0x31: {  	[smem:$0x3FB8] =	sst s10  }
0x32: {  	s10 =	sld [smem:$0x3FB6];
	_ =	sdelay $0x3  }
0x33: {  	p0 =	seq.s32 s10, $0x1;
	s10 =	sld [smem:$0x3FB8];
	_ =	sdelay $0x3  }
0x34: {  	[smem:$0x3FB8] =	sst s10  }
0x35: {  	s10 =	sld [smem:$0x3FB7];
	_ =	sdelay $0x3  }
0x36: {  	p1 =	seq.s32 s10, $0x1;
	s10 =	sld [smem:$0x3FB8];
	_ =	sdelay $0x3  }
0x37: {  	[smem:$0x3FB8] =	sst s10  }
0x38: {  	s10 =	sld [smem:$0x3FB9]  }
0x39: {  	_ = 	snop;
	(pc) =	sbr.ind lr, $3  }
0x3a: {  	_ = 	snop  }
0x3b: {  	_ = 	snop  }
0x3c: {  	p2 =	seq.s32 s10, $0x1;
	s10 =	sld [smem:$0x3FB8]  }
0x3d: {  	_ =	shalt  }
0x3e: {  	_ =	shalt  }
0x3f: {  	_ =	shalt  }
0x40: {  	_ =	shalt  }
0x41: {  	_ =	shalt  }
0x42: {  	_ =	shalt  }
0x43: {  	_ =	shalt  }
0x44: {  	_ =	shalt  }
0x45: {  	_ =	shalt  }
0x46: {  	_ =	shalt  }
0x47: {  	_ =	shalt  }
0x48: {  	_ =	shalt  }
0x49: {  	_ =	shalt  }
0x4a: {  	_ =	shalt  }
0x4b: {  	_ =	shalt  }
0x4c: {  	_ =	shalt  }
0x4d: {  	_ =	shalt  }
0x4e: {  	_ =	shalt  }
0x4f: {  	_ =	shalt  }
0x50: {  	_ =	shalt  }
0x51: {  	_ =	shalt  }
0x52: {  	_ =	shalt  }
0x53: {  	_ =	shalt  }
0x54: {  	_ =	shalt  }
0x55: {  	_ =	shalt  }
0x56: {  	_ =	shalt  }
0x57: {  	_ =	shalt  }
0x58: {  	_ =	shalt  }
0x59: {  	_ =	shalt  }
0x5a: {  	_ =	shalt  }
0x5b: {  	_ =	shalt  }
0x5c: {  	_ =	shalt  }
0x5d: {  	_ =	shalt  }
0x5e: {  	_ =	shalt  }
0x5f: {  	_ =	shalt  }
0x60: {  	_ =	shalt  }
0x61: {  	_ =	shalt  }
0x62: {  	_ =	shalt  }
0x63: {  	_ =	shalt  }
0x64: {  	_ =	shalt  }
0x65: {  	_ =	shalt  }
0x66: {  	_ =	shalt  }
0x67: {  	_ =	shalt  }
0x68: {  	_ =	shalt  }
0x69: {  	_ =	shalt  }
0x6a: {  	_ =	shalt  }
0x6b: {  	_ =	shalt  }
0x6c: {  	_ =	shalt  }
0x6d: {  	_ =	shalt  }
0x6e: {  	_ =	shalt  }
0x6f: {  	_ =	shalt  }
0x70: {  	_ =	shalt  }
0x71: {  	_ =	shalt  }
0x72: {  	_ =	shalt  }
0x73: {  	_ =	shalt  }
0x74: {  	_ =	shalt  }
0x75: {  	_ =	shalt  }
0x76: {  	_ =	shalt  }
0x77: {  	_ =	shalt  }
0x78: {  	_ =	shalt  }
0x79: {  	_ =	shalt  }
0x7a: {  	_ =	shalt  }
0x7b: {  	_ =	shalt  }
0x7c: {  	_ =	shalt  }
0x7d: {  	_ =	shalt  }
0x7e: {  	_ =	shalt  }
0x7f: {  	_ =	shalt  }
0x80: {  	_ =	shalt  }
0x81: {  	_ =	shalt  }
0x82: {  	_ =	shalt  }
0x83: {  	_ =	shalt  }
0x84: {  	_ =	shalt  }
0x85: {  	_ =	shalt  }
0x86: {  	_ =	shalt  }
0x87: {  	_ =	shalt  }
.Lfunc_end0:
.L_simem_size_0:
called_computation_lowered:
.L_overlay_start_0:
0x88: {  	s2 =	sld [smem:$0x3FD9]  }
0x89: {  	s3 =	sld [smem:$0x3FFE];
	_ =	sdelay $0x1  }
0x8a: {  	s1 =	srdreg.scid  }
0x8b: {  	s0 =	sand.u32 $0x1, s1  }
0x8c: {  	s17 =	sshll.u32 s0, $0xA;
	s2 =	sadd.s32 s3, s2  }
0x8d: {  	s2 =	sadd.s32 s2, s17  }
0x8e: {  	[smem:$0x3FC4] =	sst s2  }
0x8f: {  	_ = 	snop  }
0x90: {  	s2 =	sld [smem:$0x3FC8]  }
0x91: {  	s18 =	sld [smem:$0x3FC7]  }
0x92: {  	s4 =	sld [smem:$0x3FC6];
	(tm) =	ssettm $0x1  }
0x93: {  	s5 =	sld [smem:$0x3FFB];
	_ =	sdelay $0x3  }
0x94: {  	_ =	strace s5  }
0x95: {  	s5 =	sld [smem:$0x3FFC];
	_ =	sdelay $0x3  }
0x96: {  	_ =	strace s5  }
0x97: {  	s5 =	sld [smem:$0x3FFD];
	_ =	sdelay $0x3  }
0x98: {  	_ =	strace s5  }
0x99: {  	_ =	strace $0x8FFFFFFF  }
0x9a: {  	s19 =	sld [smem:$0x3FDB];
	_ =	sdelay $0x1  }
0x9b: {  	s6 =	simm.s32 $_scs_section_size  }
0x9c: {  	s7 =	simm.s32 $_size__tile_overlayer_lowered;
	s8 =	simm.s32 $_tile_overlayer_lowered  }
0x9d: {  	s22 =	simm.s32 $0x1BFF;
	s21 =	sshll.u32 s8, $0x1;
	s5 =	sadd.s32 s6, s19  }
0x9e: {  	s9 =	simm.s32 $0x0;
	s20 =	sshll.u32 s7, $0x1;
	s7 =	sadd.s32 s21, s5  }
0x9f: {  	[timem:s9], [sflag:s22] =	dma.local [hbm:s7], s20  }
0xa0: {  	_ =	swait.ge [sflag:s22], s20  }
0xa1: {  	s6 =	ssub.s32 $0x0, s20;
	[sflag:s22] =	ssyncset.done $0x0  }
0xa2: {  	[sflag:s22] =	ssyncadd.s32 s6;
	_ =	sdelay $0x1  }
0xa3: {  	s23 =	simm.s32 $0x1B8B  }
0xa4: {  	_ =	swait.ge [sflag:s23], $0x1  }
0xa5: {  	[sflag:s23] =	ssyncset.done $0x0  }
0xa6: {  	s25 =	simm.s32 $0x1B8E;
	s24 =	sld [smem:$0x3FFE];
	[sflag:s23] =	ssyncadd.s32 $0xFFFFFFFF  }
0xa7: {  	s26 =	simm.s32 $execute0_lowered;
	[smem:$0x3FD2] =	sst s25  }
0xa8: {  	s7 =	sshll.u32 s26, $0x1;
	_ =	strace $0x80000046;
	[dreg:$0x1] =	wrdreg $0xFFFFFFFF  }
0xa9: {  	s28 =	simm.s32 $_size_execute0_lowered;
	s5 =	sadd.s32 s5, s7;
	[dreg:$0x0] =	wrdreg $0x0  }
0xaa: {  	s7 =	sshll.u32 s28, $0x1;
	[dreg:$0x2] =	wrdreg s5  }
0xab: {  	[dreg:$0x3] =	wrdreg s7  }
0xac: {  	[dreg:$0x4] =	wrdreg $0xC0  }
0xad: {  	_ =	task [dreg:s9], $0x5FFFF  }
0xae: {  	[dreg:$0x1] =	wrdreg $0xFFFFFFFF  }
0xaf: {  	[dreg:$0x0] =	wrdreg $0x60  }
0xb0: {  	[dreg:$0x2] =	wrdreg s2  }
0xb1: {  	[dreg:$0x3] =	wrdreg s18  }
0xb2: {  	[dreg:$0x4] =	wrdreg s4  }
0xb3: {  	[dreg:$0x5] =	wrdreg s24  }
0xb4: {  	[dreg:$0x6] =	wrdreg $0x9  }
0xb5: {  	_ =	task.clear_ibuf [dreg:s9], $0x7FFFF;
	_ =	strace $0x90000046  }
0xb6: {  	s29 =	simm.s32 $0x9;
	_ =	strace $0x80000048  }
0xb7: {  	_ =	swait.ge [sflag:s29], $0x1  }
0xb8: {  	[sflag:s29] =	ssyncadd.s32 $0xFFFFFFFF  }
0xb9: {  	_ =	strace $0x90000048  }
0xba: {  	_ =	sfence  }
0xbb: {  	s30 =	sld [smem:$0x0];
	_ =	sdelay $0x2  }
0xbc: {  	s31 =	sshll.u32 s1, $0xD;
	s1 =	sshrl.u32 s1, $0x2  }
0xbd: {  	s3 =	sand.u32 $0x4000, s31;
	s1 =	sadd.s32 s1, s30  }
0xbe: {  	s0 =	sor.u32 s3, s0;
	s1 =	sshll.u32 s1, $0x11  }
0xbf: {  	s0 =	sor.u32 s1, s0  }
0xc0: {  	s0 =	sadd.s32 $0x8F2B, s0  }
0xc1: {  	[sflag:s0] =	ssyncadd.remote.s32 $0x1  }
0xc2: {  	_ =	sfence.sel $0xFFFF  }
0xc3: {  	[dreg:$0x0] =	wrdreg $0xFFFFFFFF;
	(pc) =	sbr.abs _section_cstart, $3  }
0xc4: {  	[dreg:$0x1] =	wrdreg $0xFFFFFFFF  }
0xc5: {  	_ =	task.clear_ibuf [dreg:s9], $0x2FFFF;
	_ =	strace $0x9FFFFFFF  }
0xc6: {  	(tm) =	ssettm $0x7FFFFFFF  }
0xc7: {  	_ =	shalt  }
tec
execute0_lowered:
.L_overlay_start_1:
0x0: {  	(tag) =	ssettag $0x1  }
0x1: {  	s0 =	rddreg [dreg:$0x0]  }
0x2: {  	s1 =	rddreg [dreg:$0x1];
	v0 =	vlaneseq.u32  }
0x3: {  	s2 =	rddreg [dreg:$0x2];
	v18 =	vimm.s32 $0xFEDCBA98;
	v22 =	vimm.s32 $0x76543210;
	v24 =	vimm.s32 $0x32107654  }
0x4: {  	s6 =	rddreg [dreg:$0x3];
	s4 =	simm.s32 $0x0;
	s5 =	srdreg.scid;
	v25 =	vimm.s32 $0xDCFE98BA;
	v26 =	vimm.s32 $0x54761032;
	v27 =	vimm.s32 $0xEFCDAB89  }
0x5: {  	s3 =	stileid.u32;
	v28 =	vimm.s32 $0x67452301;
	s13 =	simm.s32 $0x80;
	s14 =	simm.s32 $0xC080;
	v1 =	vor.u32 $0x10, v0;
	v21 =	vunpack.c.l.s4.s8 v18  }
0x6: {  	s15 =	simm.s32 $0x6080;
	s16 =	simm.s32 $0x12080;
	s17 =	simm.s32 $0x1;
	v63 =	vor.u32 $0x20, v0;
	v19 =	vor.u32 $0x30, v0;
	v20 =	vor.u32 $0x40, v0  }
0x7: {  	s18 =	simm.s32 $0x3;
	s19 =	simm.s32 $0x2;
	s20 =	simm.s32 $0x4;
	v25 =	vunpack.c.l.s4.s8 v25;
	v26 =	vunpack.c.l.s4.s8 v26;
	v27 =	vunpack.c.l.s4.s8 v27  }
0x8: {  	s21 =	simm.s32 $0x18080;
	s7 =	sand.u32 $0x1, s5;
	s8 =	sshll.u32 s3, $0x1;
	v28 =	vunpack.c.l.s4.s8 v28;
	v23 =	vunpack.c.0.s8.s32 v21;
	v21 =	vimm.s32 $0xBA98FEDC  }
0x9: {  	s22 =	simm.s32 $0x0;
	[smem:$0x7FF] =	sst s4;
	v24 =	vunpack.c.l.s4.s8 v24;
	s8 =	sor.u32 s7, s8;
	v25 =	vunpack.c.0.s8.s32 v25;
	v21 =	vunpack.c.l.s4.s8 v21  }
0xa: {  	s26 =	simm.s32 $0x0;
	s5 =	rddreg [dreg:$0x4];
	[tilespmem:$0x1FFE0] =	vst v1;
	s10 =	smul.u32 $0x3000, s8;
	v26 =	vunpack.c.0.s8.s32 v26;
	v27 =	vunpack.c.0.s8.s32 v27;
	v28 =	vunpack.c.0.s8.s32 v28  }
0xb: {  	v22 =	vunpack.c.l.s4.s8 v22;
	[tilespmem:$0x1FFF0] =	vst v63;
	s29 =	ssub.s32 $0x2, s7;
	s9 =	sshll.u32 s8, $0x4;
	s30 =	smul.u32 $0x300, s8;
	v24 =	vunpack.c.0.s8.s32 v24;
	v21 =	vunpack.c.0.s8.s32 v21  }
0xc: {  	_ =	strace $0x80000047;
	s7 =	sshrl.u32 s29, $0x1;
	s11 =	sadd.s32 s9, s6;
	v30 =	vand.u32 $0xF, v23;
	v26 =	vcombine.low v26, v25;
	v27 =	vcombine.low v28, v27  }
0xd: {  	s12 =	ssub.s32 s29, s7;
	s31 =	sadd.s32 $0x126800, s10;
	s8 =	sadd.s32 $0x12740, s30;
	v23 =	vor.u32 $0x70, v0;
	v29 =	vcombine.low v24, v21;
	v24 =	vunpack.c.0.s8.s32 v22  }
0xe: {  	s9 =	sadd.s32 $0x12800, s30;
	s10 =	sadd.s32 $0x600, s11;
	s11 =	smax.u32 s12, $0x1;
	v26 =	vand.u32 $0xF, v26;
	v27 =	vand.u32 $0xF, v27;
	v21 =	vor.u32 $0x50, v0  }
0xf: {  	s12 =	simm.s32 $0x5;
	s6 =	sadd.s32 s1, s31;
	s7 =	sadd.s32 s2, s31;
	v22 =	vor.u32 $0x60, v0;
	v24 =	vcombine.low v30, v24;
	v25 =	vand.u32 $0xF, v29  }
.LBB2_1:
0x10: {  	[tilespmem:s4], [sflag:$0x5] =	stream.linear.gather [hbm4b:s0+s4], $0x14, $0x38;
	[tilespmem:$0x18100] =	vst v63  }
0x11: {  	_ =	swait.ge [sflag:s12], $0x14  }
0x12: {  	[sflag:s12] =	ssyncset.done $0x0  }
0x13: {  	[sflag:s12] =	ssyncadd.s32 $0xFFFFFFEC  }
0x14: {  	v28 =	vld [tilespmem:$0x0];
	_ =	sdelay $0x1  }
0x15: {  	v0 =	vimm.s32 $0x0  }
0x16: {  	v1 =	vimm.s32 $0x1;
	v2 =	vimm.s32 $0x2;
	v3 =	vimm.s32 $0x3  }
0x17: {  	v4 =	vimm.s32 $0x4;
	v41 =	vimm.s32 $0x5;
	v42 =	vimm.s32 $0x6  }
0x18: {  	v43 =	vimm.s32 $0x7;
	v44 =	vimm.s32 $0x8;
	v52 =	vperm.xlane v28, v0  }
0x19: {  	v53 =	vimm.s32 $0x9;
	v51 =	vperm.xlane v28, v1;
	v50 =	vperm.xlane v28, v2  }
0x1a: {  	v54 =	vimm.s32 $0xA;
	v49 =	vperm.xlane v28, v3;
	v48 =	vperm.xlane v28, v4  }
0x1b: {  	v55 =	vimm.s32 $0xB;
	v31 =	vld [tilespmem:$0x10];
	v47 =	vperm.xlane v28, v41;
	v46 =	vperm.xlane v28, v42  }
0x1c: {  	v56 =	vimm.s32 $0xC;
	v45 =	vperm.xlane v28, v43;
	v44 =	vperm.xlane v28, v44  }
0x1d: {  	v57 =	vimm.s32 $0xD;
	v43 =	vperm.xlane v28, v53;
	v42 =	vperm.xlane v28, v54  }
0x1e: {  	v58 =	vimm.s32 $0xE;
	v41 =	vperm.xlane v28, v55;
	v40 =	vperm.xlane v28, v56  }
0x1f: {  	v59 =	vimm.s32 $0xF;
	v39 =	vperm.xlane v28, v57;
	v38 =	vperm.xlane v28, v58  }
0x20: {  	v5 =	vlaneseq.u32;
	v37 =	vperm.xlane v28, v59;
	v35 =	vperm.xlane v31, v0  }
0x21: {  	v36 =	vimm.f32 $0.0e+00;
	v34 =	vperm.xlane v31, v1;
	v33 =	vperm.xlane v31, v2  }
0x22: {  	v32 =	vperm.xlane v31, v3;
	vm0 =	veq.s32 v52, v5;
	vm13 =	veq.s32 v51, v5  }
0x23: {  	vm14 =	veq.s32 v50, v5;
	vm15 =	veq.s32 v49, v5;
	vm4 =	veq.s32 v48, v5  }
0x24: {  	vm5 =	veq.s32 v47, v5;
	vm6 =	veq.s32 v46, v5;
	vm7 =	veq.s32 v45, v5  }
0x25: {  	vm8 =	veq.s32 v44, v5;
	vm9 =	veq.s32 v43, v5;
	vm12 =	veq.s32 v42, v5  }
0x26: {  	v29 =	vsel vm0, $0x3F800000, v36;
	v30 =	vsel vm13, $0x3F800000, v36;
	v53 =	vsel vm14, $0x3F800000, v36  }
0x27: {  	v54 =	vsel vm15, $0x3F800000, v36;
	v55 =	vsel vm4, $0x3F800000, v36;
	v56 =	vsel vm5, $0x3F800000, v36  }
0x28: {  	v0 =	vld [tilespmem:$0x1FFE0];
	v28 =	vsel vm6, $0x3F800000, v36;
	v57 =	vsel vm7, $0x3F800000, v36;
	v58 =	vsel vm8, $0x3F800000, v36  }
0x29: {  	v59 =	vsel vm9, $0x3F800000, v36;
	vm14 =	veq.s32 v41, v5;
	vm4 =	veq.s32 v40, v5  }
0x2a: {  	vm6 =	veq.s32 v39, v5;
	vm8 =	veq.s32 v38, v5;
	v29 =	vadd.f32 v30, v29  }
0x2b: {  	v61 =	vsel vm14, $0x3F800000, v36;
	v63 =	vsel vm4, $0x3F800000, v36;
	v2 =	vsel vm6, $0x3F800000, v36  }
0x2c: {  	v4 =	vsel vm8, $0x3F800000, v36;
	vm14 =	veq.s32 v34, v5;
	vm4 =	veq.s32 v33, v5  }
0x2d: {  	vm6 =	veq.s32 v32, v5;
	vm10 =	veq.s32 v52, v0;
	vm11 =	veq.s32 v51, v0  }
0x2e: {  	vm13 =	veq.s32 v50, v0;
	vm15 =	veq.s32 v49, v0;
	vm5 =	veq.s32 v48, v0  }
0x2f: {  	vm7 =	veq.s32 v47, v0;
	vm9 =	veq.s32 v46, v0;
	v9 =	vsel vm14, $0x3F800000, v36  }
0x30: {  	v11 =	vsel vm4, $0x3F800000, v36;
	vm8 =	veq.s32 v40, v0;
	vm14 =	veq.s32 v33, v0  }
0x31: {  	v31 =	vsel vm10, $0x3F800000, v36;
	v30 =	vsel vm11, $0x3F800000, v36;
	v29 =	vadd.f32 v53, v29  }
0x32: {  	v60 =	vsel vm13, $0x3F800000, v36;
	v62 =	vsel vm15, $0x3F800000, v36;
	v30 =	vadd.f32 v30, v31  }
0x33: {  	v1 =	vsel vm5, $0x3F800000, v36;
	v3 =	vsel vm7, $0x3F800000, v36;
	v29 =	vadd.f32 v54, v29  }
0x34: {  	vm10 =	veq.s32 v37, v5;
	vm11 =	veq.s32 v45, v0;
	v30 =	vadd.f32 v60, v30  }
0x35: {  	vm13 =	veq.s32 v44, v0;
	vm15 =	veq.s32 v43, v0;
	v29 =	vadd.f32 v55, v29  }
0x36: {  	vm5 =	veq.s32 v42, v0;
	vm7 =	veq.s32 v41, v0;
	v30 =	vadd.f32 v62, v30  }
0x37: {  	v31 =	vsel vm12, $0x3F800000, v36;
	v6 =	vsel vm11, $0x3F800000, v36;
	v29 =	vadd.f32 v56, v29  }
0x38: {  	vm12 =	veq.s32 v35, v5;
	v8 =	vsel vm13, $0x3F800000, v36;
	v30 =	vadd.f32 v1, v30  }
0x39: {  	v10 =	vsel vm15, $0x3F800000, v36;
	vm11 =	veq.s32 v37, v0;
	v28 =	vadd.f32 v28, v29  }
0x3a: {  	vm13 =	veq.s32 v34, v0;
	vm15 =	veq.s32 v32, v0;
	v30 =	vadd.f32 v3, v30  }
0x3b: {  	v7 =	vsel vm12, $0x3F800000, v36;
	v29 =	vsel vm9, $0x3F800000, v36;
	v28 =	vadd.f32 v57, v28  }
0x3c: {  	vm12 =	veq.s32 v35, v0;
	vm9 =	veq.s32 v39, v0;
	v29 =	vadd.f32 v29, v30  }
0x3d: {  	v30 =	vsel vm10, $0x3F800000, v36;
	vm10 =	veq.s32 v38, v0;
	v0 =	vld [tilespmem:$0x1FFF0];
	v28 =	vadd.f32 v58, v28  }
0x3e: {  	v13 =	vsel vm8, $0x3F800000, v36;
	v12 =	vsel vm7, $0x3F800000, v36;
	v29 =	vadd.f32 v6, v29  }
0x3f: {  	v60 =	vsel vm11, $0x3F800000, v36;
	v62 =	vsel vm13, $0x3F800000, v36;
	v28 =	vadd.f32 v59, v28  }
0x40: {  	vm13 =	veq.s32 v51, v19;
	v14 =	vsel vm9, $0x3F800000, v36;
	v29 =	vadd.f32 v8, v29  }
0x41: {  	v15 =	vsel vm10, $0x3F800000, v36;
	v28 =	vadd.f32 v31, v28;
	v31 =	vsel vm5, $0x3F800000, v36  }
0x42: {  	vm4 =	veq.s32 v52, v0;
	vm5 =	veq.s32 v51, v0;
	v29 =	vadd.f32 v10, v29  }
0x43: {  	vm7 =	veq.s32 v49, v0;
	vm8 =	veq.s32 v48, v0;
	vm9 =	veq.s32 v47, v0  }
0x44: {  	vm10 =	veq.s32 v46, v0;
	vm11 =	veq.s32 v45, v0;
	v29 =	vadd.f32 v31, v29  }
0x45: {  	v3 =	vsel vm4, $0x3F800000, v36;
	v6 =	vsel vm7, $0x3F800000, v36;
	v8 =	vsel vm9, $0x3F800000, v36  }
0x46: {  	v10 =	vsel vm13, $0x3F800000, v36;
	vm4 =	veq.s32 v43, v0;
	v29 =	vadd.f32 v12, v29  }
0x47: {  	vm7 =	veq.s32 v48, v19;
	vm9 =	veq.s32 v47, v19;
	v28 =	vadd.f32 v61, v28  }
0x48: {  	vm13 =	veq.s32 v45, v19;
	v61 =	vsel vm12, $0x3F800000, v36;
	v29 =	vadd.f32 v13, v29  }
0x49: {  	vm12 =	veq.s32 v52, v19;
	v31 =	vsel vm6, $0x3F800000, v36;
	v28 =	vadd.f32 v63, v28  }
0x4a: {  	vm6 =	veq.s32 v50, v0;
	v63 =	vsel vm14, $0x3F800000, v36;
	v29 =	vadd.f32 v14, v29  }
0x4b: {  	v5 =	vsel vm6, $0x3F800000, v36;
	vm14 =	veq.s32 v44, v0;
	v28 =	vadd.f32 v2, v28  }
0x4c: {  	vm6 =	veq.s32 v42, v0;
	v13 =	vsel vm4, $0x3F800000, v36;
	v29 =	vadd.f32 v15, v29  }
0x4d: {  	vm4 =	veq.s32 v37, v0;
	v28 =	vadd.f32 v4, v28;
	v4 =	vsel vm5, $0x3F800000, v36  }
0x4e: {  	vm5 =	veq.s32 v49, v19;
	v55 =	vadd.f32 v4, v3;
	v29 =	vadd.f32 v60, v29  }
0x4f: {  	v14 =	vsel vm5, $0x3F800000, v36;
	v3 =	vsel vm13, $0x3F800000, v36;
	vm5 =	veq.s32 v43, v19  }
0x50: {  	vm13 =	veq.s32 v39, v19;
	v28 =	vadd.f32 v30, v28;
	v29 =	vadd.f32 v61, v29  }
0x51: {  	v30 =	vsel vm15, $0x3F800000, v36;
	vm15 =	veq.s32 v50, v19;
	v54 =	vadd.f32 v5, v55  }
0x52: {  	v12 =	vsel vm15, $0x3F800000, v36;
	v15 =	vsel vm6, $0x3F800000, v36;
	v29 =	vadd.f32 v62, v29  }
0x53: {  	vm15 =	veq.s32 v44, v19;
	vm6 =	veq.s32 v35, v0;
	v28 =	vadd.f32 v7, v28  }
0x54: {  	v7 =	vsel vm8, $0x3F800000, v36;
	vm8 =	veq.s32 v41, v0;
	v29 =	vadd.f32 v63, v29  }
0x55: {  	v5 =	vsel vm15, $0x3F800000, v36;
	vm15 =	veq.s32 v37, v19;
	v54 =	vadd.f32 v6, v54  }
0x56: {  	v60 =	vsel vm7, $0x3F800000, v36;
	v29 =	vadd.f32 v30, v29;
	v30 =	vsel vm12, $0x3F800000, v36  }
0x57: {  	v6 =	vsel vm4, $0x3F800000, v36;
	vm7 =	veq.s32 v42, v19;
	v30 =	vadd.f32 v10, v30  }
0x58: {  	vm4 =	veq.s32 v35, v19;
	v28 =	vadd.f32 v9, v28;
	v9 =	vsel vm10, $0x3F800000, v36  }
0x59: {  	vm10 =	veq.s32 v40, v0;
	v54 =	vadd.f32 v7, v54;
	v30 =	vadd.f32 v12, v30  }
0x5a: {  	v61 =	vsel vm8, $0x3F800000, v36;
	v7 =	vsel vm5, $0x3F800000, v36;
	vm8 =	veq.s32 v34, v0  }
0x5b: {  	vm5 =	veq.s32 v34, v19;
	v28 =	vadd.f32 v11, v28;
	v30 =	vadd.f32 v14, v30  }
0x5c: {  	v11 =	vsel vm14, $0x3F800000, v36;
	vm14 =	veq.s32 v38, v0;
	v54 =	vadd.f32 v8, v54  }
0x5d: {  	v62 =	vsel vm9, $0x3F800000, v36;
	v4 =	vsel vm14, $0x3F800000, v36;
	v30 =	vadd.f32 v60, v30  }
0x5e: {  	v8 =	vsel vm6, $0x3F800000, v36;
	vm9 =	veq.s32 v41, v19;
	v28 =	vadd.f32 v31, v28  }
0x5f: {  	v31 =	vsel vm11, $0x3F800000, v36;
	vm11 =	veq.s32 v46, v19;
	v30 =	vadd.f32 v62, v30  }
0x60: {  	vm14 =	veq.s32 v38, v19;
	v53 =	vadd.f32 v9, v54;
	v1 =	vsel vm11, $0x3F800000, v36  }
0x61: {  	vm6 =	veq.s32 v33, v19;
	v63 =	vsel vm10, $0x3F800000, v36;
	v30 =	vadd.f32 v1, v30  }
0x62: {  	v9 =	vsel vm7, $0x3F800000, v36;
	vm10 =	veq.s32 v33, v0;
	v31 =	vadd.f32 v31, v53  }
0x63: {  	vm11 =	veq.s32 v40, v19;
	vm12 =	veq.s32 v39, v0;
	v30 =	vadd.f32 v3, v30  }
0x64: {  	vm7 =	veq.s32 v32, v19;
	v2 =	vsel vm12, $0x3F800000, v36;
	v31 =	vadd.f32 v11, v31  }
0x65: {  	v10 =	vsel vm8, $0x3F800000, v36;
	vm12 =	veq.s32 v32, v0;
	v30 =	vadd.f32 v5, v30  }
0x66: {  	v0 =	vsel vm6, $0x3F800000, v36;
	vm8 =	veq.s32 v52, v20;
	v31 =	vadd.f32 v13, v31  }
0x67: {  	vm6 =	veq.s32 v45, v20;
	v11 =	vsel vm9, $0x3F800000, v36;
	v30 =	vadd.f32 v7, v30  }
0x68: {  	vm9 =	veq.s32 v51, v20;
	v12 =	vsel vm10, $0x3F800000, v36;
	v31 =	vadd.f32 v15, v31  }
0x69: {  	vm10 =	veq.s32 v50, v20;
	v13 =	vsel vm11, $0x3F800000, v36;
	v30 =	vadd.f32 v9, v30  }
0x6a: {  	vm11 =	veq.s32 v49, v20;
	v14 =	vsel vm12, $0x3F800000, v36;
	v31 =	vadd.f32 v61, v31  }
0x6b: {  	vm12 =	veq.s32 v48, v20;
	v15 =	vsel vm13, $0x3F800000, v36;
	v30 =	vadd.f32 v11, v30  }
0x6c: {  	vm13 =	veq.s32 v47, v20;
	v60 =	vsel vm14, $0x3F800000, v36;
	v31 =	vadd.f32 v63, v31  }
0x6d: {  	vm14 =	veq.s32 v52, v21;
	v61 =	vsel vm15, $0x3F800000, v36;
	v30 =	vadd.f32 v13, v30  }
0x6e: {  	vm15 =	veq.s32 v51, v21;
	v62 =	vsel vm4, $0x3F800000, v36;
	v31 =	vadd.f32 v2, v31  }
0x6f: {  	vm4 =	veq.s32 v46, v20;
	v63 =	vsel vm5, $0x3F800000, v36;
	v30 =	vadd.f32 v15, v30  }
0x70: {  	vm5 =	veq.s32 v50, v21;
	v1 =	vsel vm7, $0x3F800000, v36;
	v31 =	vadd.f32 v4, v31  }
0x71: {  	vm7 =	veq.s32 v49, v21;
	v2 =	vsel vm8, $0x3F800000, v36;
	v30 =	vadd.f32 v60, v30  }
0x72: {  	vm8 =	veq.s32 v44, v20;
	v3 =	vsel vm9, $0x3F800000, v36;
	v31 =	vadd.f32 v6, v31  }
0x73: {  	vm9 =	veq.s32 v48, v21;
	v4 =	vsel vm10, $0x3F800000, v36;
	v30 =	vadd.f32 v61, v30  }
0x74: {  	v54 =	vadd.f32 v3, v2;
	vm10 =	veq.s32 v43, v20;
	v31 =	vadd.f32 v8, v31  }
0x75: {  	v5 =	vsel vm11, $0x3F800000, v36;
	vm11 =	veq.s32 v47, v21;
	v30 =	vadd.f32 v62, v30  }
0x76: {  	v6 =	vsel vm13, $0x3F800000, v36;
	v54 =	vadd.f32 v4, v54;
	v31 =	vadd.f32 v10, v31  }
0x77: {  	vm13 =	veq.s32 v46, v21;
	v7 =	vsel vm14, $0x3F800000, v36;
	v30 =	vadd.f32 v63, v30  }
0x78: {  	vm14 =	veq.s32 v41, v20;
	v8 =	vsel vm15, $0x3F800000, v36;
	v31 =	vadd.f32 v12, v31  }
0x79: {  	v54 =	vadd.f32 v5, v54;
	vm15 =	veq.s32 v45, v21;
	v53 =	vadd.f32 v0, v30  }
0x7a: {  	v9 =	vsel vm4, $0x3F800000, v36;
	v10 =	vsel vm5, $0x3F800000, v36;
	v30 =	vadd.f32 v14, v31  }
0x7b: {  	vm5 =	veq.s32 v44, v21;
	v31 =	vadd.f32 v1, v53;
	v53 =	vadd.f32 v8, v7  }
0x7c: {  	vm4 =	veq.s32 v40, v20;
	v11 =	vsel vm6, $0x3F800000, v36;
	v2 =	vsel vm5, $0x3F800000, v36  }
0x7d: {  	vm6 =	veq.s32 v39, v20;
	vm5 =	veq.s32 v38, v21;
	v53 =	vadd.f32 v10, v53  }
0x7e: {  	v12 =	vsel vm7, $0x3F800000, v36;
	v3 =	vsel vm6, $0x3F800000, v36;
	vm7 =	veq.s32 v43, v21  }
0x7f: {  	vm6 =	veq.s32 v32, v20;
	v13 =	vsel vm8, $0x3F800000, v36;
	v53 =	vadd.f32 v12, v53  }
0x80: {  	v4 =	vsel vm7, $0x3F800000, v36;
	vm8 =	veq.s32 v38, v20;
	v14 =	vsel vm9, $0x3F800000, v36  }
0x81: {  	vm7 =	veq.s32 v37, v21;
	v60 =	vsel vm12, $0x3F800000, v36;
	v53 =	vadd.f32 v14, v53  }
0x82: {  	v5 =	vsel vm8, $0x3F800000, v36;
	v54 =	vadd.f32 v60, v54;
	v60 =	vsel vm11, $0x3F800000, v36  }
0x83: {  	vm8 =	veq.s32 v35, v21;
	v15 =	vsel vm10, $0x3F800000, v36;
	v53 =	vadd.f32 v60, v53  }
0x84: {  	vm10 =	veq.s32 v37, v20;
	vm12 =	veq.s32 v42, v20;
	v62 =	vsel vm13, $0x3F800000, v36  }
0x85: {  	vm11 =	veq.s32 v41, v21;
	v54 =	vadd.f32 v6, v54;
	v53 =	vadd.f32 v62, v53  }
0x86: {  	v61 =	vsel vm12, $0x3F800000, v36;
	vm12 =	veq.s32 v35, v20;
	v0 =	vsel vm15, $0x3F800000, v36  }
0x87: {  	vm13 =	veq.s32 v40, v21;
	v54 =	vadd.f32 v9, v54;
	v53 =	vadd.f32 v0, v53  }
0x88: {  	v9 =	vsel vm12, $0x3F800000, v36;
	vm12 =	veq.s32 v52, v22;
	v63 =	vsel vm14, $0x3F800000, v36  }
0x89: {  	vm14 =	veq.s32 v34, v20;
	v54 =	vadd.f32 v11, v54;
	v53 =	vadd.f32 v2, v53  }
0x8a: {  	v11 =	vsel vm14, $0x3F800000, v36;
	vm14 =	veq.s32 v52, v23;
	vm9 =	veq.s32 v42, v21  }
0x8b: {  	vm15 =	veq.s32 v39, v21;
	v54 =	vadd.f32 v13, v54;
	v53 =	vadd.f32 v4, v53  }
0x8c: {  	v6 =	vsel vm9, $0x3F800000, v36;
	vm9 =	veq.s32 v34, v21;
	v1 =	vsel vm4, $0x3F800000, v36  }
0x8d: {  	v7 =	vsel vm10, $0x3F800000, v36;
	v8 =	vsel vm11, $0x3F800000, v36;
	v53 =	vadd.f32 v6, v53  }
0x8e: {  	vm4 =	veq.s32 v33, v20;
	vm10 =	veq.s32 v33, v21;
	vm11 =	veq.s32 v32, v21  }
0x8f: {  	v54 =	vadd.f32 v15, v54;
	v13 =	vsel vm4, $0x3F800000, v36;
	v53 =	vadd.f32 v8, v53  }
0x90: {  	v15 =	vsel vm7, $0x3F800000, v36;
	v57 =	vsel vm11, $0x3F800000, v36;
	v10 =	vsel vm13, $0x3F800000, v36  }
0x91: {  	vm4 =	veq.s32 v50, v22;
	vm7 =	veq.s32 v49, v23;
	v53 =	vadd.f32 v10, v53  }
0x92: {  	vm11 =	veq.s32 v47, v23;
	v54 =	vadd.f32 v61, v54;
	v12 =	vsel vm15, $0x3F800000, v36  }
0x93: {  	vm13 =	veq.s32 v51, v22;
	v61 =	vsel vm9, $0x3F800000, v36;
	v53 =	vadd.f32 v12, v53  }
0x94: {  	vm9 =	veq.s32 v48, v23;
	v54 =	vadd.f32 v63, v54;
	v14 =	vsel vm5, $0x3F800000, v36  }
0x95: {  	vm15 =	veq.s32 v51, v23;
	v63 =	vsel vm12, $0x3F800000, v36;
	v58 =	vadd.f32 v14, v53  }
0x96: {  	vm12 =	veq.s32 v46, v22;
	vm5 =	veq.s32 v50, v23;
	v54 =	vadd.f32 v1, v54  }
0x97: {  	v1 =	vsel vm14, $0x3F800000, v36;
	vm14 =	veq.s32 v45, v22;
	v58 =	vadd.f32 v15, v58  }
0x98: {  	v60 =	vsel vm8, $0x3F800000, v36;
	vm8 =	veq.s32 v48, v22;
	v54 =	vadd.f32 v3, v54  }
0x99: {  	v59 =	vsel vm14, $0x3F800000, v36;
	v0 =	vsel vm13, $0x3F800000, v36;
	v58 =	vadd.f32 v60, v58  }
0x9a: {  	vm14 =	veq.s32 v39, v22;
	v54 =	vadd.f32 v5, v54;
	v2 =	vadd.f32 v0, v63  }
0x9b: {  	v3 =	vsel vm15, $0x3F800000, v36;
	v4 =	vsel vm4, $0x3F800000, v36;
	v55 =	vadd.f32 v61, v58  }
0x9c: {  	v62 =	vsel vm10, $0x3F800000, v36;
	v54 =	vadd.f32 v7, v54;
	v5 =	vadd.f32 v4, v2  }
0x9d: {  	vm15 =	veq.s32 v45, v23;
	v52 =	vadd.f32 v62, v55;
	v55 =	vadd.f32 v3, v1  }
0x9e: {  	v6 =	vsel vm5, $0x3F800000, v36;
	v53 =	vsel vm6, $0x3F800000, v36;
	vm6 =	veq.s32 v49, v22  }
0x9f: {  	v54 =	vadd.f32 v9, v54;
	v7 =	vsel vm6, $0x3F800000, v36;
	v51 =	vadd.f32 v6, v55  }
0xa0: {  	vm10 =	veq.s32 v47, v22;
	v9 =	vsel vm7, $0x3F800000, v36;
	v8 =	vadd.f32 v7, v5  }
0xa1: {  	v54 =	vadd.f32 v11, v54;
	v10 =	vsel vm8, $0x3F800000, v36;
	v50 =	vadd.f32 v9, v51  }
0xa2: {  	vm13 =	veq.s32 v46, v23;
	v12 =	vsel vm9, $0x3F800000, v36;
	v11 =	vadd.f32 v10, v8  }
0xa3: {  	v54 =	vadd.f32 v13, v54;
	v13 =	vsel vm10, $0x3F800000, v36;
	v49 =	vadd.f32 v12, v50  }
0xa4: {  	vm7 =	veq.s32 v43, v23;
	v15 =	vsel vm11, $0x3F800000, v36;
	v14 =	vadd.f32 v13, v11  }
0xa5: {  	vm4 =	veq.s32 v44, v22;
	v55 =	vsel vm12, $0x3F800000, v36;
	v48 =	vadd.f32 v15, v49  }
0xa6: {  	vm5 =	veq.s32 v44, v23;
	v58 =	vsel vm13, $0x3F800000, v36;
	v56 =	vadd.f32 v55, v14  }
0xa7: {  	v0 =	vsel vm5, $0x3F800000, v36;
	vm10 =	veq.s32 v41, v22;
	v47 =	vadd.f32 v58, v48  }
0xa8: {  	vm5 =	veq.s32 v38, v23;
	v61 =	vsel vm15, $0x3F800000, v36;
	v60 =	vadd.f32 v59, v56  }
0xa9: {  	vm8 =	veq.s32 v42, v22;
	v62 =	vsel vm4, $0x3F800000, v36;
	v46 =	vadd.f32 v61, v47  }
0xaa: {  	v4 =	vsel vm8, $0x3F800000, v36;
	vm6 =	veq.s32 v43, v22;
	v63 =	vadd.f32 v62, v60  }
0xab: {  	vm8 =	veq.s32 v35, v22;
	v1 =	vsel vm6, $0x3F800000, v36;
	v45 =	vadd.f32 v0, v46  }
0xac: {  	vm9 =	veq.s32 v42, v23;
	v3 =	vsel vm7, $0x3F800000, v36;
	v2 =	vadd.f32 v1, v63  }
0xad: {  	v7 =	vsel vm10, $0x3F800000, v36;
	vm11 =	veq.s32 v41, v23;
	v44 =	vadd.f32 v3, v45  }
0xae: {  	vm10 =	veq.s32 v34, v22;
	v6 =	vsel vm9, $0x3F800000, v36;
	v5 =	vadd.f32 v4, v2  }
0xaf: {  	vm13 =	veq.s32 v40, v23;
	v13 =	vsel vm14, $0x3F800000, v36;
	v43 =	vadd.f32 v6, v44  }
0xb0: {  	vm12 =	veq.s32 v40, v22;
	v9 =	vsel vm11, $0x3F800000, v36;
	v8 =	vadd.f32 v7, v5  }
0xb1: {  	vm15 =	veq.s32 v39, v23;
	v10 =	vsel vm12, $0x3F800000, v36;
	v42 =	vadd.f32 v9, v43  }
0xb2: {  	vm14 =	veq.s32 v32, v22;
	v12 =	vsel vm13, $0x3F800000, v36;
	v11 =	vadd.f32 v10, v8  }
0xb3: {  	vm4 =	veq.s32 v38, v22;
	vm6 =	veq.s32 v37, v22;
	v41 =	vadd.f32 v12, v42  }
0xb4: {  	vm7 =	veq.s32 v37, v23;
	v15 =	vsel vm15, $0x3F800000, v36;
	v14 =	vadd.f32 v13, v11  }
0xb5: {  	vm9 =	veq.s32 v35, v23;
	v45 =	vsel vm4, $0x3F800000, v36;
	v40 =	vadd.f32 v15, v41  }
0xb6: {  	vm12 =	veq.s32 v33, v22;
	v47 =	vsel vm5, $0x3F800000, v36;
	v46 =	vadd.f32 v45, v14  }
0xb7: {  	v51 =	vsel vm8, $0x3F800000, v36;
	v48 =	vsel vm6, $0x3F800000, v36;
	v39 =	vadd.f32 v47, v40  }
0xb8: {  	vm11 =	veq.s32 v34, v23;
	v50 =	vsel vm7, $0x3F800000, v36;
	v49 =	vadd.f32 v48, v46  }
0xb9: {  	v56 =	vsel vm9, $0x3F800000, v36;
	vm13 =	veq.s32 v33, v23;
	v38 =	vadd.f32 v50, v39  }
0xba: {  	v60 =	vsel vm11, $0x3F800000, v36;
	v33 =	vsel vm13, $0x3F800000, v36;
	v55 =	vadd.f32 v51, v49  }
0xbb: {  	v62 =	vsel vm14, $0x3F800000, v36;
	v58 =	vsel vm10, $0x3F800000, v36;
	v37 =	vadd.f32 v56, v38  }
0xbc: {  	vm15 =	veq.s32 v32, v23;
	v32 =	vadd.f32 v53, v54;
	v59 =	vadd.f32 v58, v55  }
0xbd: {  	v63 =	vsel vm15, $0x3F800000, v36;
	v61 =	vsel vm12, $0x3F800000, v36;
	v35 =	vadd.f32 v60, v37  }
0xbe: {  	v43 =	vimm.f32 $0.0e+00;
	v42 =	vimm.f32 $0.0e+00;
	v34 =	vadd.f32 v61, v59  }
0xbf: {  	[tilespmem:s13], [sflag:$0x1] =	stream.linear.gather [hbm4b:s6+s4], $0x6000, $0x38;
	v41 =	vimm.f32 $0.0e+00;
	v40 =	vimm.f32 $0.0e+00;
	v35 =	vadd.f32 v33, v35;
	[tilespmem:$0x18100] =	vst v63  }
0xc0: {  	p1 =	por $0x1, $0x1;
	s23 =	simm.s32 $0x0;
	v39 =	vimm.f32 $0.0e+00;
	v34 =	vadd.f32 v62, v34;
	v33 =	vadd.f32 v57, v52  }
0xc1: {  	[tilespmem:s14], [sflag:$0x3] =	stream.linear.gather [hbm4b:s7+s4], $0x6000, $0x38;
	v38 =	vimm.f32 $0.0e+00;
	v37 =	vimm.f32 $0.0e+00;
	v35 =	vadd.f32 v63, v35;
	[tilespmem:$0x18100] =	vst v63  }
.LBB2_2:
0xc2: {  	s24 =	sadd.s32 s23, s8  }
0xc3: {  	s24 =	sshll.u32 s24, $0x4  }
0xc4: {  	s25 =	sadd.s32 s1, s24  }
0xc5: {  	[tilespmem:s15], [sflag:$0x2] =	stream.linear.gather [hbm4b:s25+s26], $0x6000, $0x38;
	[tilespmem:$0x18100] =	vst v63  }
0xc6: {  	s24 =	sadd.s32 s2, s24  }
0xc7: {  	[tilespmem:s16], [sflag:$0x4] =	stream.linear.gather [hbm4b:s24+s26], $0x6000, $0x38;
	[tilespmem:$0x18100] =	vst v63  }
0xc8: {  	_ =	swait.ge [sflag:s17], $0x6000  }
0xc9: {  	[sflag:s17] =	ssyncset.done $0x0  }
0xca: {  	[sflag:s17] =	ssyncadd.s32 $0xFFFFA000  }
0xcb: {  	_ =	swait.ge [sflag:s18], $0x6000  }
0xcc: {  	[sflag:s18] =	ssyncset.done $0x0  }
0xcd: {  	s24 =	simm.s32 $0x0;
	[sflag:s18] =	ssyncadd.s32 $0xFFFFA000  }
0xce: {  	v45 =	vld [tilespmem:s24+$0x270]  }
0xcf: {  	v44 =	vld [tilespmem:s24+$0x1F0]  }
0xd0: {  	v47 =	vld [tilespmem:s24+$0x260]  }
0xd1: {  	v46 =	vld [tilespmem:s24+$0x1E0]  }
0xd2: {  	v48 =	vld [tilespmem:s24+$0x250]  }
0xd3: {  	v49 =	vld [tilespmem:s24+$0x1D0]  }
0xd4: {  	v51 =	vld [tilespmem:s24+$0x240]  }
0xd5: {  	v52 =	vld [tilespmem:s24+$0x1C0]  }
0xd6: {  	v53 =	vld [tilespmem:s24+$0x230]  }
0xd7: {  	v54 =	vld [tilespmem:s24+$0x1B0]  }
0xd8: {  	v55 =	vld [tilespmem:s24+$0x220]  }
0xd9: {  	v56 =	vld [tilespmem:s24+$0x1A0]  }
0xda: {  	v57 =	vld [tilespmem:s24+$0x200]  }
0xdb: {  	v58 =	vld [tilespmem:s24+$0x210]  }
0xdc: {  	v59 =	vld [tilespmem:s24+$0x180]  }
0xdd: {  	v60 =	vld [tilespmem:s24+$0x190];
	v44 =	vmul.f32 v44, v35;
	v45 =	vmul.f32 v45, v35  }
0xde: {  	v61 =	vld [tilespmem:s24+$0x100];
	v46 =	vmul.f32 v46, v34;
	v47 =	vmul.f32 v47, v34  }
0xdf: {  	v62 =	vld [tilespmem:s24+$0x110];
	v50 =	vmul.f32 v49, v33;
	v48 =	vmul.f32 v48, v33  }
0xe0: {  	v15 =	vld [tilespmem:s24+$0x80];
	v63 =	vmul.f32 v52, v32;
	v4 =	vmul.f32 v51, v32  }
0xe1: {  	v0 =	vld [tilespmem:s24+$0x90];
	v54 =	vmul.f32 v54, v31;
	v1 =	vmul.f32 v53, v31  }
0xe2: {  	v2 =	vld [tilespmem:s24+$0x120];
	v56 =	vmul.f32 v56, v30;
	v55 =	vmul.f32 v55, v30  }
0xe3: {  	v5 =	vld [tilespmem:s24+$0xA0];
	v57 =	vmul.f32 v57, v28;
	v58 =	vmul.f32 v58, v29  }
0xe4: {  	v6 =	vld [tilespmem:s24+$0x130];
	v59 =	vmul.f32 v59, v28;
	v60 =	vmul.f32 v60, v29  }
0xe5: {  	v7 =	vld [tilespmem:s24+$0xB0];
	v61 =	vmul.f32 v61, v28;
	v62 =	vmul.f32 v62, v29;
	v57 =	vadd.f32 v58, v57  }
0xe6: {  	v8 =	vld [tilespmem:s24+$0xC0];
	v49 =	vmul.f32 v15, v28;
	v51 =	vmul.f32 v0, v29  }
0xe7: {  	v12 =	vld [tilespmem:s24+$0x140];
	v53 =	vmul.f32 v2, v30;
	v59 =	vadd.f32 v60, v59;
	v55 =	vadd.f32 v55, v57  }
0xe8: {  	v14 =	vld [tilespmem:s24+$0x150];
	v5 =	vmul.f32 v5, v30;
	v49 =	vadd.f32 v51, v49;
	v13 =	vadd.f32 v62, v61  }
0xe9: {  	v6 =	vmul.f32 v6, v31;
	v51 =	vld [tilespmem:s24+$0xD0];
	v59 =	vadd.f32 v56, v59;
	v55 =	vadd.f32 v1, v55  }
0xea: {  	v7 =	vmul.f32 v7, v31;
	v5 =	vadd.f32 v5, v49;
	v15 =	vadd.f32 v53, v13;
	v53 =	vld [tilespmem:s24+$0x160]  }
0xeb: {  	v52 =	vld [tilespmem:s24+$0xE0];
	v62 =	vmul.f32 v8, v32;
	v59 =	vadd.f32 v54, v59;
	v4 =	vadd.f32 v4, v55  }
0xec: {  	v56 =	vmul.f32 v12, v32;
	v60 =	vadd.f32 v7, v5;
	v58 =	vadd.f32 v6, v15;
	v54 =	vld [tilespmem:s24+$0x170]  }
0xed: {  	p0 =	por p1, p1;
	s25 =	simm.s32 $0x800;
	v57 =	vmul.f32 v14, v33;
	v55 =	vld [tilespmem:s24+$0xF0];
	v61 =	vadd.f32 v63, v59;
	v59 =	vadd.f32 v48, v4  }
.LBB2_3:
0xee: {  	p1 =	sne.s32 s25, $0x17800;
	v4 =	vadd.f32 v62, v60;
	v5 =	vmul.f32 v51, v33;
	v6 =	vadd.f32 v56, v58;
	v7 =	vld [tilespmem:s24+$0xC200]  }
0xef: {  	v8 =	vmul.f32 v53, v34;
	v48 =	vadd.f32 v50, v61;
	v47 =	vadd.f32 v47, v59;
	v49 =	vld [tilespmem:s24+$0xC210]  }
0xf0: {  	v4 =	vadd.f32 v5, v4;
	v5 =	vmul.f32 v52, v34;
	v6 =	vadd.f32 v57, v6;
	v50 =	vld [tilespmem:s24+$0xC220]  }
0xf1: {  	v51 =	vmul.f32 v54, v35;
	v46 =	vadd.f32 v46, v48;
	v47 =	vadd.f32 v45, v47;
	v48 =	vld [tilespmem:s24+$0xC230]  }
0xf2: {  	v4 =	vadd.f32 v5, v4;
	v5 =	vmul.f32 v55, v35;
	v6 =	vadd.f32 v8, v6;
	v8 =	vld [tilespmem:s24+$0xC240]  }
0xf3: {  	v46 =	vadd.f32 v44, v46;
	v44 =	vperm.xlane v47, v24;
	v52 =	vld [tilespmem:s24+$0xC250]  }
0xf4: {  	v4 =	vadd.f32 v5, v4;
	v5 =	vadd.f32 v51, v6;
	v45 =	vld [tilespmem:s24+$0xC260]  }
0xf5: {  	v6 =	vperm.xlane v46, v24;
	v47 =	vadd.f32 v47, v44;
	v44 =	vld [tilespmem:s24+$0xC270]  }
0xf6: {  	v51 =	vperm.xlane v4, v24;
	v53 =	vperm.xlane v5, v24;
	v54 =	vld [tilespmem:s24+$0xC180]  }
0xf7: {  	v6 =	vadd.f32 v46, v6;
	v46 =	vld [tilespmem:s24+$0xC190];
	v55 =	vperm.xlane v47, v25  }
0xf8: {  	v4 =	vadd.f32 v4, v51;
	v5 =	vadd.f32 v5, v53;
	v51 =	vld [tilespmem:s24+$0xC1A0]  }
0xf9: {  	v53 =	vperm.xlane v6, v25;
	v56 =	vld [tilespmem:s24+$0xC1B0];
	v47 =	vadd.f32 v47, v55  }
0xfa: {  	v55 =	vperm.xlane v4, v25;
	v57 =	vperm.xlane v5, v25;
	v58 =	vld [tilespmem:s24+$0xC1C0]  }
0xfb: {  	v6 =	vadd.f32 v6, v53;
	v53 =	vld [tilespmem:s24+$0xC1D0];
	v59 =	vperm.xlane v47, v26  }
0xfc: {  	v4 =	vadd.f32 v4, v55;
	v5 =	vadd.f32 v5, v57;
	v55 =	vld [tilespmem:s24+$0xC1E0]  }
0xfd: {  	v57 =	vperm.xlane v6, v26;
	v60 =	vld [tilespmem:s24+$0xC1F0];
	v47 =	vadd.f32 v47, v59  }
0xfe: {  	v59 =	vperm.xlane v4, v26;
	v61 =	vperm.xlane v5, v26;
	v62 =	vld [tilespmem:s24+$0xC100]  }
0xff: {  	v63 =	vld [tilespmem:s24+$0xC110];
	v6 =	vadd.f32 v6, v57;
	v57 =	vperm.xlane v47, v27  }
0x100: {  	v4 =	vadd.f32 v4, v59;
	v5 =	vadd.f32 v5, v61;
	v59 =	vld [tilespmem:s24+$0xC120]  }
0x101: {  	v61 =	vld [tilespmem:s24+$0xC130];
	v9 =	vperm.xlane v6, v27;
	v47 =	vadd.f32 v47, v57  }
0x102: {  	v57 =	vperm.xlane v4, v27;
	v10 =	vperm.xlane v5, v27;
	v11 =	vld [tilespmem:s24+$0xC140]  }
0x103: {  	v12 =	vld [tilespmem:s24+$0xC080];
	v7 =	vmul.f32 v47, v7;
	v49 =	vmul.f32 v47, v49  }
0x104: {  	v6 =	vadd.f32 v6, v9;
	v9 =	vmul.f32 v50, v47;
	v48 =	vmul.f32 v48, v47;
	v13 =	vld [tilespmem:s24+$0xC090]  }
0x105: {  	v8 =	vmul.f32 v8, v47;
	v52 =	vmul.f32 v52, v47;
	v50 =	vld [tilespmem:s24+$0xC0A0]  }
0x106: {  	v54 =	vmul.f32 v6, v54;
	v46 =	vmul.f32 v6, v46;
	v14 =	vld [tilespmem:s24+$0xC0B0]  }
0x107: {  	v5 =	vadd.f32 v5, v10;
	v51 =	vmul.f32 v51, v6;
	v56 =	vmul.f32 v56, v6;
	v10 =	vld [tilespmem:s24+$0xC150]  }
0x108: {  	v4 =	vadd.f32 v4, v57;
	v58 =	vmul.f32 v58, v6;
	v53 =	vmul.f32 v53, v6;
	v57 =	vld [tilespmem:s24+$0xC160]  }
0x109: {  	v62 =	vmul.f32 v5, v62;
	v63 =	vmul.f32 v5, v63;
	v16 =	vld [tilespmem:s24+$0xC170]  }
0x10a: {  	v12 =	vmul.f32 v4, v12;
	v13 =	vmul.f32 v4, v13;
	v0 =	vld [tilespmem:s24+$0xC0C0]  }
0x10b: {  	v50 =	vmul.f32 v50, v4;
	v14 =	vmul.f32 v14, v4;
	v1 =	vld [tilespmem:s24+$0xC0D0]  }
0x10c: {  	v12 =	vadd.f32 v12, v43;
	v43 =	vmul.f32 v59, v5;
	v13 =	vadd.f32 v13, v42;
	v42 =	vld [tilespmem:s24+$0xC0E0]  }
0x10d: {  	v41 =	vadd.f32 v50, v41;
	v50 =	vmul.f32 v61, v5;
	v14 =	vadd.f32 v14, v40;
	v40 =	vld [tilespmem:s24+$0xC0F0];
	s24 =	sshra.s32 s25, $0x2  }
0x10e: {  	v11 =	vmul.f32 v11, v5;
	v12 =	vadd.f32 v62, v12;
	v13 =	vadd.f32 v63, v13;
	v59 =	vld [tilespmem:s24+$0x270]  }
0x10f: {  	v10 =	vmul.f32 v10, v5;
	v41 =	vadd.f32 v43, v41;
	v61 =	vld [tilespmem:s24+$0x1F0];
	v14 =	vadd.f32 v50, v14  }
0x110: {  	v12 =	vadd.f32 v54, v12;
	v0 =	vmul.f32 v0, v4;
	v13 =	vadd.f32 v46, v13;
	v50 =	vld [tilespmem:s24+$0x260]  }
0x111: {  	v1 =	vmul.f32 v1, v4;
	v41 =	vadd.f32 v51, v41;
	v46 =	vld [tilespmem:s24+$0x1E0];
	v14 =	vadd.f32 v56, v14  }
0x112: {  	v43 =	vadd.f32 v7, v12;
	v54 =	vmul.f32 v42, v4;
	v42 =	vadd.f32 v49, v13;
	v51 =	vld [tilespmem:s24+$0x250]  }
0x113: {  	v4 =	vmul.f32 v40, v4;
	v41 =	vadd.f32 v9, v41;
	v7 =	vld [tilespmem:s24+$0x1D0];
	v40 =	vadd.f32 v48, v14  }
0x114: {  	v12 =	vmul.f32 v57, v5;
	v0 =	vadd.f32 v0, v39;
	v1 =	vadd.f32 v1, v38;
	v9 =	vld [tilespmem:s24+$0x240]  }
0x115: {  	v5 =	vmul.f32 v16, v5;
	v14 =	vadd.f32 v54, v37;
	v4 =	vadd.f32 v4, v36;
	v13 =	vld [tilespmem:s24+$0x1C0]  }
0x116: {  	v0 =	vadd.f32 v11, v0;
	v1 =	vadd.f32 v10, v1;
	v10 =	vmul.f32 v55, v6;
	v16 =	vld [tilespmem:s24+$0x230]  }
0x117: {  	v12 =	vadd.f32 v12, v14;
	v4 =	vadd.f32 v5, v4;
	v5 =	vmul.f32 v60, v6;
	v11 =	vld [tilespmem:s24+$0x1B0]  }
0x118: {  	v0 =	vadd.f32 v58, v0;
	v14 =	vmul.f32 v45, v47;
	v1 =	vadd.f32 v53, v1;
	v6 =	vld [tilespmem:s24+$0x220]  }
0x119: {  	v10 =	vadd.f32 v10, v12;
	v4 =	vadd.f32 v5, v4;
	v5 =	vmul.f32 v44, v47;
	v48 =	vld [tilespmem:s24+$0x1A0]  }
0x11a: {  	v39 =	vadd.f32 v8, v0;
	v38 =	vadd.f32 v52, v1;
	v12 =	vld [tilespmem:s24+$0x200]  }
0x11b: {  	v37 =	vadd.f32 v14, v10;
	v36 =	vadd.f32 v5, v4;
	v0 =	vld [tilespmem:s24+$0x210]  }
0x11c: {  	v1 =	vld [tilespmem:s24+$0x180]  }
0x11d: {  	v45 =	vmul.f32 v59, v35;
	v44 =	vmul.f32 v61, v35;
	v4 =	vld [tilespmem:s24+$0x190]  }
0x11e: {  	v46 =	vmul.f32 v46, v34;
	v47 =	vmul.f32 v50, v34;
	v5 =	vld [tilespmem:s24+$0x100]  }
0x11f: {  	v50 =	vmul.f32 v7, v33;
	v7 =	vmul.f32 v51, v33;
	v8 =	vld [tilespmem:s24+$0x110]  }
0x120: {  	v9 =	vmul.f32 v9, v32;
	v13 =	vmul.f32 v13, v32;
	v10 =	vld [tilespmem:s24+$0x80]  }
0x121: {  	v16 =	vmul.f32 v16, v31;
	v11 =	vmul.f32 v11, v31;
	v14 =	vld [tilespmem:s24+$0x90]  }
0x122: {  	v6 =	vmul.f32 v6, v30;
	v48 =	vmul.f32 v48, v30;
	v49 =	vld [tilespmem:s24+$0x120]  }
0x123: {  	v12 =	vmul.f32 v12, v28;
	v0 =	vmul.f32 v0, v29;
	v51 =	vld [tilespmem:s24+$0xA0]  }
0x124: {  	v1 =	vmul.f32 v1, v28;
	v4 =	vmul.f32 v4, v29;
	v52 =	vld [tilespmem:s24+$0x130]  }
0x125: {  	v0 =	vadd.f32 v0, v12;
	v5 =	vmul.f32 v5, v28;
	v8 =	vmul.f32 v8, v29;
	v53 =	vld [tilespmem:s24+$0xB0]  }
0x126: {  	v10 =	vmul.f32 v10, v28;
	v12 =	vmul.f32 v14, v29;
	v14 =	vld [tilespmem:s24+$0x140]  }
0x127: {  	v1 =	vadd.f32 v4, v1;
	v0 =	vadd.f32 v6, v0;
	v54 =	vld [tilespmem:s24+$0xC0];
	v49 =	vmul.f32 v49, v30  }
0x128: {  	v5 =	vadd.f32 v8, v5;
	v4 =	vadd.f32 v12, v10;
	v6 =	vmul.f32 v51, v30;
	v8 =	vld [tilespmem:s24+$0x150]  }
.Ltmp0:
0x129: {  	v1 =	vadd.f32 v48, v1;
	v0 =	vadd.f32 v16, v0;
	v51 =	vld [tilespmem:s24+$0xD0];
	v10 =	vmul.f32 v52, v31;
	(pc) =	sbr.rel @p1 .LBB2_3-.Ltmp0, $4  }
0x12a: {  	v5 =	vadd.f32 v49, v5;
	v4 =	vadd.f32 v6, v4;
	v6 =	vmul.f32 v53, v31;
	v53 =	vld [tilespmem:s24+$0x160]  }
0x12b: {  	v1 =	vadd.f32 v11, v1;
	v0 =	vadd.f32 v9, v0;
	v52 =	vld [tilespmem:s24+$0xE0];
	v56 =	vmul.f32 v14, v32  }
0x12c: {  	v58 =	vadd.f32 v10, v5;
	v60 =	vadd.f32 v6, v4;
	v62 =	vmul.f32 v54, v32;
	v54 =	vld [tilespmem:s24+$0x170]  }
0x12d: {  	s25 =	sadd.s32 $0x800, s25;
	v61 =	vadd.f32 v13, v1;
	v59 =	vadd.f32 v7, v0;
	v55 =	vld [tilespmem:s24+$0xF0];
	v57 =	vmul.f32 v8, v33  }
0x12e: {  	v0 =	vld [tilespmem:s24+$0xC200]  }
0x12f: {  	v1 =	vld [tilespmem:s24+$0xC210]  }
0x130: {  	v4 =	vld [tilespmem:s24+$0xC220]  }
0x131: {  	v5 =	vld [tilespmem:s24+$0xC230]  }
0x132: {  	v6 =	vld [tilespmem:s24+$0xC240]  }
0x133: {  	v7 =	vld [tilespmem:s24+$0xC250]  }
0x134: {  	v48 =	vld [tilespmem:s24+$0xC260]  }
0x135: {  	v49 =	vld [tilespmem:s24+$0xC270]  }
0x136: {  	v8 =	vld [tilespmem:s24+$0xC180]  }
0x137: {  	v9 =	vld [tilespmem:s24+$0xC190]  }
0x138: {  	v10 =	vld [tilespmem:s24+$0xC1A0]  }
0x139: {  	v11 =	vld [tilespmem:s24+$0xC1B0];
	v13 =	vadd.f32 v62, v60;
	v14 =	vmul.f32 v51, v33  }
0x13a: {  	v12 =	vld [tilespmem:s24+$0xC1C0];
	v50 =	vadd.f32 v50, v61  }
0x13b: {  	v16 =	vld [tilespmem:s24+$0xC1D0];
	v47 =	vadd.f32 v47, v59;
	v13 =	vadd.f32 v14, v13;
	v60 =	vmul.f32 v52, v34  }
0x13c: {  	v51 =	vld [tilespmem:s24+$0xC1E0];
	v56 =	vadd.f32 v56, v58;
	v46 =	vadd.f32 v46, v50  }
0x13d: {  	v58 =	vld [tilespmem:s24+$0xC100];
	v45 =	vadd.f32 v45, v47;
	v13 =	vadd.f32 v60, v13;
	v61 =	vmul.f32 v55, v35  }
0x13e: {  	v53 =	vmul.f32 v53, v34;
	v59 =	vld [tilespmem:s24+$0xC170];
	v56 =	vadd.f32 v57, v56  }
0x13f: {  	v52 =	vld [tilespmem:s24+$0xC1F0];
	v44 =	vadd.f32 v44, v46;
	v63 =	vperm.xlane v45, v24;
	v13 =	vadd.f32 v61, v13  }
0x140: {  	v14 =	vld [tilespmem:s24+$0xC130];
	v62 =	vmul.f32 v54, v35;
	v53 =	vadd.f32 v53, v56  }
0x141: {  	v57 =	vld [tilespmem:s24+$0xC080];
	v3 =	vperm.xlane v44, v24;
	v45 =	vadd.f32 v45, v63;
	v2 =	vperm.xlane v13, v24  }
0x142: {  	v50 =	vld [tilespmem:s24+$0xC120];
	v47 =	vadd.f32 v62, v53  }
0x143: {  	v54 =	vld [tilespmem:s24+$0xC140];
	v44 =	vadd.f32 v44, v3;
	v3 =	vperm.xlane v45, v25;
	v13 =	vadd.f32 v13, v2  }
0x144: {  	v55 =	vld [tilespmem:s24+$0xC110];
	v2 =	vperm.xlane v47, v24  }
0x145: {  	v60 =	vld [tilespmem:s24+$0xC0B0];
	v63 =	vperm.xlane v44, v25;
	v45 =	vadd.f32 v45, v3;
	v15 =	vperm.xlane v13, v25  }
0x146: {  	v56 =	vld [tilespmem:s24+$0xC160];
	v47 =	vadd.f32 v47, v2  }
0x147: {  	v46 =	vld [tilespmem:s24+$0xC0A0];
	v44 =	vadd.f32 v44, v63;
	v63 =	vperm.xlane v45, v26;
	v13 =	vadd.f32 v13, v15  }
0x148: {  	s23 =	sadd.s32 s23, s9;
	v53 =	vld [tilespmem:s24+$0xC090];
	v61 =	vperm.xlane v47, v25  }
0x149: {  	p1 =	slt.s32 s23, $0x185C0;
	v62 =	vld [tilespmem:s24+$0xC150];
	v17 =	vperm.xlane v44, v26;
	v45 =	vadd.f32 v45, v63;
	v3 =	vperm.xlane v13, v26  }
0x14a: {  	s23 =	simm.s32 @!p1 $0x185C0;
	v2 =	vld [tilespmem:s24+$0xC0C0];
	v47 =	vadd.f32 v47, v61  }
0x14b: {  	s23 =	sshll.u32 s23, $0x4;
	v15 =	vld [tilespmem:s24+$0xC0D0];
	v17 =	vadd.f32 v44, v17;
	v44 =	vperm.xlane v45, v27;
	v3 =	vadd.f32 v13, v3  }
0x14c: {  	s25 =	simm.s32 $0x0;
	s31 =	sadd.s32 s1, s23;
	v61 =	vld [tilespmem:s24+$0xC0E0];
	v63 =	vperm.xlane v47, v26  }
0x14d: {  	v13 =	vld [tilespmem:s24+$0xC0F0];
	[tilespmem:s13], [sflag:$0x1] =	stream.linear.gather [hbm4b:s31+s25], $0x6000, $0x38;
	v44 =	vadd.f32 v45, v44;
	v18 =	vperm.xlane v3, v27  }
0x14e: {  	s23 =	sadd.s32 s2, s23;
	v47 =	vadd.f32 v47, v63;
	v63 =	vperm.xlane v17, v27  }
0x14f: {  	[tilespmem:s14], [sflag:$0x3] =	stream.linear.gather [hbm4b:s23+s25], $0x6000, $0x38;
	v0 =	vmul.f32 v44, v0;
	v1 =	vmul.f32 v44, v1;
	v3 =	vadd.f32 v3, v18;
	[tilespmem:$0x18100] =	vst v63  }
0x150: {  	_ =	swait.ge [sflag:s19], $0x6000;
	v4 =	vmul.f32 v4, v44;
	v5 =	vmul.f32 v5, v44  }
0x151: {  	v18 =	vperm.xlane v47, v27;
	[sflag:s19] =	ssyncset.done $0x0;
	v17 =	vadd.f32 v17, v63;
	v57 =	vmul.f32 v3, v57  }
0x152: {  	[sflag:s19] =	ssyncadd.s32 $0xFFFFA000;
	v63 =	vmul.f32 v3, v53;
	v53 =	vmul.f32 v46, v3  }
0x153: {  	_ =	swait.ge [sflag:s20], $0x6000;
	v8 =	vmul.f32 v17, v8;
	v9 =	vmul.f32 v17, v9  }
0x154: {  	v10 =	vmul.f32 v10, v17;
	v11 =	vmul.f32 v11, v17;
	[sflag:s20] =	ssyncset.done $0x0  }
0x155: {  	s23 =	simm.s32 $0x0;
	v18 =	vadd.f32 v47, v18;
	v12 =	vmul.f32 v12, v17;
	v16 =	vmul.f32 v16, v17;
	[sflag:s20] =	ssyncadd.s32 $0xFFFFA000  }
0x156: {  	v2 =	vmul.f32 v2, v3;
	v15 =	vmul.f32 v15, v3;
	v45 =	vld [tilespmem:s23+$0x6270]  }
0x157: {  	v43 =	vadd.f32 v57, v43;
	v57 =	vmul.f32 v60, v3;
	v60 =	vmul.f32 v18, v58;
	v46 =	vld [tilespmem:s23+$0x61F0]  }
0x158: {  	v42 =	vadd.f32 v63, v42;
	v63 =	vmul.f32 v18, v55;
	v50 =	vmul.f32 v50, v18;
	v47 =	vld [tilespmem:s23+$0x6260]  }
0x159: {  	v41 =	vadd.f32 v53, v41;
	v14 =	vmul.f32 v14, v18;
	v54 =	vmul.f32 v54, v18;
	v53 =	vld [tilespmem:s23+$0x61E0]  }
0x15a: {  	v2 =	vadd.f32 v2, v39;
	v38 =	vadd.f32 v15, v38;
	v39 =	vmul.f32 v56, v18;
	v55 =	vld [tilespmem:s23+$0x61D0]  }
0x15b: {  	v56 =	vmul.f32 v59, v18;
	v59 =	vmul.f32 v51, v17;
	v58 =	vld [tilespmem:s23+$0x6240];
	v40 =	vadd.f32 v57, v40  }
0x15c: {  	v15 =	vmul.f32 v52, v17;
	v17 =	vld [tilespmem:s23+$0x6210];
	v43 =	vadd.f32 v60, v43;
	v42 =	vadd.f32 v63, v42  }
0x15d: {  	v6 =	vmul.f32 v6, v44;
	v41 =	vadd.f32 v50, v41;
	v50 =	vld [tilespmem:s23+$0x6250];
	v2 =	vadd.f32 v54, v2  }
0x15e: {  	v7 =	vmul.f32 v7, v44;
	v60 =	vld [tilespmem:s23+$0x61C0];
	v14 =	vadd.f32 v14, v40;
	v8 =	vadd.f32 v8, v43  }
0x15f: {  	v57 =	vmul.f32 v62, v18;
	v54 =	vld [tilespmem:s23+$0x6180];
	v9 =	vadd.f32 v9, v42;
	v10 =	vadd.f32 v10, v41  }
0x160: {  	v18 =	vmul.f32 v49, v44;
	v62 =	vld [tilespmem:s23+$0x6120];
	v2 =	vadd.f32 v12, v2;
	v11 =	vadd.f32 v11, v14  }
0x161: {  	v12 =	vld [tilespmem:s23+$0x6100];
	v40 =	vadd.f32 v0, v8;
	v14 =	vmul.f32 v61, v3;
	v3 =	vmul.f32 v13, v3  }
0x162: {  	v0 =	vld [tilespmem:s23+$0x6230];
	v42 =	vadd.f32 v1, v9;
	v9 =	vmul.f32 v48, v44;
	v44 =	vmul.f32 v46, v35  }
0x163: {  	v1 =	vld [tilespmem:s23+$0x61B0];
	v45 =	vmul.f32 v45, v35;
	v46 =	vmul.f32 v53, v34  }
0x164: {  	v41 =	vadd.f32 v4, v10;
	v4 =	vld [tilespmem:s23+$0x6220];
	v47 =	vmul.f32 v47, v34;
	v48 =	vmul.f32 v55, v33  }
0x165: {  	v13 =	vld [tilespmem:s23+$0x6200];
	v51 =	vmul.f32 v58, v32;
	v52 =	vmul.f32 v17, v29;
	v8 =	vadd.f32 v14, v37  }
0x166: {  	v61 =	vmul.f32 v50, v33;
	v43 =	vadd.f32 v5, v11;
	v5 =	vadd.f32 v57, v38;
	v11 =	vld [tilespmem:s23+$0x6190]  }
0x167: {  	v54 =	vmul.f32 v54, v28;
	v3 =	vadd.f32 v3, v36;
	v14 =	vld [tilespmem:s23+$0x6080];
	v8 =	vadd.f32 v39, v8  }
0x168: {  	v36 =	vadd.f32 v6, v2;
	v2 =	vmul.f32 v62, v30;
	v5 =	vadd.f32 v16, v5;
	v16 =	vld [tilespmem:s23+$0x6110]  }
0x169: {  	v12 =	vmul.f32 v12, v28;
	v8 =	vadd.f32 v59, v8;
	v59 =	vmul.f32 v60, v32;
	v60 =	vld [tilespmem:s23+$0x6090]  }
0x16a: {  	v10 =	vld [tilespmem:s23+$0x61A0];
	v3 =	vadd.f32 v56, v3;
	v1 =	vmul.f32 v1, v31;
	v0 =	vmul.f32 v0, v31  }
0x16b: {  	v49 =	vld [tilespmem:s23+$0x60A0];
	v4 =	vmul.f32 v4, v30;
	v50 =	vmul.f32 v13, v28  }
0x16c: {  	v53 =	vld [tilespmem:s23+$0x6130];
	v3 =	vadd.f32 v15, v3;
	v37 =	vadd.f32 v7, v5;
	v11 =	vmul.f32 v11, v29  }
0x16d: {  	v55 =	vld [tilespmem:s23+$0x60B0];
	v7 =	vadd.f32 v52, v50;
	v56 =	vmul.f32 v14, v28;
	v38 =	vadd.f32 v9, v8  }
0x16e: {  	v58 =	vld [tilespmem:s23+$0x6140];
	v39 =	vadd.f32 v18, v3;
	v16 =	vmul.f32 v16, v29;
	v57 =	vmul.f32 v60, v29  }
0x16f: {  	v63 =	vmul.f32 v10, v30;
	v15 =	vld [tilespmem:s23+$0x60C0];
	v9 =	vadd.f32 v11, v54;
	v4 =	vadd.f32 v4, v7  }
0x170: {  	v62 =	vld [tilespmem:s23+$0x6150];
	v5 =	vmul.f32 v49, v30;
	v60 =	vadd.f32 v16, v12;
	v3 =	vadd.f32 v57, v56  }
0x171: {  	v49 =	vld [tilespmem:s23+$0x60D0];
	v8 =	vmul.f32 v53, v31;
	v6 =	vadd.f32 v63, v9;
	v0 =	vadd.f32 v0, v4  }
0x172: {  	v52 =	vld [tilespmem:s23+$0x6160];
	v63 =	vmul.f32 v55, v31;
	v2 =	vadd.f32 v2, v60;
	v3 =	vadd.f32 v5, v3  }
0x173: {  	v50 =	vld [tilespmem:s23+$0x60E0];
	v54 =	vmul.f32 v58, v32;
	v1 =	vadd.f32 v1, v6;
	v0 =	vadd.f32 v51, v0  }
0x174: {  	v53 =	vld [tilespmem:s23+$0x6170];
	v58 =	vmul.f32 v15, v32;
	v57 =	vadd.f32 v8, v2;
	v56 =	vadd.f32 v63, v3  }
0x175: {  	s24 =	simm.s32 $0x800;
	v55 =	vmul.f32 v62, v33;
	v51 =	vld [tilespmem:s23+$0x60F0];
	v59 =	vadd.f32 v59, v1;
	v60 =	vadd.f32 v61, v0  }
.LBB2_5:
0x176: {  	p1 =	sne.s32 s24, $0x17800;
	v0 =	vadd.f32 v58, v56;
	v1 =	vmul.f32 v49, v33;
	v2 =	vadd.f32 v54, v57;
	v3 =	vld [tilespmem:s23+$0x12200]  }
0x177: {  	v4 =	vmul.f32 v52, v34;
	v5 =	vadd.f32 v48, v59;
	v6 =	vadd.f32 v47, v60;
	v7 =	vld [tilespmem:s23+$0x12210]  }
0x178: {  	v0 =	vadd.f32 v1, v0;
	v1 =	vmul.f32 v50, v34;
	v2 =	vadd.f32 v55, v2;
	v8 =	vld [tilespmem:s23+$0x12220]  }
0x179: {  	v9 =	vmul.f32 v53, v35;
	v5 =	vadd.f32 v46, v5;
	v6 =	vadd.f32 v45, v6;
	v10 =	vld [tilespmem:s23+$0x12230]  }
0x17a: {  	v0 =	vadd.f32 v1, v0;
	v1 =	vmul.f32 v51, v35;
	v2 =	vadd.f32 v4, v2;
	v4 =	vld [tilespmem:s23+$0x12240]  }
0x17b: {  	v5 =	vadd.f32 v44, v5;
	v11 =	vperm.xlane v6, v24;
	v12 =	vld [tilespmem:s23+$0x12250]  }
0x17c: {  	v0 =	vadd.f32 v1, v0;
	v1 =	vadd.f32 v9, v2;
	v45 =	vld [tilespmem:s23+$0x12260]  }
0x17d: {  	v2 =	vperm.xlane v5, v24;
	v6 =	vadd.f32 v6, v11;
	v44 =	vld [tilespmem:s23+$0x12270]  }
0x17e: {  	v9 =	vperm.xlane v0, v24;
	v11 =	vperm.xlane v1, v24;
	v13 =	vld [tilespmem:s23+$0x12180]  }
0x17f: {  	v2 =	vadd.f32 v5, v2;
	v5 =	vld [tilespmem:s23+$0x12190];
	v14 =	vperm.xlane v6, v25  }
0x180: {  	v0 =	vadd.f32 v0, v9;
	v1 =	vadd.f32 v1, v11;
	v9 =	vld [tilespmem:s23+$0x121A0]  }
0x181: {  	v11 =	vperm.xlane v2, v25;
	v15 =	vld [tilespmem:s23+$0x121B0];
	v6 =	vadd.f32 v6, v14  }
0x182: {  	v14 =	vperm.xlane v0, v25;
	v16 =	vperm.xlane v1, v25;
	v17 =	vld [tilespmem:s23+$0x121C0]  }
0x183: {  	v2 =	vadd.f32 v2, v11;
	v11 =	vld [tilespmem:s23+$0x121D0];
	v18 =	vperm.xlane v6, v26  }
0x184: {  	v0 =	vadd.f32 v0, v14;
	v1 =	vadd.f32 v1, v16;
	v14 =	vld [tilespmem:s23+$0x121E0]  }
0x185: {  	v16 =	vperm.xlane v2, v26;
	v46 =	vld [tilespmem:s23+$0x121F0];
	v6 =	vadd.f32 v6, v18  }
0x186: {  	v18 =	vperm.xlane v0, v26;
	v47 =	vperm.xlane v1, v26;
	v48 =	vld [tilespmem:s23+$0x12100]  }
0x187: {  	v49 =	vld [tilespmem:s23+$0x12110];
	v2 =	vadd.f32 v2, v16;
	v16 =	vperm.xlane v6, v27  }
0x188: {  	v0 =	vadd.f32 v0, v18;
	v1 =	vadd.f32 v1, v47;
	v18 =	vld [tilespmem:s23+$0x12120]  }
0x189: {  	v47 =	vld [tilespmem:s23+$0x12130];
	v50 =	vperm.xlane v2, v27;
	v6 =	vadd.f32 v6, v16  }
0x18a: {  	v16 =	vperm.xlane v0, v27;
	v51 =	vperm.xlane v1, v27;
	v52 =	vld [tilespmem:s23+$0x12140]  }
0x18b: {  	v53 =	vld [tilespmem:s23+$0x12080];
	v3 =	vmul.f32 v6, v3;
	v7 =	vmul.f32 v6, v7  }
0x18c: {  	v2 =	vadd.f32 v2, v50;
	v8 =	vmul.f32 v8, v6;
	v10 =	vmul.f32 v10, v6;
	v54 =	vld [tilespmem:s23+$0x12090]  }
0x18d: {  	v4 =	vmul.f32 v4, v6;
	v12 =	vmul.f32 v12, v6;
	v50 =	vld [tilespmem:s23+$0x120A0]  }
0x18e: {  	v13 =	vmul.f32 v2, v13;
	v5 =	vmul.f32 v2, v5;
	v55 =	vld [tilespmem:s23+$0x120B0]  }
0x18f: {  	v1 =	vadd.f32 v1, v51;
	v9 =	vmul.f32 v9, v2;
	v15 =	vmul.f32 v15, v2;
	v51 =	vld [tilespmem:s23+$0x12150]  }
0x190: {  	v0 =	vadd.f32 v0, v16;
	v17 =	vmul.f32 v17, v2;
	v11 =	vmul.f32 v11, v2;
	v16 =	vld [tilespmem:s23+$0x12160]  }
0x191: {  	v48 =	vmul.f32 v1, v48;
	v49 =	vmul.f32 v1, v49;
	v56 =	vld [tilespmem:s23+$0x12170]  }
0x192: {  	v53 =	vmul.f32 v0, v53;
	v54 =	vmul.f32 v0, v54;
	v57 =	vld [tilespmem:s23+$0x120C0]  }
0x193: {  	v50 =	vmul.f32 v50, v0;
	v55 =	vmul.f32 v55, v0;
	v58 =	vld [tilespmem:s23+$0x120D0]  }
0x194: {  	v18 =	vmul.f32 v18, v1;
	v40 =	vadd.f32 v53, v40;
	v42 =	vadd.f32 v54, v42;
	v53 =	vld [tilespmem:s23+$0x120E0]  }
0x195: {  	v47 =	vmul.f32 v47, v1;
	v41 =	vadd.f32 v50, v41;
	v43 =	vadd.f32 v55, v43;
	v50 =	vld [tilespmem:s23+$0x120F0];
	s23 =	sshra.s32 s24, $0x2  }
0x196: {  	v40 =	vadd.f32 v48, v40;
	v48 =	vmul.f32 v52, v1;
	v42 =	vadd.f32 v49, v42;
	v54 =	vld [tilespmem:s23+$0x6270]  }
0x197: {  	v18 =	vadd.f32 v18, v41;
	v49 =	vld [tilespmem:s23+$0x61F0];
	v41 =	vadd.f32 v47, v43;
	v47 =	vmul.f32 v51, v1  }
0x198: {  	v13 =	vadd.f32 v13, v40;
	v52 =	vmul.f32 v57, v0;
	v5 =	vadd.f32 v5, v42;
	v51 =	vld [tilespmem:s23+$0x6260]  }
0x199: {  	v57 =	vmul.f32 v58, v0;
	v9 =	vadd.f32 v9, v18;
	v55 =	vld [tilespmem:s23+$0x61E0];
	v15 =	vadd.f32 v15, v41  }
0x19a: {  	v40 =	vadd.f32 v3, v13;
	v53 =	vmul.f32 v53, v0;
	v42 =	vadd.f32 v7, v5;
	v18 =	vld [tilespmem:s23+$0x6250]  }
0x19b: {  	v0 =	vmul.f32 v50, v0;
	v41 =	vadd.f32 v8, v9;
	v3 =	vld [tilespmem:s23+$0x61D0];
	v43 =	vadd.f32 v10, v15  }
0x19c: {  	v7 =	vadd.f32 v52, v36;
	v8 =	vadd.f32 v57, v37;
	v9 =	vmul.f32 v16, v1;
	v5 =	vld [tilespmem:s23+$0x6240]  }
0x19d: {  	v1 =	vmul.f32 v56, v1;
	v13 =	vadd.f32 v53, v38;
	v0 =	vadd.f32 v0, v39;
	v10 =	vld [tilespmem:s23+$0x61C0]  }
0x19e: {  	v14 =	vmul.f32 v14, v2;
	v7 =	vadd.f32 v48, v7;
	v8 =	vadd.f32 v47, v8;
	v15 =	vld [tilespmem:s23+$0x6230]  }
0x19f: {  	v9 =	vadd.f32 v9, v13;
	v0 =	vadd.f32 v1, v0;
	v1 =	vmul.f32 v46, v2;
	v16 =	vld [tilespmem:s23+$0x61B0]  }
0x1a0: {  	v7 =	vadd.f32 v17, v7;
	v8 =	vadd.f32 v11, v8;
	v11 =	vmul.f32 v45, v6;
	v2 =	vld [tilespmem:s23+$0x6220]  }
0x1a1: {  	v9 =	vadd.f32 v14, v9;
	v0 =	vadd.f32 v1, v0;
	v1 =	vmul.f32 v44, v6;
	v13 =	vld [tilespmem:s23+$0x61A0]  }
0x1a2: {  	v36 =	vadd.f32 v4, v7;
	v37 =	vadd.f32 v12, v8;
	v6 =	vld [tilespmem:s23+$0x6200]  }
0x1a3: {  	v38 =	vadd.f32 v11, v9;
	v39 =	vadd.f32 v1, v0;
	v4 =	vld [tilespmem:s23+$0x6210]  }
0x1a4: {  	v0 =	vld [tilespmem:s23+$0x6180]  }
0x1a5: {  	v45 =	vmul.f32 v54, v35;
	v44 =	vmul.f32 v49, v35;
	v1 =	vld [tilespmem:s23+$0x6190]  }
0x1a6: {  	v47 =	vmul.f32 v51, v34;
	v46 =	vmul.f32 v55, v34;
	v7 =	vld [tilespmem:s23+$0x6100]  }
0x1a7: {  	v48 =	vmul.f32 v3, v33;
	v3 =	vmul.f32 v18, v33;
	v8 =	vld [tilespmem:s23+$0x6110]  }
0x1a8: {  	v5 =	vmul.f32 v5, v32;
	v10 =	vmul.f32 v10, v32;
	v9 =	vld [tilespmem:s23+$0x6080]  }
0x1a9: {  	v14 =	vmul.f32 v15, v31;
	v12 =	vmul.f32 v16, v31;
	v11 =	vld [tilespmem:s23+$0x6090]  }
0x1aa: {  	v2 =	vmul.f32 v2, v30;
	v13 =	vmul.f32 v13, v30;
	v15 =	vld [tilespmem:s23+$0x6120]  }
0x1ab: {  	v6 =	vmul.f32 v6, v28;
	v4 =	vmul.f32 v4, v29;
	v16 =	vld [tilespmem:s23+$0x60A0]  }
0x1ac: {  	v0 =	vmul.f32 v0, v28;
	v1 =	vmul.f32 v1, v29;
	v17 =	vld [tilespmem:s23+$0x6130]  }
0x1ad: {  	v4 =	vadd.f32 v4, v6;
	v7 =	vmul.f32 v7, v28;
	v8 =	vmul.f32 v8, v29;
	v18 =	vld [tilespmem:s23+$0x60B0]  }
0x1ae: {  	v6 =	vmul.f32 v9, v28;
	v9 =	vmul.f32 v11, v29;
	v11 =	vld [tilespmem:s23+$0x6140]  }
0x1af: {  	v0 =	vadd.f32 v1, v0;
	v1 =	vadd.f32 v2, v4;
	v51 =	vld [tilespmem:s23+$0x60C0];
	v15 =	vmul.f32 v15, v30  }
0x1b0: {  	v2 =	vadd.f32 v9, v6;
	v4 =	vmul.f32 v16, v30;
	v6 =	vadd.f32 v8, v7;
	v7 =	vld [tilespmem:s23+$0x6150]  }
.Ltmp1:
0x1b1: {  	v0 =	vadd.f32 v13, v0;
	v1 =	vadd.f32 v14, v1;
	v49 =	vld [tilespmem:s23+$0x60D0];
	v8 =	vmul.f32 v17, v31;
	(pc) =	sbr.rel @p1 .LBB2_5-.Ltmp1, $4  }
0x1b2: {  	v2 =	vadd.f32 v4, v2;
	v4 =	vmul.f32 v18, v31;
	v6 =	vadd.f32 v15, v6;
	v52 =	vld [tilespmem:s23+$0x6160]  }
0x1b3: {  	v0 =	vadd.f32 v12, v0;
	v1 =	vadd.f32 v5, v1;
	v50 =	vld [tilespmem:s23+$0x60E0];
	v54 =	vmul.f32 v11, v32  }
0x1b4: {  	v56 =	vadd.f32 v4, v2;
	v58 =	vmul.f32 v51, v32;
	v57 =	vadd.f32 v8, v6;
	v53 =	vld [tilespmem:s23+$0x6170]  }
0x1b5: {  	s24 =	sadd.s32 $0x800, s24;
	v59 =	vadd.f32 v10, v0;
	v60 =	vadd.f32 v3, v1;
	v51 =	vld [tilespmem:s23+$0x60F0];
	v55 =	vmul.f32 v7, v33  }
0x1b6: {  	v0 =	vadd.f32 v58, v56;
	v1 =	vmul.f32 v49, v33  }
0x1b7: {  	v2 =	vadd.f32 v54, v57;
	v3 =	vmul.f32 v52, v34;
	v5 =	vadd.f32 v47, v60  }
0x1b8: {  	v4 =	vadd.f32 v48, v59;
	v0 =	vadd.f32 v1, v0;
	v52 =	vmul.f32 v50, v34  }
0x1b9: {  	v2 =	vadd.f32 v55, v2;
	v6 =	vmul.f32 v53, v35;
	v5 =	vadd.f32 v45, v5  }
0x1ba: {  	v4 =	vadd.f32 v46, v4;
	v0 =	vadd.f32 v52, v0;
	v53 =	vmul.f32 v51, v35  }
0x1bb: {  	v2 =	vadd.f32 v3, v2;
	v55 =	vperm.xlane v5, v24  }
0x1bc: {  	v54 =	vadd.f32 v44, v4;
	v0 =	vadd.f32 v53, v0  }
0x1bd: {  	v57 =	vld [tilespmem:s23+$0x12200];
	v56 =	vadd.f32 v6, v2;
	v4 =	vadd.f32 v5, v55  }
0x1be: {  	v9 =	vld [tilespmem:s23+$0x12220];
	v47 =	vperm.xlane v54, v24;
	v7 =	vperm.xlane v0, v24  }
0x1bf: {  	v10 =	vld [tilespmem:s23+$0x12230];
	v8 =	vperm.xlane v56, v24;
	v49 =	vperm.xlane v4, v25  }
0x1c0: {  	v13 =	vld [tilespmem:s23+$0x12180];
	v3 =	vadd.f32 v54, v47;
	v0 =	vadd.f32 v0, v7  }
0x1c1: {  	v14 =	vld [tilespmem:s23+$0x12190];
	v1 =	vadd.f32 v56, v8;
	v4 =	vadd.f32 v4, v49  }
0x1c2: {  	v61 =	vld [tilespmem:s23+$0x121A0];
	v58 =	vperm.xlane v3, v25;
	v11 =	vperm.xlane v0, v25  }
0x1c3: {  	v63 =	vld [tilespmem:s23+$0x121B0];
	v12 =	vperm.xlane v1, v25;
	v60 =	vperm.xlane v4, v26  }
0x1c4: {  	v48 =	vld [tilespmem:s23+$0x12210];
	v3 =	vadd.f32 v3, v58;
	v0 =	vadd.f32 v0, v11  }
0x1c5: {  	v59 =	vld [tilespmem:s23+$0x12250];
	v1 =	vadd.f32 v1, v12;
	v4 =	vadd.f32 v4, v60  }
0x1c6: {  	v50 =	vld [tilespmem:s23+$0x12240];
	v62 =	vperm.xlane v3, v26;
	v15 =	vperm.xlane v0, v26  }
0x1c7: {  	v52 =	vld [tilespmem:s23+$0x12100];
	v16 =	vperm.xlane v1, v26;
	v51 =	vperm.xlane v4, v27  }
0x1c8: {  	v53 =	vld [tilespmem:s23+$0x12110];
	v3 =	vadd.f32 v3, v62;
	v0 =	vadd.f32 v0, v15  }
0x1c9: {  	v56 =	vld [tilespmem:s23+$0x12080];
	v1 =	vadd.f32 v1, v16;
	v4 =	vadd.f32 v4, v51  }
0x1ca: {  	v58 =	vld [tilespmem:s23+$0x120B0];
	v16 =	vperm.xlane v3, v27;
	v54 =	vperm.xlane v0, v27  }
0x1cb: {  	v60 =	vld [tilespmem:s23+$0x12130];
	v55 =	vperm.xlane v1, v27;
	v2 =	vmul.f32 v4, v57  }
0x1cc: {  	v62 =	vld [tilespmem:s23+$0x12150];
	v5 =	vmul.f32 v4, v48;
	v3 =	vadd.f32 v3, v16;
	v9 =	vmul.f32 v9, v4  }
0x1cd: {  	v57 =	vld [tilespmem:s23+$0x12090];
	v10 =	vmul.f32 v10, v4;
	v7 =	vmul.f32 v50, v4  }
0x1ce: {  	v16 =	vld [tilespmem:s23+$0x120A0];
	v6 =	vmul.f32 v59, v4;
	v1 =	vadd.f32 v1, v55;
	v13 =	vmul.f32 v3, v13  }
0x1cf: {  	v59 =	vld [tilespmem:s23+$0x12120];
	v0 =	vadd.f32 v0, v54;
	v14 =	vmul.f32 v3, v14;
	v11 =	vmul.f32 v61, v3  }
0x1d0: {  	v8 =	vmul.f32 v63, v3;
	v61 =	vld [tilespmem:s23+$0x12140];
	v15 =	vmul.f32 v1, v52  }
0x1d1: {  	v63 =	vld [tilespmem:s23+$0x120C0];
	v12 =	vmul.f32 v1, v53;
	v46 =	vmul.f32 v0, v56  }
0x1d2: {  	v48 =	vmul.f32 v58, v0;
	v52 =	vld [tilespmem:s23+$0x120D0];
	v47 =	vmul.f32 v0, v57  }
0x1d3: {  	v54 =	vld [tilespmem:s23+$0x120E0];
	v56 =	vmul.f32 v60, v1;
	v16 =	vmul.f32 v16, v0;
	v40 =	vadd.f32 v46, v40  }
0x1d4: {  	v17 =	vld [tilespmem:s23+$0x121C0];
	v60 =	vmul.f32 v62, v1;
	v55 =	vadd.f32 v48, v43;
	v42 =	vadd.f32 v47, v42  }
0x1d5: {  	v53 =	vmul.f32 v59, v1;
	v57 =	vld [tilespmem:s23+$0x120F0];
	v16 =	vadd.f32 v16, v41;
	v15 =	vadd.f32 v15, v40  }
0x1d6: {  	v58 =	vld [tilespmem:s23+$0x12160];
	v44 =	vmul.f32 v61, v1;
	v59 =	vadd.f32 v56, v55;
	v62 =	vmul.f32 v63, v0  }
0x1d7: {  	v18 =	vld [tilespmem:s23+$0x121D0];
	v51 =	vmul.f32 v52, v0;
	v12 =	vadd.f32 v12, v42;
	v16 =	vadd.f32 v53, v16  }
0x1d8: {  	v61 =	vld [tilespmem:s23+$0x12170];
	v47 =	vmul.f32 v54, v0;
	v13 =	vadd.f32 v13, v15;
	v8 =	vadd.f32 v8, v59  }
0x1d9: {  	v17 =	vmul.f32 v17, v3;
	v63 =	vld [tilespmem:s23+$0x121E0];
	v54 =	vadd.f32 v62, v36;
	v55 =	vadd.f32 v51, v37  }
0x1da: {  	v0 =	vmul.f32 v57, v0;
	v57 =	vadd.f32 v47, v38;
	v11 =	vadd.f32 v11, v16;
	v16 =	vld [tilespmem:s23+$0x121F0]  }
0x1db: {  	v52 =	vld [tilespmem:s23+$0x12260];
	v56 =	vmul.f32 v58, v1;
	v12 =	vadd.f32 v14, v12;
	v43 =	vadd.f32 v2, v13  }
0x1dc: {  	v18 =	vmul.f32 v18, v3;
	v53 =	vld [tilespmem:s23+$0x12270];
	v40 =	vadd.f32 v10, v8;
	v8 =	vadd.f32 v44, v54  }
0x1dd: {  	v0 =	vadd.f32 v0, v39;
	v1 =	vmul.f32 v61, v1;
	v10 =	vadd.f32 v56, v57  }
0x1de: {  	v58 =	vmul.f32 v63, v3;
	v42 =	vadd.f32 v5, v12;
	v41 =	vadd.f32 v9, v11  }
.Ltmp2:
0x1df: {  	v9 =	vadd.f32 v60, v55;
	v0 =	vadd.f32 v1, v0;
	v59 =	vmul.f32 v16, v3;
	(pc) =	sbr.rel @p0 .LBB2_2-.Ltmp2, $4  }
0x1e0: {  	v60 =	vadd.f32 v17, v8;
	v2 =	vmul.f32 v52, v4;
	v62 =	vadd.f32 v58, v10  }
0x1e1: {  	v63 =	vmul.f32 v53, v4;
	v61 =	vadd.f32 v18, v9;
	v0 =	vadd.f32 v59, v0  }
0x1e2: {  	v39 =	vadd.f32 v7, v60;
	v37 =	vadd.f32 v2, v62  }
0x1e3: {  	p1 =	por $0x0, $0x0;
	s23 =	simm.s32 $0x180;
	v38 =	vadd.f32 v6, v61;
	v36 =	vadd.f32 v63, v0  }
0x1e4: {  	_ =	swait.ge [sflag:s17], $0x6000  }
0x1e5: {  	[sflag:s17] =	ssyncset.done $0x0  }
0x1e6: {  	[sflag:s17] =	ssyncadd.s32 $0xFFFFA000  }
0x1e7: {  	_ =	swait.ge [sflag:s18], $0x6000  }
0x1e8: {  	[sflag:s18] =	ssyncset.done $0x0  }
0x1e9: {  	[sflag:s18] =	ssyncadd.s32 $0xFFFFA000  }
0x1ea: {  	[tilespmem:$0x18080] =	vst v43  }
0x1eb: {  	[tilespmem:$0x18090] =	vst v42  }
0x1ec: {  	[tilespmem:$0x180A0] =	vst v41  }
0x1ed: {  	[tilespmem:$0x180B0] =	vst v40  }
0x1ee: {  	[tilespmem:$0x180C0] =	vst v39  }
0x1ef: {  	s22 =	sadd.s32 $0x1, s22;
	[tilespmem:$0x180D0] =	vst v38  }
0x1f0: {  	p0 =	sne.s32 s22, s11;
	[tilespmem:$0x180E0] =	vst v37  }
.Ltmp3:
0x1f1: {  	[tilespmem:$0x180F0] =	vst v36;
	(pc) =	sbr.rel @p0 .LBB2_1-.Ltmp3, $4  }
0x1f2: {  	[hbm4b:s10+s4] =	stream.linear.scatter [tilespmem:s21], [sflag:$0x5], $0x80, $0x38;
	[tilespmem:$0x18100] =	vst v63  }
0x1f3: {  	_ =	swait.ge [sflag:s12], $0x80  }
0x1f4: {  	[sflag:s12] =	ssyncset.done $0x0  }
0x1f5: {  	[sflag:s12] =	ssyncadd.s32 $0xFFFFFF80  }
0x1f6: {  	_ =	sfence.sel $0x180000  }
0x1f7: {  	[bflag:$0x0] =	sbarrier.arrive $0xFFFF  }
0x1f8: {  	p0 =	sne.s32 s3, $0x0;
	_ =	strace $0x90000047  }
0x1f9: {  	s0 =	sadd.s32 @!p0 $0x100000, s5;
	[bflag:$0x2] =	sbarrier.arrive $0xFFFF  }
0x1fa: {  	[sflag:s0] =	ssyncadd.tile.s32 @!p0 $0x1;
	_ =	shalt  }
.Lfunc_end2:
_tile_overlayer_lowered:
.L_overlay_start_2:
0x1fb: {  	(tag) =	ssettag $0x2  }
0x1fc: {  	s0 =	rddreg [dreg:$0x0];
	s2 =	stileid.u32  }
0x1fd: {  	s1 =	rddreg [dreg:$0x1];
	p0 =	sne.s32 s2, $0x0  }
0x1fe: {  	s3 =	rddreg [dreg:$0x2];
	[bflag:$0x3] =	sbarrier.arrive $0xFFFF;
	s2 =	simm.s32 @!p0 $0x1C05  }
0x1ff: {  	[timem:s3], [sflag:s2] =	dma.local @!p0 [hbm:s0], s1  }
0x200: {  	s0 =	simm.s32 @!p0 $0x5  }
0x201: {  	_ =	swait.ge @!p0 [sflag:s0], s1  }
0x202: {  	s1 =	ssub.s32 @!p0 $0x0, s1;
	[sflag:s0] =	ssyncset.done @!p0 $0x0  }
0x203: {  	[sflag:s0] =	ssyncadd.s32 @!p0 s1  }
0x204: {  	[bflag:$0x3] =	sbarrier.arrive $0xFFFF  }
0x205: {  	_ =	shalt  }

</sc_bundles>
